<compile_context>
chip_gen: v7x
topology: tpu7x:2x2x1
jax: 0.10.2.dev20260603
libtpu: 0.0.44.dev20260713+nightly
codegen_flags: <defaults>
</compile_context>

<pallas_src>
import functools
import jax
import jax.numpy as jnp
from jax import lax
from jax.experimental import pallas as pl
from jax.experimental.pallas import tpu as pltpu
from jax.experimental.pallas import tpu_sc as plsc

N = 10000
E = 160000
IN = 256
HID = 256
OUT = 128
NREL = 19
B = 16

NC = 2
NS = 16
NW = NC * NS
GRP = 128


def _pad_rows(n):
    q = NW * GRP
    return ((n + q - 1) // q) * q


def _sc_gather(T, D, PE, nbuf=2):
    gpw = PE // (NW * GRP)
    assert PE % (NW * GRP) == 0 and gpw % nbuf == 0
    mesh = plsc.VectorSubcoreMesh(core_axis_name="c", subcore_axis_name="s")

    @functools.partial(
        pl.kernel, mesh=mesh,
        out_type=jax.ShapeDtypeStruct((PE, D), jnp.float32),
        scratch_types=[
            pltpu.VMEM((gpw, GRP), jnp.int32),
            pltpu.VMEM((nbuf * GRP, D), jnp.float32),
            pltpu.SemaphoreType.DMA,
        ],
    )
    def k(table, idx3, out, idx_v, rows_v, sem):
        wid = lax.axis_index("s") * NC + lax.axis_index("c")
        pltpu.sync_copy(idx3.at[wid], idx_v)

        def body(i, _):
            copies = [
                pltpu.async_copy(
                    table.at[idx_v.at[i * nbuf + b]],
                    rows_v.at[pl.ds(b * GRP, GRP)], sem)
                for b in range(nbuf)
            ]
            for c in copies:
                c.wait()
            pltpu.sync_copy(
                rows_v,
                out.at[pl.ds((wid * gpw + i * nbuf) * GRP, nbuf * GRP)])
            return _

        lax.fori_loop(0, gpw // nbuf, body, None)

    return k


def _cdiv(a, b):
    return (a + b - 1) // b


def _mm_body(a_ref, b_ref, o_ref):
    o_ref[...] = jnp.dot(a_ref[...], b_ref[...],
                         preferred_element_type=jnp.float32)


def _mm(a, b, bm=256, bn=512):
    M, K = a.shape
    K2, Nn = b.shape
    bn = min(bn, Nn)
    bm = min(bm, M)
    grid = (_cdiv(M, bm), _cdiv(Nn, bn))
    return pl.pallas_call(
        _mm_body,
        grid=grid,
        in_specs=[
            pl.BlockSpec((bm, K), lambda i, j: (i, 0)),
            pl.BlockSpec((K, bn), lambda i, j: (0, j)),
        ],
        out_specs=pl.BlockSpec((bm, bn), lambda i, j: (i, j)),
        out_shape=jax.ShapeDtypeStruct((M, Nn), jnp.float32),
    )(a, b)


def _seg_softmax(scores, seg, num_segments):
    m = jax.ops.segment_max(scores, seg, num_segments=num_segments)
    m = jnp.where(jnp.isfinite(m), m, 0.0)
    e = jnp.exp(scores - m[seg])
    d = jax.ops.segment_sum(e, seg, num_segments=num_segments)
    return e / (d[seg] + 1e-16)


def _sc_scatter_add_wide(Nacc, D, PE):
    D2 = D // 2
    assert D2 % 128 == 0 and Nacc % (NS * 8) == 0 and PE % (NS * GRP) == 0
    gpt = PE // (NS * GRP)
    n16 = Nacc // NS
    mesh = plsc.VectorSubcoreMesh(core_axis_name="c", subcore_axis_name="s")

    @functools.partial(
        pl.kernel, mesh=mesh,
        out_type=jax.ShapeDtypeStruct((Nacc, D), jnp.float32),
        scratch_types=[
            pltpu.VMEM((gpt, GRP), jnp.int32),
            pltpu.VMEM((GRP, D2), jnp.float32),
            pltpu.VMEM_SHARED((Nacc, D2), jnp.float32),
        ],
    )
    def k(values, idx3, zeros, out, idx_v, vbuf, acc):
        cid = lax.axis_index("c")
        sid = lax.axis_index("s")
        pltpu.sync_copy(zeros, acc.at[pl.ds(sid * n16, n16)])
        pltpu.sync_copy(idx3.at[sid], idx_v)
        plsc.subcore_barrier()

        def body(j, _):
            r0 = (sid * gpt + j) * GRP
            pltpu.sync_copy(
                values.at[pl.ds(r0, GRP), pl.ds(cid * D2, D2)], vbuf)
            pltpu.sync_copy(vbuf, acc.at[idx_v.at[j]], add=True)
            return _

        lax.fori_loop(0, gpt, body, None)
        plsc.subcore_barrier()
        pltpu.sync_copy(
            acc.at[pl.ds(sid * n16, n16)],
            out.at[pl.ds(sid * n16, n16), pl.ds(cid * D2, D2)])

    return k


def _sc_scatter_add_narrow(Nacc, D, PE):
    assert D % 16 == 0 and Nacc % (NS * 8) == 0 and PE % (NW * GRP) == 0
    gpw = PE // (NW * GRP)
    n16 = Nacc // NS
    mesh = plsc.VectorSubcoreMesh(core_axis_name="c", subcore_axis_name="s")

    @functools.partial(
        pl.kernel, mesh=mesh,
        out_type=jax.ShapeDtypeStruct((NC, Nacc, D), jnp.float32),
        scratch_types=[
            pltpu.VMEM((gpw, GRP), jnp.int32),
            pltpu.VMEM((GRP, D), jnp.float32),
            pltpu.VMEM_SHARED((Nacc, D), jnp.float32),
        ],
    )
    def k(values, idx3, zeros, out, idx_v, vbuf, acc):
        cid = lax.axis_index("c")
        sid = lax.axis_index("s")
        wid = sid * NC + cid
        pltpu.sync_copy(zeros, acc.at[pl.ds(sid * n16, n16)])
        pltpu.sync_copy(idx3.at[wid], idx_v)
        plsc.subcore_barrier()

        def body(j, _):
            r0 = (wid * gpw + j) * GRP
            pltpu.sync_copy(values.at[pl.ds(r0, GRP)], vbuf)
            pltpu.sync_copy(vbuf, acc.at[idx_v.at[j]], add=True)
            return _

        lax.fori_loop(0, gpw, body, None)
        plsc.subcore_barrier()
        pltpu.sync_copy(
            acc.at[pl.ds(sid * n16, n16)],
            out.at[cid, pl.ds(sid * n16, n16)])

    return k


def _sc_gather_scale_scatter(Nacc, PE, T8, with_d):
    D2 = 128
    gpt = PE // (NS * GRP)
    n16 = Nacc // NS
    assert PE % (NS * GRP) == 0 and Nacc % (NS * 8) == 0
    mesh = plsc.VectorSubcoreMesh(core_axis_name="c", subcore_axis_name="s")

    out_type = [jax.ShapeDtypeStruct((Nacc, 2 * D2), jnp.float32)]
    scratch = [
        pltpu.VMEM((gpt, GRP), jnp.int32),
        pltpu.VMEM((gpt, GRP), jnp.int32),
        pltpu.VMEM((gpt * GRP,), jnp.float32),
        pltpu.VMEM((GRP, D2), jnp.float32),
        pltpu.VMEM_SHARED((Nacc, D2), jnp.float32),
        pltpu.SemaphoreType.DMA,
    ]
    if with_d:
        out_type.append(jax.ShapeDtypeStruct((Nacc, 16), jnp.float32))
        scratch += [
            pltpu.VMEM((GRP, 16), jnp.float32),
            pltpu.VMEM_SHARED((Nacc, 16), jnp.float32),
        ]

    def body(table, src3, dst3, e3, zeros, zeros_d, out, outd,
             srcv, dstv, ev, vbuf, acc, sem, ebuf=None, accd=None):
        cid = lax.axis_index("c")
        sid = lax.axis_index("s")
        pltpu.sync_copy(zeros, acc.at[pl.ds(sid * n16, n16)])
        if with_d:
            pltpu.sync_copy(zeros_d, accd.at[pl.ds(sid * n16, n16)])
        pltpu.sync_copy(src3.at[cid * NS + sid], srcv)
        pltpu.sync_copy(dst3.at[sid], dstv)
        pltpu.sync_copy(e3.at[sid], ev)
        plsc.subcore_barrier()

        def grp(j, _):
            pltpu.async_copy(table.at[srcv.at[j]], vbuf, sem).wait()
            jbase = j * GRP

            def row(r, _2):
                rv = jnp.full((16,), jbase + r, jnp.int32)
                bv = plsc.load_gather(ev, [rv])
                if with_d:
                    ebuf[r, :] = bv
                for c in range(8):
                    sl = pl.ds(c * 16, 16)
                    vbuf[r, sl] = vbuf[r, sl] * bv
                return _2

            lax.fori_loop(0, GRP, row, None)
            pltpu.sync_copy(vbuf, acc.at[dstv.at[j]], add=True)
            if with_d:
                pltpu.sync_copy(ebuf, accd.at[dstv.at[j]], add=True)
            return _

        lax.fori_loop(0, gpt, grp, None)
        plsc.subcore_barrier()
        pltpu.sync_copy(
            acc.at[pl.ds(sid * n16, n16)],
            out.at[pl.ds(sid * n16, n16), pl.ds(cid * D2, D2)])
        if with_d:
            @pl.when(cid == 0)
            def _flush_d():
                pltpu.sync_copy(accd.at[pl.ds(sid * n16, n16)],
                                outd.at[pl.ds(sid * n16, n16)])

    if with_d:
        def k(table, src3, dst3, e3, zeros, zeros_d, out, outd,
              srcv, dstv, ev, vbuf, acc, sem, ebuf, accd):
            body(table, src3, dst3, e3, zeros, zeros_d, out, outd,
                 srcv, dstv, ev, vbuf, acc, sem, ebuf, accd)
    else:
        def k(table, src3, dst3, e3, zeros, out,
              srcv, dstv, ev, vbuf, acc, sem):
            body(table, src3, dst3, e3, zeros, None, out, None,
                 srcv, dstv, ev, vbuf, acc, sem)

    return functools.partial(
        pl.kernel, mesh=mesh, out_type=out_type, scratch_types=scratch,
        compiler_params=pltpu.CompilerParams(needs_layout_passes=False))(k)


def _sc_scatter_add_e(Nacc, PE):
    gpw = PE // (NW * GRP)
    n16 = Nacc // NS
    assert PE % (NW * GRP) == 0 and Nacc % (NS * 8) == 0
    mesh = plsc.VectorSubcoreMesh(core_axis_name="c", subcore_axis_name="s")

    @functools.partial(
        pl.kernel, mesh=mesh,
        out_type=jax.ShapeDtypeStruct((NC, Nacc, 128), jnp.float32),
        scratch_types=[
            pltpu.VMEM((gpw, GRP), jnp.int32),
            pltpu.VMEM((gpw * GRP,), jnp.float32),
            pltpu.VMEM((GRP, 128), jnp.float32),
            pltpu.VMEM_SHARED((Nacc, 128), jnp.float32),
        ],
        compiler_params=pltpu.CompilerParams(needs_layout_passes=False),
    )
    def k(dst3, e3, zeros, out, dstv, ev, ebuf, acc):
        cid = lax.axis_index("c")
        sid = lax.axis_index("s")
        wid = sid * NC + cid
        pltpu.sync_copy(zeros.at[pl.ds(0, n16)], acc.at[pl.ds(sid * n16, n16)])
        pltpu.sync_copy(zeros.at[pl.ds(0, GRP)], ebuf)
        pltpu.sync_copy(dst3.at[wid], dstv)
        pltpu.sync_copy(e3.at[wid], ev)
        plsc.subcore_barrier()

        def grp(j, _):
            jbase = j * GRP

            def row(r, _2):
                rv = jnp.full((16,), jbase + r, jnp.int32)
                ebuf[r, pl.ds(0, 16)] = plsc.load_gather(ev, [rv])
                return _2

            lax.fori_loop(0, GRP, row, None)
            pltpu.sync_copy(ebuf, acc.at[dstv.at[j]], add=True)
            return _

        lax.fori_loop(0, gpw, grp, None)
        plsc.subcore_barrier()
        pltpu.sync_copy(acc.at[pl.ds(sid * n16, n16)],
                        out.at[cid, pl.ds(sid * n16, n16)])

    return k


def _e_seg_sum(e, idxp, Nacc):
    PE = idxp.shape[0]
    gpw = PE // (NW * GRP)
    Npad = _rup(Nacc, NS * 8)
    dst3 = idxp.reshape(NW, gpw, GRP)
    e3 = e.reshape(NW, gpw * GRP)
    zeros = jnp.zeros((max(Npad // NS, GRP), 128), jnp.float32)
    parts = _sc_scatter_add_e(Npad, PE)(dst3, e3, zeros)
    return (parts[0] + parts[1])[:Nacc, :1]


def _gather_scale_seg_sum(table, src_half_idx, dstp, e, Nacc, with_d):
    PE = dstp.shape[0]
    gpt = PE // (NS * GRP)
    Npad = _rup(Nacc, NS * 8)
    src3 = src_half_idx.reshape(NC * NS, gpt, GRP)
    dst3 = dstp.reshape(NS, gpt, GRP)
    e3 = e.reshape(NS, gpt * GRP)
    zeros = jnp.zeros((Npad // NS, 128), jnp.float32)
    fn = _sc_gather_scale_scatter(Npad, PE, table.shape[0], with_d)
    if with_d:
        zeros_d = jnp.zeros((Npad // NS, 16), jnp.float32)
        out, outd = fn(table, src3, dst3, e3, zeros, zeros_d)
        return out[:Nacc], outd[:Nacc, :1]
    out, = fn(table, src3, dst3, e3, zeros)
    return out[:Nacc]


def _rup(n, q):
    return ((n + q - 1) // q) * q


def _seg_sum(values, idxp, Nacc):
    PE, D = values.shape
    Npad = _rup(Nacc, 128)
    if (D // 2) % 128 == 0:
        idx3 = idxp.reshape(NS, PE // (NS * GRP), GRP)
        zeros = jnp.zeros((Npad // NS, D // 2), jnp.float32)
        out = _sc_scatter_add_wide(Npad, D, PE)(values, idx3, zeros)
    else:
        idx3 = idxp.reshape(NW, PE // (NW * GRP), GRP)
        zeros = jnp.zeros((Npad // NS, D), jnp.float32)
        parts = _sc_scatter_add_narrow(Npad, D, PE)(values, idx3, zeros)
        out = parts[0] + parts[1]
    return out[:Nacc]


def _pad_idx(idx, PE):
    return jnp.pad(idx, (0, PE - idx.shape[0]))


def _gather(table, idxp, PE):
    idx3 = idxp.reshape(NW, PE // (NW * GRP), GRP)
    return _sc_gather(table.shape[0], table.shape[1], PE)(table, idx3)


def kernel(x, edge_index, edge_type, batch, output_lm, W_rel, W_root, b_rgcn,
           Wq1, bq1, Wk1, bk1, Wv1, bv1, Ws1, bs1,
           Wq2, bq2, Wk2, bk2, Wv2, bv2, Ws2, bs2,
           Wg, bg, Wa, ba, W1, b1, W2, b2):
    src, dst = edge_index[0], edge_index[1]
    PE = _pad_rows(E)
    epad = (jnp.arange(PE) < E).astype(jnp.float32)
    srcp = _pad_idx(src, PE)
    dstp = _pad_idx(dst, PE)
    et_oh = jax.nn.one_hot(jnp.pad(edge_type, (0, PE - E), constant_values=-1),
                           128, dtype=jnp.float32)

    W_ri = W_rel.reshape(NREL, IN, 2, 128).transpose(1, 2, 0, 3)
    xw = _mm(x, W_ri.reshape(IN, 2 * NREL * 128)).reshape(N * 2 * NREL, 128)
    cnt = _seg_sum(et_oh, dstp, N)
    cnt_e = jnp.sum(_gather(cnt, dstp, PE) * et_oh, axis=1)
    norm = epad / jnp.maximum(cnt_e, 1.0)
    etp = jnp.pad(edge_type, (0, PE - E))
    src_half = jnp.stack([srcp * (2 * NREL) + etp,
                          srcp * (2 * NREL) + NREL + etp])
    h = _gather_scale_seg_sum(xw, src_half, dstp, norm, N, False)
    h = h + _mm(x, W_root) + b_rgcn
    h = jax.nn.elu(h)

    def tconv(h, Wq, bq, Wk, bk, Wv, bv, Ws, bs):
        Wcat = jnp.concatenate([Wq, Wk, Wv, Ws], axis=1)
        bcat = jnp.concatenate([bq, bk, bv, bs])
        qkvs = _mm(h, Wcat) + bcat
        q, k, v, s = jnp.split(qkvs, 4, axis=1)
        qd = _gather(q, dstp, PE)
        ks = _gather(k, srcp, PE)
        score = jnp.sum(qd * ks, axis=-1) / jnp.sqrt(float(HID))
        e = jnp.exp(score - jnp.max(score)) * epad
        src_half_v = jnp.stack([srcp * 8 + 4, srcp * 8 + 5])
        agg = _gather_scale_seg_sum(qkvs.reshape(N * 8, 128),
                                    src_half_v, dstp, e, N, False)
        d = _e_seg_sum(e, dstp, N)
        out = jnp.where(d > 0.0, agg / jnp.where(d > 0.0, d, 1.0), 0.0)
        return out + s

    h = jax.nn.elu(tconv(h, Wq1, bq1, Wk1, bk1, Wv1, bv1, Ws1, bs1))
    h = tconv(h, Wq2, bq2, Wk2, bk2, Wv2, bv2, Ws2, bs2)

    PN = _pad_rows(N)
    batchp = _pad_idx(batch, PN)
    gate = jax.nn.relu(_mm(h, Wg) + bg)[:, 0]
    eg = jnp.exp(gate - jnp.max(gate))
    egp = jnp.pad(eg, (0, PN - N))
    dg = _e_seg_sum(egp, batchp, B)
    ha = _mm(h, Wa) + ba
    pooled = _seg_sum(jnp.pad(eg[:, None] * ha, ((0, PN - N), (0, 0))),
                      batchp, B)
    pooled = pooled / (dg + 1e-30)

    logits = _mm(output_lm, W1) + b1
    new_x = _mm(jnp.concatenate([logits, pooled], axis=1), W2) + b2
    return jax.nn.log_softmax(new_x, axis=1)

# --- scband reference (transcript-rebuilt; emitter-appended) ---
"""Pipeline reference for scband-gnn-84542136255015 (READ-ONLY COPY).

The authoritative reference and input builder live on the scoring server;
editing this copy changes nothing except your own understanding.
"""

import jax, jax.numpy as jnp
import numpy as np

N = 10000
E = 160000
IN = 256
HID = 256
OUT = 128
NREL = 19
B = 16


def _seg_softmax(scores, seg, num_segments):
    m = jax.ops.segment_max(scores, seg, num_segments=num_segments)
    m = jnp.where(jnp.isfinite(m), m, 0.0)
    e = jnp.exp(scores - m[seg])
    d = jax.ops.segment_sum(e, seg, num_segments=num_segments)
    return e / (d[seg] + 1e-16)


def setup_inputs(seed: int = 0):
    key = jax.random.key(seed)
    ks = jax.random.split(key, 40)

    def w(i, shape, fan_in):
        return jax.random.normal(ks[i], shape, dtype=jnp.float32) / np.sqrt(fan_in)

    inp = {}
    inp["x"] = jax.random.normal(ks[0], (N, IN), dtype=jnp.float32)
    inp["edge_index"] = jax.random.randint(ks[1], (2, E), 0, N, dtype=jnp.int32)
    inp["edge_type"] = jax.random.randint(ks[2], (E,), 0, NREL, dtype=jnp.int32)
    inp["batch"] = jnp.sort(jax.random.randint(ks[3], (N,), 0, B, dtype=jnp.int32))
    inp["output_lm"] = jax.random.normal(ks[4], (B, IN), dtype=jnp.float32)
    inp["W_rel"] = w(5, (NREL, IN, HID), IN)
    inp["W_root"] = w(6, (IN, HID), IN)
    inp["b_rgcn"] = jnp.zeros((HID,), jnp.float32)
    names = ["Wq1", "Wk1", "Wv1", "Ws1", "Wq2", "Wk2", "Wv2", "Ws2"]
    for j, nm in enumerate(names):
        inp[nm] = w(7 + j, (HID, HID), HID)
        inp["b" + nm[1:]] = jnp.zeros((HID,), jnp.float32)
    inp["Wg"] = w(20, (HID, 1), HID)
    inp["bg"] = jnp.zeros((1,), jnp.float32)
    inp["Wa"] = w(21, (HID, HID), HID)
    inp["ba"] = jnp.zeros((HID,), jnp.float32)
    inp["W1"] = w(22, (IN, HID), IN)
    inp["b1"] = jnp.zeros((HID,), jnp.float32)
    inp["W2"] = w(23, (2 * HID, OUT), 2 * HID)
    inp["b2"] = jnp.zeros((OUT,), jnp.float32)
    return inp


def reference(x, edge_index, edge_type, batch, output_lm, W_rel, W_root, b_rgcn,
              Wq1, bq1, Wk1, bk1, Wv1, bv1, Ws1, bs1,
              Wq2, bq2, Wk2, bk2, Wv2, bv2, Ws2, bs2,
              Wg, bg, Wa, ba, W1, b1, W2, b2):
    src, dst = edge_index[0], edge_index[1]
    # RGCNConv with per-relation mean aggregation + root weight
    xw = jnp.einsum('ni,rio->nro', x, W_rel)
    msg = xw[src, edge_type]
    key2 = dst * NREL + edge_type
    cnt = jax.ops.segment_sum(jnp.ones((E,), jnp.float32), key2, num_segments=N * NREL)
    norm = 1.0 / jnp.maximum(cnt[key2], 1.0)
    h = jax.ops.segment_sum(msg * norm[:, None], dst, num_segments=N) + x @ W_root + b_rgcn
    h = jax.nn.elu(h)

    def tconv(h, Wq, bq, Wk, bk, Wv, bv, Ws, bs):
        q = h @ Wq + bq
        k = h @ Wk + bk
        v = h @ Wv + bv
        score = jnp.sum(q[dst] * k[src], axis=-1) / jnp.sqrt(float(HID))
        alpha = _seg_softmax(score, dst, N)
        out = jax.ops.segment_sum(alpha[:, None] * v[src], dst, num_segments=N)
        return out + h @ Ws + bs

    h = jax.nn.elu(tconv(h, Wq1, bq1, Wk1, bk1, Wv1, bv1, Ws1, bs1))
    h = tconv(h, Wq2, bq2, Wk2, bk2, Wv2, bv2, Ws2, bs2)
    # GlobalAttention pooling over graph batch
    gate = jax.nn.relu(h @ Wg + bg)[:, 0]
    gate = _seg_softmax(gate, batch, B)[:, None]
    pooled = jax.ops.segment_sum(gate * (h @ Wa + ba), batch, num_segments=B)
    # head (dropout is a no-op in eval mode)
    logits = output_lm @ W1 + b1
    new_x = jnp.concatenate([logits, pooled], axis=1) @ W2 + b2
    return jax.nn.log_softmax(new_x, axis=1)

if __name__ == "__main__":
    import jax
    _d = setup_inputs()
    print(jax.jit(kernel)(*tuple(_d.values())))

</pallas_src>

<mosaic_0001>
#map = affine_map<(d0, d1) -> (0, 0)>
#map1 = affine_map<(d0, d1) -> (0, 0, 0)>
module attributes {stable_mosaic.version = 14 : i64} {
  func.func @k(%arg0: i32, %arg1: i32, %arg2: memref<380000x128xf32, #tpu.memory_space<hbm>>, %arg3: memref<32x80x128xi32, #tpu.memory_space<hbm>>, %arg4: memref<16x80x128xi32, #tpu.memory_space<hbm>>, %arg5: memref<16x10240xf32, #tpu.memory_space<hbm>>, %arg6: memref<632x128xf32, #tpu.memory_space<hbm>>, %arg7: memref<10112x256xf32, #tpu.memory_space<hbm>>, %arg8: memref<80x128xi32, #tpu.memory_space<vmem>>, %arg9: memref<80x128xi32, #tpu.memory_space<vmem>>, %arg10: memref<10240xf32, #tpu.memory_space<vmem>>, %arg11: memref<128x128xf32, #tpu.memory_space<vmem>>, %arg12: memref<10112x128xf32, #tpu.memory_space<vmem_shared>>, %arg13: memref<!tpu.dma_semaphore, #tpu.memory_space<semaphore_mem>>) attributes {dimension_semantics = [#tpu.dimension_semantics<core_parallel>, #tpu.dimension_semantics<subcore_parallel>], iteration_bounds = array<i64: 2, 16>, scalar_prefetch = 0 : i64, scratch_operands = 6 : i64, tpu.core_type = #tpu.core_type<sc_vector_subcore>, window_params = [{transform_indices = #map}, {transform_indices = #map1}, {transform_indices = #map1}, {transform_indices = #map}, {transform_indices = #map}, {transform_indices = #map}]} {
    %mul3A = arith.constant 632 : i32
    %mul3A_0 = arith.muli %arg1, %mul3A : i32
    "tpu.region"() ({
      %run_scoped3A = tpu.sem_alloc : memref<!tpu.dma_semaphore, #tpu.memory_space<semaphore_mem>>
      %dma_start3A = arith.constant 0 : i32
      %dma_start3A_14 = tpu.memref_slice %arg12[%mul3A_0, %dma_start3A] : memref<10112x128xf32, #tpu.memory_space<vmem_shared>> -> memref<632x128xf32, #tpu.memory_space<vmem_shared>>
      tpu.enqueue_dma source(%arg6 : memref<632x128xf32, #tpu.memory_space<hbm>>) target(%dma_start3A_14 : memref<632x128xf32, #tpu.memory_space<vmem_shared>>) target_semaphore(%run_scoped3A : memref<!tpu.dma_semaphore, #tpu.memory_space<semaphore_mem>>)
      %dma_wait3A = arith.constant 0 : i32
      %dma_wait3A_15 = tpu.memref_slice %arg12[%mul3A_0, %dma_wait3A] : memref<10112x128xf32, #tpu.memory_space<vmem_shared>> -> memref<632x128xf32, #tpu.memory_space<vmem_shared>>
      tpu.wait_dma2 semaphore(%run_scoped3A : memref<!tpu.dma_semaphore, #tpu.memory_space<semaphore_mem>>) src(%arg6 : memref<632x128xf32, #tpu.memory_space<hbm>>) dst(%dma_wait3A_15 : memref<632x128xf32, #tpu.memory_space<vmem_shared>>)
      tpu.yield
    }) : () -> ()
    %mul3A_1 = arith.constant 16 : i32
    %mul3A_2 = arith.muli %arg0, %mul3A_1 : i32
    %add3A = arith.addi %mul3A_2, %arg1 : i32
    "tpu.region"() ({
      %run_scoped3A = tpu.sem_alloc : memref<!tpu.dma_semaphore, #tpu.memory_space<semaphore_mem>>
      %dma_start3A = arith.constant 0 : i32
      %dma_start3A_14 = arith.constant 0 : i32
      %dma_start3A_15 = tpu.memref_slice %arg3[%add3A, %dma_start3A, %dma_start3A_14] : memref<32x80x128xi32, #tpu.memory_space<hbm>> -> memref<1x80x128xi32, #tpu.memory_space<hbm>>
      %dma_start3A_16 = tpu.memref_squeeze %dma_start3A_15 : memref<1x80x128xi32, #tpu.memory_space<hbm>> -> memref<80x128xi32, #tpu.memory_space<hbm>>
      %dma_start3A_17 = arith.constant 0 : i32
      %dma_start3A_18 = arith.constant 0 : i32
      %dma_start3A_19 = tpu.memref_slice %arg3[%add3A, %dma_start3A_17, %dma_start3A_18] : memref<32x80x128xi32, #tpu.memory_space<hbm>> -> memref<1x80x128xi32, #tpu.memory_space<hbm>>
      %dma_start3A_20 = tpu.memref_squeeze %dma_start3A_19 : memref<1x80x128xi32, #tpu.memory_space<hbm>> -> memref<80x128xi32, #tpu.memory_space<hbm>>
      tpu.enqueue_dma source(%dma_start3A_20 : memref<80x128xi32, #tpu.memory_space<hbm>>) target(%arg8 : memref<80x128xi32, #tpu.memory_space<vmem>>) target_semaphore(%run_scoped3A : memref<!tpu.dma_semaphore, #tpu.memory_space<semaphore_mem>>)
      %dma_wait3A = arith.constant 0 : i32
      %dma_wait3A_21 = arith.constant 0 : i32
      %dma_wait3A_22 = tpu.memref_slice %arg3[%add3A, %dma_wait3A, %dma_wait3A_21] : memref<32x80x128xi32, #tpu.memory_space<hbm>> -> memref<1x80x128xi32, #tpu.memory_space<hbm>>
      %dma_wait3A_23 = tpu.memref_squeeze %dma_wait3A_22 : memref<1x80x128xi32, #tpu.memory_space<hbm>> -> memref<80x128xi32, #tpu.memory_space<hbm>>
      %dma_wait3A_24 = arith.constant 0 : i32
      %dma_wait3A_25 = arith.constant 0 : i32
      %dma_wait3A_26 = tpu.memref_slice %arg3[%add3A, %dma_wait3A_24, %dma_wait3A_25] : memref<32x80x128xi32, #tpu.memory_space<hbm>> -> memref<1x80x128xi32, #tpu.memory_space<hbm>>
      %dma_wait3A_27 = tpu.memref_squeeze %dma_wait3A_26 : memref<1x80x128xi32, #tpu.memory_space<hbm>> -> memref<80x128xi32, #tpu.memory_space<hbm>>
      tpu.wait_dma2 semaphore(%run_scoped3A : memref<!tpu.dma_semaphore, #tpu.memory_space<semaphore_mem>>) src(%dma_wait3A_27 : memref<80x128xi32, #tpu.memory_space<hbm>>) dst(%arg8 : memref<80x128xi32, #tpu.memory_space<vmem>>)
      tpu.yield
    }) : () -> ()
    "tpu.region"() ({
      %run_scoped3A = tpu.sem_alloc : memref<!tpu.dma_semaphore, #tpu.memory_space<semaphore_mem>>
      %dma_start3A = arith.constant 0 : i32
      %dma_start3A_14 = arith.constant 0 : i32
      %dma_start3A_15 = tpu.memref_slice %arg4[%arg1, %dma_start3A, %dma_start3A_14] : memref<16x80x128xi32, #tpu.memory_space<hbm>> -> memref<1x80x128xi32, #tpu.memory_space<hbm>>
      %dma_start3A_16 = tpu.memref_squeeze %dma_start3A_15 : memref<1x80x128xi32, #tpu.memory_space<hbm>> -> memref<80x128xi32, #tpu.memory_space<hbm>>
      %dma_start3A_17 = arith.constant 0 : i32
      %dma_start3A_18 = arith.constant 0 : i32
      %dma_start3A_19 = tpu.memref_slice %arg4[%arg1, %dma_start3A_17, %dma_start3A_18] : memref<16x80x128xi32, #tpu.memory_space<hbm>> -> memref<1x80x128xi32, #tpu.memory_space<hbm>>
      %dma_start3A_20 = tpu.memref_squeeze %dma_start3A_19 : memref<1x80x128xi32, #tpu.memory_space<hbm>> -> memref<80x128xi32, #tpu.memory_space<hbm>>
      tpu.enqueue_dma source(%dma_start3A_20 : memref<80x128xi32, #tpu.memory_space<hbm>>) target(%arg9 : memref<80x128xi32, #tpu.memory_space<vmem>>) target_semaphore(%run_scoped3A : memref<!tpu.dma_semaphore, #tpu.memory_space<semaphore_mem>>)
      %dma_wait3A = arith.constant 0 : i32
      %dma_wait3A_21 = arith.constant 0 : i32
      %dma_wait3A_22 = tpu.memref_slice %arg4[%arg1, %dma_wait3A, %dma_wait3A_21] : memref<16x80x128xi32, #tpu.memory_space<hbm>> -> memref<1x80x128xi32, #tpu.memory_space<hbm>>
      %dma_wait3A_23 = tpu.memref_squeeze %dma_wait3A_22 : memref<1x80x128xi32, #tpu.memory_space<hbm>> -> memref<80x128xi32, #tpu.memory_space<hbm>>
      %dma_wait3A_24 = arith.constant 0 : i32
      %dma_wait3A_25 = arith.constant 0 : i32
      %dma_wait3A_26 = tpu.memref_slice %arg4[%arg1, %dma_wait3A_24, %dma_wait3A_25] : memref<16x80x128xi32, #tpu.memory_space<hbm>> -> memref<1x80x128xi32, #tpu.memory_space<hbm>>
      %dma_wait3A_27 = tpu.memref_squeeze %dma_wait3A_26 : memref<1x80x128xi32, #tpu.memory_space<hbm>> -> memref<80x128xi32, #tpu.memory_space<hbm>>
      tpu.wait_dma2 semaphore(%run_scoped3A : memref<!tpu.dma_semaphore, #tpu.memory_space<semaphore_mem>>) src(%dma_wait3A_27 : memref<80x128xi32, #tpu.memory_space<hbm>>) dst(%arg9 : memref<80x128xi32, #tpu.memory_space<vmem>>)
      tpu.yield
    }) : () -> ()
    "tpu.region"() ({
      %run_scoped3A = tpu.sem_alloc : memref<!tpu.dma_semaphore, #tpu.memory_space<semaphore_mem>>
      %dma_start3A = arith.constant 0 : i32
      %dma_start3A_14 = tpu.memref_slice %arg5[%arg1, %dma_start3A] : memref<16x10240xf32, #tpu.memory_space<hbm>> -> memref<1x10240xf32, #tpu.memory_space<hbm>>
      %dma_start3A_15 = tpu.memref_squeeze %dma_start3A_14 : memref<1x10240xf32, #tpu.memory_space<hbm>> -> memref<10240xf32, #tpu.memory_space<hbm>>
      %dma_start3A_16 = arith.constant 0 : i32
      %dma_start3A_17 = tpu.memref_slice %arg5[%arg1, %dma_start3A_16] : memref<16x10240xf32, #tpu.memory_space<hbm>> -> memref<1x10240xf32, #tpu.memory_space<hbm>>
      %dma_start3A_18 = tpu.memref_squeeze %dma_start3A_17 : memref<1x10240xf32, #tpu.memory_space<hbm>> -> memref<10240xf32, #tpu.memory_space<hbm>>
      tpu.enqueue_dma source(%dma_start3A_18 : memref<10240xf32, #tpu.memory_space<hbm>>) target(%arg10 : memref<10240xf32, #tpu.memory_space<vmem>>) target_semaphore(%run_scoped3A : memref<!tpu.dma_semaphore, #tpu.memory_space<semaphore_mem>>)
      %dma_wait3A = arith.constant 0 : i32
      %dma_wait3A_19 = tpu.memref_slice %arg5[%arg1, %dma_wait3A] : memref<16x10240xf32, #tpu.memory_space<hbm>> -> memref<1x10240xf32, #tpu.memory_space<hbm>>
      %dma_wait3A_20 = tpu.memref_squeeze %dma_wait3A_19 : memref<1x10240xf32, #tpu.memory_space<hbm>> -> memref<10240xf32, #tpu.memory_space<hbm>>
      %dma_wait3A_21 = arith.constant 0 : i32
      %dma_wait3A_22 = tpu.memref_slice %arg5[%arg1, %dma_wait3A_21] : memref<16x10240xf32, #tpu.memory_space<hbm>> -> memref<1x10240xf32, #tpu.memory_space<hbm>>
      %dma_wait3A_23 = tpu.memref_squeeze %dma_wait3A_22 : memref<1x10240xf32, #tpu.memory_space<hbm>> -> memref<10240xf32, #tpu.memory_space<hbm>>
      tpu.wait_dma2 semaphore(%run_scoped3A : memref<!tpu.dma_semaphore, #tpu.memory_space<semaphore_mem>>) src(%dma_wait3A_23 : memref<10240xf32, #tpu.memory_space<hbm>>) dst(%arg10 : memref<10240xf32, #tpu.memory_space<vmem>>)
      tpu.yield
    }) : () -> ()
    %barrier3A = arith.constant 0 : index
    tpu.barrier barrier_id(%barrier3A)
    %scan3A = arith.constant 0 : i32
    %scan3A_3 = arith.constant 80 : i32
    %scan3A_4 = arith.addi %scan3A, %scan3A_3 : i32
    %scan3A_5 = arith.constant 1 : i32
    scf.for %scan3A_14 = %scan3A to %scan3A_4 step %scan3A_5  : i32 {
      %dma_start3A = arith.constant 0 : i32
      %dma_start3A_15 = tpu.memref_slice %arg8[%scan3A_14, %dma_start3A] : memref<80x128xi32, #tpu.memory_space<vmem>> -> memref<1x128xi32, #tpu.memory_space<vmem>>
      %dma_start3A_16 = tpu.memref_squeeze %dma_start3A_15 : memref<1x128xi32, #tpu.memory_space<vmem>> -> memref<128xi32, #tpu.memory_space<vmem>>
      %dma_start3A_17 = arith.constant 0 : i32
      %dma_start3A_18 = arith.constant 0 : i32
      %dma_start3A_19 = tpu.memref_slice %arg2[%dma_start3A_17, %dma_start3A_18] : memref<380000x128xf32, #tpu.memory_space<hbm>> -> memref<380000x128xf32, #tpu.memory_space<hbm>>
      tpu.enqueue_indirect_dma source(%dma_start3A_19 : memref<380000x128xf32, #tpu.memory_space<hbm>>) target(%arg11 : memref<128x128xf32, #tpu.memory_space<vmem>>) offsets(%dma_start3A_16 : memref<128xi32, #tpu.memory_space<vmem>>) semaphore(%arg13 : memref<!tpu.dma_semaphore, #tpu.memory_space<semaphore_mem>>)
      %dma_wait3A = arith.constant 0 : i32
      %dma_wait3A_20 = tpu.memref_slice %arg8[%scan3A_14, %dma_wait3A] : memref<80x128xi32, #tpu.memory_space<vmem>> -> memref<1x128xi32, #tpu.memory_space<vmem>>
      %dma_wait3A_21 = tpu.memref_squeeze %dma_wait3A_20 : memref<1x128xi32, #tpu.memory_space<vmem>> -> memref<128xi32, #tpu.memory_space<vmem>>
      %dma_wait3A_22 = arith.constant 0 : i32
      %dma_wait3A_23 = arith.constant 0 : i32
      %dma_wait3A_24 = tpu.memref_slice %arg2[%dma_wait3A_22, %dma_wait3A_23] : memref<380000x128xf32, #tpu.memory_space<hbm>> -> memref<380000x128xf32, #tpu.memory_space<hbm>>
      tpu.wait_indirect_dma semaphore(%arg13 : memref<!tpu.dma_semaphore, #tpu.memory_space<semaphore_mem>>) src(%dma_wait3A_24 : memref<380000x128xf32, #tpu.memory_space<hbm>>) dst(%arg11 : memref<128x128xf32, #tpu.memory_space<vmem>>)
      %mul3A_25 = arith.constant 128 : i32
      %mul3A_26 = arith.muli %scan3A_14, %mul3A_25 : i32
      %scan3A_27 = arith.constant 0 : i32
      %scan3A_28 = arith.constant 128 : i32
      %scan3A_29 = arith.addi %scan3A_27, %scan3A_28 : i32
      %scan3A_30 = arith.constant 1 : i32
      scf.for %scan3A_32 = %scan3A_27 to %scan3A_29 step %scan3A_30  : i32 {
        %add3A_33 = arith.addi %mul3A_26, %scan3A_32 : i32
        %broadcast_in_dim3A = vector.broadcast %add3A_33 : i32 to vector<16xi32>
        %gather3A = tpu.vector_load_idx %arg10[%broadcast_in_dim3A] : memref<10240xf32, #tpu.memory_space<vmem>>[vector<16xi32>], vector<16xf32>,
        %get3A = arith.index_cast %scan3A_32 : i32 to index
        %get3A_34 = arith.constant 0 : index
        %get3A_35 = tpu.vector_load %arg11[%get3A, %get3A_34] {strides = array<i32>} : memref<128x128xf32, #tpu.memory_space<vmem>>, vector<16xf32>,
        %mul3A_36 = arith.mulf %get3A_35, %gather3A : vector<16xf32>
        %swap3A = arith.index_cast %scan3A_32 : i32 to index
        %swap3A_37 = arith.constant 0 : index
        %swap3A_38 = tpu.vector_load %arg11[%swap3A, %swap3A_37] {strides = array<i32>} : memref<128x128xf32, #tpu.memory_space<vmem>>, vector<16xf32>,
        tpu.vector_store %arg11[%swap3A, %swap3A_37], %mul3A_36 {strides = array<i32>} : memref<128x128xf32, #tpu.memory_space<vmem>>, vector<16xf32>,
        %get3A_39 = arith.index_cast %scan3A_32 : i32 to index
        %get3A_40 = arith.constant 16 : index
        %get3A_41 = tpu.vector_load %arg11[%get3A_39, %get3A_40] {strides = array<i32>} : memref<128x128xf32, #tpu.memory_space<vmem>>, vector<16xf32>,
        %mul3A_42 = arith.mulf %get3A_41, %gather3A : vector<16xf32>
        %swap3A_43 = arith.index_cast %scan3A_32 : i32 to index
        %swap3A_44 = arith.constant 16 : index
        %swap3A_45 = tpu.vector_load %arg11[%swap3A_43, %swap3A_44] {strides = array<i32>} : memref<128x128xf32, #tpu.memory_space<vmem>>, vector<16xf32>,
        tpu.vector_store %arg11[%swap3A_43, %swap3A_44], %mul3A_42 {strides = array<i32>} : memref<128x128xf32, #tpu.memory_space<vmem>>, vector<16xf32>,
        %get3A_46 = arith.index_cast %scan3A_32 : i32 to index
        %get3A_47 = arith.constant 32 : index
        %get3A_48 = tpu.vector_load %arg11[%get3A_46, %get3A_47] {strides = array<i32>} : memref<128x128xf32, #tpu.memory_space<vmem>>, vector<16xf32>,
        %mul3A_49 = arith.mulf %get3A_48, %gather3A : vector<16xf32>
        %swap3A_50 = arith.index_cast %scan3A_32 : i32 to index
        %swap3A_51 = arith.constant 32 : index
        %swap3A_52 = tpu.vector_load %arg11[%swap3A_50, %swap3A_51] {strides = array<i32>} : memref<128x128xf32, #tpu.memory_space<vmem>>, vector<16xf32>,
        tpu.vector_store %arg11[%swap3A_50, %swap3A_51], %mul3A_49 {strides = array<i32>} : memref<128x128xf32, #tpu.memory_space<vmem>>, vector<16xf32>,
        %get3A_53 = arith.index_cast %scan3A_32 : i32 to index
        %get3A_54 = arith.constant 48 : index
        %get3A_55 = tpu.vector_load %arg11[%get3A_53, %get3A_54] {strides = array<i32>} : memref<128x128xf32, #tpu.memory_space<vmem>>, vector<16xf32>,
        %mul3A_56 = arith.mulf %get3A_55, %gather3A : vector<16xf32>
        %swap3A_57 = arith.index_cast %scan3A_32 : i32 to index
        %swap3A_58 = arith.constant 48 : index
        %swap3A_59 = tpu.vector_load %arg11[%swap3A_57, %swap3A_58] {strides = array<i32>} : memref<128x128xf32, #tpu.memory_space<vmem>>, vector<16xf32>,
        tpu.vector_store %arg11[%swap3A_57, %swap3A_58], %mul3A_56 {strides = array<i32>} : memref<128x128xf32, #tpu.memory_space<vmem>>, vector<16xf32>,
        %get3A_60 = arith.index_cast %scan3A_32 : i32 to index
        %get3A_61 = arith.constant 64 : index
        %get3A_62 = tpu.vector_load %arg11[%get3A_60, %get3A_61] {strides = array<i32>} : memref<128x128xf32, #tpu.memory_space<vmem>>, vector<16xf32>,
        %mul3A_63 = arith.mulf %get3A_62, %gather3A : vector<16xf32>
        %swap3A_64 = arith.index_cast %scan3A_32 : i32 to index
        %swap3A_65 = arith.constant 64 : index
        %swap3A_66 = tpu.vector_load %arg11[%swap3A_64, %swap3A_65] {strides = array<i32>} : memref<128x128xf32, #tpu.memory_space<vmem>>, vector<16xf32>,
        tpu.vector_store %arg11[%swap3A_64, %swap3A_65], %mul3A_63 {strides = array<i32>} : memref<128x128xf32, #tpu.memory_space<vmem>>, vector<16xf32>,
        %get3A_67 = arith.index_cast %scan3A_32 : i32 to index
        %get3A_68 = arith.constant 80 : index
        %get3A_69 = tpu.vector_load %arg11[%get3A_67, %get3A_68] {strides = array<i32>} : memref<128x128xf32, #tpu.memory_space<vmem>>, vector<16xf32>,
        %mul3A_70 = arith.mulf %get3A_69, %gather3A : vector<16xf32>
        %swap3A_71 = arith.index_cast %scan3A_32 : i32 to index
        %swap3A_72 = arith.constant 80 : index
        %swap3A_73 = tpu.vector_load %arg11[%swap3A_71, %swap3A_72] {strides = array<i32>} : memref<128x128xf32, #tpu.memory_space<vmem>>, vector<16xf32>,
        tpu.vector_store %arg11[%swap3A_71, %swap3A_72], %mul3A_70 {strides = array<i32>} : memref<128x128xf32, #tpu.memory_space<vmem>>, vector<16xf32>,
        %get3A_74 = arith.index_cast %scan3A_32 : i32 to index
        %get3A_75 = arith.constant 96 : index
        %get3A_76 = tpu.vector_load %arg11[%get3A_74, %get3A_75] {strides = array<i32>} : memref<128x128xf32, #tpu.memory_space<vmem>>, vector<16xf32>,
        %mul3A_77 = arith.mulf %get3A_76, %gather3A : vector<16xf32>
        %swap3A_78 = arith.index_cast %scan3A_32 : i32 to index
        %swap3A_79 = arith.constant 96 : index
        %swap3A_80 = tpu.vector_load %arg11[%swap3A_78, %swap3A_79] {strides = array<i32>} : memref<128x128xf32, #tpu.memory_space<vmem>>, vector<16xf32>,
        tpu.vector_store %arg11[%swap3A_78, %swap3A_79], %mul3A_77 {strides = array<i32>} : memref<128x128xf32, #tpu.memory_space<vmem>>, vector<16xf32>,
        %get3A_81 = arith.index_cast %scan3A_32 : i32 to index
        %get3A_82 = arith.constant 112 : index
        %get3A_83 = tpu.vector_load %arg11[%get3A_81, %get3A_82] {strides = array<i32>} : memref<128x128xf32, #tpu.memory_space<vmem>>, vector<16xf32>,
        %mul3A_84 = arith.mulf %get3A_83, %gather3A : vector<16xf32>
        %swap3A_85 = arith.index_cast %scan3A_32 : i32 to index
        %swap3A_86 = arith.constant 112 : index
        %swap3A_87 = tpu.vector_load %arg11[%swap3A_85, %swap3A_86] {strides = array<i32>} : memref<128x128xf32, #tpu.memory_space<vmem>>, vector<16xf32>,
        tpu.vector_store %arg11[%swap3A_85, %swap3A_86], %mul3A_84 {strides = array<i32>} : memref<128x128xf32, #tpu.memory_space<vmem>>, vector<16xf32>,
      }
      %scan3A_31 = arith.constant 128 : i32
      "tpu.region"() ({
        %run_scoped3A = tpu.sem_alloc : memref<!tpu.dma_semaphore, #tpu.memory_space<semaphore_mem>>
        %dma_start3A_32 = arith.constant 0 : i32
        %dma_start3A_33 = tpu.memref_slice %arg9[%scan3A_14, %dma_start3A_32] : memref<80x128xi32, #tpu.memory_space<vmem>> -> memref<1x128xi32, #tpu.memory_space<vmem>>
        %dma_start3A_34 = tpu.memref_squeeze %dma_start3A_33 : memref<1x128xi32, #tpu.memory_space<vmem>> -> memref<128xi32, #tpu.memory_space<vmem>>
        %dma_start3A_35 = arith.constant 0 : i32
        %dma_start3A_36 = arith.constant 0 : i32
        %dma_start3A_37 = tpu.memref_slice %arg12[%dma_start3A_35, %dma_start3A_36] : memref<10112x128xf32, #tpu.memory_space<vmem_shared>> -> memref<10112x128xf32, #tpu.memory_space<vmem_shared>>
        tpu.enqueue_indirect_dma source(%arg11 : memref<128x128xf32, #tpu.memory_space<vmem>>) target(%dma_start3A_37 : memref<10112x128xf32, #tpu.memory_space<vmem_shared>>) offsets(%dma_start3A_34 : memref<128xi32, #tpu.memory_space<vmem>>) semaphore(%run_scoped3A : memref<!tpu.dma_semaphore, #tpu.memory_space<semaphore_mem>>) {add = true}
        %dma_wait3A_38 = arith.constant 0 : i32
        %dma_wait3A_39 = tpu.memref_slice %arg9[%scan3A_14, %dma_wait3A_38] : memref<80x128xi32, #tpu.memory_space<vmem>> -> memref<1x128xi32, #tpu.memory_space<vmem>>
        %dma_wait3A_40 = tpu.memref_squeeze %dma_wait3A_39 : memref<1x128xi32, #tpu.memory_space<vmem>> -> memref<128xi32, #tpu.memory_space<vmem>>
        %dma_wait3A_41 = arith.constant 0 : i32
        %dma_wait3A_42 = arith.constant 0 : i32
        %dma_wait3A_43 = tpu.memref_slice %arg12[%dma_wait3A_41, %dma_wait3A_42] : memref<10112x128xf32, #tpu.memory_space<vmem_shared>> -> memref<10112x128xf32, #tpu.memory_space<vmem_shared>>
        tpu.wait_indirect_dma semaphore(%run_scoped3A : memref<!tpu.dma_semaphore, #tpu.memory_space<semaphore_mem>>) src(%arg11 : memref<128x128xf32, #tpu.memory_space<vmem>>) dst(%dma_wait3A_43 : memref<10112x128xf32, #tpu.memory_space<vmem_shared>>)
        tpu.yield
      }) : () -> ()
    }
    %scan3A_6 = arith.constant 80 : i32
    %barrier3A_7 = arith.constant 0 : index
    tpu.barrier barrier_id(%barrier3A_7)
    %mul3A_8 = arith.constant 632 : i32
    %mul3A_9 = arith.muli %arg1, %mul3A_8 : i32
    %mul3A_10 = arith.constant 632 : i32
    %mul3A_11 = arith.muli %arg1, %mul3A_10 : i32
    %mul3A_12 = arith.constant 128 : i32
    %mul3A_13 = arith.muli %arg0, %mul3A_12 : i32
    "tpu.region"() ({
      %run_scoped3A = tpu.sem_alloc : memref<!tpu.dma_semaphore, #tpu.memory_space<semaphore_mem>>
      %dma_start3A = tpu.memref_slice %arg7[%mul3A_11, %mul3A_13] : memref<10112x256xf32, #tpu.memory_space<hbm>> -> memref<632x128xf32, #tpu.memory_space<hbm>>
      %dma_start3A_14 = arith.constant 0 : i32
      %dma_start3A_15 = tpu.memref_slice %arg12[%mul3A_9, %dma_start3A_14] : memref<10112x128xf32, #tpu.memory_space<vmem_shared>> -> memref<632x128xf32, #tpu.memory_space<vmem_shared>>
      tpu.enqueue_dma source(%dma_start3A_15 : memref<632x128xf32, #tpu.memory_space<vmem_shared>>) target(%dma_start3A : memref<632x128xf32, #tpu.memory_space<hbm>>) target_semaphore(%run_scoped3A : memref<!tpu.dma_semaphore, #tpu.memory_space<semaphore_mem>>)
      %dma_wait3A = tpu.memref_slice %arg7[%mul3A_11, %mul3A_13] : memref<10112x256xf32, #tpu.memory_space<hbm>> -> memref<632x128xf32, #tpu.memory_space<hbm>>
      %dma_wait3A_16 = arith.constant 0 : i32
      %dma_wait3A_17 = tpu.memref_slice %arg12[%mul3A_9, %dma_wait3A_16] : memref<10112x128xf32, #tpu.memory_space<vmem_shared>> -> memref<632x128xf32, #tpu.memory_space<vmem_shared>>
      tpu.wait_dma2 semaphore(%run_scoped3A : memref<!tpu.dma_semaphore, #tpu.memory_space<semaphore_mem>>) src(%dma_wait3A_17 : memref<632x128xf32, #tpu.memory_space<vmem_shared>>) dst(%dma_wait3A : memref<632x128xf32, #tpu.memory_space<hbm>>)
      tpu.yield
    }) : () -> ()
    return
  }
}

#map = affine_map<(d0, d1) -> (0, 0)>
#map1 = affine_map<(d0, d1) -> (0, 0, 0)>
module attributes {stable_mosaic.version = 14 : i64} {
  func.func @k(%arg0: i32, %arg1: i32, %arg2: memref<163840x128xf32, #tpu.memory_space<hbm>>, %arg3: memref<32x40x128xi32, #tpu.memory_space<hbm>>, %arg4: memref<632x128xf32, #tpu.memory_space<hbm>>, %arg5: memref<2x10112x128xf32, #tpu.memory_space<hbm>>, %arg6: memref<40x128xi32, #tpu.memory_space<vmem>>, %arg7: memref<128x128xf32, #tpu.memory_space<vmem>>, %arg8: memref<10112x128xf32, #tpu.memory_space<vmem_shared>>) attributes {dimension_semantics = [#tpu.dimension_semantics<core_parallel>, #tpu.dimension_semantics<subcore_parallel>], iteration_bounds = array<i64: 2, 16>, scalar_prefetch = 0 : i64, scratch_operands = 3 : i64, tpu.core_type = #tpu.core_type<sc_vector_subcore>, window_params = [{transform_indices = #map}, {transform_indices = #map1}, {transform_indices = #map}, {transform_indices = #map1}]} {
    %mul3A = arith.constant 2 : i32
    %mul3A_0 = arith.muli %arg1, %mul3A : i32
    %add3A = arith.addi %mul3A_0, %arg0 : i32
    %mul3A_1 = arith.constant 632 : i32
    %mul3A_2 = arith.muli %arg1, %mul3A_1 : i32
    "tpu.region"() ({
      %run_scoped3A = tpu.sem_alloc : memref<!tpu.dma_semaphore, #tpu.memory_space<semaphore_mem>>
      %dma_start3A = arith.constant 0 : i32
      %dma_start3A_12 = tpu.memref_slice %arg8[%mul3A_2, %dma_start3A] : memref<10112x128xf32, #tpu.memory_space<vmem_shared>> -> memref<632x128xf32, #tpu.memory_space<vmem_shared>>
      tpu.enqueue_dma source(%arg4 : memref<632x128xf32, #tpu.memory_space<hbm>>) target(%dma_start3A_12 : memref<632x128xf32, #tpu.memory_space<vmem_shared>>) target_semaphore(%run_scoped3A : memref<!tpu.dma_semaphore, #tpu.memory_space<semaphore_mem>>)
      %dma_wait3A = arith.constant 0 : i32
      %dma_wait3A_13 = tpu.memref_slice %arg8[%mul3A_2, %dma_wait3A] : memref<10112x128xf32, #tpu.memory_space<vmem_shared>> -> memref<632x128xf32, #tpu.memory_space<vmem_shared>>
      tpu.wait_dma2 semaphore(%run_scoped3A : memref<!tpu.dma_semaphore, #tpu.memory_space<semaphore_mem>>) src(%arg4 : memref<632x128xf32, #tpu.memory_space<hbm>>) dst(%dma_wait3A_13 : memref<632x128xf32, #tpu.memory_space<vmem_shared>>)
      tpu.yield
    }) : () -> ()
    "tpu.region"() ({
      %run_scoped3A = tpu.sem_alloc : memref<!tpu.dma_semaphore, #tpu.memory_space<semaphore_mem>>
      %dma_start3A = arith.constant 0 : i32
      %dma_start3A_12 = arith.constant 0 : i32
      %dma_start3A_13 = tpu.memref_slice %arg3[%add3A, %dma_start3A, %dma_start3A_12] : memref<32x40x128xi32, #tpu.memory_space<hbm>> -> memref<1x40x128xi32, #tpu.memory_space<hbm>>
      %dma_start3A_14 = tpu.memref_squeeze %dma_start3A_13 : memref<1x40x128xi32, #tpu.memory_space<hbm>> -> memref<40x128xi32, #tpu.memory_space<hbm>>
      %dma_start3A_15 = arith.constant 0 : i32
      %dma_start3A_16 = arith.constant 0 : i32
      %dma_start3A_17 = tpu.memref_slice %arg3[%add3A, %dma_start3A_15, %dma_start3A_16] : memref<32x40x128xi32, #tpu.memory_space<hbm>> -> memref<1x40x128xi32, #tpu.memory_space<hbm>>
      %dma_start3A_18 = tpu.memref_squeeze %dma_start3A_17 : memref<1x40x128xi32, #tpu.memory_space<hbm>> -> memref<40x128xi32, #tpu.memory_space<hbm>>
      tpu.enqueue_dma source(%dma_start3A_18 : memref<40x128xi32, #tpu.memory_space<hbm>>) target(%arg6 : memref<40x128xi32, #tpu.memory_space<vmem>>) target_semaphore(%run_scoped3A : memref<!tpu.dma_semaphore, #tpu.memory_space<semaphore_mem>>)
      %dma_wait3A = arith.constant 0 : i32
      %dma_wait3A_19 = arith.constant 0 : i32
      %dma_wait3A_20 = tpu.memref_slice %arg3[%add3A, %dma_wait3A, %dma_wait3A_19] : memref<32x40x128xi32, #tpu.memory_space<hbm>> -> memref<1x40x128xi32, #tpu.memory_space<hbm>>
      %dma_wait3A_21 = tpu.memref_squeeze %dma_wait3A_20 : memref<1x40x128xi32, #tpu.memory_space<hbm>> -> memref<40x128xi32, #tpu.memory_space<hbm>>
      %dma_wait3A_22 = arith.constant 0 : i32
      %dma_wait3A_23 = arith.constant 0 : i32
      %dma_wait3A_24 = tpu.memref_slice %arg3[%add3A, %dma_wait3A_22, %dma_wait3A_23] : memref<32x40x128xi32, #tpu.memory_space<hbm>> -> memref<1x40x128xi32, #tpu.memory_space<hbm>>
      %dma_wait3A_25 = tpu.memref_squeeze %dma_wait3A_24 : memref<1x40x128xi32, #tpu.memory_space<hbm>> -> memref<40x128xi32, #tpu.memory_space<hbm>>
      tpu.wait_dma2 semaphore(%run_scoped3A : memref<!tpu.dma_semaphore, #tpu.memory_space<semaphore_mem>>) src(%dma_wait3A_25 : memref<40x128xi32, #tpu.memory_space<hbm>>) dst(%arg6 : memref<40x128xi32, #tpu.memory_space<vmem>>)
      tpu.yield
    }) : () -> ()
    %barrier3A = arith.constant 0 : index
    tpu.barrier barrier_id(%barrier3A)
    %scan3A = arith.constant 0 : i32
    %scan3A_3 = arith.constant 40 : i32
    %scan3A_4 = arith.addi %scan3A, %scan3A_3 : i32
    %scan3A_5 = arith.constant 1 : i32
    scf.for %scan3A_12 = %scan3A to %scan3A_4 step %scan3A_5  : i32 {
      %mul3A_13 = arith.constant 40 : i32
      %mul3A_14 = arith.muli %add3A, %mul3A_13 : i32
      %add3A_15 = arith.addi %mul3A_14, %scan3A_12 : i32
      %mul3A_16 = arith.constant 128 : i32
      %mul3A_17 = arith.muli %add3A_15, %mul3A_16 : i32
      "tpu.region"() ({
        %run_scoped3A = tpu.sem_alloc : memref<!tpu.dma_semaphore, #tpu.memory_space<semaphore_mem>>
        %dma_start3A = arith.constant 0 : i32
        %dma_start3A_18 = tpu.memref_slice %arg2[%mul3A_17, %dma_start3A] : memref<163840x128xf32, #tpu.memory_space<hbm>> -> memref<128x128xf32, #tpu.memory_space<hbm>>
        %dma_start3A_19 = arith.constant 0 : i32
        %dma_start3A_20 = tpu.memref_slice %arg2[%mul3A_17, %dma_start3A_19] : memref<163840x128xf32, #tpu.memory_space<hbm>> -> memref<128x128xf32, #tpu.memory_space<hbm>>
        tpu.enqueue_dma source(%dma_start3A_20 : memref<128x128xf32, #tpu.memory_space<hbm>>) target(%arg7 : memref<128x128xf32, #tpu.memory_space<vmem>>) target_semaphore(%run_scoped3A : memref<!tpu.dma_semaphore, #tpu.memory_space<semaphore_mem>>)
        %dma_wait3A = arith.constant 0 : i32
        %dma_wait3A_21 = tpu.memref_slice %arg2[%mul3A_17, %dma_wait3A] : memref<163840x128xf32, #tpu.memory_space<hbm>> -> memref<128x128xf32, #tpu.memory_space<hbm>>
        %dma_wait3A_22 = arith.constant 0 : i32
        %dma_wait3A_23 = tpu.memref_slice %arg2[%mul3A_17, %dma_wait3A_22] : memref<163840x128xf32, #tpu.memory_space<hbm>> -> memref<128x128xf32, #tpu.memory_space<hbm>>
        tpu.wait_dma2 semaphore(%run_scoped3A : memref<!tpu.dma_semaphore, #tpu.memory_space<semaphore_mem>>) src(%dma_wait3A_23 : memref<128x128xf32, #tpu.memory_space<hbm>>) dst(%arg7 : memref<128x128xf32, #tpu.memory_space<vmem>>)
        tpu.yield
      }) : () -> ()
      "tpu.region"() ({
        %run_scoped3A = tpu.sem_alloc : memref<!tpu.dma_semaphore, #tpu.memory_space<semaphore_mem>>
        %dma_start3A = arith.constant 0 : i32
        %dma_start3A_18 = tpu.memref_slice %arg6[%scan3A_12, %dma_start3A] : memref<40x128xi32, #tpu.memory_space<vmem>> -> memref<1x128xi32, #tpu.memory_space<vmem>>
        %dma_start3A_19 = tpu.memref_squeeze %dma_start3A_18 : memref<1x128xi32, #tpu.memory_space<vmem>> -> memref<128xi32, #tpu.memory_space<vmem>>
        %dma_start3A_20 = arith.constant 0 : i32
        %dma_start3A_21 = arith.constant 0 : i32
        %dma_start3A_22 = tpu.memref_slice %arg8[%dma_start3A_20, %dma_start3A_21] : memref<10112x128xf32, #tpu.memory_space<vmem_shared>> -> memref<10112x128xf32, #tpu.memory_space<vmem_shared>>
        tpu.enqueue_indirect_dma source(%arg7 : memref<128x128xf32, #tpu.memory_space<vmem>>) target(%dma_start3A_22 : memref<10112x128xf32, #tpu.memory_space<vmem_shared>>) offsets(%dma_start3A_19 : memref<128xi32, #tpu.memory_space<vmem>>) semaphore(%run_scoped3A : memref<!tpu.dma_semaphore, #tpu.memory_space<semaphore_mem>>) {add = true}
        %dma_wait3A = arith.constant 0 : i32
        %dma_wait3A_23 = tpu.memref_slice %arg6[%scan3A_12, %dma_wait3A] : memref<40x128xi32, #tpu.memory_space<vmem>> -> memref<1x128xi32, #tpu.memory_space<vmem>>
        %dma_wait3A_24 = tpu.memref_squeeze %dma_wait3A_23 : memref<1x128xi32, #tpu.memory_space<vmem>> -> memref<128xi32, #tpu.memory_space<vmem>>
        %dma_wait3A_25 = arith.constant 0 : i32
        %dma_wait3A_26 = arith.constant 0 : i32
        %dma_wait3A_27 = tpu.memref_slice %arg8[%dma_wait3A_25, %dma_wait3A_26] : memref<10112x128xf32, #tpu.memory_space<vmem_shared>> -> memref<10112x128xf32, #tpu.memory_space<vmem_shared>>
        tpu.wait_indirect_dma semaphore(%run_scoped3A : memref<!tpu.dma_semaphore, #tpu.memory_space<semaphore_mem>>) src(%arg7 : memref<128x128xf32, #tpu.memory_space<vmem>>) dst(%dma_wait3A_27 : memref<10112x128xf32, #tpu.memory_space<vmem_shared>>)
        tpu.yield
      }) : () -> ()
    }
    %scan3A_6 = arith.constant 40 : i32
    %barrier3A_7 = arith.constant 0 : index
    tpu.barrier barrier_id(%barrier3A_7)
    %mul3A_8 = arith.constant 632 : i32
    %mul3A_9 = arith.muli %arg1, %mul3A_8 : i32
    %mul3A_10 = arith.constant 632 : i32
    %mul3A_11 = arith.muli %arg1, %mul3A_10 : i32
    "tpu.region"() ({
      %run_scoped3A = tpu.sem_alloc : memref<!tpu.dma_semaphore, #tpu.memory_space<semaphore_mem>>
      %dma_start3A = arith.constant 0 : i32
      %dma_start3A_12 = tpu.memref_slice %arg5[%arg0, %mul3A_11, %dma_start3A] : memref<2x10112x128xf32, #tpu.memory_space<hbm>> -> memref<1x632x128xf32, #tpu.memory_space<hbm>>
      %dma_start3A_13 = tpu.memref_squeeze %dma_start3A_12 : memref<1x632x128xf32, #tpu.memory_space<hbm>> -> memref<632x128xf32, #tpu.memory_space<hbm>>
      %dma_start3A_14 = arith.constant 0 : i32
      %dma_start3A_15 = tpu.memref_slice %arg8[%mul3A_9, %dma_start3A_14] : memref<10112x128xf32, #tpu.memory_space<vmem_shared>> -> memref<632x128xf32, #tpu.memory_space<vmem_shared>>
      tpu.enqueue_dma source(%dma_start3A_15 : memref<632x128xf32, #tpu.memory_space<vmem_shared>>) target(%dma_start3A_13 : memref<632x128xf32, #tpu.memory_space<hbm>>) target_semaphore(%run_scoped3A : memref<!tpu.dma_semaphore, #tpu.memory_space<semaphore_mem>>)
      %dma_wait3A = arith.constant 0 : i32
      %dma_wait3A_16 = tpu.memref_slice %arg5[%arg0, %mul3A_11, %dma_wait3A] : memref<2x10112x128xf32, #tpu.memory_space<hbm>> -> memref<1x632x128xf32, #tpu.memory_space<hbm>>
      %dma_wait3A_17 = tpu.memref_squeeze %dma_wait3A_16 : memref<1x632x128xf32, #tpu.memory_space<hbm>> -> memref<632x128xf32, #tpu.memory_space<hbm>>
      %dma_wait3A_18 = arith.constant 0 : i32
      %dma_wait3A_19 = tpu.memref_slice %arg8[%mul3A_9, %dma_wait3A_18] : memref<10112x128xf32, #tpu.memory_space<vmem_shared>> -> memref<632x128xf32, #tpu.memory_space<vmem_shared>>
      tpu.wait_dma2 semaphore(%run_scoped3A : memref<!tpu.dma_semaphore, #tpu.memory_space<semaphore_mem>>) src(%dma_wait3A_19 : memref<632x128xf32, #tpu.memory_space<vmem_shared>>) dst(%dma_wait3A_17 : memref<632x128xf32, #tpu.memory_space<hbm>>)
      tpu.yield
    }) : () -> ()
    return
  }
}

#map = affine_map<(d0, d1) -> (0, 0)>
#map1 = affine_map<(d0, d1) -> (0, 0, 0)>
module attributes {stable_mosaic.version = 14 : i64} {
  func.func @k(%arg0: i32, %arg1: i32, %arg2: memref<10000x256xf32, #tpu.memory_space<hbm>>, %arg3: memref<32x40x128xi32, #tpu.memory_space<hbm>>, %arg4: memref<163840x256xf32, #tpu.memory_space<hbm>>, %arg5: memref<40x128xi32, #tpu.memory_space<vmem>>, %arg6: memref<256x256xf32, #tpu.memory_space<vmem>>, %arg7: memref<!tpu.dma_semaphore, #tpu.memory_space<semaphore_mem>>) attributes {dimension_semantics = [#tpu.dimension_semantics<core_parallel>, #tpu.dimension_semantics<subcore_parallel>], iteration_bounds = array<i64: 2, 16>, scalar_prefetch = 0 : i64, scratch_operands = 3 : i64, tpu.core_type = #tpu.core_type<sc_vector_subcore>, window_params = [{transform_indices = #map}, {transform_indices = #map1}, {transform_indices = #map}]} {
    %mul3A = arith.constant 2 : i32
    %mul3A_0 = arith.muli %arg1, %mul3A : i32
    %add3A = arith.addi %mul3A_0, %arg0 : i32
    "tpu.region"() ({
      %run_scoped3A = tpu.sem_alloc : memref<!tpu.dma_semaphore, #tpu.memory_space<semaphore_mem>>
      %dma_start3A = arith.constant 0 : i32
      %dma_start3A_5 = arith.constant 0 : i32
      %dma_start3A_6 = tpu.memref_slice %arg3[%add3A, %dma_start3A, %dma_start3A_5] : memref<32x40x128xi32, #tpu.memory_space<hbm>> -> memref<1x40x128xi32, #tpu.memory_space<hbm>>
      %dma_start3A_7 = tpu.memref_squeeze %dma_start3A_6 : memref<1x40x128xi32, #tpu.memory_space<hbm>> -> memref<40x128xi32, #tpu.memory_space<hbm>>
      %dma_start3A_8 = arith.constant 0 : i32
      %dma_start3A_9 = arith.constant 0 : i32
      %dma_start3A_10 = tpu.memref_slice %arg3[%add3A, %dma_start3A_8, %dma_start3A_9] : memref<32x40x128xi32, #tpu.memory_space<hbm>> -> memref<1x40x128xi32, #tpu.memory_space<hbm>>
      %dma_start3A_11 = tpu.memref_squeeze %dma_start3A_10 : memref<1x40x128xi32, #tpu.memory_space<hbm>> -> memref<40x128xi32, #tpu.memory_space<hbm>>
      tpu.enqueue_dma source(%dma_start3A_11 : memref<40x128xi32, #tpu.memory_space<hbm>>) target(%arg5 : memref<40x128xi32, #tpu.memory_space<vmem>>) target_semaphore(%run_scoped3A : memref<!tpu.dma_semaphore, #tpu.memory_space<semaphore_mem>>)
      %dma_wait3A = arith.constant 0 : i32
      %dma_wait3A_12 = arith.constant 0 : i32
      %dma_wait3A_13 = tpu.memref_slice %arg3[%add3A, %dma_wait3A, %dma_wait3A_12] : memref<32x40x128xi32, #tpu.memory_space<hbm>> -> memref<1x40x128xi32, #tpu.memory_space<hbm>>
      %dma_wait3A_14 = tpu.memref_squeeze %dma_wait3A_13 : memref<1x40x128xi32, #tpu.memory_space<hbm>> -> memref<40x128xi32, #tpu.memory_space<hbm>>
      %dma_wait3A_15 = arith.constant 0 : i32
      %dma_wait3A_16 = arith.constant 0 : i32
      %dma_wait3A_17 = tpu.memref_slice %arg3[%add3A, %dma_wait3A_15, %dma_wait3A_16] : memref<32x40x128xi32, #tpu.memory_space<hbm>> -> memref<1x40x128xi32, #tpu.memory_space<hbm>>
      %dma_wait3A_18 = tpu.memref_squeeze %dma_wait3A_17 : memref<1x40x128xi32, #tpu.memory_space<hbm>> -> memref<40x128xi32, #tpu.memory_space<hbm>>
      tpu.wait_dma2 semaphore(%run_scoped3A : memref<!tpu.dma_semaphore, #tpu.memory_space<semaphore_mem>>) src(%dma_wait3A_18 : memref<40x128xi32, #tpu.memory_space<hbm>>) dst(%arg5 : memref<40x128xi32, #tpu.memory_space<vmem>>)
      tpu.yield
    }) : () -> ()
    %scan3A = arith.constant 0 : i32
    %scan3A_1 = arith.constant 20 : i32
    %scan3A_2 = arith.addi %scan3A, %scan3A_1 : i32
    %scan3A_3 = arith.constant 1 : i32
    scf.for %scan3A_5 = %scan3A to %scan3A_2 step %scan3A_3  : i32 {
      %mul3A_6 = arith.constant 2 : i32
      %mul3A_7 = arith.muli %scan3A_5, %mul3A_6 : i32
      %add3A_8 = arith.constant 0 : i32
      %add3A_9 = arith.addi %mul3A_7, %add3A_8 : i32
      %dma_start3A = arith.constant 0 : i32
      %dma_start3A_10 = arith.constant 0 : i32
      %dma_start3A_11 = tpu.memref_slice %arg6[%dma_start3A, %dma_start3A_10] : memref<256x256xf32, #tpu.memory_space<vmem>> -> memref<128x256xf32, #tpu.memory_space<vmem>>
      %dma_start3A_12 = arith.constant 0 : i32
      %dma_start3A_13 = tpu.memref_slice %arg5[%add3A_9, %dma_start3A_12] : memref<40x128xi32, #tpu.memory_space<vmem>> -> memref<1x128xi32, #tpu.memory_space<vmem>>
      %dma_start3A_14 = tpu.memref_squeeze %dma_start3A_13 : memref<1x128xi32, #tpu.memory_space<vmem>> -> memref<128xi32, #tpu.memory_space<vmem>>
      %dma_start3A_15 = arith.constant 0 : i32
      %dma_start3A_16 = arith.constant 0 : i32
      %dma_start3A_17 = tpu.memref_slice %arg2[%dma_start3A_15, %dma_start3A_16] : memref<10000x256xf32, #tpu.memory_space<hbm>> -> memref<10000x256xf32, #tpu.memory_space<hbm>>
      tpu.enqueue_indirect_dma source(%dma_start3A_17 : memref<10000x256xf32, #tpu.memory_space<hbm>>) target(%dma_start3A_11 : memref<128x256xf32, #tpu.memory_space<vmem>>) offsets(%dma_start3A_14 : memref<128xi32, #tpu.memory_space<vmem>>) semaphore(%arg7 : memref<!tpu.dma_semaphore, #tpu.memory_space<semaphore_mem>>)
      %mul3A_18 = arith.constant 2 : i32
      %mul3A_19 = arith.muli %scan3A_5, %mul3A_18 : i32
      %add3A_20 = arith.constant 1 : i32
      %add3A_21 = arith.addi %mul3A_19, %add3A_20 : i32
      %dma_start3A_22 = arith.constant 128 : i32
      %dma_start3A_23 = arith.constant 0 : i32
      %dma_start3A_24 = tpu.memref_slice %arg6[%dma_start3A_22, %dma_start3A_23] : memref<256x256xf32, #tpu.memory_space<vmem>> -> memref<128x256xf32, #tpu.memory_space<vmem>>
      %dma_start3A_25 = arith.constant 0 : i32
      %dma_start3A_26 = tpu.memref_slice %arg5[%add3A_21, %dma_start3A_25] : memref<40x128xi32, #tpu.memory_space<vmem>> -> memref<1x128xi32, #tpu.memory_space<vmem>>
      %dma_start3A_27 = tpu.memref_squeeze %dma_start3A_26 : memref<1x128xi32, #tpu.memory_space<vmem>> -> memref<128xi32, #tpu.memory_space<vmem>>
      %dma_start3A_28 = arith.constant 0 : i32
      %dma_start3A_29 = arith.constant 0 : i32
      %dma_start3A_30 = tpu.memref_slice %arg2[%dma_start3A_28, %dma_start3A_29] : memref<10000x256xf32, #tpu.memory_space<hbm>> -> memref<10000x256xf32, #tpu.memory_space<hbm>>
      tpu.enqueue_indirect_dma source(%dma_start3A_30 : memref<10000x256xf32, #tpu.memory_space<hbm>>) target(%dma_start3A_24 : memref<128x256xf32, #tpu.memory_space<vmem>>) offsets(%dma_start3A_27 : memref<128xi32, #tpu.memory_space<vmem>>) semaphore(%arg7 : memref<!tpu.dma_semaphore, #tpu.memory_space<semaphore_mem>>)
      %dma_wait3A = arith.constant 0 : i32
      %dma_wait3A_31 = arith.constant 0 : i32
      %dma_wait3A_32 = tpu.memref_slice %arg6[%dma_wait3A, %dma_wait3A_31] : memref<256x256xf32, #tpu.memory_space<vmem>> -> memref<128x256xf32, #tpu.memory_space<vmem>>
      %dma_wait3A_33 = arith.constant 0 : i32
      %dma_wait3A_34 = tpu.memref_slice %arg5[%add3A_9, %dma_wait3A_33] : memref<40x128xi32, #tpu.memory_space<vmem>> -> memref<1x128xi32, #tpu.memory_space<vmem>>
      %dma_wait3A_35 = tpu.memref_squeeze %dma_wait3A_34 : memref<1x128xi32, #tpu.memory_space<vmem>> -> memref<128xi32, #tpu.memory_space<vmem>>
      %dma_wait3A_36 = arith.constant 0 : i32
      %dma_wait3A_37 = arith.constant 0 : i32
      %dma_wait3A_38 = tpu.memref_slice %arg2[%dma_wait3A_36, %dma_wait3A_37] : memref<10000x256xf32, #tpu.memory_space<hbm>> -> memref<10000x256xf32, #tpu.memory_space<hbm>>
      tpu.wait_indirect_dma semaphore(%arg7 : memref<!tpu.dma_semaphore, #tpu.memory_space<semaphore_mem>>) src(%dma_wait3A_38 : memref<10000x256xf32, #tpu.memory_space<hbm>>) dst(%dma_wait3A_32 : memref<128x256xf32, #tpu.memory_space<vmem>>)
      %dma_wait3A_39 = arith.constant 128 : i32
      %dma_wait3A_40 = arith.constant 0 : i32
      %dma_wait3A_41 = tpu.memref_slice %arg6[%dma_wait3A_39, %dma_wait3A_40] : memref<256x256xf32, #tpu.memory_space<vmem>> -> memref<128x256xf32, #tpu.memory_space<vmem>>
      %dma_wait3A_42 = arith.constant 0 : i32
      %dma_wait3A_43 = tpu.memref_slice %arg5[%add3A_21, %dma_wait3A_42] : memref<40x128xi32, #tpu.memory_space<vmem>> -> memref<1x128xi32, #tpu.memory_space<vmem>>
      %dma_wait3A_44 = tpu.memref_squeeze %dma_wait3A_43 : memref<1x128xi32, #tpu.memory_space<vmem>> -> memref<128xi32, #tpu.memory_space<vmem>>
      %dma_wait3A_45 = arith.constant 0 : i32
      %dma_wait3A_46 = arith.constant 0 : i32
      %dma_wait3A_47 = tpu.memref_slice %arg2[%dma_wait3A_45, %dma_wait3A_46] : memref<10000x256xf32, #tpu.memory_space<hbm>> -> memref<10000x256xf32, #tpu.memory_space<hbm>>
      tpu.wait_indirect_dma semaphore(%arg7 : memref<!tpu.dma_semaphore, #tpu.memory_space<semaphore_mem>>) src(%dma_wait3A_47 : memref<10000x256xf32, #tpu.memory_space<hbm>>) dst(%dma_wait3A_41 : memref<128x256xf32, #tpu.memory_space<vmem>>)
      %mul3A_48 = arith.constant 40 : i32
      %mul3A_49 = arith.muli %add3A, %mul3A_48 : i32
      %mul3A_50 = arith.constant 2 : i32
      %mul3A_51 = arith.muli %scan3A_5, %mul3A_50 : i32
      %add3A_52 = arith.addi %mul3A_49, %mul3A_51 : i32
      %mul3A_53 = arith.constant 128 : i32
      %mul3A_54 = arith.muli %add3A_52, %mul3A_53 : i32
      "tpu.region"() ({
        %run_scoped3A = tpu.sem_alloc : memref<!tpu.dma_semaphore, #tpu.memory_space<semaphore_mem>>
        %dma_start3A_55 = arith.constant 0 : i32
        %dma_start3A_56 = tpu.memref_slice %arg4[%mul3A_54, %dma_start3A_55] : memref<163840x256xf32, #tpu.memory_space<hbm>> -> memref<256x256xf32, #tpu.memory_space<hbm>>
        %dma_start3A_57 = arith.constant 0 : i32
        %dma_start3A_58 = tpu.memref_slice %arg4[%mul3A_54, %dma_start3A_57] : memref<163840x256xf32, #tpu.memory_space<hbm>> -> memref<256x256xf32, #tpu.memory_space<hbm>>
        tpu.enqueue_dma source(%arg6 : memref<256x256xf32, #tpu.memory_space<vmem>>) target(%dma_start3A_58 : memref<256x256xf32, #tpu.memory_space<hbm>>) target_semaphore(%run_scoped3A : memref<!tpu.dma_semaphore, #tpu.memory_space<semaphore_mem>>)
        %dma_wait3A_59 = arith.constant 0 : i32
        %dma_wait3A_60 = tpu.memref_slice %arg4[%mul3A_54, %dma_wait3A_59] : memref<163840x256xf32, #tpu.memory_space<hbm>> -> memref<256x256xf32, #tpu.memory_space<hbm>>
        %dma_wait3A_61 = arith.constant 0 : i32
        %dma_wait3A_62 = tpu.memref_slice %arg4[%mul3A_54, %dma_wait3A_61] : memref<163840x256xf32, #tpu.memory_space<hbm>> -> memref<256x256xf32, #tpu.memory_space<hbm>>
        tpu.wait_dma2 semaphore(%run_scoped3A : memref<!tpu.dma_semaphore, #tpu.memory_space<semaphore_mem>>) src(%arg6 : memref<256x256xf32, #tpu.memory_space<vmem>>) dst(%dma_wait3A_62 : memref<256x256xf32, #tpu.memory_space<hbm>>)
        tpu.yield
      }) : () -> ()
    }
    %scan3A_4 = arith.constant 20 : i32
    return
  }
}

#map = affine_map<(d0, d1) -> (0, 0)>
#map1 = affine_map<(d0, d1) -> (0, 0, 0)>
module attributes {stable_mosaic.version = 14 : i64} {
  func.func @k(%arg0: i32, %arg1: i32, %arg2: memref<10000x128xf32, #tpu.memory_space<hbm>>, %arg3: memref<32x40x128xi32, #tpu.memory_space<hbm>>, %arg4: memref<163840x128xf32, #tpu.memory_space<hbm>>, %arg5: memref<40x128xi32, #tpu.memory_space<vmem>>, %arg6: memref<256x128xf32, #tpu.memory_space<vmem>>, %arg7: memref<!tpu.dma_semaphore, #tpu.memory_space<semaphore_mem>>) attributes {dimension_semantics = [#tpu.dimension_semantics<core_parallel>, #tpu.dimension_semantics<subcore_parallel>], iteration_bounds = array<i64: 2, 16>, scalar_prefetch = 0 : i64, scratch_operands = 3 : i64, tpu.core_type = #tpu.core_type<sc_vector_subcore>, window_params = [{transform_indices = #map}, {transform_indices = #map1}, {transform_indices = #map}]} {
    %mul3A = arith.constant 2 : i32
    %mul3A_0 = arith.muli %arg1, %mul3A : i32
    %add3A = arith.addi %mul3A_0, %arg0 : i32
    "tpu.region"() ({
      %run_scoped3A = tpu.sem_alloc : memref<!tpu.dma_semaphore, #tpu.memory_space<semaphore_mem>>
      %dma_start3A = arith.constant 0 : i32
      %dma_start3A_5 = arith.constant 0 : i32
      %dma_start3A_6 = tpu.memref_slice %arg3[%add3A, %dma_start3A, %dma_start3A_5] : memref<32x40x128xi32, #tpu.memory_space<hbm>> -> memref<1x40x128xi32, #tpu.memory_space<hbm>>
      %dma_start3A_7 = tpu.memref_squeeze %dma_start3A_6 : memref<1x40x128xi32, #tpu.memory_space<hbm>> -> memref<40x128xi32, #tpu.memory_space<hbm>>
      %dma_start3A_8 = arith.constant 0 : i32
      %dma_start3A_9 = arith.constant 0 : i32
      %dma_start3A_10 = tpu.memref_slice %arg3[%add3A, %dma_start3A_8, %dma_start3A_9] : memref<32x40x128xi32, #tpu.memory_space<hbm>> -> memref<1x40x128xi32, #tpu.memory_space<hbm>>
      %dma_start3A_11 = tpu.memref_squeeze %dma_start3A_10 : memref<1x40x128xi32, #tpu.memory_space<hbm>> -> memref<40x128xi32, #tpu.memory_space<hbm>>
      tpu.enqueue_dma source(%dma_start3A_11 : memref<40x128xi32, #tpu.memory_space<hbm>>) target(%arg5 : memref<40x128xi32, #tpu.memory_space<vmem>>) target_semaphore(%run_scoped3A : memref<!tpu.dma_semaphore, #tpu.memory_space<semaphore_mem>>)
      %dma_wait3A = arith.constant 0 : i32
      %dma_wait3A_12 = arith.constant 0 : i32
      %dma_wait3A_13 = tpu.memref_slice %arg3[%add3A, %dma_wait3A, %dma_wait3A_12] : memref<32x40x128xi32, #tpu.memory_space<hbm>> -> memref<1x40x128xi32, #tpu.memory_space<hbm>>
      %dma_wait3A_14 = tpu.memref_squeeze %dma_wait3A_13 : memref<1x40x128xi32, #tpu.memory_space<hbm>> -> memref<40x128xi32, #tpu.memory_space<hbm>>
      %dma_wait3A_15 = arith.constant 0 : i32
      %dma_wait3A_16 = arith.constant 0 : i32
      %dma_wait3A_17 = tpu.memref_slice %arg3[%add3A, %dma_wait3A_15, %dma_wait3A_16] : memref<32x40x128xi32, #tpu.memory_space<hbm>> -> memref<1x40x128xi32, #tpu.memory_space<hbm>>
      %dma_wait3A_18 = tpu.memref_squeeze %dma_wait3A_17 : memref<1x40x128xi32, #tpu.memory_space<hbm>> -> memref<40x128xi32, #tpu.memory_space<hbm>>
      tpu.wait_dma2 semaphore(%run_scoped3A : memref<!tpu.dma_semaphore, #tpu.memory_space<semaphore_mem>>) src(%dma_wait3A_18 : memref<40x128xi32, #tpu.memory_space<hbm>>) dst(%arg5 : memref<40x128xi32, #tpu.memory_space<vmem>>)
      tpu.yield
    }) : () -> ()
    %scan3A = arith.constant 0 : i32
    %scan3A_1 = arith.constant 20 : i32
    %scan3A_2 = arith.addi %scan3A, %scan3A_1 : i32
    %scan3A_3 = arith.constant 1 : i32
    scf.for %scan3A_5 = %scan3A to %scan3A_2 step %scan3A_3  : i32 {
      %mul3A_6 = arith.constant 2 : i32
      %mul3A_7 = arith.muli %scan3A_5, %mul3A_6 : i32
      %add3A_8 = arith.constant 0 : i32
      %add3A_9 = arith.addi %mul3A_7, %add3A_8 : i32
      %dma_start3A = arith.constant 0 : i32
      %dma_start3A_10 = arith.constant 0 : i32
      %dma_start3A_11 = tpu.memref_slice %arg6[%dma_start3A, %dma_start3A_10] : memref<256x128xf32, #tpu.memory_space<vmem>> -> memref<128x128xf32, #tpu.memory_space<vmem>>
      %dma_start3A_12 = arith.constant 0 : i32
      %dma_start3A_13 = tpu.memref_slice %arg5[%add3A_9, %dma_start3A_12] : memref<40x128xi32, #tpu.memory_space<vmem>> -> memref<1x128xi32, #tpu.memory_space<vmem>>
      %dma_start3A_14 = tpu.memref_squeeze %dma_start3A_13 : memref<1x128xi32, #tpu.memory_space<vmem>> -> memref<128xi32, #tpu.memory_space<vmem>>
      %dma_start3A_15 = arith.constant 0 : i32
      %dma_start3A_16 = arith.constant 0 : i32
      %dma_start3A_17 = tpu.memref_slice %arg2[%dma_start3A_15, %dma_start3A_16] : memref<10000x128xf32, #tpu.memory_space<hbm>> -> memref<10000x128xf32, #tpu.memory_space<hbm>>
      tpu.enqueue_indirect_dma source(%dma_start3A_17 : memref<10000x128xf32, #tpu.memory_space<hbm>>) target(%dma_start3A_11 : memref<128x128xf32, #tpu.memory_space<vmem>>) offsets(%dma_start3A_14 : memref<128xi32, #tpu.memory_space<vmem>>) semaphore(%arg7 : memref<!tpu.dma_semaphore, #tpu.memory_space<semaphore_mem>>)
      %mul3A_18 = arith.constant 2 : i32
      %mul3A_19 = arith.muli %scan3A_5, %mul3A_18 : i32
      %add3A_20 = arith.constant 1 : i32
      %add3A_21 = arith.addi %mul3A_19, %add3A_20 : i32
      %dma_start3A_22 = arith.constant 128 : i32
      %dma_start3A_23 = arith.constant 0 : i32
      %dma_start3A_24 = tpu.memref_slice %arg6[%dma_start3A_22, %dma_start3A_23] : memref<256x128xf32, #tpu.memory_space<vmem>> -> memref<128x128xf32, #tpu.memory_space<vmem>>
      %dma_start3A_25 = arith.constant 0 : i32
      %dma_start3A_26 = tpu.memref_slice %arg5[%add3A_21, %dma_start3A_25] : memref<40x128xi32, #tpu.memory_space<vmem>> -> memref<1x128xi32, #tpu.memory_space<vmem>>
      %dma_start3A_27 = tpu.memref_squeeze %dma_start3A_26 : memref<1x128xi32, #tpu.memory_space<vmem>> -> memref<128xi32, #tpu.memory_space<vmem>>
      %dma_start3A_28 = arith.constant 0 : i32
      %dma_start3A_29 = arith.constant 0 : i32
      %dma_start3A_30 = tpu.memref_slice %arg2[%dma_start3A_28, %dma_start3A_29] : memref<10000x128xf32, #tpu.memory_space<hbm>> -> memref<10000x128xf32, #tpu.memory_space<hbm>>
      tpu.enqueue_indirect_dma source(%dma_start3A_30 : memref<10000x128xf32, #tpu.memory_space<hbm>>) target(%dma_start3A_24 : memref<128x128xf32, #tpu.memory_space<vmem>>) offsets(%dma_start3A_27 : memref<128xi32, #tpu.memory_space<vmem>>) semaphore(%arg7 : memref<!tpu.dma_semaphore, #tpu.memory_space<semaphore_mem>>)
      %dma_wait3A = arith.constant 0 : i32
      %dma_wait3A_31 = arith.constant 0 : i32
      %dma_wait3A_32 = tpu.memref_slice %arg6[%dma_wait3A, %dma_wait3A_31] : memref<256x128xf32, #tpu.memory_space<vmem>> -> memref<128x128xf32, #tpu.memory_space<vmem>>
      %dma_wait3A_33 = arith.constant 0 : i32
      %dma_wait3A_34 = tpu.memref_slice %arg5[%add3A_9, %dma_wait3A_33] : memref<40x128xi32, #tpu.memory_space<vmem>> -> memref<1x128xi32, #tpu.memory_space<vmem>>
      %dma_wait3A_35 = tpu.memref_squeeze %dma_wait3A_34 : memref<1x128xi32, #tpu.memory_space<vmem>> -> memref<128xi32, #tpu.memory_space<vmem>>
      %dma_wait3A_36 = arith.constant 0 : i32
      %dma_wait3A_37 = arith.constant 0 : i32
      %dma_wait3A_38 = tpu.memref_slice %arg2[%dma_wait3A_36, %dma_wait3A_37] : memref<10000x128xf32, #tpu.memory_space<hbm>> -> memref<10000x128xf32, #tpu.memory_space<hbm>>
      tpu.wait_indirect_dma semaphore(%arg7 : memref<!tpu.dma_semaphore, #tpu.memory_space<semaphore_mem>>) src(%dma_wait3A_38 : memref<10000x128xf32, #tpu.memory_space<hbm>>) dst(%dma_wait3A_32 : memref<128x128xf32, #tpu.memory_space<vmem>>)
      %dma_wait3A_39 = arith.constant 128 : i32
      %dma_wait3A_40 = arith.constant 0 : i32
      %dma_wait3A_41 = tpu.memref_slice %arg6[%dma_wait3A_39, %dma_wait3A_40] : memref<256x128xf32, #tpu.memory_space<vmem>> -> memref<128x128xf32, #tpu.memory_space<vmem>>
      %dma_wait3A_42 = arith.constant 0 : i32
      %dma_wait3A_43 = tpu.memref_slice %arg5[%add3A_21, %dma_wait3A_42] : memref<40x128xi32, #tpu.memory_space<vmem>> -> memref<1x128xi32, #tpu.memory_space<vmem>>
      %dma_wait3A_44 = tpu.memref_squeeze %dma_wait3A_43 : memref<1x128xi32, #tpu.memory_space<vmem>> -> memref<128xi32, #tpu.memory_space<vmem>>
      %dma_wait3A_45 = arith.constant 0 : i32
      %dma_wait3A_46 = arith.constant 0 : i32
      %dma_wait3A_47 = tpu.memref_slice %arg2[%dma_wait3A_45, %dma_wait3A_46] : memref<10000x128xf32, #tpu.memory_space<hbm>> -> memref<10000x128xf32, #tpu.memory_space<hbm>>
      tpu.wait_indirect_dma semaphore(%arg7 : memref<!tpu.dma_semaphore, #tpu.memory_space<semaphore_mem>>) src(%dma_wait3A_47 : memref<10000x128xf32, #tpu.memory_space<hbm>>) dst(%dma_wait3A_41 : memref<128x128xf32, #tpu.memory_space<vmem>>)
      %mul3A_48 = arith.constant 40 : i32
      %mul3A_49 = arith.muli %add3A, %mul3A_48 : i32
      %mul3A_50 = arith.constant 2 : i32
      %mul3A_51 = arith.muli %scan3A_5, %mul3A_50 : i32
      %add3A_52 = arith.addi %mul3A_49, %mul3A_51 : i32
      %mul3A_53 = arith.constant 128 : i32
      %mul3A_54 = arith.muli %add3A_52, %mul3A_53 : i32
      "tpu.region"() ({
        %run_scoped3A = tpu.sem_alloc : memref<!tpu.dma_semaphore, #tpu.memory_space<semaphore_mem>>
        %dma_start3A_55 = arith.constant 0 : i32
        %dma_start3A_56 = tpu.memref_slice %arg4[%mul3A_54, %dma_start3A_55] : memref<163840x128xf32, #tpu.memory_space<hbm>> -> memref<256x128xf32, #tpu.memory_space<hbm>>
        %dma_start3A_57 = arith.constant 0 : i32
        %dma_start3A_58 = tpu.memref_slice %arg4[%mul3A_54, %dma_start3A_57] : memref<163840x128xf32, #tpu.memory_space<hbm>> -> memref<256x128xf32, #tpu.memory_space<hbm>>
        tpu.enqueue_dma source(%arg6 : memref<256x128xf32, #tpu.memory_space<vmem>>) target(%dma_start3A_58 : memref<256x128xf32, #tpu.memory_space<hbm>>) target_semaphore(%run_scoped3A : memref<!tpu.dma_semaphore, #tpu.memory_space<semaphore_mem>>)
        %dma_wait3A_59 = arith.constant 0 : i32
        %dma_wait3A_60 = tpu.memref_slice %arg4[%mul3A_54, %dma_wait3A_59] : memref<163840x128xf32, #tpu.memory_space<hbm>> -> memref<256x128xf32, #tpu.memory_space<hbm>>
        %dma_wait3A_61 = arith.constant 0 : i32
        %dma_wait3A_62 = tpu.memref_slice %arg4[%mul3A_54, %dma_wait3A_61] : memref<163840x128xf32, #tpu.memory_space<hbm>> -> memref<256x128xf32, #tpu.memory_space<hbm>>
        tpu.wait_dma2 semaphore(%run_scoped3A : memref<!tpu.dma_semaphore, #tpu.memory_space<semaphore_mem>>) src(%arg6 : memref<256x128xf32, #tpu.memory_space<vmem>>) dst(%dma_wait3A_62 : memref<256x128xf32, #tpu.memory_space<hbm>>)
        tpu.yield
      }) : () -> ()
    }
    %scan3A_4 = arith.constant 20 : i32
    return
  }
}

#map = affine_map<(d0, d1) -> (0, 0)>
#map1 = affine_map<(d0, d1) -> (0, 0, 0)>
module attributes {stable_mosaic.version = 14 : i64} {
  func.func @k(%arg0: i32, %arg1: i32, %arg2: memref<10000x256xf32, #tpu.memory_space<hbm>>, %arg3: memref<32x40x128xi32, #tpu.memory_space<hbm>>, %arg4: memref<163840x256xf32, #tpu.memory_space<hbm>>, %arg5: memref<40x128xi32, #tpu.memory_space<vmem>>, %arg6: memref<256x256xf32, #tpu.memory_space<vmem>>, %arg7: memref<!tpu.dma_semaphore, #tpu.memory_space<semaphore_mem>>) attributes {dimension_semantics = [#tpu.dimension_semantics<core_parallel>, #tpu.dimension_semantics<subcore_parallel>], iteration_bounds = array<i64: 2, 16>, scalar_prefetch = 0 : i64, scratch_operands = 3 : i64, tpu.core_type = #tpu.core_type<sc_vector_subcore>, window_params = [{transform_indices = #map}, {transform_indices = #map1}, {transform_indices = #map}]} {
    %mul3A = arith.constant 2 : i32
    %mul3A_0 = arith.muli %arg1, %mul3A : i32
    %add3A = arith.addi %mul3A_0, %arg0 : i32
    "tpu.region"() ({
      %run_scoped3A = tpu.sem_alloc : memref<!tpu.dma_semaphore, #tpu.memory_space<semaphore_mem>>
      %dma_start3A = arith.constant 0 : i32
      %dma_start3A_5 = arith.constant 0 : i32
      %dma_start3A_6 = tpu.memref_slice %arg3[%add3A, %dma_start3A, %dma_start3A_5] : memref<32x40x128xi32, #tpu.memory_space<hbm>> -> memref<1x40x128xi32, #tpu.memory_space<hbm>>
      %dma_start3A_7 = tpu.memref_squeeze %dma_start3A_6 : memref<1x40x128xi32, #tpu.memory_space<hbm>> -> memref<40x128xi32, #tpu.memory_space<hbm>>
      %dma_start3A_8 = arith.constant 0 : i32
      %dma_start3A_9 = arith.constant 0 : i32
      %dma_start3A_10 = tpu.memref_slice %arg3[%add3A, %dma_start3A_8, %dma_start3A_9] : memref<32x40x128xi32, #tpu.memory_space<hbm>> -> memref<1x40x128xi32, #tpu.memory_space<hbm>>
      %dma_start3A_11 = tpu.memref_squeeze %dma_start3A_10 : memref<1x40x128xi32, #tpu.memory_space<hbm>> -> memref<40x128xi32, #tpu.memory_space<hbm>>
      tpu.enqueue_dma source(%dma_start3A_11 : memref<40x128xi32, #tpu.memory_space<hbm>>) target(%arg5 : memref<40x128xi32, #tpu.memory_space<vmem>>) target_semaphore(%run_scoped3A : memref<!tpu.dma_semaphore, #tpu.memory_space<semaphore_mem>>)
      %dma_wait3A = arith.constant 0 : i32
      %dma_wait3A_12 = arith.constant 0 : i32
      %dma_wait3A_13 = tpu.memref_slice %arg3[%add3A, %dma_wait3A, %dma_wait3A_12] : memref<32x40x128xi32, #tpu.memory_space<hbm>> -> memref<1x40x128xi32, #tpu.memory_space<hbm>>
      %dma_wait3A_14 = tpu.memref_squeeze %dma_wait3A_13 : memref<1x40x128xi32, #tpu.memory_space<hbm>> -> memref<40x128xi32, #tpu.memory_space<hbm>>
      %dma_wait3A_15 = arith.constant 0 : i32
      %dma_wait3A_16 = arith.constant 0 : i32
      %dma_wait3A_17 = tpu.memref_slice %arg3[%add3A, %dma_wait3A_15, %dma_wait3A_16] : memref<32x40x128xi32, #tpu.memory_space<hbm>> -> memref<1x40x128xi32, #tpu.memory_space<hbm>>
      %dma_wait3A_18 = tpu.memref_squeeze %dma_wait3A_17 : memref<1x40x128xi32, #tpu.memory_space<hbm>> -> memref<40x128xi32, #tpu.memory_space<hbm>>
      tpu.wait_dma2 semaphore(%run_scoped3A : memref<!tpu.dma_semaphore, #tpu.memory_space<semaphore_mem>>) src(%dma_wait3A_18 : memref<40x128xi32, #tpu.memory_space<hbm>>) dst(%arg5 : memref<40x128xi32, #tpu.memory_space<vmem>>)
      tpu.yield
    }) : () -> ()
    %scan3A = arith.constant 0 : i32
    %scan3A_1 = arith.constant 20 : i32
    %scan3A_2 = arith.addi %scan3A, %scan3A_1 : i32
    %scan3A_3 = arith.constant 1 : i32
    scf.for %scan3A_5 = %scan3A to %scan3A_2 step %scan3A_3  : i32 {
      %mul3A_6 = arith.constant 2 : i32
      %mul3A_7 = arith.muli %scan3A_5, %mul3A_6 : i32
      %add3A_8 = arith.constant 0 : i32
      %add3A_9 = arith.addi %mul3A_7, %add3A_8 : i32
      %dma_start3A = arith.constant 0 : i32
      %dma_start3A_10 = arith.constant 0 : i32
      %dma_start3A_11 = tpu.memref_slice %arg6[%dma_start3A, %dma_start3A_10] : memref<256x256xf32, #tpu.memory_space<vmem>> -> memref<128x256xf32, #tpu.memory_space<vmem>>
      %dma_start3A_12 = arith.constant 0 : i32
      %dma_start3A_13 = tpu.memref_slice %arg5[%add3A_9, %dma_start3A_12] : memref<40x128xi32, #tpu.memory_space<vmem>> -> memref<1x128xi32, #tpu.memory_space<vmem>>
      %dma_start3A_14 = tpu.memref_squeeze %dma_start3A_13 : memref<1x128xi32, #tpu.memory_space<vmem>> -> memref<128xi32, #tpu.memory_space<vmem>>
      %dma_start3A_15 = arith.constant 0 : i32
      %dma_start3A_16 = arith.constant 0 : i32
      %dma_start3A_17 = tpu.memref_slice %arg2[%dma_start3A_15, %dma_start3A_16] : memref<10000x256xf32, #tpu.memory_space<hbm>> -> memref<10000x256xf32, #tpu.memory_space<hbm>>
      tpu.enqueue_indirect_dma source(%dma_start3A_17 : memref<10000x256xf32, #tpu.memory_space<hbm>>) target(%dma_start3A_11 : memref<128x256xf32, #tpu.memory_space<vmem>>) offsets(%dma_start3A_14 : memref<128xi32, #tpu.memory_space<vmem>>) semaphore(%arg7 : memref<!tpu.dma_semaphore, #tpu.memory_space<semaphore_mem>>)
      %mul3A_18 = arith.constant 2 : i32
      %mul3A_19 = arith.muli %scan3A_5, %mul3A_18 : i32
      %add3A_20 = arith.constant 1 : i32
      %add3A_21 = arith.addi %mul3A_19, %add3A_20 : i32
      %dma_start3A_22 = arith.constant 128 : i32
      %dma_start3A_23 = arith.constant 0 : i32
      %dma_start3A_24 = tpu.memref_slice %arg6[%dma_start3A_22, %dma_start3A_23] : memref<256x256xf32, #tpu.memory_space<vmem>> -> memref<128x256xf32, #tpu.memory_space<vmem>>
      %dma_start3A_25 = arith.constant 0 : i32
      %dma_start3A_26 = tpu.memref_slice %arg5[%add3A_21, %dma_start3A_25] : memref<40x128xi32, #tpu.memory_space<vmem>> -> memref<1x128xi32, #tpu.memory_space<vmem>>
      %dma_start3A_27 = tpu.memref_squeeze %dma_start3A_26 : memref<1x128xi32, #tpu.memory_space<vmem>> -> memref<128xi32, #tpu.memory_space<vmem>>
      %dma_start3A_28 = arith.constant 0 : i32
      %dma_start3A_29 = arith.constant 0 : i32
      %dma_start3A_30 = tpu.memref_slice %arg2[%dma_start3A_28, %dma_start3A_29] : memref<10000x256xf32, #tpu.memory_space<hbm>> -> memref<10000x256xf32, #tpu.memory_space<hbm>>
      tpu.enqueue_indirect_dma source(%dma_start3A_30 : memref<10000x256xf32, #tpu.memory_space<hbm>>) target(%dma_start3A_24 : memref<128x256xf32, #tpu.memory_space<vmem>>) offsets(%dma_start3A_27 : memref<128xi32, #tpu.memory_space<vmem>>) semaphore(%arg7 : memref<!tpu.dma_semaphore, #tpu.memory_space<semaphore_mem>>)
      %dma_wait3A = arith.constant 0 : i32
      %dma_wait3A_31 = arith.constant 0 : i32
      %dma_wait3A_32 = tpu.memref_slice %arg6[%dma_wait3A, %dma_wait3A_31] : memref<256x256xf32, #tpu.memory_space<vmem>> -> memref<128x256xf32, #tpu.memory_space<vmem>>
      %dma_wait3A_33 = arith.constant 0 : i32
      %dma_wait3A_34 = tpu.memref_slice %arg5[%add3A_9, %dma_wait3A_33] : memref<40x128xi32, #tpu.memory_space<vmem>> -> memref<1x128xi32, #tpu.memory_space<vmem>>
      %dma_wait3A_35 = tpu.memref_squeeze %dma_wait3A_34 : memref<1x128xi32, #tpu.memory_space<vmem>> -> memref<128xi32, #tpu.memory_space<vmem>>
      %dma_wait3A_36 = arith.constant 0 : i32
      %dma_wait3A_37 = arith.constant 0 : i32
      %dma_wait3A_38 = tpu.memref_slice %arg2[%dma_wait3A_36, %dma_wait3A_37] : memref<10000x256xf32, #tpu.memory_space<hbm>> -> memref<10000x256xf32, #tpu.memory_space<hbm>>
      tpu.wait_indirect_dma semaphore(%arg7 : memref<!tpu.dma_semaphore, #tpu.memory_space<semaphore_mem>>) src(%dma_wait3A_38 : memref<10000x256xf32, #tpu.memory_space<hbm>>) dst(%dma_wait3A_32 : memref<128x256xf32, #tpu.memory_space<vmem>>)
      %dma_wait3A_39 = arith.constant 128 : i32
      %dma_wait3A_40 = arith.constant 0 : i32
      %dma_wait3A_41 = tpu.memref_slice %arg6[%dma_wait3A_39, %dma_wait3A_40] : memref<256x256xf32, #tpu.memory_space<vmem>> -> memref<128x256xf32, #tpu.memory_space<vmem>>
      %dma_wait3A_42 = arith.constant 0 : i32
      %dma_wait3A_43 = tpu.memref_slice %arg5[%add3A_21, %dma_wait3A_42] : memref<40x128xi32, #tpu.memory_space<vmem>> -> memref<1x128xi32, #tpu.memory_space<vmem>>
      %dma_wait3A_44 = tpu.memref_squeeze %dma_wait3A_43 : memref<1x128xi32, #tpu.memory_space<vmem>> -> memref<128xi32, #tpu.memory_space<vmem>>
      %dma_wait3A_45 = arith.constant 0 : i32
      %dma_wait3A_46 = arith.constant 0 : i32
      %dma_wait3A_47 = tpu.memref_slice %arg2[%dma_wait3A_45, %dma_wait3A_46] : memref<10000x256xf32, #tpu.memory_space<hbm>> -> memref<10000x256xf32, #tpu.memory_space<hbm>>
      tpu.wait_indirect_dma semaphore(%arg7 : memref<!tpu.dma_semaphore, #tpu.memory_space<semaphore_mem>>) src(%dma_wait3A_47 : memref<10000x256xf32, #tpu.memory_space<hbm>>) dst(%dma_wait3A_41 : memref<128x256xf32, #tpu.memory_space<vmem>>)
      %mul3A_48 = arith.constant 40 : i32
      %mul3A_49 = arith.muli %add3A, %mul3A_48 : i32
      %mul3A_50 = arith.constant 2 : i32
      %mul3A_51 = arith.muli %scan3A_5, %mul3A_50 : i32
      %add3A_52 = arith.addi %mul3A_49, %mul3A_51 : i32
      %mul3A_53 = arith.constant 128 : i32
      %mul3A_54 = arith.muli %add3A_52, %mul3A_53 : i32
      "tpu.region"() ({
        %run_scoped3A = tpu.sem_alloc : memref<!tpu.dma_semaphore, #tpu.memory_space<semaphore_mem>>
        %dma_start3A_55 = arith.constant 0 : i32
        %dma_start3A_56 = tpu.memref_slice %arg4[%mul3A_54, %dma_start3A_55] : memref<163840x256xf32, #tpu.memory_space<hbm>> -> memref<256x256xf32, #tpu.memory_space<hbm>>
        %dma_start3A_57 = arith.constant 0 : i32
        %dma_start3A_58 = tpu.memref_slice %arg4[%mul3A_54, %dma_start3A_57] : memref<163840x256xf32, #tpu.memory_space<hbm>> -> memref<256x256xf32, #tpu.memory_space<hbm>>
        tpu.enqueue_dma source(%arg6 : memref<256x256xf32, #tpu.memory_space<vmem>>) target(%dma_start3A_58 : memref<256x256xf32, #tpu.memory_space<hbm>>) target_semaphore(%run_scoped3A : memref<!tpu.dma_semaphore, #tpu.memory_space<semaphore_mem>>)
        %dma_wait3A_59 = arith.constant 0 : i32
        %dma_wait3A_60 = tpu.memref_slice %arg4[%mul3A_54, %dma_wait3A_59] : memref<163840x256xf32, #tpu.memory_space<hbm>> -> memref<256x256xf32, #tpu.memory_space<hbm>>
        %dma_wait3A_61 = arith.constant 0 : i32
        %dma_wait3A_62 = tpu.memref_slice %arg4[%mul3A_54, %dma_wait3A_61] : memref<163840x256xf32, #tpu.memory_space<hbm>> -> memref<256x256xf32, #tpu.memory_space<hbm>>
        tpu.wait_dma2 semaphore(%run_scoped3A : memref<!tpu.dma_semaphore, #tpu.memory_space<semaphore_mem>>) src(%arg6 : memref<256x256xf32, #tpu.memory_space<vmem>>) dst(%dma_wait3A_62 : memref<256x256xf32, #tpu.memory_space<hbm>>)
        tpu.yield
      }) : () -> ()
    }
    %scan3A_4 = arith.constant 20 : i32
    return
  }
}

#map = affine_map<(d0, d1) -> (0, 0, 0)>
#map1 = affine_map<(d0, d1) -> (0, 0)>
module attributes {stable_mosaic.version = 14 : i64} {
  func.func @k(%arg0: i32, %arg1: i32, %arg2: memref<32x40x128xi32, #tpu.memory_space<hbm>>, %arg3: memref<32x5120xf32, #tpu.memory_space<hbm>>, %arg4: memref<632x128xf32, #tpu.memory_space<hbm>>, %arg5: memref<2x10112x128xf32, #tpu.memory_space<hbm>>, %arg6: memref<40x128xi32, #tpu.memory_space<vmem>>, %arg7: memref<5120xf32, #tpu.memory_space<vmem>>, %arg8: memref<128x128xf32, #tpu.memory_space<vmem>>, %arg9: memref<10112x128xf32, #tpu.memory_space<vmem_shared>>) attributes {dimension_semantics = [#tpu.dimension_semantics<core_parallel>, #tpu.dimension_semantics<subcore_parallel>], iteration_bounds = array<i64: 2, 16>, scalar_prefetch = 0 : i64, scratch_operands = 4 : i64, tpu.core_type = #tpu.core_type<sc_vector_subcore>, window_params = [{transform_indices = #map}, {transform_indices = #map1}, {transform_indices = #map1}, {transform_indices = #map}]} {
    %mul3A = arith.constant 2 : i32
    %mul3A_0 = arith.muli %arg1, %mul3A : i32
    %add3A = arith.addi %mul3A_0, %arg0 : i32
    %mul3A_1 = arith.constant 632 : i32
    %mul3A_2 = arith.muli %arg1, %mul3A_1 : i32
    "tpu.region"() ({
      %run_scoped3A = tpu.sem_alloc : memref<!tpu.dma_semaphore, #tpu.memory_space<semaphore_mem>>
      %dma_start3A = arith.constant 0 : i32
      %dma_start3A_12 = tpu.memref_slice %arg9[%mul3A_2, %dma_start3A] : memref<10112x128xf32, #tpu.memory_space<vmem_shared>> -> memref<632x128xf32, #tpu.memory_space<vmem_shared>>
      %dma_start3A_13 = arith.constant 0 : i32
      %dma_start3A_14 = arith.constant 0 : i32
      %dma_start3A_15 = tpu.memref_slice %arg4[%dma_start3A_13, %dma_start3A_14] : memref<632x128xf32, #tpu.memory_space<hbm>> -> memref<632x128xf32, #tpu.memory_space<hbm>>
      tpu.enqueue_dma source(%dma_start3A_15 : memref<632x128xf32, #tpu.memory_space<hbm>>) target(%dma_start3A_12 : memref<632x128xf32, #tpu.memory_space<vmem_shared>>) target_semaphore(%run_scoped3A : memref<!tpu.dma_semaphore, #tpu.memory_space<semaphore_mem>>)
      %dma_wait3A = arith.constant 0 : i32
      %dma_wait3A_16 = tpu.memref_slice %arg9[%mul3A_2, %dma_wait3A] : memref<10112x128xf32, #tpu.memory_space<vmem_shared>> -> memref<632x128xf32, #tpu.memory_space<vmem_shared>>
      %dma_wait3A_17 = arith.constant 0 : i32
      %dma_wait3A_18 = arith.constant 0 : i32
      %dma_wait3A_19 = tpu.memref_slice %arg4[%dma_wait3A_17, %dma_wait3A_18] : memref<632x128xf32, #tpu.memory_space<hbm>> -> memref<632x128xf32, #tpu.memory_space<hbm>>
      tpu.wait_dma2 semaphore(%run_scoped3A : memref<!tpu.dma_semaphore, #tpu.memory_space<semaphore_mem>>) src(%dma_wait3A_19 : memref<632x128xf32, #tpu.memory_space<hbm>>) dst(%dma_wait3A_16 : memref<632x128xf32, #tpu.memory_space<vmem_shared>>)
      tpu.yield
    }) : () -> ()
    "tpu.region"() ({
      %run_scoped3A = tpu.sem_alloc : memref<!tpu.dma_semaphore, #tpu.memory_space<semaphore_mem>>
      %dma_start3A = arith.constant 0 : i32
      %dma_start3A_12 = arith.constant 0 : i32
      %dma_start3A_13 = tpu.memref_slice %arg4[%dma_start3A, %dma_start3A_12] : memref<632x128xf32, #tpu.memory_space<hbm>> -> memref<128x128xf32, #tpu.memory_space<hbm>>
      %dma_start3A_14 = arith.constant 0 : i32
      %dma_start3A_15 = arith.constant 0 : i32
      %dma_start3A_16 = tpu.memref_slice %arg4[%dma_start3A_14, %dma_start3A_15] : memref<632x128xf32, #tpu.memory_space<hbm>> -> memref<128x128xf32, #tpu.memory_space<hbm>>
      tpu.enqueue_dma source(%dma_start3A_16 : memref<128x128xf32, #tpu.memory_space<hbm>>) target(%arg8 : memref<128x128xf32, #tpu.memory_space<vmem>>) target_semaphore(%run_scoped3A : memref<!tpu.dma_semaphore, #tpu.memory_space<semaphore_mem>>)
      %dma_wait3A = arith.constant 0 : i32
      %dma_wait3A_17 = arith.constant 0 : i32
      %dma_wait3A_18 = tpu.memref_slice %arg4[%dma_wait3A, %dma_wait3A_17] : memref<632x128xf32, #tpu.memory_space<hbm>> -> memref<128x128xf32, #tpu.memory_space<hbm>>
      %dma_wait3A_19 = arith.constant 0 : i32
      %dma_wait3A_20 = arith.constant 0 : i32
      %dma_wait3A_21 = tpu.memref_slice %arg4[%dma_wait3A_19, %dma_wait3A_20] : memref<632x128xf32, #tpu.memory_space<hbm>> -> memref<128x128xf32, #tpu.memory_space<hbm>>
      tpu.wait_dma2 semaphore(%run_scoped3A : memref<!tpu.dma_semaphore, #tpu.memory_space<semaphore_mem>>) src(%dma_wait3A_21 : memref<128x128xf32, #tpu.memory_space<hbm>>) dst(%arg8 : memref<128x128xf32, #tpu.memory_space<vmem>>)
      tpu.yield
    }) : () -> ()
    "tpu.region"() ({
      %run_scoped3A = tpu.sem_alloc : memref<!tpu.dma_semaphore, #tpu.memory_space<semaphore_mem>>
      %dma_start3A = arith.constant 0 : i32
      %dma_start3A_12 = arith.constant 0 : i32
      %dma_start3A_13 = tpu.memref_slice %arg2[%add3A, %dma_start3A, %dma_start3A_12] : memref<32x40x128xi32, #tpu.memory_space<hbm>> -> memref<1x40x128xi32, #tpu.memory_space<hbm>>
      %dma_start3A_14 = tpu.memref_squeeze %dma_start3A_13 : memref<1x40x128xi32, #tpu.memory_space<hbm>> -> memref<40x128xi32, #tpu.memory_space<hbm>>
      %dma_start3A_15 = arith.constant 0 : i32
      %dma_start3A_16 = arith.constant 0 : i32
      %dma_start3A_17 = tpu.memref_slice %arg2[%add3A, %dma_start3A_15, %dma_start3A_16] : memref<32x40x128xi32, #tpu.memory_space<hbm>> -> memref<1x40x128xi32, #tpu.memory_space<hbm>>
      %dma_start3A_18 = tpu.memref_squeeze %dma_start3A_17 : memref<1x40x128xi32, #tpu.memory_space<hbm>> -> memref<40x128xi32, #tpu.memory_space<hbm>>
      tpu.enqueue_dma source(%dma_start3A_18 : memref<40x128xi32, #tpu.memory_space<hbm>>) target(%arg6 : memref<40x128xi32, #tpu.memory_space<vmem>>) target_semaphore(%run_scoped3A : memref<!tpu.dma_semaphore, #tpu.memory_space<semaphore_mem>>)
      %dma_wait3A = arith.constant 0 : i32
      %dma_wait3A_19 = arith.constant 0 : i32
      %dma_wait3A_20 = tpu.memref_slice %arg2[%add3A, %dma_wait3A, %dma_wait3A_19] : memref<32x40x128xi32, #tpu.memory_space<hbm>> -> memref<1x40x128xi32, #tpu.memory_space<hbm>>
      %dma_wait3A_21 = tpu.memref_squeeze %dma_wait3A_20 : memref<1x40x128xi32, #tpu.memory_space<hbm>> -> memref<40x128xi32, #tpu.memory_space<hbm>>
      %dma_wait3A_22 = arith.constant 0 : i32
      %dma_wait3A_23 = arith.constant 0 : i32
      %dma_wait3A_24 = tpu.memref_slice %arg2[%add3A, %dma_wait3A_22, %dma_wait3A_23] : memref<32x40x128xi32, #tpu.memory_space<hbm>> -> memref<1x40x128xi32, #tpu.memory_space<hbm>>
      %dma_wait3A_25 = tpu.memref_squeeze %dma_wait3A_24 : memref<1x40x128xi32, #tpu.memory_space<hbm>> -> memref<40x128xi32, #tpu.memory_space<hbm>>
      tpu.wait_dma2 semaphore(%run_scoped3A : memref<!tpu.dma_semaphore, #tpu.memory_space<semaphore_mem>>) src(%dma_wait3A_25 : memref<40x128xi32, #tpu.memory_space<hbm>>) dst(%arg6 : memref<40x128xi32, #tpu.memory_space<vmem>>)
      tpu.yield
    }) : () -> ()
    "tpu.region"() ({
      %run_scoped3A = tpu.sem_alloc : memref<!tpu.dma_semaphore, #tpu.memory_space<semaphore_mem>>
      %dma_start3A = arith.constant 0 : i32
      %dma_start3A_12 = tpu.memref_slice %arg3[%add3A, %dma_start3A] : memref<32x5120xf32, #tpu.memory_space<hbm>> -> memref<1x5120xf32, #tpu.memory_space<hbm>>
      %dma_start3A_13 = tpu.memref_squeeze %dma_start3A_12 : memref<1x5120xf32, #tpu.memory_space<hbm>> -> memref<5120xf32, #tpu.memory_space<hbm>>
      %dma_start3A_14 = arith.constant 0 : i32
      %dma_start3A_15 = tpu.memref_slice %arg3[%add3A, %dma_start3A_14] : memref<32x5120xf32, #tpu.memory_space<hbm>> -> memref<1x5120xf32, #tpu.memory_space<hbm>>
      %dma_start3A_16 = tpu.memref_squeeze %dma_start3A_15 : memref<1x5120xf32, #tpu.memory_space<hbm>> -> memref<5120xf32, #tpu.memory_space<hbm>>
      tpu.enqueue_dma source(%dma_start3A_16 : memref<5120xf32, #tpu.memory_space<hbm>>) target(%arg7 : memref<5120xf32, #tpu.memory_space<vmem>>) target_semaphore(%run_scoped3A : memref<!tpu.dma_semaphore, #tpu.memory_space<semaphore_mem>>)
      %dma_wait3A = arith.constant 0 : i32
      %dma_wait3A_17 = tpu.memref_slice %arg3[%add3A, %dma_wait3A] : memref<32x5120xf32, #tpu.memory_space<hbm>> -> memref<1x5120xf32, #tpu.memory_space<hbm>>
      %dma_wait3A_18 = tpu.memref_squeeze %dma_wait3A_17 : memref<1x5120xf32, #tpu.memory_space<hbm>> -> memref<5120xf32, #tpu.memory_space<hbm>>
      %dma_wait3A_19 = arith.constant 0 : i32
      %dma_wait3A_20 = tpu.memref_slice %arg3[%add3A, %dma_wait3A_19] : memref<32x5120xf32, #tpu.memory_space<hbm>> -> memref<1x5120xf32, #tpu.memory_space<hbm>>
      %dma_wait3A_21 = tpu.memref_squeeze %dma_wait3A_20 : memref<1x5120xf32, #tpu.memory_space<hbm>> -> memref<5120xf32, #tpu.memory_space<hbm>>
      tpu.wait_dma2 semaphore(%run_scoped3A : memref<!tpu.dma_semaphore, #tpu.memory_space<semaphore_mem>>) src(%dma_wait3A_21 : memref<5120xf32, #tpu.memory_space<hbm>>) dst(%arg7 : memref<5120xf32, #tpu.memory_space<vmem>>)
      tpu.yield
    }) : () -> ()
    %barrier3A = arith.constant 0 : index
    tpu.barrier barrier_id(%barrier3A)
    %scan3A = arith.constant 0 : i32
    %scan3A_3 = arith.constant 40 : i32
    %scan3A_4 = arith.addi %scan3A, %scan3A_3 : i32
    %scan3A_5 = arith.constant 1 : i32
    scf.for %scan3A_12 = %scan3A to %scan3A_4 step %scan3A_5  : i32 {
      %mul3A_13 = arith.constant 128 : i32
      %mul3A_14 = arith.muli %scan3A_12, %mul3A_13 : i32
      %scan3A_15 = arith.constant 0 : i32
      %scan3A_16 = arith.constant 128 : i32
      %scan3A_17 = arith.addi %scan3A_15, %scan3A_16 : i32
      %scan3A_18 = arith.constant 1 : i32
      scf.for %scan3A_20 = %scan3A_15 to %scan3A_17 step %scan3A_18  : i32 {
        %add3A_21 = arith.addi %mul3A_14, %scan3A_20 : i32
        %broadcast_in_dim3A = vector.broadcast %add3A_21 : i32 to vector<16xi32>
        %gather3A = tpu.vector_load_idx %arg7[%broadcast_in_dim3A] : memref<5120xf32, #tpu.memory_space<vmem>>[vector<16xi32>], vector<16xf32>,
        %swap3A = arith.index_cast %scan3A_20 : i32 to index
        %swap3A_22 = arith.constant 0 : index
        %swap3A_23 = tpu.vector_load %arg8[%swap3A, %swap3A_22] {strides = array<i32>} : memref<128x128xf32, #tpu.memory_space<vmem>>, vector<16xf32>,
        tpu.vector_store %arg8[%swap3A, %swap3A_22], %gather3A {strides = array<i32>} : memref<128x128xf32, #tpu.memory_space<vmem>>, vector<16xf32>,
      }
      %scan3A_19 = arith.constant 128 : i32
      "tpu.region"() ({
        %run_scoped3A = tpu.sem_alloc : memref<!tpu.dma_semaphore, #tpu.memory_space<semaphore_mem>>
        %dma_start3A = arith.constant 0 : i32
        %dma_start3A_20 = tpu.memref_slice %arg6[%scan3A_12, %dma_start3A] : memref<40x128xi32, #tpu.memory_space<vmem>> -> memref<1x128xi32, #tpu.memory_space<vmem>>
        %dma_start3A_21 = tpu.memref_squeeze %dma_start3A_20 : memref<1x128xi32, #tpu.memory_space<vmem>> -> memref<128xi32, #tpu.memory_space<vmem>>
        %dma_start3A_22 = arith.constant 0 : i32
        %dma_start3A_23 = arith.constant 0 : i32
        %dma_start3A_24 = tpu.memref_slice %arg9[%dma_start3A_22, %dma_start3A_23] : memref<10112x128xf32, #tpu.memory_space<vmem_shared>> -> memref<10112x128xf32, #tpu.memory_space<vmem_shared>>
        tpu.enqueue_indirect_dma source(%arg8 : memref<128x128xf32, #tpu.memory_space<vmem>>) target(%dma_start3A_24 : memref<10112x128xf32, #tpu.memory_space<vmem_shared>>) offsets(%dma_start3A_21 : memref<128xi32, #tpu.memory_space<vmem>>) semaphore(%run_scoped3A : memref<!tpu.dma_semaphore, #tpu.memory_space<semaphore_mem>>) {add = true}
        %dma_wait3A = arith.constant 0 : i32
        %dma_wait3A_25 = tpu.memref_slice %arg6[%scan3A_12, %dma_wait3A] : memref<40x128xi32, #tpu.memory_space<vmem>> -> memref<1x128xi32, #tpu.memory_space<vmem>>
        %dma_wait3A_26 = tpu.memref_squeeze %dma_wait3A_25 : memref<1x128xi32, #tpu.memory_space<vmem>> -> memref<128xi32, #tpu.memory_space<vmem>>
        %dma_wait3A_27 = arith.constant 0 : i32
        %dma_wait3A_28 = arith.constant 0 : i32
        %dma_wait3A_29 = tpu.memref_slice %arg9[%dma_wait3A_27, %dma_wait3A_28] : memref<10112x128xf32, #tpu.memory_space<vmem_shared>> -> memref<10112x128xf32, #tpu.memory_space<vmem_shared>>
        tpu.wait_indirect_dma semaphore(%run_scoped3A : memref<!tpu.dma_semaphore, #tpu.memory_space<semaphore_mem>>) src(%arg8 : memref<128x128xf32, #tpu.memory_space<vmem>>) dst(%dma_wait3A_29 : memref<10112x128xf32, #tpu.memory_space<vmem_shared>>)
        tpu.yield
      }) : () -> ()
    }
    %scan3A_6 = arith.constant 40 : i32
    %barrier3A_7 = arith.constant 0 : index
    tpu.barrier barrier_id(%barrier3A_7)
    %mul3A_8 = arith.constant 632 : i32
    %mul3A_9 = arith.muli %arg1, %mul3A_8 : i32
    %mul3A_10 = arith.constant 632 : i32
    %mul3A_11 = arith.muli %arg1, %mul3A_10 : i32
    "tpu.region"() ({
      %run_scoped3A = tpu.sem_alloc : memref<!tpu.dma_semaphore, #tpu.memory_space<semaphore_mem>>
      %dma_start3A = arith.constant 0 : i32
      %dma_start3A_12 = tpu.memref_slice %arg5[%arg0, %mul3A_11, %dma_start3A] : memref<2x10112x128xf32, #tpu.memory_space<hbm>> -> memref<1x632x128xf32, #tpu.memory_space<hbm>>
      %dma_start3A_13 = tpu.memref_squeeze %dma_start3A_12 : memref<1x632x128xf32, #tpu.memory_space<hbm>> -> memref<632x128xf32, #tpu.memory_space<hbm>>
      %dma_start3A_14 = arith.constant 0 : i32
      %dma_start3A_15 = tpu.memref_slice %arg9[%mul3A_9, %dma_start3A_14] : memref<10112x128xf32, #tpu.memory_space<vmem_shared>> -> memref<632x128xf32, #tpu.memory_space<vmem_shared>>
      tpu.enqueue_dma source(%dma_start3A_15 : memref<632x128xf32, #tpu.memory_space<vmem_shared>>) target(%dma_start3A_13 : memref<632x128xf32, #tpu.memory_space<hbm>>) target_semaphore(%run_scoped3A : memref<!tpu.dma_semaphore, #tpu.memory_space<semaphore_mem>>)
      %dma_wait3A = arith.constant 0 : i32
      %dma_wait3A_16 = tpu.memref_slice %arg5[%arg0, %mul3A_11, %dma_wait3A] : memref<2x10112x128xf32, #tpu.memory_space<hbm>> -> memref<1x632x128xf32, #tpu.memory_space<hbm>>
      %dma_wait3A_17 = tpu.memref_squeeze %dma_wait3A_16 : memref<1x632x128xf32, #tpu.memory_space<hbm>> -> memref<632x128xf32, #tpu.memory_space<hbm>>
      %dma_wait3A_18 = arith.constant 0 : i32
      %dma_wait3A_19 = tpu.memref_slice %arg9[%mul3A_9, %dma_wait3A_18] : memref<10112x128xf32, #tpu.memory_space<vmem_shared>> -> memref<632x128xf32, #tpu.memory_space<vmem_shared>>
      tpu.wait_dma2 semaphore(%run_scoped3A : memref<!tpu.dma_semaphore, #tpu.memory_space<semaphore_mem>>) src(%dma_wait3A_19 : memref<632x128xf32, #tpu.memory_space<vmem_shared>>) dst(%dma_wait3A_17 : memref<632x128xf32, #tpu.memory_space<hbm>>)
      tpu.yield
    }) : () -> ()
    return
  }
}

#map = affine_map<(d0, d1) -> (0, 0)>
#map1 = affine_map<(d0, d1) -> (0, 0, 0)>
module attributes {stable_mosaic.version = 14 : i64} {
  func.func @k(%arg0: i32, %arg1: i32, %arg2: memref<80000x128xf32, #tpu.memory_space<hbm>>, %arg3: memref<32x80x128xi32, #tpu.memory_space<hbm>>, %arg4: memref<16x80x128xi32, #tpu.memory_space<hbm>>, %arg5: memref<16x10240xf32, #tpu.memory_space<hbm>>, %arg6: memref<632x128xf32, #tpu.memory_space<hbm>>, %arg7: memref<10112x256xf32, #tpu.memory_space<hbm>>, %arg8: memref<80x128xi32, #tpu.memory_space<vmem>>, %arg9: memref<80x128xi32, #tpu.memory_space<vmem>>, %arg10: memref<10240xf32, #tpu.memory_space<vmem>>, %arg11: memref<128x128xf32, #tpu.memory_space<vmem>>, %arg12: memref<10112x128xf32, #tpu.memory_space<vmem_shared>>, %arg13: memref<!tpu.dma_semaphore, #tpu.memory_space<semaphore_mem>>) attributes {dimension_semantics = [#tpu.dimension_semantics<core_parallel>, #tpu.dimension_semantics<subcore_parallel>], iteration_bounds = array<i64: 2, 16>, scalar_prefetch = 0 : i64, scratch_operands = 6 : i64, tpu.core_type = #tpu.core_type<sc_vector_subcore>, window_params = [{transform_indices = #map}, {transform_indices = #map1}, {transform_indices = #map1}, {transform_indices = #map}, {transform_indices = #map}, {transform_indices = #map}]} {
    %mul3A = arith.constant 632 : i32
    %mul3A_0 = arith.muli %arg1, %mul3A : i32
    "tpu.region"() ({
      %run_scoped3A = tpu.sem_alloc : memref<!tpu.dma_semaphore, #tpu.memory_space<semaphore_mem>>
      %dma_start3A = arith.constant 0 : i32
      %dma_start3A_14 = tpu.memref_slice %arg12[%mul3A_0, %dma_start3A] : memref<10112x128xf32, #tpu.memory_space<vmem_shared>> -> memref<632x128xf32, #tpu.memory_space<vmem_shared>>
      tpu.enqueue_dma source(%arg6 : memref<632x128xf32, #tpu.memory_space<hbm>>) target(%dma_start3A_14 : memref<632x128xf32, #tpu.memory_space<vmem_shared>>) target_semaphore(%run_scoped3A : memref<!tpu.dma_semaphore, #tpu.memory_space<semaphore_mem>>)
      %dma_wait3A = arith.constant 0 : i32
      %dma_wait3A_15 = tpu.memref_slice %arg12[%mul3A_0, %dma_wait3A] : memref<10112x128xf32, #tpu.memory_space<vmem_shared>> -> memref<632x128xf32, #tpu.memory_space<vmem_shared>>
      tpu.wait_dma2 semaphore(%run_scoped3A : memref<!tpu.dma_semaphore, #tpu.memory_space<semaphore_mem>>) src(%arg6 : memref<632x128xf32, #tpu.memory_space<hbm>>) dst(%dma_wait3A_15 : memref<632x128xf32, #tpu.memory_space<vmem_shared>>)
      tpu.yield
    }) : () -> ()
    %mul3A_1 = arith.constant 16 : i32
    %mul3A_2 = arith.muli %arg0, %mul3A_1 : i32
    %add3A = arith.addi %mul3A_2, %arg1 : i32
    "tpu.region"() ({
      %run_scoped3A = tpu.sem_alloc : memref<!tpu.dma_semaphore, #tpu.memory_space<semaphore_mem>>
      %dma_start3A = arith.constant 0 : i32
      %dma_start3A_14 = arith.constant 0 : i32
      %dma_start3A_15 = tpu.memref_slice %arg3[%add3A, %dma_start3A, %dma_start3A_14] : memref<32x80x128xi32, #tpu.memory_space<hbm>> -> memref<1x80x128xi32, #tpu.memory_space<hbm>>
      %dma_start3A_16 = tpu.memref_squeeze %dma_start3A_15 : memref<1x80x128xi32, #tpu.memory_space<hbm>> -> memref<80x128xi32, #tpu.memory_space<hbm>>
      %dma_start3A_17 = arith.constant 0 : i32
      %dma_start3A_18 = arith.constant 0 : i32
      %dma_start3A_19 = tpu.memref_slice %arg3[%add3A, %dma_start3A_17, %dma_start3A_18] : memref<32x80x128xi32, #tpu.memory_space<hbm>> -> memref<1x80x128xi32, #tpu.memory_space<hbm>>
      %dma_start3A_20 = tpu.memref_squeeze %dma_start3A_19 : memref<1x80x128xi32, #tpu.memory_space<hbm>> -> memref<80x128xi32, #tpu.memory_space<hbm>>
      tpu.enqueue_dma source(%dma_start3A_20 : memref<80x128xi32, #tpu.memory_space<hbm>>) target(%arg8 : memref<80x128xi32, #tpu.memory_space<vmem>>) target_semaphore(%run_scoped3A : memref<!tpu.dma_semaphore, #tpu.memory_space<semaphore_mem>>)
      %dma_wait3A = arith.constant 0 : i32
      %dma_wait3A_21 = arith.constant 0 : i32
      %dma_wait3A_22 = tpu.memref_slice %arg3[%add3A, %dma_wait3A, %dma_wait3A_21] : memref<32x80x128xi32, #tpu.memory_space<hbm>> -> memref<1x80x128xi32, #tpu.memory_space<hbm>>
      %dma_wait3A_23 = tpu.memref_squeeze %dma_wait3A_22 : memref<1x80x128xi32, #tpu.memory_space<hbm>> -> memref<80x128xi32, #tpu.memory_space<hbm>>
      %dma_wait3A_24 = arith.constant 0 : i32
      %dma_wait3A_25 = arith.constant 0 : i32
      %dma_wait3A_26 = tpu.memref_slice %arg3[%add3A, %dma_wait3A_24, %dma_wait3A_25] : memref<32x80x128xi32, #tpu.memory_space<hbm>> -> memref<1x80x128xi32, #tpu.memory_space<hbm>>
      %dma_wait3A_27 = tpu.memref_squeeze %dma_wait3A_26 : memref<1x80x128xi32, #tpu.memory_space<hbm>> -> memref<80x128xi32, #tpu.memory_space<hbm>>
      tpu.wait_dma2 semaphore(%run_scoped3A : memref<!tpu.dma_semaphore, #tpu.memory_space<semaphore_mem>>) src(%dma_wait3A_27 : memref<80x128xi32, #tpu.memory_space<hbm>>) dst(%arg8 : memref<80x128xi32, #tpu.memory_space<vmem>>)
      tpu.yield
    }) : () -> ()
    "tpu.region"() ({
      %run_scoped3A = tpu.sem_alloc : memref<!tpu.dma_semaphore, #tpu.memory_space<semaphore_mem>>
      %dma_start3A = arith.constant 0 : i32
      %dma_start3A_14 = arith.constant 0 : i32
      %dma_start3A_15 = tpu.memref_slice %arg4[%arg1, %dma_start3A, %dma_start3A_14] : memref<16x80x128xi32, #tpu.memory_space<hbm>> -> memref<1x80x128xi32, #tpu.memory_space<hbm>>
      %dma_start3A_16 = tpu.memref_squeeze %dma_start3A_15 : memref<1x80x128xi32, #tpu.memory_space<hbm>> -> memref<80x128xi32, #tpu.memory_space<hbm>>
      %dma_start3A_17 = arith.constant 0 : i32
      %dma_start3A_18 = arith.constant 0 : i32
      %dma_start3A_19 = tpu.memref_slice %arg4[%arg1, %dma_start3A_17, %dma_start3A_18] : memref<16x80x128xi32, #tpu.memory_space<hbm>> -> memref<1x80x128xi32, #tpu.memory_space<hbm>>
      %dma_start3A_20 = tpu.memref_squeeze %dma_start3A_19 : memref<1x80x128xi32, #tpu.memory_space<hbm>> -> memref<80x128xi32, #tpu.memory_space<hbm>>
      tpu.enqueue_dma source(%dma_start3A_20 : memref<80x128xi32, #tpu.memory_space<hbm>>) target(%arg9 : memref<80x128xi32, #tpu.memory_space<vmem>>) target_semaphore(%run_scoped3A : memref<!tpu.dma_semaphore, #tpu.memory_space<semaphore_mem>>)
      %dma_wait3A = arith.constant 0 : i32
      %dma_wait3A_21 = arith.constant 0 : i32
      %dma_wait3A_22 = tpu.memref_slice %arg4[%arg1, %dma_wait3A, %dma_wait3A_21] : memref<16x80x128xi32, #tpu.memory_space<hbm>> -> memref<1x80x128xi32, #tpu.memory_space<hbm>>
      %dma_wait3A_23 = tpu.memref_squeeze %dma_wait3A_22 : memref<1x80x128xi32, #tpu.memory_space<hbm>> -> memref<80x128xi32, #tpu.memory_space<hbm>>
      %dma_wait3A_24 = arith.constant 0 : i32
      %dma_wait3A_25 = arith.constant 0 : i32
      %dma_wait3A_26 = tpu.memref_slice %arg4[%arg1, %dma_wait3A_24, %dma_wait3A_25] : memref<16x80x128xi32, #tpu.memory_space<hbm>> -> memref<1x80x128xi32, #tpu.memory_space<hbm>>
      %dma_wait3A_27 = tpu.memref_squeeze %dma_wait3A_26 : memref<1x80x128xi32, #tpu.memory_space<hbm>> -> memref<80x128xi32, #tpu.memory_space<hbm>>
      tpu.wait_dma2 semaphore(%run_scoped3A : memref<!tpu.dma_semaphore, #tpu.memory_space<semaphore_mem>>) src(%dma_wait3A_27 : memref<80x128xi32, #tpu.memory_space<hbm>>) dst(%arg9 : memref<80x128xi32, #tpu.memory_space<vmem>>)
      tpu.yield
    }) : () -> ()
    "tpu.region"() ({
      %run_scoped3A = tpu.sem_alloc : memref<!tpu.dma_semaphore, #tpu.memory_space<semaphore_mem>>
      %dma_start3A = arith.constant 0 : i32
      %dma_start3A_14 = tpu.memref_slice %arg5[%arg1, %dma_start3A] : memref<16x10240xf32, #tpu.memory_space<hbm>> -> memref<1x10240xf32, #tpu.memory_space<hbm>>
      %dma_start3A_15 = tpu.memref_squeeze %dma_start3A_14 : memref<1x10240xf32, #tpu.memory_space<hbm>> -> memref<10240xf32, #tpu.memory_space<hbm>>
      %dma_start3A_16 = arith.constant 0 : i32
      %dma_start3A_17 = tpu.memref_slice %arg5[%arg1, %dma_start3A_16] : memref<16x10240xf32, #tpu.memory_space<hbm>> -> memref<1x10240xf32, #tpu.memory_space<hbm>>
      %dma_start3A_18 = tpu.memref_squeeze %dma_start3A_17 : memref<1x10240xf32, #tpu.memory_space<hbm>> -> memref<10240xf32, #tpu.memory_space<hbm>>
      tpu.enqueue_dma source(%dma_start3A_18 : memref<10240xf32, #tpu.memory_space<hbm>>) target(%arg10 : memref<10240xf32, #tpu.memory_space<vmem>>) target_semaphore(%run_scoped3A : memref<!tpu.dma_semaphore, #tpu.memory_space<semaphore_mem>>)
      %dma_wait3A = arith.constant 0 : i32
      %dma_wait3A_19 = tpu.memref_slice %arg5[%arg1, %dma_wait3A] : memref<16x10240xf32, #tpu.memory_space<hbm>> -> memref<1x10240xf32, #tpu.memory_space<hbm>>
      %dma_wait3A_20 = tpu.memref_squeeze %dma_wait3A_19 : memref<1x10240xf32, #tpu.memory_space<hbm>> -> memref<10240xf32, #tpu.memory_space<hbm>>
      %dma_wait3A_21 = arith.constant 0 : i32
      %dma_wait3A_22 = tpu.memref_slice %arg5[%arg1, %dma_wait3A_21] : memref<16x10240xf32, #tpu.memory_space<hbm>> -> memref<1x10240xf32, #tpu.memory_space<hbm>>
      %dma_wait3A_23 = tpu.memref_squeeze %dma_wait3A_22 : memref<1x10240xf32, #tpu.memory_space<hbm>> -> memref<10240xf32, #tpu.memory_space<hbm>>
      tpu.wait_dma2 semaphore(%run_scoped3A : memref<!tpu.dma_semaphore, #tpu.memory_space<semaphore_mem>>) src(%dma_wait3A_23 : memref<10240xf32, #tpu.memory_space<hbm>>) dst(%arg10 : memref<10240xf32, #tpu.memory_space<vmem>>)
      tpu.yield
    }) : () -> ()
    %barrier3A = arith.constant 0 : index
    tpu.barrier barrier_id(%barrier3A)
    %scan3A = arith.constant 0 : i32
    %scan3A_3 = arith.constant 80 : i32
    %scan3A_4 = arith.addi %scan3A, %scan3A_3 : i32
    %scan3A_5 = arith.constant 1 : i32
    scf.for %scan3A_14 = %scan3A to %scan3A_4 step %scan3A_5  : i32 {
      %dma_start3A = arith.constant 0 : i32
      %dma_start3A_15 = tpu.memref_slice %arg8[%scan3A_14, %dma_start3A] : memref<80x128xi32, #tpu.memory_space<vmem>> -> memref<1x128xi32, #tpu.memory_space<vmem>>
      %dma_start3A_16 = tpu.memref_squeeze %dma_start3A_15 : memref<1x128xi32, #tpu.memory_space<vmem>> -> memref<128xi32, #tpu.memory_space<vmem>>
      %dma_start3A_17 = arith.constant 0 : i32
      %dma_start3A_18 = arith.constant 0 : i32
      %dma_start3A_19 = tpu.memref_slice %arg2[%dma_start3A_17, %dma_start3A_18] : memref<80000x128xf32, #tpu.memory_space<hbm>> -> memref<80000x128xf32, #tpu.memory_space<hbm>>
      tpu.enqueue_indirect_dma source(%dma_start3A_19 : memref<80000x128xf32, #tpu.memory_space<hbm>>) target(%arg11 : memref<128x128xf32, #tpu.memory_space<vmem>>) offsets(%dma_start3A_16 : memref<128xi32, #tpu.memory_space<vmem>>) semaphore(%arg13 : memref<!tpu.dma_semaphore, #tpu.memory_space<semaphore_mem>>)
      %dma_wait3A = arith.constant 0 : i32
      %dma_wait3A_20 = tpu.memref_slice %arg8[%scan3A_14, %dma_wait3A] : memref<80x128xi32, #tpu.memory_space<vmem>> -> memref<1x128xi32, #tpu.memory_space<vmem>>
      %dma_wait3A_21 = tpu.memref_squeeze %dma_wait3A_20 : memref<1x128xi32, #tpu.memory_space<vmem>> -> memref<128xi32, #tpu.memory_space<vmem>>
      %dma_wait3A_22 = arith.constant 0 : i32
      %dma_wait3A_23 = arith.constant 0 : i32
      %dma_wait3A_24 = tpu.memref_slice %arg2[%dma_wait3A_22, %dma_wait3A_23] : memref<80000x128xf32, #tpu.memory_space<hbm>> -> memref<80000x128xf32, #tpu.memory_space<hbm>>
      tpu.wait_indirect_dma semaphore(%arg13 : memref<!tpu.dma_semaphore, #tpu.memory_space<semaphore_mem>>) src(%dma_wait3A_24 : memref<80000x128xf32, #tpu.memory_space<hbm>>) dst(%arg11 : memref<128x128xf32, #tpu.memory_space<vmem>>)
      %mul3A_25 = arith.constant 128 : i32
      %mul3A_26 = arith.muli %scan3A_14, %mul3A_25 : i32
      %scan3A_27 = arith.constant 0 : i32
      %scan3A_28 = arith.constant 128 : i32
      %scan3A_29 = arith.addi %scan3A_27, %scan3A_28 : i32
      %scan3A_30 = arith.constant 1 : i32
      scf.for %scan3A_32 = %scan3A_27 to %scan3A_29 step %scan3A_30  : i32 {
        %add3A_33 = arith.addi %mul3A_26, %scan3A_32 : i32
        %broadcast_in_dim3A = vector.broadcast %add3A_33 : i32 to vector<16xi32>
        %gather3A = tpu.vector_load_idx %arg10[%broadcast_in_dim3A] : memref<10240xf32, #tpu.memory_space<vmem>>[vector<16xi32>], vector<16xf32>,
        %get3A = arith.index_cast %scan3A_32 : i32 to index
        %get3A_34 = arith.constant 0 : index
        %get3A_35 = tpu.vector_load %arg11[%get3A, %get3A_34] {strides = array<i32>} : memref<128x128xf32, #tpu.memory_space<vmem>>, vector<16xf32>,
        %mul3A_36 = arith.mulf %get3A_35, %gather3A : vector<16xf32>
        %swap3A = arith.index_cast %scan3A_32 : i32 to index
        %swap3A_37 = arith.constant 0 : index
        %swap3A_38 = tpu.vector_load %arg11[%swap3A, %swap3A_37] {strides = array<i32>} : memref<128x128xf32, #tpu.memory_space<vmem>>, vector<16xf32>,
        tpu.vector_store %arg11[%swap3A, %swap3A_37], %mul3A_36 {strides = array<i32>} : memref<128x128xf32, #tpu.memory_space<vmem>>, vector<16xf32>,
        %get3A_39 = arith.index_cast %scan3A_32 : i32 to index
        %get3A_40 = arith.constant 16 : index
        %get3A_41 = tpu.vector_load %arg11[%get3A_39, %get3A_40] {strides = array<i32>} : memref<128x128xf32, #tpu.memory_space<vmem>>, vector<16xf32>,
        %mul3A_42 = arith.mulf %get3A_41, %gather3A : vector<16xf32>
        %swap3A_43 = arith.index_cast %scan3A_32 : i32 to index
        %swap3A_44 = arith.constant 16 : index
        %swap3A_45 = tpu.vector_load %arg11[%swap3A_43, %swap3A_44] {strides = array<i32>} : memref<128x128xf32, #tpu.memory_space<vmem>>, vector<16xf32>,
        tpu.vector_store %arg11[%swap3A_43, %swap3A_44], %mul3A_42 {strides = array<i32>} : memref<128x128xf32, #tpu.memory_space<vmem>>, vector<16xf32>,
        %get3A_46 = arith.index_cast %scan3A_32 : i32 to index
        %get3A_47 = arith.constant 32 : index
        %get3A_48 = tpu.vector_load %arg11[%get3A_46, %get3A_47] {strides = array<i32>} : memref<128x128xf32, #tpu.memory_space<vmem>>, vector<16xf32>,
        %mul3A_49 = arith.mulf %get3A_48, %gather3A : vector<16xf32>
        %swap3A_50 = arith.index_cast %scan3A_32 : i32 to index
        %swap3A_51 = arith.constant 32 : index
        %swap3A_52 = tpu.vector_load %arg11[%swap3A_50, %swap3A_51] {strides = array<i32>} : memref<128x128xf32, #tpu.memory_space<vmem>>, vector<16xf32>,
        tpu.vector_store %arg11[%swap3A_50, %swap3A_51], %mul3A_49 {strides = array<i32>} : memref<128x128xf32, #tpu.memory_space<vmem>>, vector<16xf32>,
        %get3A_53 = arith.index_cast %scan3A_32 : i32 to index
        %get3A_54 = arith.constant 48 : index
        %get3A_55 = tpu.vector_load %arg11[%get3A_53, %get3A_54] {strides = array<i32>} : memref<128x128xf32, #tpu.memory_space<vmem>>, vector<16xf32>,
        %mul3A_56 = arith.mulf %get3A_55, %gather3A : vector<16xf32>
        %swap3A_57 = arith.index_cast %scan3A_32 : i32 to index
        %swap3A_58 = arith.constant 48 : index
        %swap3A_59 = tpu.vector_load %arg11[%swap3A_57, %swap3A_58] {strides = array<i32>} : memref<128x128xf32, #tpu.memory_space<vmem>>, vector<16xf32>,
        tpu.vector_store %arg11[%swap3A_57, %swap3A_58], %mul3A_56 {strides = array<i32>} : memref<128x128xf32, #tpu.memory_space<vmem>>, vector<16xf32>,
        %get3A_60 = arith.index_cast %scan3A_32 : i32 to index
        %get3A_61 = arith.constant 64 : index
        %get3A_62 = tpu.vector_load %arg11[%get3A_60, %get3A_61] {strides = array<i32>} : memref<128x128xf32, #tpu.memory_space<vmem>>, vector<16xf32>,
        %mul3A_63 = arith.mulf %get3A_62, %gather3A : vector<16xf32>
        %swap3A_64 = arith.index_cast %scan3A_32 : i32 to index
        %swap3A_65 = arith.constant 64 : index
        %swap3A_66 = tpu.vector_load %arg11[%swap3A_64, %swap3A_65] {strides = array<i32>} : memref<128x128xf32, #tpu.memory_space<vmem>>, vector<16xf32>,
        tpu.vector_store %arg11[%swap3A_64, %swap3A_65], %mul3A_63 {strides = array<i32>} : memref<128x128xf32, #tpu.memory_space<vmem>>, vector<16xf32>,
        %get3A_67 = arith.index_cast %scan3A_32 : i32 to index
        %get3A_68 = arith.constant 80 : index
        %get3A_69 = tpu.vector_load %arg11[%get3A_67, %get3A_68] {strides = array<i32>} : memref<128x128xf32, #tpu.memory_space<vmem>>, vector<16xf32>,
        %mul3A_70 = arith.mulf %get3A_69, %gather3A : vector<16xf32>
        %swap3A_71 = arith.index_cast %scan3A_32 : i32 to index
        %swap3A_72 = arith.constant 80 : index
        %swap3A_73 = tpu.vector_load %arg11[%swap3A_71, %swap3A_72] {strides = array<i32>} : memref<128x128xf32, #tpu.memory_space<vmem>>, vector<16xf32>,
        tpu.vector_store %arg11[%swap3A_71, %swap3A_72], %mul3A_70 {strides = array<i32>} : memref<128x128xf32, #tpu.memory_space<vmem>>, vector<16xf32>,
        %get3A_74 = arith.index_cast %scan3A_32 : i32 to index
        %get3A_75 = arith.constant 96 : index
        %get3A_76 = tpu.vector_load %arg11[%get3A_74, %get3A_75] {strides = array<i32>} : memref<128x128xf32, #tpu.memory_space<vmem>>, vector<16xf32>,
        %mul3A_77 = arith.mulf %get3A_76, %gather3A : vector<16xf32>
        %swap3A_78 = arith.index_cast %scan3A_32 : i32 to index
        %swap3A_79 = arith.constant 96 : index
        %swap3A_80 = tpu.vector_load %arg11[%swap3A_78, %swap3A_79] {strides = array<i32>} : memref<128x128xf32, #tpu.memory_space<vmem>>, vector<16xf32>,
        tpu.vector_store %arg11[%swap3A_78, %swap3A_79], %mul3A_77 {strides = array<i32>} : memref<128x128xf32, #tpu.memory_space<vmem>>, vector<16xf32>,
        %get3A_81 = arith.index_cast %scan3A_32 : i32 to index
        %get3A_82 = arith.constant 112 : index
        %get3A_83 = tpu.vector_load %arg11[%get3A_81, %get3A_82] {strides = array<i32>} : memref<128x128xf32, #tpu.memory_space<vmem>>, vector<16xf32>,
        %mul3A_84 = arith.mulf %get3A_83, %gather3A : vector<16xf32>
        %swap3A_85 = arith.index_cast %scan3A_32 : i32 to index
        %swap3A_86 = arith.constant 112 : index
        %swap3A_87 = tpu.vector_load %arg11[%swap3A_85, %swap3A_86] {strides = array<i32>} : memref<128x128xf32, #tpu.memory_space<vmem>>, vector<16xf32>,
        tpu.vector_store %arg11[%swap3A_85, %swap3A_86], %mul3A_84 {strides = array<i32>} : memref<128x128xf32, #tpu.memory_space<vmem>>, vector<16xf32>,
      }
      %scan3A_31 = arith.constant 128 : i32
      "tpu.region"() ({
        %run_scoped3A = tpu.sem_alloc : memref<!tpu.dma_semaphore, #tpu.memory_space<semaphore_mem>>
        %dma_start3A_32 = arith.constant 0 : i32
        %dma_start3A_33 = tpu.memref_slice %arg9[%scan3A_14, %dma_start3A_32] : memref<80x128xi32, #tpu.memory_space<vmem>> -> memref<1x128xi32, #tpu.memory_space<vmem>>
        %dma_start3A_34 = tpu.memref_squeeze %dma_start3A_33 : memref<1x128xi32, #tpu.memory_space<vmem>> -> memref<128xi32, #tpu.memory_space<vmem>>
        %dma_start3A_35 = arith.constant 0 : i32
        %dma_start3A_36 = arith.constant 0 : i32
        %dma_start3A_37 = tpu.memref_slice %arg12[%dma_start3A_35, %dma_start3A_36] : memref<10112x128xf32, #tpu.memory_space<vmem_shared>> -> memref<10112x128xf32, #tpu.memory_space<vmem_shared>>
        tpu.enqueue_indirect_dma source(%arg11 : memref<128x128xf32, #tpu.memory_space<vmem>>) target(%dma_start3A_37 : memref<10112x128xf32, #tpu.memory_space<vmem_shared>>) offsets(%dma_start3A_34 : memref<128xi32, #tpu.memory_space<vmem>>) semaphore(%run_scoped3A : memref<!tpu.dma_semaphore, #tpu.memory_space<semaphore_mem>>) {add = true}
        %dma_wait3A_38 = arith.constant 0 : i32
        %dma_wait3A_39 = tpu.memref_slice %arg9[%scan3A_14, %dma_wait3A_38] : memref<80x128xi32, #tpu.memory_space<vmem>> -> memref<1x128xi32, #tpu.memory_space<vmem>>
        %dma_wait3A_40 = tpu.memref_squeeze %dma_wait3A_39 : memref<1x128xi32, #tpu.memory_space<vmem>> -> memref<128xi32, #tpu.memory_space<vmem>>
        %dma_wait3A_41 = arith.constant 0 : i32
        %dma_wait3A_42 = arith.constant 0 : i32
        %dma_wait3A_43 = tpu.memref_slice %arg12[%dma_wait3A_41, %dma_wait3A_42] : memref<10112x128xf32, #tpu.memory_space<vmem_shared>> -> memref<10112x128xf32, #tpu.memory_space<vmem_shared>>
        tpu.wait_indirect_dma semaphore(%run_scoped3A : memref<!tpu.dma_semaphore, #tpu.memory_space<semaphore_mem>>) src(%arg11 : memref<128x128xf32, #tpu.memory_space<vmem>>) dst(%dma_wait3A_43 : memref<10112x128xf32, #tpu.memory_space<vmem_shared>>)
        tpu.yield
      }) : () -> ()
    }
    %scan3A_6 = arith.constant 80 : i32
    %barrier3A_7 = arith.constant 0 : index
    tpu.barrier barrier_id(%barrier3A_7)
    %mul3A_8 = arith.constant 632 : i32
    %mul3A_9 = arith.muli %arg1, %mul3A_8 : i32
    %mul3A_10 = arith.constant 632 : i32
    %mul3A_11 = arith.muli %arg1, %mul3A_10 : i32
    %mul3A_12 = arith.constant 128 : i32
    %mul3A_13 = arith.muli %arg0, %mul3A_12 : i32
    "tpu.region"() ({
      %run_scoped3A = tpu.sem_alloc : memref<!tpu.dma_semaphore, #tpu.memory_space<semaphore_mem>>
      %dma_start3A = tpu.memref_slice %arg7[%mul3A_11, %mul3A_13] : memref<10112x256xf32, #tpu.memory_space<hbm>> -> memref<632x128xf32, #tpu.memory_space<hbm>>
      %dma_start3A_14 = arith.constant 0 : i32
      %dma_start3A_15 = tpu.memref_slice %arg12[%mul3A_9, %dma_start3A_14] : memref<10112x128xf32, #tpu.memory_space<vmem_shared>> -> memref<632x128xf32, #tpu.memory_space<vmem_shared>>
      tpu.enqueue_dma source(%dma_start3A_15 : memref<632x128xf32, #tpu.memory_space<vmem_shared>>) target(%dma_start3A : memref<632x128xf32, #tpu.memory_space<hbm>>) target_semaphore(%run_scoped3A : memref<!tpu.dma_semaphore, #tpu.memory_space<semaphore_mem>>)
      %dma_wait3A = tpu.memref_slice %arg7[%mul3A_11, %mul3A_13] : memref<10112x256xf32, #tpu.memory_space<hbm>> -> memref<632x128xf32, #tpu.memory_space<hbm>>
      %dma_wait3A_16 = arith.constant 0 : i32
      %dma_wait3A_17 = tpu.memref_slice %arg12[%mul3A_9, %dma_wait3A_16] : memref<10112x128xf32, #tpu.memory_space<vmem_shared>> -> memref<632x128xf32, #tpu.memory_space<vmem_shared>>
      tpu.wait_dma2 semaphore(%run_scoped3A : memref<!tpu.dma_semaphore, #tpu.memory_space<semaphore_mem>>) src(%dma_wait3A_17 : memref<632x128xf32, #tpu.memory_space<vmem_shared>>) dst(%dma_wait3A : memref<632x128xf32, #tpu.memory_space<hbm>>)
      tpu.yield
    }) : () -> ()
    return
  }
}

#map = affine_map<(d0, d1) -> (0, 0)>
#map1 = affine_map<(d0, d1) -> (0, 0, 0)>
module attributes {stable_mosaic.version = 14 : i64} {
  func.func @k(%arg0: i32, %arg1: i32, %arg2: memref<10000x256xf32, #tpu.memory_space<hbm>>, %arg3: memref<32x40x128xi32, #tpu.memory_space<hbm>>, %arg4: memref<163840x256xf32, #tpu.memory_space<hbm>>, %arg5: memref<40x128xi32, #tpu.memory_space<vmem>>, %arg6: memref<256x256xf32, #tpu.memory_space<vmem>>, %arg7: memref<!tpu.dma_semaphore, #tpu.memory_space<semaphore_mem>>) attributes {dimension_semantics = [#tpu.dimension_semantics<core_parallel>, #tpu.dimension_semantics<subcore_parallel>], iteration_bounds = array<i64: 2, 16>, scalar_prefetch = 0 : i64, scratch_operands = 3 : i64, tpu.core_type = #tpu.core_type<sc_vector_subcore>, window_params = [{transform_indices = #map}, {transform_indices = #map1}, {transform_indices = #map}]} {
    %mul3A = arith.constant 2 : i32
    %mul3A_0 = arith.muli %arg1, %mul3A : i32
    %add3A = arith.addi %mul3A_0, %arg0 : i32
    "tpu.region"() ({
      %run_scoped3A = tpu.sem_alloc : memref<!tpu.dma_semaphore, #tpu.memory_space<semaphore_mem>>
      %dma_start3A = arith.constant 0 : i32
      %dma_start3A_5 = arith.constant 0 : i32
      %dma_start3A_6 = tpu.memref_slice %arg3[%add3A, %dma_start3A, %dma_start3A_5] : memref<32x40x128xi32, #tpu.memory_space<hbm>> -> memref<1x40x128xi32, #tpu.memory_space<hbm>>
      %dma_start3A_7 = tpu.memref_squeeze %dma_start3A_6 : memref<1x40x128xi32, #tpu.memory_space<hbm>> -> memref<40x128xi32, #tpu.memory_space<hbm>>
      %dma_start3A_8 = arith.constant 0 : i32
      %dma_start3A_9 = arith.constant 0 : i32
      %dma_start3A_10 = tpu.memref_slice %arg3[%add3A, %dma_start3A_8, %dma_start3A_9] : memref<32x40x128xi32, #tpu.memory_space<hbm>> -> memref<1x40x128xi32, #tpu.memory_space<hbm>>
      %dma_start3A_11 = tpu.memref_squeeze %dma_start3A_10 : memref<1x40x128xi32, #tpu.memory_space<hbm>> -> memref<40x128xi32, #tpu.memory_space<hbm>>
      tpu.enqueue_dma source(%dma_start3A_11 : memref<40x128xi32, #tpu.memory_space<hbm>>) target(%arg5 : memref<40x128xi32, #tpu.memory_space<vmem>>) target_semaphore(%run_scoped3A : memref<!tpu.dma_semaphore, #tpu.memory_space<semaphore_mem>>)
      %dma_wait3A = arith.constant 0 : i32
      %dma_wait3A_12 = arith.constant 0 : i32
      %dma_wait3A_13 = tpu.memref_slice %arg3[%add3A, %dma_wait3A, %dma_wait3A_12] : memref<32x40x128xi32, #tpu.memory_space<hbm>> -> memref<1x40x128xi32, #tpu.memory_space<hbm>>
      %dma_wait3A_14 = tpu.memref_squeeze %dma_wait3A_13 : memref<1x40x128xi32, #tpu.memory_space<hbm>> -> memref<40x128xi32, #tpu.memory_space<hbm>>
      %dma_wait3A_15 = arith.constant 0 : i32
      %dma_wait3A_16 = arith.constant 0 : i32
      %dma_wait3A_17 = tpu.memref_slice %arg3[%add3A, %dma_wait3A_15, %dma_wait3A_16] : memref<32x40x128xi32, #tpu.memory_space<hbm>> -> memref<1x40x128xi32, #tpu.memory_space<hbm>>
      %dma_wait3A_18 = tpu.memref_squeeze %dma_wait3A_17 : memref<1x40x128xi32, #tpu.memory_space<hbm>> -> memref<40x128xi32, #tpu.memory_space<hbm>>
      tpu.wait_dma2 semaphore(%run_scoped3A : memref<!tpu.dma_semaphore, #tpu.memory_space<semaphore_mem>>) src(%dma_wait3A_18 : memref<40x128xi32, #tpu.memory_space<hbm>>) dst(%arg5 : memref<40x128xi32, #tpu.memory_space<vmem>>)
      tpu.yield
    }) : () -> ()
    %scan3A = arith.constant 0 : i32
    %scan3A_1 = arith.constant 20 : i32
    %scan3A_2 = arith.addi %scan3A, %scan3A_1 : i32
    %scan3A_3 = arith.constant 1 : i32
    scf.for %scan3A_5 = %scan3A to %scan3A_2 step %scan3A_3  : i32 {
      %mul3A_6 = arith.constant 2 : i32
      %mul3A_7 = arith.muli %scan3A_5, %mul3A_6 : i32
      %add3A_8 = arith.constant 0 : i32
      %add3A_9 = arith.addi %mul3A_7, %add3A_8 : i32
      %dma_start3A = arith.constant 0 : i32
      %dma_start3A_10 = arith.constant 0 : i32
      %dma_start3A_11 = tpu.memref_slice %arg6[%dma_start3A, %dma_start3A_10] : memref<256x256xf32, #tpu.memory_space<vmem>> -> memref<128x256xf32, #tpu.memory_space<vmem>>
      %dma_start3A_12 = arith.constant 0 : i32
      %dma_start3A_13 = tpu.memref_slice %arg5[%add3A_9, %dma_start3A_12] : memref<40x128xi32, #tpu.memory_space<vmem>> -> memref<1x128xi32, #tpu.memory_space<vmem>>
      %dma_start3A_14 = tpu.memref_squeeze %dma_start3A_13 : memref<1x128xi32, #tpu.memory_space<vmem>> -> memref<128xi32, #tpu.memory_space<vmem>>
      %dma_start3A_15 = arith.constant 0 : i32
      %dma_start3A_16 = arith.constant 0 : i32
      %dma_start3A_17 = tpu.memref_slice %arg2[%dma_start3A_15, %dma_start3A_16] : memref<10000x256xf32, #tpu.memory_space<hbm>> -> memref<10000x256xf32, #tpu.memory_space<hbm>>
      tpu.enqueue_indirect_dma source(%dma_start3A_17 : memref<10000x256xf32, #tpu.memory_space<hbm>>) target(%dma_start3A_11 : memref<128x256xf32, #tpu.memory_space<vmem>>) offsets(%dma_start3A_14 : memref<128xi32, #tpu.memory_space<vmem>>) semaphore(%arg7 : memref<!tpu.dma_semaphore, #tpu.memory_space<semaphore_mem>>)
      %mul3A_18 = arith.constant 2 : i32
      %mul3A_19 = arith.muli %scan3A_5, %mul3A_18 : i32
      %add3A_20 = arith.constant 1 : i32
      %add3A_21 = arith.addi %mul3A_19, %add3A_20 : i32
      %dma_start3A_22 = arith.constant 128 : i32
      %dma_start3A_23 = arith.constant 0 : i32
      %dma_start3A_24 = tpu.memref_slice %arg6[%dma_start3A_22, %dma_start3A_23] : memref<256x256xf32, #tpu.memory_space<vmem>> -> memref<128x256xf32, #tpu.memory_space<vmem>>
      %dma_start3A_25 = arith.constant 0 : i32
      %dma_start3A_26 = tpu.memref_slice %arg5[%add3A_21, %dma_start3A_25] : memref<40x128xi32, #tpu.memory_space<vmem>> -> memref<1x128xi32, #tpu.memory_space<vmem>>
      %dma_start3A_27 = tpu.memref_squeeze %dma_start3A_26 : memref<1x128xi32, #tpu.memory_space<vmem>> -> memref<128xi32, #tpu.memory_space<vmem>>
      %dma_start3A_28 = arith.constant 0 : i32
      %dma_start3A_29 = arith.constant 0 : i32
      %dma_start3A_30 = tpu.memref_slice %arg2[%dma_start3A_28, %dma_start3A_29] : memref<10000x256xf32, #tpu.memory_space<hbm>> -> memref<10000x256xf32, #tpu.memory_space<hbm>>
      tpu.enqueue_indirect_dma source(%dma_start3A_30 : memref<10000x256xf32, #tpu.memory_space<hbm>>) target(%dma_start3A_24 : memref<128x256xf32, #tpu.memory_space<vmem>>) offsets(%dma_start3A_27 : memref<128xi32, #tpu.memory_space<vmem>>) semaphore(%arg7 : memref<!tpu.dma_semaphore, #tpu.memory_space<semaphore_mem>>)
      %dma_wait3A = arith.constant 0 : i32
      %dma_wait3A_31 = arith.constant 0 : i32
      %dma_wait3A_32 = tpu.memref_slice %arg6[%dma_wait3A, %dma_wait3A_31] : memref<256x256xf32, #tpu.memory_space<vmem>> -> memref<128x256xf32, #tpu.memory_space<vmem>>
      %dma_wait3A_33 = arith.constant 0 : i32
      %dma_wait3A_34 = tpu.memref_slice %arg5[%add3A_9, %dma_wait3A_33] : memref<40x128xi32, #tpu.memory_space<vmem>> -> memref<1x128xi32, #tpu.memory_space<vmem>>
      %dma_wait3A_35 = tpu.memref_squeeze %dma_wait3A_34 : memref<1x128xi32, #tpu.memory_space<vmem>> -> memref<128xi32, #tpu.memory_space<vmem>>
      %dma_wait3A_36 = arith.constant 0 : i32
      %dma_wait3A_37 = arith.constant 0 : i32
      %dma_wait3A_38 = tpu.memref_slice %arg2[%dma_wait3A_36, %dma_wait3A_37] : memref<10000x256xf32, #tpu.memory_space<hbm>> -> memref<10000x256xf32, #tpu.memory_space<hbm>>
      tpu.wait_indirect_dma semaphore(%arg7 : memref<!tpu.dma_semaphore, #tpu.memory_space<semaphore_mem>>) src(%dma_wait3A_38 : memref<10000x256xf32, #tpu.memory_space<hbm>>) dst(%dma_wait3A_32 : memref<128x256xf32, #tpu.memory_space<vmem>>)
      %dma_wait3A_39 = arith.constant 128 : i32
      %dma_wait3A_40 = arith.constant 0 : i32
      %dma_wait3A_41 = tpu.memref_slice %arg6[%dma_wait3A_39, %dma_wait3A_40] : memref<256x256xf32, #tpu.memory_space<vmem>> -> memref<128x256xf32, #tpu.memory_space<vmem>>
      %dma_wait3A_42 = arith.constant 0 : i32
      %dma_wait3A_43 = tpu.memref_slice %arg5[%add3A_21, %dma_wait3A_42] : memref<40x128xi32, #tpu.memory_space<vmem>> -> memref<1x128xi32, #tpu.memory_space<vmem>>
      %dma_wait3A_44 = tpu.memref_squeeze %dma_wait3A_43 : memref<1x128xi32, #tpu.memory_space<vmem>> -> memref<128xi32, #tpu.memory_space<vmem>>
      %dma_wait3A_45 = arith.constant 0 : i32
      %dma_wait3A_46 = arith.constant 0 : i32
      %dma_wait3A_47 = tpu.memref_slice %arg2[%dma_wait3A_45, %dma_wait3A_46] : memref<10000x256xf32, #tpu.memory_space<hbm>> -> memref<10000x256xf32, #tpu.memory_space<hbm>>
      tpu.wait_indirect_dma semaphore(%arg7 : memref<!tpu.dma_semaphore, #tpu.memory_space<semaphore_mem>>) src(%dma_wait3A_47 : memref<10000x256xf32, #tpu.memory_space<hbm>>) dst(%dma_wait3A_41 : memref<128x256xf32, #tpu.memory_space<vmem>>)
      %mul3A_48 = arith.constant 40 : i32
      %mul3A_49 = arith.muli %add3A, %mul3A_48 : i32
      %mul3A_50 = arith.constant 2 : i32
      %mul3A_51 = arith.muli %scan3A_5, %mul3A_50 : i32
      %add3A_52 = arith.addi %mul3A_49, %mul3A_51 : i32
      %mul3A_53 = arith.constant 128 : i32
      %mul3A_54 = arith.muli %add3A_52, %mul3A_53 : i32
      "tpu.region"() ({
        %run_scoped3A = tpu.sem_alloc : memref<!tpu.dma_semaphore, #tpu.memory_space<semaphore_mem>>
        %dma_start3A_55 = arith.constant 0 : i32
        %dma_start3A_56 = tpu.memref_slice %arg4[%mul3A_54, %dma_start3A_55] : memref<163840x256xf32, #tpu.memory_space<hbm>> -> memref<256x256xf32, #tpu.memory_space<hbm>>
        %dma_start3A_57 = arith.constant 0 : i32
        %dma_start3A_58 = tpu.memref_slice %arg4[%mul3A_54, %dma_start3A_57] : memref<163840x256xf32, #tpu.memory_space<hbm>> -> memref<256x256xf32, #tpu.memory_space<hbm>>
        tpu.enqueue_dma source(%arg6 : memref<256x256xf32, #tpu.memory_space<vmem>>) target(%dma_start3A_58 : memref<256x256xf32, #tpu.memory_space<hbm>>) target_semaphore(%run_scoped3A : memref<!tpu.dma_semaphore, #tpu.memory_space<semaphore_mem>>)
        %dma_wait3A_59 = arith.constant 0 : i32
        %dma_wait3A_60 = tpu.memref_slice %arg4[%mul3A_54, %dma_wait3A_59] : memref<163840x256xf32, #tpu.memory_space<hbm>> -> memref<256x256xf32, #tpu.memory_space<hbm>>
        %dma_wait3A_61 = arith.constant 0 : i32
        %dma_wait3A_62 = tpu.memref_slice %arg4[%mul3A_54, %dma_wait3A_61] : memref<163840x256xf32, #tpu.memory_space<hbm>> -> memref<256x256xf32, #tpu.memory_space<hbm>>
        tpu.wait_dma2 semaphore(%run_scoped3A : memref<!tpu.dma_semaphore, #tpu.memory_space<semaphore_mem>>) src(%arg6 : memref<256x256xf32, #tpu.memory_space<vmem>>) dst(%dma_wait3A_62 : memref<256x256xf32, #tpu.memory_space<hbm>>)
        tpu.yield
      }) : () -> ()
    }
    %scan3A_4 = arith.constant 20 : i32
    return
  }
}

#map = affine_map<(d0, d1) -> (0, 0)>
#map1 = affine_map<(d0, d1) -> (0, 0, 0)>
module attributes {stable_mosaic.version = 14 : i64} {
  func.func @k(%arg0: i32, %arg1: i32, %arg2: memref<10000x256xf32, #tpu.memory_space<hbm>>, %arg3: memref<32x40x128xi32, #tpu.memory_space<hbm>>, %arg4: memref<163840x256xf32, #tpu.memory_space<hbm>>, %arg5: memref<40x128xi32, #tpu.memory_space<vmem>>, %arg6: memref<256x256xf32, #tpu.memory_space<vmem>>, %arg7: memref<!tpu.dma_semaphore, #tpu.memory_space<semaphore_mem>>) attributes {dimension_semantics = [#tpu.dimension_semantics<core_parallel>, #tpu.dimension_semantics<subcore_parallel>], iteration_bounds = array<i64: 2, 16>, scalar_prefetch = 0 : i64, scratch_operands = 3 : i64, tpu.core_type = #tpu.core_type<sc_vector_subcore>, window_params = [{transform_indices = #map}, {transform_indices = #map1}, {transform_indices = #map}]} {
    %mul3A = arith.constant 2 : i32
    %mul3A_0 = arith.muli %arg1, %mul3A : i32
    %add3A = arith.addi %mul3A_0, %arg0 : i32
    "tpu.region"() ({
      %run_scoped3A = tpu.sem_alloc : memref<!tpu.dma_semaphore, #tpu.memory_space<semaphore_mem>>
      %dma_start3A = arith.constant 0 : i32
      %dma_start3A_5 = arith.constant 0 : i32
      %dma_start3A_6 = tpu.memref_slice %arg3[%add3A, %dma_start3A, %dma_start3A_5] : memref<32x40x128xi32, #tpu.memory_space<hbm>> -> memref<1x40x128xi32, #tpu.memory_space<hbm>>
      %dma_start3A_7 = tpu.memref_squeeze %dma_start3A_6 : memref<1x40x128xi32, #tpu.memory_space<hbm>> -> memref<40x128xi32, #tpu.memory_space<hbm>>
      %dma_start3A_8 = arith.constant 0 : i32
      %dma_start3A_9 = arith.constant 0 : i32
      %dma_start3A_10 = tpu.memref_slice %arg3[%add3A, %dma_start3A_8, %dma_start3A_9] : memref<32x40x128xi32, #tpu.memory_space<hbm>> -> memref<1x40x128xi32, #tpu.memory_space<hbm>>
      %dma_start3A_11 = tpu.memref_squeeze %dma_start3A_10 : memref<1x40x128xi32, #tpu.memory_space<hbm>> -> memref<40x128xi32, #tpu.memory_space<hbm>>
      tpu.enqueue_dma source(%dma_start3A_11 : memref<40x128xi32, #tpu.memory_space<hbm>>) target(%arg5 : memref<40x128xi32, #tpu.memory_space<vmem>>) target_semaphore(%run_scoped3A : memref<!tpu.dma_semaphore, #tpu.memory_space<semaphore_mem>>)
      %dma_wait3A = arith.constant 0 : i32
      %dma_wait3A_12 = arith.constant 0 : i32
      %dma_wait3A_13 = tpu.memref_slice %arg3[%add3A, %dma_wait3A, %dma_wait3A_12] : memref<32x40x128xi32, #tpu.memory_space<hbm>> -> memref<1x40x128xi32, #tpu.memory_space<hbm>>
      %dma_wait3A_14 = tpu.memref_squeeze %dma_wait3A_13 : memref<1x40x128xi32, #tpu.memory_space<hbm>> -> memref<40x128xi32, #tpu.memory_space<hbm>>
      %dma_wait3A_15 = arith.constant 0 : i32
      %dma_wait3A_16 = arith.constant 0 : i32
      %dma_wait3A_17 = tpu.memref_slice %arg3[%add3A, %dma_wait3A_15, %dma_wait3A_16] : memref<32x40x128xi32, #tpu.memory_space<hbm>> -> memref<1x40x128xi32, #tpu.memory_space<hbm>>
      %dma_wait3A_18 = tpu.memref_squeeze %dma_wait3A_17 : memref<1x40x128xi32, #tpu.memory_space<hbm>> -> memref<40x128xi32, #tpu.memory_space<hbm>>
      tpu.wait_dma2 semaphore(%run_scoped3A : memref<!tpu.dma_semaphore, #tpu.memory_space<semaphore_mem>>) src(%dma_wait3A_18 : memref<40x128xi32, #tpu.memory_space<hbm>>) dst(%arg5 : memref<40x128xi32, #tpu.memory_space<vmem>>)
      tpu.yield
    }) : () -> ()
    %scan3A = arith.constant 0 : i32
    %scan3A_1 = arith.constant 20 : i32
    %scan3A_2 = arith.addi %scan3A, %scan3A_1 : i32
    %scan3A_3 = arith.constant 1 : i32
    scf.for %scan3A_5 = %scan3A to %scan3A_2 step %scan3A_3  : i32 {
      %mul3A_6 = arith.constant 2 : i32
      %mul3A_7 = arith.muli %scan3A_5, %mul3A_6 : i32
      %add3A_8 = arith.constant 0 : i32
      %add3A_9 = arith.addi %mul3A_7, %add3A_8 : i32
      %dma_start3A = arith.constant 0 : i32
      %dma_start3A_10 = arith.constant 0 : i32
      %dma_start3A_11 = tpu.memref_slice %arg6[%dma_start3A, %dma_start3A_10] : memref<256x256xf32, #tpu.memory_space<vmem>> -> memref<128x256xf32, #tpu.memory_space<vmem>>
      %dma_start3A_12 = arith.constant 0 : i32
      %dma_start3A_13 = tpu.memref_slice %arg5[%add3A_9, %dma_start3A_12] : memref<40x128xi32, #tpu.memory_space<vmem>> -> memref<1x128xi32, #tpu.memory_space<vmem>>
      %dma_start3A_14 = tpu.memref_squeeze %dma_start3A_13 : memref<1x128xi32, #tpu.memory_space<vmem>> -> memref<128xi32, #tpu.memory_space<vmem>>
      %dma_start3A_15 = arith.constant 0 : i32
      %dma_start3A_16 = arith.constant 0 : i32
      %dma_start3A_17 = tpu.memref_slice %arg2[%dma_start3A_15, %dma_start3A_16] : memref<10000x256xf32, #tpu.memory_space<hbm>> -> memref<10000x256xf32, #tpu.memory_space<hbm>>
      tpu.enqueue_indirect_dma source(%dma_start3A_17 : memref<10000x256xf32, #tpu.memory_space<hbm>>) target(%dma_start3A_11 : memref<128x256xf32, #tpu.memory_space<vmem>>) offsets(%dma_start3A_14 : memref<128xi32, #tpu.memory_space<vmem>>) semaphore(%arg7 : memref<!tpu.dma_semaphore, #tpu.memory_space<semaphore_mem>>)
      %mul3A_18 = arith.constant 2 : i32
      %mul3A_19 = arith.muli %scan3A_5, %mul3A_18 : i32
      %add3A_20 = arith.constant 1 : i32
      %add3A_21 = arith.addi %mul3A_19, %add3A_20 : i32
      %dma_start3A_22 = arith.constant 128 : i32
      %dma_start3A_23 = arith.constant 0 : i32
      %dma_start3A_24 = tpu.memref_slice %arg6[%dma_start3A_22, %dma_start3A_23] : memref<256x256xf32, #tpu.memory_space<vmem>> -> memref<128x256xf32, #tpu.memory_space<vmem>>
      %dma_start3A_25 = arith.constant 0 : i32
      %dma_start3A_26 = tpu.memref_slice %arg5[%add3A_21, %dma_start3A_25] : memref<40x128xi32, #tpu.memory_space<vmem>> -> memref<1x128xi32, #tpu.memory_space<vmem>>
      %dma_start3A_27 = tpu.memref_squeeze %dma_start3A_26 : memref<1x128xi32, #tpu.memory_space<vmem>> -> memref<128xi32, #tpu.memory_space<vmem>>
      %dma_start3A_28 = arith.constant 0 : i32
      %dma_start3A_29 = arith.constant 0 : i32
      %dma_start3A_30 = tpu.memref_slice %arg2[%dma_start3A_28, %dma_start3A_29] : memref<10000x256xf32, #tpu.memory_space<hbm>> -> memref<10000x256xf32, #tpu.memory_space<hbm>>
      tpu.enqueue_indirect_dma source(%dma_start3A_30 : memref<10000x256xf32, #tpu.memory_space<hbm>>) target(%dma_start3A_24 : memref<128x256xf32, #tpu.memory_space<vmem>>) offsets(%dma_start3A_27 : memref<128xi32, #tpu.memory_space<vmem>>) semaphore(%arg7 : memref<!tpu.dma_semaphore, #tpu.memory_space<semaphore_mem>>)
      %dma_wait3A = arith.constant 0 : i32
      %dma_wait3A_31 = arith.constant 0 : i32
      %dma_wait3A_32 = tpu.memref_slice %arg6[%dma_wait3A, %dma_wait3A_31] : memref<256x256xf32, #tpu.memory_space<vmem>> -> memref<128x256xf32, #tpu.memory_space<vmem>>
      %dma_wait3A_33 = arith.constant 0 : i32
      %dma_wait3A_34 = tpu.memref_slice %arg5[%add3A_9, %dma_wait3A_33] : memref<40x128xi32, #tpu.memory_space<vmem>> -> memref<1x128xi32, #tpu.memory_space<vmem>>
      %dma_wait3A_35 = tpu.memref_squeeze %dma_wait3A_34 : memref<1x128xi32, #tpu.memory_space<vmem>> -> memref<128xi32, #tpu.memory_space<vmem>>
      %dma_wait3A_36 = arith.constant 0 : i32
      %dma_wait3A_37 = arith.constant 0 : i32
      %dma_wait3A_38 = tpu.memref_slice %arg2[%dma_wait3A_36, %dma_wait3A_37] : memref<10000x256xf32, #tpu.memory_space<hbm>> -> memref<10000x256xf32, #tpu.memory_space<hbm>>
      tpu.wait_indirect_dma semaphore(%arg7 : memref<!tpu.dma_semaphore, #tpu.memory_space<semaphore_mem>>) src(%dma_wait3A_38 : memref<10000x256xf32, #tpu.memory_space<hbm>>) dst(%dma_wait3A_32 : memref<128x256xf32, #tpu.memory_space<vmem>>)
      %dma_wait3A_39 = arith.constant 128 : i32
      %dma_wait3A_40 = arith.constant 0 : i32
      %dma_wait3A_41 = tpu.memref_slice %arg6[%dma_wait3A_39, %dma_wait3A_40] : memref<256x256xf32, #tpu.memory_space<vmem>> -> memref<128x256xf32, #tpu.memory_space<vmem>>
      %dma_wait3A_42 = arith.constant 0 : i32
      %dma_wait3A_43 = tpu.memref_slice %arg5[%add3A_21, %dma_wait3A_42] : memref<40x128xi32, #tpu.memory_space<vmem>> -> memref<1x128xi32, #tpu.memory_space<vmem>>
      %dma_wait3A_44 = tpu.memref_squeeze %dma_wait3A_43 : memref<1x128xi32, #tpu.memory_space<vmem>> -> memref<128xi32, #tpu.memory_space<vmem>>
      %dma_wait3A_45 = arith.constant 0 : i32
      %dma_wait3A_46 = arith.constant 0 : i32
      %dma_wait3A_47 = tpu.memref_slice %arg2[%dma_wait3A_45, %dma_wait3A_46] : memref<10000x256xf32, #tpu.memory_space<hbm>> -> memref<10000x256xf32, #tpu.memory_space<hbm>>
      tpu.wait_indirect_dma semaphore(%arg7 : memref<!tpu.dma_semaphore, #tpu.memory_space<semaphore_mem>>) src(%dma_wait3A_47 : memref<10000x256xf32, #tpu.memory_space<hbm>>) dst(%dma_wait3A_41 : memref<128x256xf32, #tpu.memory_space<vmem>>)
      %mul3A_48 = arith.constant 40 : i32
      %mul3A_49 = arith.muli %add3A, %mul3A_48 : i32
      %mul3A_50 = arith.constant 2 : i32
      %mul3A_51 = arith.muli %scan3A_5, %mul3A_50 : i32
      %add3A_52 = arith.addi %mul3A_49, %mul3A_51 : i32
      %mul3A_53 = arith.constant 128 : i32
      %mul3A_54 = arith.muli %add3A_52, %mul3A_53 : i32
      "tpu.region"() ({
        %run_scoped3A = tpu.sem_alloc : memref<!tpu.dma_semaphore, #tpu.memory_space<semaphore_mem>>
        %dma_start3A_55 = arith.constant 0 : i32
        %dma_start3A_56 = tpu.memref_slice %arg4[%mul3A_54, %dma_start3A_55] : memref<163840x256xf32, #tpu.memory_space<hbm>> -> memref<256x256xf32, #tpu.memory_space<hbm>>
        %dma_start3A_57 = arith.constant 0 : i32
        %dma_start3A_58 = tpu.memref_slice %arg4[%mul3A_54, %dma_start3A_57] : memref<163840x256xf32, #tpu.memory_space<hbm>> -> memref<256x256xf32, #tpu.memory_space<hbm>>
        tpu.enqueue_dma source(%arg6 : memref<256x256xf32, #tpu.memory_space<vmem>>) target(%dma_start3A_58 : memref<256x256xf32, #tpu.memory_space<hbm>>) target_semaphore(%run_scoped3A : memref<!tpu.dma_semaphore, #tpu.memory_space<semaphore_mem>>)
        %dma_wait3A_59 = arith.constant 0 : i32
        %dma_wait3A_60 = tpu.memref_slice %arg4[%mul3A_54, %dma_wait3A_59] : memref<163840x256xf32, #tpu.memory_space<hbm>> -> memref<256x256xf32, #tpu.memory_space<hbm>>
        %dma_wait3A_61 = arith.constant 0 : i32
        %dma_wait3A_62 = tpu.memref_slice %arg4[%mul3A_54, %dma_wait3A_61] : memref<163840x256xf32, #tpu.memory_space<hbm>> -> memref<256x256xf32, #tpu.memory_space<hbm>>
        tpu.wait_dma2 semaphore(%run_scoped3A : memref<!tpu.dma_semaphore, #tpu.memory_space<semaphore_mem>>) src(%arg6 : memref<256x256xf32, #tpu.memory_space<vmem>>) dst(%dma_wait3A_62 : memref<256x256xf32, #tpu.memory_space<hbm>>)
        tpu.yield
      }) : () -> ()
    }
    %scan3A_4 = arith.constant 20 : i32
    return
  }
}

#map = affine_map<(d0, d1) -> (0, 0, 0)>
#map1 = affine_map<(d0, d1) -> (0, 0)>
module attributes {stable_mosaic.version = 14 : i64} {
  func.func @k(%arg0: i32, %arg1: i32, %arg2: memref<32x40x128xi32, #tpu.memory_space<hbm>>, %arg3: memref<32x5120xf32, #tpu.memory_space<hbm>>, %arg4: memref<632x128xf32, #tpu.memory_space<hbm>>, %arg5: memref<2x10112x128xf32, #tpu.memory_space<hbm>>, %arg6: memref<40x128xi32, #tpu.memory_space<vmem>>, %arg7: memref<5120xf32, #tpu.memory_space<vmem>>, %arg8: memref<128x128xf32, #tpu.memory_space<vmem>>, %arg9: memref<10112x128xf32, #tpu.memory_space<vmem_shared>>) attributes {dimension_semantics = [#tpu.dimension_semantics<core_parallel>, #tpu.dimension_semantics<subcore_parallel>], iteration_bounds = array<i64: 2, 16>, scalar_prefetch = 0 : i64, scratch_operands = 4 : i64, tpu.core_type = #tpu.core_type<sc_vector_subcore>, window_params = [{transform_indices = #map}, {transform_indices = #map1}, {transform_indices = #map1}, {transform_indices = #map}]} {
    %mul3A = arith.constant 2 : i32
    %mul3A_0 = arith.muli %arg1, %mul3A : i32
    %add3A = arith.addi %mul3A_0, %arg0 : i32
    %mul3A_1 = arith.constant 632 : i32
    %mul3A_2 = arith.muli %arg1, %mul3A_1 : i32
    "tpu.region"() ({
      %run_scoped3A = tpu.sem_alloc : memref<!tpu.dma_semaphore, #tpu.memory_space<semaphore_mem>>
      %dma_start3A = arith.constant 0 : i32
      %dma_start3A_12 = tpu.memref_slice %arg9[%mul3A_2, %dma_start3A] : memref<10112x128xf32, #tpu.memory_space<vmem_shared>> -> memref<632x128xf32, #tpu.memory_space<vmem_shared>>
      %dma_start3A_13 = arith.constant 0 : i32
      %dma_start3A_14 = arith.constant 0 : i32
      %dma_start3A_15 = tpu.memref_slice %arg4[%dma_start3A_13, %dma_start3A_14] : memref<632x128xf32, #tpu.memory_space<hbm>> -> memref<632x128xf32, #tpu.memory_space<hbm>>
      tpu.enqueue_dma source(%dma_start3A_15 : memref<632x128xf32, #tpu.memory_space<hbm>>) target(%dma_start3A_12 : memref<632x128xf32, #tpu.memory_space<vmem_shared>>) target_semaphore(%run_scoped3A : memref<!tpu.dma_semaphore, #tpu.memory_space<semaphore_mem>>)
      %dma_wait3A = arith.constant 0 : i32
      %dma_wait3A_16 = tpu.memref_slice %arg9[%mul3A_2, %dma_wait3A] : memref<10112x128xf32, #tpu.memory_space<vmem_shared>> -> memref<632x128xf32, #tpu.memory_space<vmem_shared>>
      %dma_wait3A_17 = arith.constant 0 : i32
      %dma_wait3A_18 = arith.constant 0 : i32
      %dma_wait3A_19 = tpu.memref_slice %arg4[%dma_wait3A_17, %dma_wait3A_18] : memref<632x128xf32, #tpu.memory_space<hbm>> -> memref<632x128xf32, #tpu.memory_space<hbm>>
      tpu.wait_dma2 semaphore(%run_scoped3A : memref<!tpu.dma_semaphore, #tpu.memory_space<semaphore_mem>>) src(%dma_wait3A_19 : memref<632x128xf32, #tpu.memory_space<hbm>>) dst(%dma_wait3A_16 : memref<632x128xf32, #tpu.memory_space<vmem_shared>>)
      tpu.yield
    }) : () -> ()
    "tpu.region"() ({
      %run_scoped3A = tpu.sem_alloc : memref<!tpu.dma_semaphore, #tpu.memory_space<semaphore_mem>>
      %dma_start3A = arith.constant 0 : i32
      %dma_start3A_12 = arith.constant 0 : i32
      %dma_start3A_13 = tpu.memref_slice %arg4[%dma_start3A, %dma_start3A_12] : memref<632x128xf32, #tpu.memory_space<hbm>> -> memref<128x128xf32, #tpu.memory_space<hbm>>
      %dma_start3A_14 = arith.constant 0 : i32
      %dma_start3A_15 = arith.constant 0 : i32
      %dma_start3A_16 = tpu.memref_slice %arg4[%dma_start3A_14, %dma_start3A_15] : memref<632x128xf32, #tpu.memory_space<hbm>> -> memref<128x128xf32, #tpu.memory_space<hbm>>
      tpu.enqueue_dma source(%dma_start3A_16 : memref<128x128xf32, #tpu.memory_space<hbm>>) target(%arg8 : memref<128x128xf32, #tpu.memory_space<vmem>>) target_semaphore(%run_scoped3A : memref<!tpu.dma_semaphore, #tpu.memory_space<semaphore_mem>>)
      %dma_wait3A = arith.constant 0 : i32
      %dma_wait3A_17 = arith.constant 0 : i32
      %dma_wait3A_18 = tpu.memref_slice %arg4[%dma_wait3A, %dma_wait3A_17] : memref<632x128xf32, #tpu.memory_space<hbm>> -> memref<128x128xf32, #tpu.memory_space<hbm>>
      %dma_wait3A_19 = arith.constant 0 : i32
      %dma_wait3A_20 = arith.constant 0 : i32
      %dma_wait3A_21 = tpu.memref_slice %arg4[%dma_wait3A_19, %dma_wait3A_20] : memref<632x128xf32, #tpu.memory_space<hbm>> -> memref<128x128xf32, #tpu.memory_space<hbm>>
      tpu.wait_dma2 semaphore(%run_scoped3A : memref<!tpu.dma_semaphore, #tpu.memory_space<semaphore_mem>>) src(%dma_wait3A_21 : memref<128x128xf32, #tpu.memory_space<hbm>>) dst(%arg8 : memref<128x128xf32, #tpu.memory_space<vmem>>)
      tpu.yield
    }) : () -> ()
    "tpu.region"() ({
      %run_scoped3A = tpu.sem_alloc : memref<!tpu.dma_semaphore, #tpu.memory_space<semaphore_mem>>
      %dma_start3A = arith.constant 0 : i32
      %dma_start3A_12 = arith.constant 0 : i32
      %dma_start3A_13 = tpu.memref_slice %arg2[%add3A, %dma_start3A, %dma_start3A_12] : memref<32x40x128xi32, #tpu.memory_space<hbm>> -> memref<1x40x128xi32, #tpu.memory_space<hbm>>
      %dma_start3A_14 = tpu.memref_squeeze %dma_start3A_13 : memref<1x40x128xi32, #tpu.memory_space<hbm>> -> memref<40x128xi32, #tpu.memory_space<hbm>>
      %dma_start3A_15 = arith.constant 0 : i32
      %dma_start3A_16 = arith.constant 0 : i32
      %dma_start3A_17 = tpu.memref_slice %arg2[%add3A, %dma_start3A_15, %dma_start3A_16] : memref<32x40x128xi32, #tpu.memory_space<hbm>> -> memref<1x40x128xi32, #tpu.memory_space<hbm>>
      %dma_start3A_18 = tpu.memref_squeeze %dma_start3A_17 : memref<1x40x128xi32, #tpu.memory_space<hbm>> -> memref<40x128xi32, #tpu.memory_space<hbm>>
      tpu.enqueue_dma source(%dma_start3A_18 : memref<40x128xi32, #tpu.memory_space<hbm>>) target(%arg6 : memref<40x128xi32, #tpu.memory_space<vmem>>) target_semaphore(%run_scoped3A : memref<!tpu.dma_semaphore, #tpu.memory_space<semaphore_mem>>)
      %dma_wait3A = arith.constant 0 : i32
      %dma_wait3A_19 = arith.constant 0 : i32
      %dma_wait3A_20 = tpu.memref_slice %arg2[%add3A, %dma_wait3A, %dma_wait3A_19] : memref<32x40x128xi32, #tpu.memory_space<hbm>> -> memref<1x40x128xi32, #tpu.memory_space<hbm>>
      %dma_wait3A_21 = tpu.memref_squeeze %dma_wait3A_20 : memref<1x40x128xi32, #tpu.memory_space<hbm>> -> memref<40x128xi32, #tpu.memory_space<hbm>>
      %dma_wait3A_22 = arith.constant 0 : i32
      %dma_wait3A_23 = arith.constant 0 : i32
      %dma_wait3A_24 = tpu.memref_slice %arg2[%add3A, %dma_wait3A_22, %dma_wait3A_23] : memref<32x40x128xi32, #tpu.memory_space<hbm>> -> memref<1x40x128xi32, #tpu.memory_space<hbm>>
      %dma_wait3A_25 = tpu.memref_squeeze %dma_wait3A_24 : memref<1x40x128xi32, #tpu.memory_space<hbm>> -> memref<40x128xi32, #tpu.memory_space<hbm>>
      tpu.wait_dma2 semaphore(%run_scoped3A : memref<!tpu.dma_semaphore, #tpu.memory_space<semaphore_mem>>) src(%dma_wait3A_25 : memref<40x128xi32, #tpu.memory_space<hbm>>) dst(%arg6 : memref<40x128xi32, #tpu.memory_space<vmem>>)
      tpu.yield
    }) : () -> ()
    "tpu.region"() ({
      %run_scoped3A = tpu.sem_alloc : memref<!tpu.dma_semaphore, #tpu.memory_space<semaphore_mem>>
      %dma_start3A = arith.constant 0 : i32
      %dma_start3A_12 = tpu.memref_slice %arg3[%add3A, %dma_start3A] : memref<32x5120xf32, #tpu.memory_space<hbm>> -> memref<1x5120xf32, #tpu.memory_space<hbm>>
      %dma_start3A_13 = tpu.memref_squeeze %dma_start3A_12 : memref<1x5120xf32, #tpu.memory_space<hbm>> -> memref<5120xf32, #tpu.memory_space<hbm>>
      %dma_start3A_14 = arith.constant 0 : i32
      %dma_start3A_15 = tpu.memref_slice %arg3[%add3A, %dma_start3A_14] : memref<32x5120xf32, #tpu.memory_space<hbm>> -> memref<1x5120xf32, #tpu.memory_space<hbm>>
      %dma_start3A_16 = tpu.memref_squeeze %dma_start3A_15 : memref<1x5120xf32, #tpu.memory_space<hbm>> -> memref<5120xf32, #tpu.memory_space<hbm>>
      tpu.enqueue_dma source(%dma_start3A_16 : memref<5120xf32, #tpu.memory_space<hbm>>) target(%arg7 : memref<5120xf32, #tpu.memory_space<vmem>>) target_semaphore(%run_scoped3A : memref<!tpu.dma_semaphore, #tpu.memory_space<semaphore_mem>>)
      %dma_wait3A = arith.constant 0 : i32
      %dma_wait3A_17 = tpu.memref_slice %arg3[%add3A, %dma_wait3A] : memref<32x5120xf32, #tpu.memory_space<hbm>> -> memref<1x5120xf32, #tpu.memory_space<hbm>>
      %dma_wait3A_18 = tpu.memref_squeeze %dma_wait3A_17 : memref<1x5120xf32, #tpu.memory_space<hbm>> -> memref<5120xf32, #tpu.memory_space<hbm>>
      %dma_wait3A_19 = arith.constant 0 : i32
      %dma_wait3A_20 = tpu.memref_slice %arg3[%add3A, %dma_wait3A_19] : memref<32x5120xf32, #tpu.memory_space<hbm>> -> memref<1x5120xf32, #tpu.memory_space<hbm>>
      %dma_wait3A_21 = tpu.memref_squeeze %dma_wait3A_20 : memref<1x5120xf32, #tpu.memory_space<hbm>> -> memref<5120xf32, #tpu.memory_space<hbm>>
      tpu.wait_dma2 semaphore(%run_scoped3A : memref<!tpu.dma_semaphore, #tpu.memory_space<semaphore_mem>>) src(%dma_wait3A_21 : memref<5120xf32, #tpu.memory_space<hbm>>) dst(%arg7 : memref<5120xf32, #tpu.memory_space<vmem>>)
      tpu.yield
    }) : () -> ()
    %barrier3A = arith.constant 0 : index
    tpu.barrier barrier_id(%barrier3A)
    %scan3A = arith.constant 0 : i32
    %scan3A_3 = arith.constant 40 : i32
    %scan3A_4 = arith.addi %scan3A, %scan3A_3 : i32
    %scan3A_5 = arith.constant 1 : i32
    scf.for %scan3A_12 = %scan3A to %scan3A_4 step %scan3A_5  : i32 {
      %mul3A_13 = arith.constant 128 : i32
      %mul3A_14 = arith.muli %scan3A_12, %mul3A_13 : i32
      %scan3A_15 = arith.constant 0 : i32
      %scan3A_16 = arith.constant 128 : i32
      %scan3A_17 = arith.addi %scan3A_15, %scan3A_16 : i32
      %scan3A_18 = arith.constant 1 : i32
      scf.for %scan3A_20 = %scan3A_15 to %scan3A_17 step %scan3A_18  : i32 {
        %add3A_21 = arith.addi %mul3A_14, %scan3A_20 : i32
        %broadcast_in_dim3A = vector.broadcast %add3A_21 : i32 to vector<16xi32>
        %gather3A = tpu.vector_load_idx %arg7[%broadcast_in_dim3A] : memref<5120xf32, #tpu.memory_space<vmem>>[vector<16xi32>], vector<16xf32>,
        %swap3A = arith.index_cast %scan3A_20 : i32 to index
        %swap3A_22 = arith.constant 0 : index
        %swap3A_23 = tpu.vector_load %arg8[%swap3A, %swap3A_22] {strides = array<i32>} : memref<128x128xf32, #tpu.memory_space<vmem>>, vector<16xf32>,
        tpu.vector_store %arg8[%swap3A, %swap3A_22], %gather3A {strides = array<i32>} : memref<128x128xf32, #tpu.memory_space<vmem>>, vector<16xf32>,
      }
      %scan3A_19 = arith.constant 128 : i32
      "tpu.region"() ({
        %run_scoped3A = tpu.sem_alloc : memref<!tpu.dma_semaphore, #tpu.memory_space<semaphore_mem>>
        %dma_start3A = arith.constant 0 : i32
        %dma_start3A_20 = tpu.memref_slice %arg6[%scan3A_12, %dma_start3A] : memref<40x128xi32, #tpu.memory_space<vmem>> -> memref<1x128xi32, #tpu.memory_space<vmem>>
        %dma_start3A_21 = tpu.memref_squeeze %dma_start3A_20 : memref<1x128xi32, #tpu.memory_space<vmem>> -> memref<128xi32, #tpu.memory_space<vmem>>
        %dma_start3A_22 = arith.constant 0 : i32
        %dma_start3A_23 = arith.constant 0 : i32
        %dma_start3A_24 = tpu.memref_slice %arg9[%dma_start3A_22, %dma_start3A_23] : memref<10112x128xf32, #tpu.memory_space<vmem_shared>> -> memref<10112x128xf32, #tpu.memory_space<vmem_shared>>
        tpu.enqueue_indirect_dma source(%arg8 : memref<128x128xf32, #tpu.memory_space<vmem>>) target(%dma_start3A_24 : memref<10112x128xf32, #tpu.memory_space<vmem_shared>>) offsets(%dma_start3A_21 : memref<128xi32, #tpu.memory_space<vmem>>) semaphore(%run_scoped3A : memref<!tpu.dma_semaphore, #tpu.memory_space<semaphore_mem>>) {add = true}
        %dma_wait3A = arith.constant 0 : i32
        %dma_wait3A_25 = tpu.memref_slice %arg6[%scan3A_12, %dma_wait3A] : memref<40x128xi32, #tpu.memory_space<vmem>> -> memref<1x128xi32, #tpu.memory_space<vmem>>
        %dma_wait3A_26 = tpu.memref_squeeze %dma_wait3A_25 : memref<1x128xi32, #tpu.memory_space<vmem>> -> memref<128xi32, #tpu.memory_space<vmem>>
        %dma_wait3A_27 = arith.constant 0 : i32
        %dma_wait3A_28 = arith.constant 0 : i32
        %dma_wait3A_29 = tpu.memref_slice %arg9[%dma_wait3A_27, %dma_wait3A_28] : memref<10112x128xf32, #tpu.memory_space<vmem_shared>> -> memref<10112x128xf32, #tpu.memory_space<vmem_shared>>
        tpu.wait_indirect_dma semaphore(%run_scoped3A : memref<!tpu.dma_semaphore, #tpu.memory_space<semaphore_mem>>) src(%arg8 : memref<128x128xf32, #tpu.memory_space<vmem>>) dst(%dma_wait3A_29 : memref<10112x128xf32, #tpu.memory_space<vmem_shared>>)
        tpu.yield
      }) : () -> ()
    }
    %scan3A_6 = arith.constant 40 : i32
    %barrier3A_7 = arith.constant 0 : index
    tpu.barrier barrier_id(%barrier3A_7)
    %mul3A_8 = arith.constant 632 : i32
    %mul3A_9 = arith.muli %arg1, %mul3A_8 : i32
    %mul3A_10 = arith.constant 632 : i32
    %mul3A_11 = arith.muli %arg1, %mul3A_10 : i32
    "tpu.region"() ({
      %run_scoped3A = tpu.sem_alloc : memref<!tpu.dma_semaphore, #tpu.memory_space<semaphore_mem>>
      %dma_start3A = arith.constant 0 : i32
      %dma_start3A_12 = tpu.memref_slice %arg5[%arg0, %mul3A_11, %dma_start3A] : memref<2x10112x128xf32, #tpu.memory_space<hbm>> -> memref<1x632x128xf32, #tpu.memory_space<hbm>>
      %dma_start3A_13 = tpu.memref_squeeze %dma_start3A_12 : memref<1x632x128xf32, #tpu.memory_space<hbm>> -> memref<632x128xf32, #tpu.memory_space<hbm>>
      %dma_start3A_14 = arith.constant 0 : i32
      %dma_start3A_15 = tpu.memref_slice %arg9[%mul3A_9, %dma_start3A_14] : memref<10112x128xf32, #tpu.memory_space<vmem_shared>> -> memref<632x128xf32, #tpu.memory_space<vmem_shared>>
      tpu.enqueue_dma source(%dma_start3A_15 : memref<632x128xf32, #tpu.memory_space<vmem_shared>>) target(%dma_start3A_13 : memref<632x128xf32, #tpu.memory_space<hbm>>) target_semaphore(%run_scoped3A : memref<!tpu.dma_semaphore, #tpu.memory_space<semaphore_mem>>)
      %dma_wait3A = arith.constant 0 : i32
      %dma_wait3A_16 = tpu.memref_slice %arg5[%arg0, %mul3A_11, %dma_wait3A] : memref<2x10112x128xf32, #tpu.memory_space<hbm>> -> memref<1x632x128xf32, #tpu.memory_space<hbm>>
      %dma_wait3A_17 = tpu.memref_squeeze %dma_wait3A_16 : memref<1x632x128xf32, #tpu.memory_space<hbm>> -> memref<632x128xf32, #tpu.memory_space<hbm>>
      %dma_wait3A_18 = arith.constant 0 : i32
      %dma_wait3A_19 = tpu.memref_slice %arg9[%mul3A_9, %dma_wait3A_18] : memref<10112x128xf32, #tpu.memory_space<vmem_shared>> -> memref<632x128xf32, #tpu.memory_space<vmem_shared>>
      tpu.wait_dma2 semaphore(%run_scoped3A : memref<!tpu.dma_semaphore, #tpu.memory_space<semaphore_mem>>) src(%dma_wait3A_19 : memref<632x128xf32, #tpu.memory_space<vmem_shared>>) dst(%dma_wait3A_17 : memref<632x128xf32, #tpu.memory_space<hbm>>)
      tpu.yield
    }) : () -> ()
    return
  }
}

#map = affine_map<(d0, d1) -> (0, 0)>
#map1 = affine_map<(d0, d1) -> (0, 0, 0)>
module attributes {stable_mosaic.version = 14 : i64} {
  func.func @k(%arg0: i32, %arg1: i32, %arg2: memref<80000x128xf32, #tpu.memory_space<hbm>>, %arg3: memref<32x80x128xi32, #tpu.memory_space<hbm>>, %arg4: memref<16x80x128xi32, #tpu.memory_space<hbm>>, %arg5: memref<16x10240xf32, #tpu.memory_space<hbm>>, %arg6: memref<632x128xf32, #tpu.memory_space<hbm>>, %arg7: memref<10112x256xf32, #tpu.memory_space<hbm>>, %arg8: memref<80x128xi32, #tpu.memory_space<vmem>>, %arg9: memref<80x128xi32, #tpu.memory_space<vmem>>, %arg10: memref<10240xf32, #tpu.memory_space<vmem>>, %arg11: memref<128x128xf32, #tpu.memory_space<vmem>>, %arg12: memref<10112x128xf32, #tpu.memory_space<vmem_shared>>, %arg13: memref<!tpu.dma_semaphore, #tpu.memory_space<semaphore_mem>>) attributes {dimension_semantics = [#tpu.dimension_semantics<core_parallel>, #tpu.dimension_semantics<subcore_parallel>], iteration_bounds = array<i64: 2, 16>, scalar_prefetch = 0 : i64, scratch_operands = 6 : i64, tpu.core_type = #tpu.core_type<sc_vector_subcore>, window_params = [{transform_indices = #map}, {transform_indices = #map1}, {transform_indices = #map1}, {transform_indices = #map}, {transform_indices = #map}, {transform_indices = #map}]} {
    %mul3A = arith.constant 632 : i32
    %mul3A_0 = arith.muli %arg1, %mul3A : i32
    "tpu.region"() ({
      %run_scoped3A = tpu.sem_alloc : memref<!tpu.dma_semaphore, #tpu.memory_space<semaphore_mem>>
      %dma_start3A = arith.constant 0 : i32
      %dma_start3A_14 = tpu.memref_slice %arg12[%mul3A_0, %dma_start3A] : memref<10112x128xf32, #tpu.memory_space<vmem_shared>> -> memref<632x128xf32, #tpu.memory_space<vmem_shared>>
      tpu.enqueue_dma source(%arg6 : memref<632x128xf32, #tpu.memory_space<hbm>>) target(%dma_start3A_14 : memref<632x128xf32, #tpu.memory_space<vmem_shared>>) target_semaphore(%run_scoped3A : memref<!tpu.dma_semaphore, #tpu.memory_space<semaphore_mem>>)
      %dma_wait3A = arith.constant 0 : i32
      %dma_wait3A_15 = tpu.memref_slice %arg12[%mul3A_0, %dma_wait3A] : memref<10112x128xf32, #tpu.memory_space<vmem_shared>> -> memref<632x128xf32, #tpu.memory_space<vmem_shared>>
      tpu.wait_dma2 semaphore(%run_scoped3A : memref<!tpu.dma_semaphore, #tpu.memory_space<semaphore_mem>>) src(%arg6 : memref<632x128xf32, #tpu.memory_space<hbm>>) dst(%dma_wait3A_15 : memref<632x128xf32, #tpu.memory_space<vmem_shared>>)
      tpu.yield
    }) : () -> ()
    %mul3A_1 = arith.constant 16 : i32
    %mul3A_2 = arith.muli %arg0, %mul3A_1 : i32
    %add3A = arith.addi %mul3A_2, %arg1 : i32
    "tpu.region"() ({
      %run_scoped3A = tpu.sem_alloc : memref<!tpu.dma_semaphore, #tpu.memory_space<semaphore_mem>>
      %dma_start3A = arith.constant 0 : i32
      %dma_start3A_14 = arith.constant 0 : i32
      %dma_start3A_15 = tpu.memref_slice %arg3[%add3A, %dma_start3A, %dma_start3A_14] : memref<32x80x128xi32, #tpu.memory_space<hbm>> -> memref<1x80x128xi32, #tpu.memory_space<hbm>>
      %dma_start3A_16 = tpu.memref_squeeze %dma_start3A_15 : memref<1x80x128xi32, #tpu.memory_space<hbm>> -> memref<80x128xi32, #tpu.memory_space<hbm>>
      %dma_start3A_17 = arith.constant 0 : i32
      %dma_start3A_18 = arith.constant 0 : i32
      %dma_start3A_19 = tpu.memref_slice %arg3[%add3A, %dma_start3A_17, %dma_start3A_18] : memref<32x80x128xi32, #tpu.memory_space<hbm>> -> memref<1x80x128xi32, #tpu.memory_space<hbm>>
      %dma_start3A_20 = tpu.memref_squeeze %dma_start3A_19 : memref<1x80x128xi32, #tpu.memory_space<hbm>> -> memref<80x128xi32, #tpu.memory_space<hbm>>
      tpu.enqueue_dma source(%dma_start3A_20 : memref<80x128xi32, #tpu.memory_space<hbm>>) target(%arg8 : memref<80x128xi32, #tpu.memory_space<vmem>>) target_semaphore(%run_scoped3A : memref<!tpu.dma_semaphore, #tpu.memory_space<semaphore_mem>>)
      %dma_wait3A = arith.constant 0 : i32
      %dma_wait3A_21 = arith.constant 0 : i32
      %dma_wait3A_22 = tpu.memref_slice %arg3[%add3A, %dma_wait3A, %dma_wait3A_21] : memref<32x80x128xi32, #tpu.memory_space<hbm>> -> memref<1x80x128xi32, #tpu.memory_space<hbm>>
      %dma_wait3A_23 = tpu.memref_squeeze %dma_wait3A_22 : memref<1x80x128xi32, #tpu.memory_space<hbm>> -> memref<80x128xi32, #tpu.memory_space<hbm>>
      %dma_wait3A_24 = arith.constant 0 : i32
      %dma_wait3A_25 = arith.constant 0 : i32
      %dma_wait3A_26 = tpu.memref_slice %arg3[%add3A, %dma_wait3A_24, %dma_wait3A_25] : memref<32x80x128xi32, #tpu.memory_space<hbm>> -> memref<1x80x128xi32, #tpu.memory_space<hbm>>
      %dma_wait3A_27 = tpu.memref_squeeze %dma_wait3A_26 : memref<1x80x128xi32, #tpu.memory_space<hbm>> -> memref<80x128xi32, #tpu.memory_space<hbm>>
      tpu.wait_dma2 semaphore(%run_scoped3A : memref<!tpu.dma_semaphore, #tpu.memory_space<semaphore_mem>>) src(%dma_wait3A_27 : memref<80x128xi32, #tpu.memory_space<hbm>>) dst(%arg8 : memref<80x128xi32, #tpu.memory_space<vmem>>)
      tpu.yield
    }) : () -> ()
    "tpu.region"() ({
      %run_scoped3A = tpu.sem_alloc : memref<!tpu.dma_semaphore, #tpu.memory_space<semaphore_mem>>
      %dma_start3A = arith.constant 0 : i32
      %dma_start3A_14 = arith.constant 0 : i32
      %dma_start3A_15 = tpu.memref_slice %arg4[%arg1, %dma_start3A, %dma_start3A_14] : memref<16x80x128xi32, #tpu.memory_space<hbm>> -> memref<1x80x128xi32, #tpu.memory_space<hbm>>
      %dma_start3A_16 = tpu.memref_squeeze %dma_start3A_15 : memref<1x80x128xi32, #tpu.memory_space<hbm>> -> memref<80x128xi32, #tpu.memory_space<hbm>>
      %dma_start3A_17 = arith.constant 0 : i32
      %dma_start3A_18 = arith.constant 0 : i32
      %dma_start3A_19 = tpu.memref_slice %arg4[%arg1, %dma_start3A_17, %dma_start3A_18] : memref<16x80x128xi32, #tpu.memory_space<hbm>> -> memref<1x80x128xi32, #tpu.memory_space<hbm>>
      %dma_start3A_20 = tpu.memref_squeeze %dma_start3A_19 : memref<1x80x128xi32, #tpu.memory_space<hbm>> -> memref<80x128xi32, #tpu.memory_space<hbm>>
      tpu.enqueue_dma source(%dma_start3A_20 : memref<80x128xi32, #tpu.memory_space<hbm>>) target(%arg9 : memref<80x128xi32, #tpu.memory_space<vmem>>) target_semaphore(%run_scoped3A : memref<!tpu.dma_semaphore, #tpu.memory_space<semaphore_mem>>)
      %dma_wait3A = arith.constant 0 : i32
      %dma_wait3A_21 = arith.constant 0 : i32
      %dma_wait3A_22 = tpu.memref_slice %arg4[%arg1, %dma_wait3A, %dma_wait3A_21] : memref<16x80x128xi32, #tpu.memory_space<hbm>> -> memref<1x80x128xi32, #tpu.memory_space<hbm>>
      %dma_wait3A_23 = tpu.memref_squeeze %dma_wait3A_22 : memref<1x80x128xi32, #tpu.memory_space<hbm>> -> memref<80x128xi32, #tpu.memory_space<hbm>>
      %dma_wait3A_24 = arith.constant 0 : i32
      %dma_wait3A_25 = arith.constant 0 : i32
      %dma_wait3A_26 = tpu.memref_slice %arg4[%arg1, %dma_wait3A_24, %dma_wait3A_25] : memref<16x80x128xi32, #tpu.memory_space<hbm>> -> memref<1x80x128xi32, #tpu.memory_space<hbm>>
      %dma_wait3A_27 = tpu.memref_squeeze %dma_wait3A_26 : memref<1x80x128xi32, #tpu.memory_space<hbm>> -> memref<80x128xi32, #tpu.memory_space<hbm>>
      tpu.wait_dma2 semaphore(%run_scoped3A : memref<!tpu.dma_semaphore, #tpu.memory_space<semaphore_mem>>) src(%dma_wait3A_27 : memref<80x128xi32, #tpu.memory_space<hbm>>) dst(%arg9 : memref<80x128xi32, #tpu.memory_space<vmem>>)
      tpu.yield
    }) : () -> ()
    "tpu.region"() ({
      %run_scoped3A = tpu.sem_alloc : memref<!tpu.dma_semaphore, #tpu.memory_space<semaphore_mem>>
      %dma_start3A = arith.constant 0 : i32
      %dma_start3A_14 = tpu.memref_slice %arg5[%arg1, %dma_start3A] : memref<16x10240xf32, #tpu.memory_space<hbm>> -> memref<1x10240xf32, #tpu.memory_space<hbm>>
      %dma_start3A_15 = tpu.memref_squeeze %dma_start3A_14 : memref<1x10240xf32, #tpu.memory_space<hbm>> -> memref<10240xf32, #tpu.memory_space<hbm>>
      %dma_start3A_16 = arith.constant 0 : i32
      %dma_start3A_17 = tpu.memref_slice %arg5[%arg1, %dma_start3A_16] : memref<16x10240xf32, #tpu.memory_space<hbm>> -> memref<1x10240xf32, #tpu.memory_space<hbm>>
      %dma_start3A_18 = tpu.memref_squeeze %dma_start3A_17 : memref<1x10240xf32, #tpu.memory_space<hbm>> -> memref<10240xf32, #tpu.memory_space<hbm>>
      tpu.enqueue_dma source(%dma_start3A_18 : memref<10240xf32, #tpu.memory_space<hbm>>) target(%arg10 : memref<10240xf32, #tpu.memory_space<vmem>>) target_semaphore(%run_scoped3A : memref<!tpu.dma_semaphore, #tpu.memory_space<semaphore_mem>>)
      %dma_wait3A = arith.constant 0 : i32
      %dma_wait3A_19 = tpu.memref_slice %arg5[%arg1, %dma_wait3A] : memref<16x10240xf32, #tpu.memory_space<hbm>> -> memref<1x10240xf32, #tpu.memory_space<hbm>>
      %dma_wait3A_20 = tpu.memref_squeeze %dma_wait3A_19 : memref<1x10240xf32, #tpu.memory_space<hbm>> -> memref<10240xf32, #tpu.memory_space<hbm>>
      %dma_wait3A_21 = arith.constant 0 : i32
      %dma_wait3A_22 = tpu.memref_slice %arg5[%arg1, %dma_wait3A_21] : memref<16x10240xf32, #tpu.memory_space<hbm>> -> memref<1x10240xf32, #tpu.memory_space<hbm>>
      %dma_wait3A_23 = tpu.memref_squeeze %dma_wait3A_22 : memref<1x10240xf32, #tpu.memory_space<hbm>> -> memref<10240xf32, #tpu.memory_space<hbm>>
      tpu.wait_dma2 semaphore(%run_scoped3A : memref<!tpu.dma_semaphore, #tpu.memory_space<semaphore_mem>>) src(%dma_wait3A_23 : memref<10240xf32, #tpu.memory_space<hbm>>) dst(%arg10 : memref<10240xf32, #tpu.memory_space<vmem>>)
      tpu.yield
    }) : () -> ()
    %barrier3A = arith.constant 0 : index
    tpu.barrier barrier_id(%barrier3A)
    %scan3A = arith.constant 0 : i32
    %scan3A_3 = arith.constant 80 : i32
    %scan3A_4 = arith.addi %scan3A, %scan3A_3 : i32
    %scan3A_5 = arith.constant 1 : i32
    scf.for %scan3A_14 = %scan3A to %scan3A_4 step %scan3A_5  : i32 {
      %dma_start3A = arith.constant 0 : i32
      %dma_start3A_15 = tpu.memref_slice %arg8[%scan3A_14, %dma_start3A] : memref<80x128xi32, #tpu.memory_space<vmem>> -> memref<1x128xi32, #tpu.memory_space<vmem>>
      %dma_start3A_16 = tpu.memref_squeeze %dma_start3A_15 : memref<1x128xi32, #tpu.memory_space<vmem>> -> memref<128xi32, #tpu.memory_space<vmem>>
      %dma_start3A_17 = arith.constant 0 : i32
      %dma_start3A_18 = arith.constant 0 : i32
      %dma_start3A_19 = tpu.memref_slice %arg2[%dma_start3A_17, %dma_start3A_18] : memref<80000x128xf32, #tpu.memory_space<hbm>> -> memref<80000x128xf32, #tpu.memory_space<hbm>>
      tpu.enqueue_indirect_dma source(%dma_start3A_19 : memref<80000x128xf32, #tpu.memory_space<hbm>>) target(%arg11 : memref<128x128xf32, #tpu.memory_space<vmem>>) offsets(%dma_start3A_16 : memref<128xi32, #tpu.memory_space<vmem>>) semaphore(%arg13 : memref<!tpu.dma_semaphore, #tpu.memory_space<semaphore_mem>>)
      %dma_wait3A = arith.constant 0 : i32
      %dma_wait3A_20 = tpu.memref_slice %arg8[%scan3A_14, %dma_wait3A] : memref<80x128xi32, #tpu.memory_space<vmem>> -> memref<1x128xi32, #tpu.memory_space<vmem>>
      %dma_wait3A_21 = tpu.memref_squeeze %dma_wait3A_20 : memref<1x128xi32, #tpu.memory_space<vmem>> -> memref<128xi32, #tpu.memory_space<vmem>>
      %dma_wait3A_22 = arith.constant 0 : i32
      %dma_wait3A_23 = arith.constant 0 : i32
      %dma_wait3A_24 = tpu.memref_slice %arg2[%dma_wait3A_22, %dma_wait3A_23] : memref<80000x128xf32, #tpu.memory_space<hbm>> -> memref<80000x128xf32, #tpu.memory_space<hbm>>
      tpu.wait_indirect_dma semaphore(%arg13 : memref<!tpu.dma_semaphore, #tpu.memory_space<semaphore_mem>>) src(%dma_wait3A_24 : memref<80000x128xf32, #tpu.memory_space<hbm>>) dst(%arg11 : memref<128x128xf32, #tpu.memory_space<vmem>>)
      %mul3A_25 = arith.constant 128 : i32
      %mul3A_26 = arith.muli %scan3A_14, %mul3A_25 : i32
      %scan3A_27 = arith.constant 0 : i32
      %scan3A_28 = arith.constant 128 : i32
      %scan3A_29 = arith.addi %scan3A_27, %scan3A_28 : i32
      %scan3A_30 = arith.constant 1 : i32
      scf.for %scan3A_32 = %scan3A_27 to %scan3A_29 step %scan3A_30  : i32 {
        %add3A_33 = arith.addi %mul3A_26, %scan3A_32 : i32
        %broadcast_in_dim3A = vector.broadcast %add3A_33 : i32 to vector<16xi32>
        %gather3A = tpu.vector_load_idx %arg10[%broadcast_in_dim3A] : memref<10240xf32, #tpu.memory_space<vmem>>[vector<16xi32>], vector<16xf32>,
        %get3A = arith.index_cast %scan3A_32 : i32 to index
        %get3A_34 = arith.constant 0 : index
        %get3A_35 = tpu.vector_load %arg11[%get3A, %get3A_34] {strides = array<i32>} : memref<128x128xf32, #tpu.memory_space<vmem>>, vector<16xf32>,
        %mul3A_36 = arith.mulf %get3A_35, %gather3A : vector<16xf32>
        %swap3A = arith.index_cast %scan3A_32 : i32 to index
        %swap3A_37 = arith.constant 0 : index
        %swap3A_38 = tpu.vector_load %arg11[%swap3A, %swap3A_37] {strides = array<i32>} : memref<128x128xf32, #tpu.memory_space<vmem>>, vector<16xf32>,
        tpu.vector_store %arg11[%swap3A, %swap3A_37], %mul3A_36 {strides = array<i32>} : memref<128x128xf32, #tpu.memory_space<vmem>>, vector<16xf32>,
        %get3A_39 = arith.index_cast %scan3A_32 : i32 to index
        %get3A_40 = arith.constant 16 : index
        %get3A_41 = tpu.vector_load %arg11[%get3A_39, %get3A_40] {strides = array<i32>} : memref<128x128xf32, #tpu.memory_space<vmem>>, vector<16xf32>,
        %mul3A_42 = arith.mulf %get3A_41, %gather3A : vector<16xf32>
        %swap3A_43 = arith.index_cast %scan3A_32 : i32 to index
        %swap3A_44 = arith.constant 16 : index
        %swap3A_45 = tpu.vector_load %arg11[%swap3A_43, %swap3A_44] {strides = array<i32>} : memref<128x128xf32, #tpu.memory_space<vmem>>, vector<16xf32>,
        tpu.vector_store %arg11[%swap3A_43, %swap3A_44], %mul3A_42 {strides = array<i32>} : memref<128x128xf32, #tpu.memory_space<vmem>>, vector<16xf32>,
        %get3A_46 = arith.index_cast %scan3A_32 : i32 to index
        %get3A_47 = arith.constant 32 : index
        %get3A_48 = tpu.vector_load %arg11[%get3A_46, %get3A_47] {strides = array<i32>} : memref<128x128xf32, #tpu.memory_space<vmem>>, vector<16xf32>,
        %mul3A_49 = arith.mulf %get3A_48, %gather3A : vector<16xf32>
        %swap3A_50 = arith.index_cast %scan3A_32 : i32 to index
        %swap3A_51 = arith.constant 32 : index
        %swap3A_52 = tpu.vector_load %arg11[%swap3A_50, %swap3A_51] {strides = array<i32>} : memref<128x128xf32, #tpu.memory_space<vmem>>, vector<16xf32>,
        tpu.vector_store %arg11[%swap3A_50, %swap3A_51], %mul3A_49 {strides = array<i32>} : memref<128x128xf32, #tpu.memory_space<vmem>>, vector<16xf32>,
        %get3A_53 = arith.index_cast %scan3A_32 : i32 to index
        %get3A_54 = arith.constant 48 : index
        %get3A_55 = tpu.vector_load %arg11[%get3A_53, %get3A_54] {strides = array<i32>} : memref<128x128xf32, #tpu.memory_space<vmem>>, vector<16xf32>,
        %mul3A_56 = arith.mulf %get3A_55, %gather3A : vector<16xf32>
        %swap3A_57 = arith.index_cast %scan3A_32 : i32 to index
        %swap3A_58 = arith.constant 48 : index
        %swap3A_59 = tpu.vector_load %arg11[%swap3A_57, %swap3A_58] {strides = array<i32>} : memref<128x128xf32, #tpu.memory_space<vmem>>, vector<16xf32>,
        tpu.vector_store %arg11[%swap3A_57, %swap3A_58], %mul3A_56 {strides = array<i32>} : memref<128x128xf32, #tpu.memory_space<vmem>>, vector<16xf32>,
        %get3A_60 = arith.index_cast %scan3A_32 : i32 to index
        %get3A_61 = arith.constant 64 : index
        %get3A_62 = tpu.vector_load %arg11[%get3A_60, %get3A_61] {strides = array<i32>} : memref<128x128xf32, #tpu.memory_space<vmem>>, vector<16xf32>,
        %mul3A_63 = arith.mulf %get3A_62, %gather3A : vector<16xf32>
        %swap3A_64 = arith.index_cast %scan3A_32 : i32 to index
        %swap3A_65 = arith.constant 64 : index
        %swap3A_66 = tpu.vector_load %arg11[%swap3A_64, %swap3A_65] {strides = array<i32>} : memref<128x128xf32, #tpu.memory_space<vmem>>, vector<16xf32>,
        tpu.vector_store %arg11[%swap3A_64, %swap3A_65], %mul3A_63 {strides = array<i32>} : memref<128x128xf32, #tpu.memory_space<vmem>>, vector<16xf32>,
        %get3A_67 = arith.index_cast %scan3A_32 : i32 to index
        %get3A_68 = arith.constant 80 : index
        %get3A_69 = tpu.vector_load %arg11[%get3A_67, %get3A_68] {strides = array<i32>} : memref<128x128xf32, #tpu.memory_space<vmem>>, vector<16xf32>,
        %mul3A_70 = arith.mulf %get3A_69, %gather3A : vector<16xf32>
        %swap3A_71 = arith.index_cast %scan3A_32 : i32 to index
        %swap3A_72 = arith.constant 80 : index
        %swap3A_73 = tpu.vector_load %arg11[%swap3A_71, %swap3A_72] {strides = array<i32>} : memref<128x128xf32, #tpu.memory_space<vmem>>, vector<16xf32>,
        tpu.vector_store %arg11[%swap3A_71, %swap3A_72], %mul3A_70 {strides = array<i32>} : memref<128x128xf32, #tpu.memory_space<vmem>>, vector<16xf32>,
        %get3A_74 = arith.index_cast %scan3A_32 : i32 to index
        %get3A_75 = arith.constant 96 : index
        %get3A_76 = tpu.vector_load %arg11[%get3A_74, %get3A_75] {strides = array<i32>} : memref<128x128xf32, #tpu.memory_space<vmem>>, vector<16xf32>,
        %mul3A_77 = arith.mulf %get3A_76, %gather3A : vector<16xf32>
        %swap3A_78 = arith.index_cast %scan3A_32 : i32 to index
        %swap3A_79 = arith.constant 96 : index
        %swap3A_80 = tpu.vector_load %arg11[%swap3A_78, %swap3A_79] {strides = array<i32>} : memref<128x128xf32, #tpu.memory_space<vmem>>, vector<16xf32>,
        tpu.vector_store %arg11[%swap3A_78, %swap3A_79], %mul3A_77 {strides = array<i32>} : memref<128x128xf32, #tpu.memory_space<vmem>>, vector<16xf32>,
        %get3A_81 = arith.index_cast %scan3A_32 : i32 to index
        %get3A_82 = arith.constant 112 : index
        %get3A_83 = tpu.vector_load %arg11[%get3A_81, %get3A_82] {strides = array<i32>} : memref<128x128xf32, #tpu.memory_space<vmem>>, vector<16xf32>,
        %mul3A_84 = arith.mulf %get3A_83, %gather3A : vector<16xf32>
        %swap3A_85 = arith.index_cast %scan3A_32 : i32 to index
        %swap3A_86 = arith.constant 112 : index
        %swap3A_87 = tpu.vector_load %arg11[%swap3A_85, %swap3A_86] {strides = array<i32>} : memref<128x128xf32, #tpu.memory_space<vmem>>, vector<16xf32>,
        tpu.vector_store %arg11[%swap3A_85, %swap3A_86], %mul3A_84 {strides = array<i32>} : memref<128x128xf32, #tpu.memory_space<vmem>>, vector<16xf32>,
      }
      %scan3A_31 = arith.constant 128 : i32
      "tpu.region"() ({
        %run_scoped3A = tpu.sem_alloc : memref<!tpu.dma_semaphore, #tpu.memory_space<semaphore_mem>>
        %dma_start3A_32 = arith.constant 0 : i32
        %dma_start3A_33 = tpu.memref_slice %arg9[%scan3A_14, %dma_start3A_32] : memref<80x128xi32, #tpu.memory_space<vmem>> -> memref<1x128xi32, #tpu.memory_space<vmem>>
        %dma_start3A_34 = tpu.memref_squeeze %dma_start3A_33 : memref<1x128xi32, #tpu.memory_space<vmem>> -> memref<128xi32, #tpu.memory_space<vmem>>
        %dma_start3A_35 = arith.constant 0 : i32
        %dma_start3A_36 = arith.constant 0 : i32
        %dma_start3A_37 = tpu.memref_slice %arg12[%dma_start3A_35, %dma_start3A_36] : memref<10112x128xf32, #tpu.memory_space<vmem_shared>> -> memref<10112x128xf32, #tpu.memory_space<vmem_shared>>
        tpu.enqueue_indirect_dma source(%arg11 : memref<128x128xf32, #tpu.memory_space<vmem>>) target(%dma_start3A_37 : memref<10112x128xf32, #tpu.memory_space<vmem_shared>>) offsets(%dma_start3A_34 : memref<128xi32, #tpu.memory_space<vmem>>) semaphore(%run_scoped3A : memref<!tpu.dma_semaphore, #tpu.memory_space<semaphore_mem>>) {add = true}
        %dma_wait3A_38 = arith.constant 0 : i32
        %dma_wait3A_39 = tpu.memref_slice %arg9[%scan3A_14, %dma_wait3A_38] : memref<80x128xi32, #tpu.memory_space<vmem>> -> memref<1x128xi32, #tpu.memory_space<vmem>>
        %dma_wait3A_40 = tpu.memref_squeeze %dma_wait3A_39 : memref<1x128xi32, #tpu.memory_space<vmem>> -> memref<128xi32, #tpu.memory_space<vmem>>
        %dma_wait3A_41 = arith.constant 0 : i32
        %dma_wait3A_42 = arith.constant 0 : i32
        %dma_wait3A_43 = tpu.memref_slice %arg12[%dma_wait3A_41, %dma_wait3A_42] : memref<10112x128xf32, #tpu.memory_space<vmem_shared>> -> memref<10112x128xf32, #tpu.memory_space<vmem_shared>>
        tpu.wait_indirect_dma semaphore(%run_scoped3A : memref<!tpu.dma_semaphore, #tpu.memory_space<semaphore_mem>>) src(%arg11 : memref<128x128xf32, #tpu.memory_space<vmem>>) dst(%dma_wait3A_43 : memref<10112x128xf32, #tpu.memory_space<vmem_shared>>)
        tpu.yield
      }) : () -> ()
    }
    %scan3A_6 = arith.constant 80 : i32
    %barrier3A_7 = arith.constant 0 : index
    tpu.barrier barrier_id(%barrier3A_7)
    %mul3A_8 = arith.constant 632 : i32
    %mul3A_9 = arith.muli %arg1, %mul3A_8 : i32
    %mul3A_10 = arith.constant 632 : i32
    %mul3A_11 = arith.muli %arg1, %mul3A_10 : i32
    %mul3A_12 = arith.constant 128 : i32
    %mul3A_13 = arith.muli %arg0, %mul3A_12 : i32
    "tpu.region"() ({
      %run_scoped3A = tpu.sem_alloc : memref<!tpu.dma_semaphore, #tpu.memory_space<semaphore_mem>>
      %dma_start3A = tpu.memref_slice %arg7[%mul3A_11, %mul3A_13] : memref<10112x256xf32, #tpu.memory_space<hbm>> -> memref<632x128xf32, #tpu.memory_space<hbm>>
      %dma_start3A_14 = arith.constant 0 : i32
      %dma_start3A_15 = tpu.memref_slice %arg12[%mul3A_9, %dma_start3A_14] : memref<10112x128xf32, #tpu.memory_space<vmem_shared>> -> memref<632x128xf32, #tpu.memory_space<vmem_shared>>
      tpu.enqueue_dma source(%dma_start3A_15 : memref<632x128xf32, #tpu.memory_space<vmem_shared>>) target(%dma_start3A : memref<632x128xf32, #tpu.memory_space<hbm>>) target_semaphore(%run_scoped3A : memref<!tpu.dma_semaphore, #tpu.memory_space<semaphore_mem>>)
      %dma_wait3A = tpu.memref_slice %arg7[%mul3A_11, %mul3A_13] : memref<10112x256xf32, #tpu.memory_space<hbm>> -> memref<632x128xf32, #tpu.memory_space<hbm>>
      %dma_wait3A_16 = arith.constant 0 : i32
      %dma_wait3A_17 = tpu.memref_slice %arg12[%mul3A_9, %dma_wait3A_16] : memref<10112x128xf32, #tpu.memory_space<vmem_shared>> -> memref<632x128xf32, #tpu.memory_space<vmem_shared>>
      tpu.wait_dma2 semaphore(%run_scoped3A : memref<!tpu.dma_semaphore, #tpu.memory_space<semaphore_mem>>) src(%dma_wait3A_17 : memref<632x128xf32, #tpu.memory_space<vmem_shared>>) dst(%dma_wait3A : memref<632x128xf32, #tpu.memory_space<hbm>>)
      tpu.yield
    }) : () -> ()
    return
  }
}

#map = affine_map<(d0, d1) -> (0, 0, 0)>
#map1 = affine_map<(d0, d1) -> (0, 0)>
module attributes {stable_mosaic.version = 14 : i64} {
  func.func @k(%arg0: i32, %arg1: i32, %arg2: memref<32x3x128xi32, #tpu.memory_space<hbm>>, %arg3: memref<32x384xf32, #tpu.memory_space<hbm>>, %arg4: memref<128x128xf32, #tpu.memory_space<hbm>>, %arg5: memref<2x128x128xf32, #tpu.memory_space<hbm>>, %arg6: memref<3x128xi32, #tpu.memory_space<vmem>>, %arg7: memref<384xf32, #tpu.memory_space<vmem>>, %arg8: memref<128x128xf32, #tpu.memory_space<vmem>>, %arg9: memref<128x128xf32, #tpu.memory_space<vmem_shared>>) attributes {dimension_semantics = [#tpu.dimension_semantics<core_parallel>, #tpu.dimension_semantics<subcore_parallel>], iteration_bounds = array<i64: 2, 16>, scalar_prefetch = 0 : i64, scratch_operands = 4 : i64, tpu.core_type = #tpu.core_type<sc_vector_subcore>, window_params = [{transform_indices = #map}, {transform_indices = #map1}, {transform_indices = #map1}, {transform_indices = #map}]} {
    %mul3A = arith.constant 2 : i32
    %mul3A_0 = arith.muli %arg1, %mul3A : i32
    %add3A = arith.addi %mul3A_0, %arg0 : i32
    %mul3A_1 = arith.constant 8 : i32
    %mul3A_2 = arith.muli %arg1, %mul3A_1 : i32
    "tpu.region"() ({
      %run_scoped3A = tpu.sem_alloc : memref<!tpu.dma_semaphore, #tpu.memory_space<semaphore_mem>>
      %dma_start3A = arith.constant 0 : i32
      %dma_start3A_12 = tpu.memref_slice %arg9[%mul3A_2, %dma_start3A] : memref<128x128xf32, #tpu.memory_space<vmem_shared>> -> memref<8x128xf32, #tpu.memory_space<vmem_shared>>
      %dma_start3A_13 = arith.constant 0 : i32
      %dma_start3A_14 = arith.constant 0 : i32
      %dma_start3A_15 = tpu.memref_slice %arg4[%dma_start3A_13, %dma_start3A_14] : memref<128x128xf32, #tpu.memory_space<hbm>> -> memref<8x128xf32, #tpu.memory_space<hbm>>
      tpu.enqueue_dma source(%dma_start3A_15 : memref<8x128xf32, #tpu.memory_space<hbm>>) target(%dma_start3A_12 : memref<8x128xf32, #tpu.memory_space<vmem_shared>>) target_semaphore(%run_scoped3A : memref<!tpu.dma_semaphore, #tpu.memory_space<semaphore_mem>>)
      %dma_wait3A = arith.constant 0 : i32
      %dma_wait3A_16 = tpu.memref_slice %arg9[%mul3A_2, %dma_wait3A] : memref<128x128xf32, #tpu.memory_space<vmem_shared>> -> memref<8x128xf32, #tpu.memory_space<vmem_shared>>
      %dma_wait3A_17 = arith.constant 0 : i32
      %dma_wait3A_18 = arith.constant 0 : i32
      %dma_wait3A_19 = tpu.memref_slice %arg4[%dma_wait3A_17, %dma_wait3A_18] : memref<128x128xf32, #tpu.memory_space<hbm>> -> memref<8x128xf32, #tpu.memory_space<hbm>>
      tpu.wait_dma2 semaphore(%run_scoped3A : memref<!tpu.dma_semaphore, #tpu.memory_space<semaphore_mem>>) src(%dma_wait3A_19 : memref<8x128xf32, #tpu.memory_space<hbm>>) dst(%dma_wait3A_16 : memref<8x128xf32, #tpu.memory_space<vmem_shared>>)
      tpu.yield
    }) : () -> ()
    "tpu.region"() ({
      %run_scoped3A = tpu.sem_alloc : memref<!tpu.dma_semaphore, #tpu.memory_space<semaphore_mem>>
      %dma_start3A = arith.constant 0 : i32
      %dma_start3A_12 = arith.constant 0 : i32
      %dma_start3A_13 = tpu.memref_slice %arg4[%dma_start3A, %dma_start3A_12] : memref<128x128xf32, #tpu.memory_space<hbm>> -> memref<128x128xf32, #tpu.memory_space<hbm>>
      %dma_start3A_14 = arith.constant 0 : i32
      %dma_start3A_15 = arith.constant 0 : i32
      %dma_start3A_16 = tpu.memref_slice %arg4[%dma_start3A_14, %dma_start3A_15] : memref<128x128xf32, #tpu.memory_space<hbm>> -> memref<128x128xf32, #tpu.memory_space<hbm>>
      tpu.enqueue_dma source(%dma_start3A_16 : memref<128x128xf32, #tpu.memory_space<hbm>>) target(%arg8 : memref<128x128xf32, #tpu.memory_space<vmem>>) target_semaphore(%run_scoped3A : memref<!tpu.dma_semaphore, #tpu.memory_space<semaphore_mem>>)
      %dma_wait3A = arith.constant 0 : i32
      %dma_wait3A_17 = arith.constant 0 : i32
      %dma_wait3A_18 = tpu.memref_slice %arg4[%dma_wait3A, %dma_wait3A_17] : memref<128x128xf32, #tpu.memory_space<hbm>> -> memref<128x128xf32, #tpu.memory_space<hbm>>
      %dma_wait3A_19 = arith.constant 0 : i32
      %dma_wait3A_20 = arith.constant 0 : i32
      %dma_wait3A_21 = tpu.memref_slice %arg4[%dma_wait3A_19, %dma_wait3A_20] : memref<128x128xf32, #tpu.memory_space<hbm>> -> memref<128x128xf32, #tpu.memory_space<hbm>>
      tpu.wait_dma2 semaphore(%run_scoped3A : memref<!tpu.dma_semaphore, #tpu.memory_space<semaphore_mem>>) src(%dma_wait3A_21 : memref<128x128xf32, #tpu.memory_space<hbm>>) dst(%arg8 : memref<128x128xf32, #tpu.memory_space<vmem>>)
      tpu.yield
    }) : () -> ()
    "tpu.region"() ({
      %run_scoped3A = tpu.sem_alloc : memref<!tpu.dma_semaphore, #tpu.memory_space<semaphore_mem>>
      %dma_start3A = arith.constant 0 : i32
      %dma_start3A_12 = arith.constant 0 : i32
      %dma_start3A_13 = tpu.memref_slice %arg2[%add3A, %dma_start3A, %dma_start3A_12] : memref<32x3x128xi32, #tpu.memory_space<hbm>> -> memref<1x3x128xi32, #tpu.memory_space<hbm>>
      %dma_start3A_14 = tpu.memref_squeeze %dma_start3A_13 : memref<1x3x128xi32, #tpu.memory_space<hbm>> -> memref<3x128xi32, #tpu.memory_space<hbm>>
      %dma_start3A_15 = arith.constant 0 : i32
      %dma_start3A_16 = arith.constant 0 : i32
      %dma_start3A_17 = tpu.memref_slice %arg2[%add3A, %dma_start3A_15, %dma_start3A_16] : memref<32x3x128xi32, #tpu.memory_space<hbm>> -> memref<1x3x128xi32, #tpu.memory_space<hbm>>
      %dma_start3A_18 = tpu.memref_squeeze %dma_start3A_17 : memref<1x3x128xi32, #tpu.memory_space<hbm>> -> memref<3x128xi32, #tpu.memory_space<hbm>>
      tpu.enqueue_dma source(%dma_start3A_18 : memref<3x128xi32, #tpu.memory_space<hbm>>) target(%arg6 : memref<3x128xi32, #tpu.memory_space<vmem>>) target_semaphore(%run_scoped3A : memref<!tpu.dma_semaphore, #tpu.memory_space<semaphore_mem>>)
      %dma_wait3A = arith.constant 0 : i32
      %dma_wait3A_19 = arith.constant 0 : i32
      %dma_wait3A_20 = tpu.memref_slice %arg2[%add3A, %dma_wait3A, %dma_wait3A_19] : memref<32x3x128xi32, #tpu.memory_space<hbm>> -> memref<1x3x128xi32, #tpu.memory_space<hbm>>
      %dma_wait3A_21 = tpu.memref_squeeze %dma_wait3A_20 : memref<1x3x128xi32, #tpu.memory_space<hbm>> -> memref<3x128xi32, #tpu.memory_space<hbm>>
      %dma_wait3A_22 = arith.constant 0 : i32
      %dma_wait3A_23 = arith.constant 0 : i32
      %dma_wait3A_24 = tpu.memref_slice %arg2[%add3A, %dma_wait3A_22, %dma_wait3A_23] : memref<32x3x128xi32, #tpu.memory_space<hbm>> -> memref<1x3x128xi32, #tpu.memory_space<hbm>>
      %dma_wait3A_25 = tpu.memref_squeeze %dma_wait3A_24 : memref<1x3x128xi32, #tpu.memory_space<hbm>> -> memref<3x128xi32, #tpu.memory_space<hbm>>
      tpu.wait_dma2 semaphore(%run_scoped3A : memref<!tpu.dma_semaphore, #tpu.memory_space<semaphore_mem>>) src(%dma_wait3A_25 : memref<3x128xi32, #tpu.memory_space<hbm>>) dst(%arg6 : memref<3x128xi32, #tpu.memory_space<vmem>>)
      tpu.yield
    }) : () -> ()
    "tpu.region"() ({
      %run_scoped3A = tpu.sem_alloc : memref<!tpu.dma_semaphore, #tpu.memory_space<semaphore_mem>>
      %dma_start3A = arith.constant 0 : i32
      %dma_start3A_12 = tpu.memref_slice %arg3[%add3A, %dma_start3A] : memref<32x384xf32, #tpu.memory_space<hbm>> -> memref<1x384xf32, #tpu.memory_space<hbm>>
      %dma_start3A_13 = tpu.memref_squeeze %dma_start3A_12 : memref<1x384xf32, #tpu.memory_space<hbm>> -> memref<384xf32, #tpu.memory_space<hbm>>
      %dma_start3A_14 = arith.constant 0 : i32
      %dma_start3A_15 = tpu.memref_slice %arg3[%add3A, %dma_start3A_14] : memref<32x384xf32, #tpu.memory_space<hbm>> -> memref<1x384xf32, #tpu.memory_space<hbm>>
      %dma_start3A_16 = tpu.memref_squeeze %dma_start3A_15 : memref<1x384xf32, #tpu.memory_space<hbm>> -> memref<384xf32, #tpu.memory_space<hbm>>
      tpu.enqueue_dma source(%dma_start3A_16 : memref<384xf32, #tpu.memory_space<hbm>>) target(%arg7 : memref<384xf32, #tpu.memory_space<vmem>>) target_semaphore(%run_scoped3A : memref<!tpu.dma_semaphore, #tpu.memory_space<semaphore_mem>>)
      %dma_wait3A = arith.constant 0 : i32
      %dma_wait3A_17 = tpu.memref_slice %arg3[%add3A, %dma_wait3A] : memref<32x384xf32, #tpu.memory_space<hbm>> -> memref<1x384xf32, #tpu.memory_space<hbm>>
      %dma_wait3A_18 = tpu.memref_squeeze %dma_wait3A_17 : memref<1x384xf32, #tpu.memory_space<hbm>> -> memref<384xf32, #tpu.memory_space<hbm>>
      %dma_wait3A_19 = arith.constant 0 : i32
      %dma_wait3A_20 = tpu.memref_slice %arg3[%add3A, %dma_wait3A_19] : memref<32x384xf32, #tpu.memory_space<hbm>> -> memref<1x384xf32, #tpu.memory_space<hbm>>
      %dma_wait3A_21 = tpu.memref_squeeze %dma_wait3A_20 : memref<1x384xf32, #tpu.memory_space<hbm>> -> memref<384xf32, #tpu.memory_space<hbm>>
      tpu.wait_dma2 semaphore(%run_scoped3A : memref<!tpu.dma_semaphore, #tpu.memory_space<semaphore_mem>>) src(%dma_wait3A_21 : memref<384xf32, #tpu.memory_space<hbm>>) dst(%arg7 : memref<384xf32, #tpu.memory_space<vmem>>)
      tpu.yield
    }) : () -> ()
    %barrier3A = arith.constant 0 : index
    tpu.barrier barrier_id(%barrier3A)
    %scan3A = arith.constant 0 : i32
    %scan3A_3 = arith.constant 3 : i32
    %scan3A_4 = arith.addi %scan3A, %scan3A_3 : i32
    %scan3A_5 = arith.constant 1 : i32
    scf.for %scan3A_12 = %scan3A to %scan3A_4 step %scan3A_5  : i32 {
      %mul3A_13 = arith.constant 128 : i32
      %mul3A_14 = arith.muli %scan3A_12, %mul3A_13 : i32
      %scan3A_15 = arith.constant 0 : i32
      %scan3A_16 = arith.constant 128 : i32
      %scan3A_17 = arith.addi %scan3A_15, %scan3A_16 : i32
      %scan3A_18 = arith.constant 1 : i32
      scf.for %scan3A_20 = %scan3A_15 to %scan3A_17 step %scan3A_18  : i32 {
        %add3A_21 = arith.addi %mul3A_14, %scan3A_20 : i32
        %broadcast_in_dim3A = vector.broadcast %add3A_21 : i32 to vector<16xi32>
        %gather3A = tpu.vector_load_idx %arg7[%broadcast_in_dim3A] : memref<384xf32, #tpu.memory_space<vmem>>[vector<16xi32>], vector<16xf32>,
        %swap3A = arith.index_cast %scan3A_20 : i32 to index
        %swap3A_22 = arith.constant 0 : index
        %swap3A_23 = tpu.vector_load %arg8[%swap3A, %swap3A_22] {strides = array<i32>} : memref<128x128xf32, #tpu.memory_space<vmem>>, vector<16xf32>,
        tpu.vector_store %arg8[%swap3A, %swap3A_22], %gather3A {strides = array<i32>} : memref<128x128xf32, #tpu.memory_space<vmem>>, vector<16xf32>,
      }
      %scan3A_19 = arith.constant 128 : i32
      "tpu.region"() ({
        %run_scoped3A = tpu.sem_alloc : memref<!tpu.dma_semaphore, #tpu.memory_space<semaphore_mem>>
        %dma_start3A = arith.constant 0 : i32
        %dma_start3A_20 = tpu.memref_slice %arg6[%scan3A_12, %dma_start3A] : memref<3x128xi32, #tpu.memory_space<vmem>> -> memref<1x128xi32, #tpu.memory_space<vmem>>
        %dma_start3A_21 = tpu.memref_squeeze %dma_start3A_20 : memref<1x128xi32, #tpu.memory_space<vmem>> -> memref<128xi32, #tpu.memory_space<vmem>>
        %dma_start3A_22 = arith.constant 0 : i32
        %dma_start3A_23 = arith.constant 0 : i32
        %dma_start3A_24 = tpu.memref_slice %arg9[%dma_start3A_22, %dma_start3A_23] : memref<128x128xf32, #tpu.memory_space<vmem_shared>> -> memref<128x128xf32, #tpu.memory_space<vmem_shared>>
        tpu.enqueue_indirect_dma source(%arg8 : memref<128x128xf32, #tpu.memory_space<vmem>>) target(%dma_start3A_24 : memref<128x128xf32, #tpu.memory_space<vmem_shared>>) offsets(%dma_start3A_21 : memref<128xi32, #tpu.memory_space<vmem>>) semaphore(%run_scoped3A : memref<!tpu.dma_semaphore, #tpu.memory_space<semaphore_mem>>) {add = true}
        %dma_wait3A = arith.constant 0 : i32
        %dma_wait3A_25 = tpu.memref_slice %arg6[%scan3A_12, %dma_wait3A] : memref<3x128xi32, #tpu.memory_space<vmem>> -> memref<1x128xi32, #tpu.memory_space<vmem>>
        %dma_wait3A_26 = tpu.memref_squeeze %dma_wait3A_25 : memref<1x128xi32, #tpu.memory_space<vmem>> -> memref<128xi32, #tpu.memory_space<vmem>>
        %dma_wait3A_27 = arith.constant 0 : i32
        %dma_wait3A_28 = arith.constant 0 : i32
        %dma_wait3A_29 = tpu.memref_slice %arg9[%dma_wait3A_27, %dma_wait3A_28] : memref<128x128xf32, #tpu.memory_space<vmem_shared>> -> memref<128x128xf32, #tpu.memory_space<vmem_shared>>
        tpu.wait_indirect_dma semaphore(%run_scoped3A : memref<!tpu.dma_semaphore, #tpu.memory_space<semaphore_mem>>) src(%arg8 : memref<128x128xf32, #tpu.memory_space<vmem>>) dst(%dma_wait3A_29 : memref<128x128xf32, #tpu.memory_space<vmem_shared>>)
        tpu.yield
      }) : () -> ()
    }
    %scan3A_6 = arith.constant 3 : i32
    %barrier3A_7 = arith.constant 0 : index
    tpu.barrier barrier_id(%barrier3A_7)
    %mul3A_8 = arith.constant 8 : i32
    %mul3A_9 = arith.muli %arg1, %mul3A_8 : i32
    %mul3A_10 = arith.constant 8 : i32
    %mul3A_11 = arith.muli %arg1, %mul3A_10 : i32
    "tpu.region"() ({
      %run_scoped3A = tpu.sem_alloc : memref<!tpu.dma_semaphore, #tpu.memory_space<semaphore_mem>>
      %dma_start3A = arith.constant 0 : i32
      %dma_start3A_12 = tpu.memref_slice %arg5[%arg0, %mul3A_11, %dma_start3A] : memref<2x128x128xf32, #tpu.memory_space<hbm>> -> memref<1x8x128xf32, #tpu.memory_space<hbm>>
      %dma_start3A_13 = tpu.memref_squeeze %dma_start3A_12 : memref<1x8x128xf32, #tpu.memory_space<hbm>> -> memref<8x128xf32, #tpu.memory_space<hbm>>
      %dma_start3A_14 = arith.constant 0 : i32
      %dma_start3A_15 = tpu.memref_slice %arg9[%mul3A_9, %dma_start3A_14] : memref<128x128xf32, #tpu.memory_space<vmem_shared>> -> memref<8x128xf32, #tpu.memory_space<vmem_shared>>
      tpu.enqueue_dma source(%dma_start3A_15 : memref<8x128xf32, #tpu.memory_space<vmem_shared>>) target(%dma_start3A_13 : memref<8x128xf32, #tpu.memory_space<hbm>>) target_semaphore(%run_scoped3A : memref<!tpu.dma_semaphore, #tpu.memory_space<semaphore_mem>>)
      %dma_wait3A = arith.constant 0 : i32
      %dma_wait3A_16 = tpu.memref_slice %arg5[%arg0, %mul3A_11, %dma_wait3A] : memref<2x128x128xf32, #tpu.memory_space<hbm>> -> memref<1x8x128xf32, #tpu.memory_space<hbm>>
      %dma_wait3A_17 = tpu.memref_squeeze %dma_wait3A_16 : memref<1x8x128xf32, #tpu.memory_space<hbm>> -> memref<8x128xf32, #tpu.memory_space<hbm>>
      %dma_wait3A_18 = arith.constant 0 : i32
      %dma_wait3A_19 = tpu.memref_slice %arg9[%mul3A_9, %dma_wait3A_18] : memref<128x128xf32, #tpu.memory_space<vmem_shared>> -> memref<8x128xf32, #tpu.memory_space<vmem_shared>>
      tpu.wait_dma2 semaphore(%run_scoped3A : memref<!tpu.dma_semaphore, #tpu.memory_space<semaphore_mem>>) src(%dma_wait3A_19 : memref<8x128xf32, #tpu.memory_space<vmem_shared>>) dst(%dma_wait3A_17 : memref<8x128xf32, #tpu.memory_space<hbm>>)
      tpu.yield
    }) : () -> ()
    return
  }
}

#map = affine_map<(d0, d1) -> (0, 0)>
#map1 = affine_map<(d0, d1) -> (0, 0, 0)>
module attributes {stable_mosaic.version = 14 : i64} {
  func.func @k(%arg0: i32, %arg1: i32, %arg2: memref<12288x256xf32, #tpu.memory_space<hbm>>, %arg3: memref<16x6x128xi32, #tpu.memory_space<hbm>>, %arg4: memref<8x128xf32, #tpu.memory_space<hbm>>, %arg5: memref<128x256xf32, #tpu.memory_space<hbm>>, %arg6: memref<6x128xi32, #tpu.memory_space<vmem>>, %arg7: memref<128x128xf32, #tpu.memory_space<vmem>>, %arg8: memref<128x128xf32, #tpu.memory_space<vmem_shared>>) attributes {dimension_semantics = [#tpu.dimension_semantics<core_parallel>, #tpu.dimension_semantics<subcore_parallel>], iteration_bounds = array<i64: 2, 16>, scalar_prefetch = 0 : i64, scratch_operands = 3 : i64, tpu.core_type = #tpu.core_type<sc_vector_subcore>, window_params = [{transform_indices = #map}, {transform_indices = #map1}, {transform_indices = #map}, {transform_indices = #map}]} {
    %mul3A = arith.constant 8 : i32
    %mul3A_0 = arith.muli %arg1, %mul3A : i32
    "tpu.region"() ({
      %run_scoped3A = tpu.sem_alloc : memref<!tpu.dma_semaphore, #tpu.memory_space<semaphore_mem>>
      %dma_start3A = arith.constant 0 : i32
      %dma_start3A_12 = tpu.memref_slice %arg8[%mul3A_0, %dma_start3A] : memref<128x128xf32, #tpu.memory_space<vmem_shared>> -> memref<8x128xf32, #tpu.memory_space<vmem_shared>>
      tpu.enqueue_dma source(%arg4 : memref<8x128xf32, #tpu.memory_space<hbm>>) target(%dma_start3A_12 : memref<8x128xf32, #tpu.memory_space<vmem_shared>>) target_semaphore(%run_scoped3A : memref<!tpu.dma_semaphore, #tpu.memory_space<semaphore_mem>>)
      %dma_wait3A = arith.constant 0 : i32
      %dma_wait3A_13 = tpu.memref_slice %arg8[%mul3A_0, %dma_wait3A] : memref<128x128xf32, #tpu.memory_space<vmem_shared>> -> memref<8x128xf32, #tpu.memory_space<vmem_shared>>
      tpu.wait_dma2 semaphore(%run_scoped3A : memref<!tpu.dma_semaphore, #tpu.memory_space<semaphore_mem>>) src(%arg4 : memref<8x128xf32, #tpu.memory_space<hbm>>) dst(%dma_wait3A_13 : memref<8x128xf32, #tpu.memory_space<vmem_shared>>)
      tpu.yield
    }) : () -> ()
    "tpu.region"() ({
      %run_scoped3A = tpu.sem_alloc : memref<!tpu.dma_semaphore, #tpu.memory_space<semaphore_mem>>
      %dma_start3A = arith.constant 0 : i32
      %dma_start3A_12 = arith.constant 0 : i32
      %dma_start3A_13 = tpu.memref_slice %arg3[%arg1, %dma_start3A, %dma_start3A_12] : memref<16x6x128xi32, #tpu.memory_space<hbm>> -> memref<1x6x128xi32, #tpu.memory_space<hbm>>
      %dma_start3A_14 = tpu.memref_squeeze %dma_start3A_13 : memref<1x6x128xi32, #tpu.memory_space<hbm>> -> memref<6x128xi32, #tpu.memory_space<hbm>>
      %dma_start3A_15 = arith.constant 0 : i32
      %dma_start3A_16 = arith.constant 0 : i32
      %dma_start3A_17 = tpu.memref_slice %arg3[%arg1, %dma_start3A_15, %dma_start3A_16] : memref<16x6x128xi32, #tpu.memory_space<hbm>> -> memref<1x6x128xi32, #tpu.memory_space<hbm>>
      %dma_start3A_18 = tpu.memref_squeeze %dma_start3A_17 : memref<1x6x128xi32, #tpu.memory_space<hbm>> -> memref<6x128xi32, #tpu.memory_space<hbm>>
      tpu.enqueue_dma source(%dma_start3A_18 : memref<6x128xi32, #tpu.memory_space<hbm>>) target(%arg6 : memref<6x128xi32, #tpu.memory_space<vmem>>) target_semaphore(%run_scoped3A : memref<!tpu.dma_semaphore, #tpu.memory_space<semaphore_mem>>)
      %dma_wait3A = arith.constant 0 : i32
      %dma_wait3A_19 = arith.constant 0 : i32
      %dma_wait3A_20 = tpu.memref_slice %arg3[%arg1, %dma_wait3A, %dma_wait3A_19] : memref<16x6x128xi32, #tpu.memory_space<hbm>> -> memref<1x6x128xi32, #tpu.memory_space<hbm>>
      %dma_wait3A_21 = tpu.memref_squeeze %dma_wait3A_20 : memref<1x6x128xi32, #tpu.memory_space<hbm>> -> memref<6x128xi32, #tpu.memory_space<hbm>>
      %dma_wait3A_22 = arith.constant 0 : i32
      %dma_wait3A_23 = arith.constant 0 : i32
      %dma_wait3A_24 = tpu.memref_slice %arg3[%arg1, %dma_wait3A_22, %dma_wait3A_23] : memref<16x6x128xi32, #tpu.memory_space<hbm>> -> memref<1x6x128xi32, #tpu.memory_space<hbm>>
      %dma_wait3A_25 = tpu.memref_squeeze %dma_wait3A_24 : memref<1x6x128xi32, #tpu.memory_space<hbm>> -> memref<6x128xi32, #tpu.memory_space<hbm>>
      tpu.wait_dma2 semaphore(%run_scoped3A : memref<!tpu.dma_semaphore, #tpu.memory_space<semaphore_mem>>) src(%dma_wait3A_25 : memref<6x128xi32, #tpu.memory_space<hbm>>) dst(%arg6 : memref<6x128xi32, #tpu.memory_space<vmem>>)
      tpu.yield
    }) : () -> ()
    %barrier3A = arith.constant 0 : index
    tpu.barrier barrier_id(%barrier3A)
    %scan3A = arith.constant 0 : i32
    %scan3A_1 = arith.constant 6 : i32
    %scan3A_2 = arith.addi %scan3A, %scan3A_1 : i32
    %scan3A_3 = arith.constant 1 : i32
    scf.for %scan3A_12 = %scan3A to %scan3A_2 step %scan3A_3  : i32 {
      %mul3A_13 = arith.constant 6 : i32
      %mul3A_14 = arith.muli %arg1, %mul3A_13 : i32
      %add3A = arith.addi %mul3A_14, %scan3A_12 : i32
      %mul3A_15 = arith.constant 128 : i32
      %mul3A_16 = arith.muli %add3A, %mul3A_15 : i32
      %mul3A_17 = arith.constant 128 : i32
      %mul3A_18 = arith.muli %arg0, %mul3A_17 : i32
      "tpu.region"() ({
        %run_scoped3A = tpu.sem_alloc : memref<!tpu.dma_semaphore, #tpu.memory_space<semaphore_mem>>
        %dma_start3A = tpu.memref_slice %arg2[%mul3A_16, %mul3A_18] : memref<12288x256xf32, #tpu.memory_space<hbm>> -> memref<128x128xf32, #tpu.memory_space<hbm>>
        %dma_start3A_19 = tpu.memref_slice %arg2[%mul3A_16, %mul3A_18] : memref<12288x256xf32, #tpu.memory_space<hbm>> -> memref<128x128xf32, #tpu.memory_space<hbm>>
        tpu.enqueue_dma source(%dma_start3A_19 : memref<128x128xf32, #tpu.memory_space<hbm>>) target(%arg7 : memref<128x128xf32, #tpu.memory_space<vmem>>) target_semaphore(%run_scoped3A : memref<!tpu.dma_semaphore, #tpu.memory_space<semaphore_mem>>)
        %dma_wait3A = tpu.memref_slice %arg2[%mul3A_16, %mul3A_18] : memref<12288x256xf32, #tpu.memory_space<hbm>> -> memref<128x128xf32, #tpu.memory_space<hbm>>
        %dma_wait3A_20 = tpu.memref_slice %arg2[%mul3A_16, %mul3A_18] : memref<12288x256xf32, #tpu.memory_space<hbm>> -> memref<128x128xf32, #tpu.memory_space<hbm>>
        tpu.wait_dma2 semaphore(%run_scoped3A : memref<!tpu.dma_semaphore, #tpu.memory_space<semaphore_mem>>) src(%dma_wait3A_20 : memref<128x128xf32, #tpu.memory_space<hbm>>) dst(%arg7 : memref<128x128xf32, #tpu.memory_space<vmem>>)
        tpu.yield
      }) : () -> ()
      "tpu.region"() ({
        %run_scoped3A = tpu.sem_alloc : memref<!tpu.dma_semaphore, #tpu.memory_space<semaphore_mem>>
        %dma_start3A = arith.constant 0 : i32
        %dma_start3A_19 = tpu.memref_slice %arg6[%scan3A_12, %dma_start3A] : memref<6x128xi32, #tpu.memory_space<vmem>> -> memref<1x128xi32, #tpu.memory_space<vmem>>
        %dma_start3A_20 = tpu.memref_squeeze %dma_start3A_19 : memref<1x128xi32, #tpu.memory_space<vmem>> -> memref<128xi32, #tpu.memory_space<vmem>>
        %dma_start3A_21 = arith.constant 0 : i32
        %dma_start3A_22 = arith.constant 0 : i32
        %dma_start3A_23 = tpu.memref_slice %arg8[%dma_start3A_21, %dma_start3A_22] : memref<128x128xf32, #tpu.memory_space<vmem_shared>> -> memref<128x128xf32, #tpu.memory_space<vmem_shared>>
        tpu.enqueue_indirect_dma source(%arg7 : memref<128x128xf32, #tpu.memory_space<vmem>>) target(%dma_start3A_23 : memref<128x128xf32, #tpu.memory_space<vmem_shared>>) offsets(%dma_start3A_20 : memref<128xi32, #tpu.memory_space<vmem>>) semaphore(%run_scoped3A : memref<!tpu.dma_semaphore, #tpu.memory_space<semaphore_mem>>) {add = true}
        %dma_wait3A = arith.constant 0 : i32
        %dma_wait3A_24 = tpu.memref_slice %arg6[%scan3A_12, %dma_wait3A] : memref<6x128xi32, #tpu.memory_space<vmem>> -> memref<1x128xi32, #tpu.memory_space<vmem>>
        %dma_wait3A_25 = tpu.memref_squeeze %dma_wait3A_24 : memref<1x128xi32, #tpu.memory_space<vmem>> -> memref<128xi32, #tpu.memory_space<vmem>>
        %dma_wait3A_26 = arith.constant 0 : i32
        %dma_wait3A_27 = arith.constant 0 : i32
        %dma_wait3A_28 = tpu.memref_slice %arg8[%dma_wait3A_26, %dma_wait3A_27] : memref<128x128xf32, #tpu.memory_space<vmem_shared>> -> memref<128x128xf32, #tpu.memory_space<vmem_shared>>
        tpu.wait_indirect_dma semaphore(%run_scoped3A : memref<!tpu.dma_semaphore, #tpu.memory_space<semaphore_mem>>) src(%arg7 : memref<128x128xf32, #tpu.memory_space<vmem>>) dst(%dma_wait3A_28 : memref<128x128xf32, #tpu.memory_space<vmem_shared>>)
        tpu.yield
      }) : () -> ()
    }
    %scan3A_4 = arith.constant 6 : i32
    %barrier3A_5 = arith.constant 0 : index
    tpu.barrier barrier_id(%barrier3A_5)
    %mul3A_6 = arith.constant 8 : i32
    %mul3A_7 = arith.muli %arg1, %mul3A_6 : i32
    %mul3A_8 = arith.constant 8 : i32
    %mul3A_9 = arith.muli %arg1, %mul3A_8 : i32
    %mul3A_10 = arith.constant 128 : i32
    %mul3A_11 = arith.muli %arg0, %mul3A_10 : i32
    "tpu.region"() ({
      %run_scoped3A = tpu.sem_alloc : memref<!tpu.dma_semaphore, #tpu.memory_space<semaphore_mem>>
      %dma_start3A = tpu.memref_slice %arg5[%mul3A_9, %mul3A_11] : memref<128x256xf32, #tpu.memory_space<hbm>> -> memref<8x128xf32, #tpu.memory_space<hbm>>
      %dma_start3A_12 = arith.constant 0 : i32
      %dma_start3A_13 = tpu.memref_slice %arg8[%mul3A_7, %dma_start3A_12] : memref<128x128xf32, #tpu.memory_space<vmem_shared>> -> memref<8x128xf32, #tpu.memory_space<vmem_shared>>
      tpu.enqueue_dma source(%dma_start3A_13 : memref<8x128xf32, #tpu.memory_space<vmem_shared>>) target(%dma_start3A : memref<8x128xf32, #tpu.memory_space<hbm>>) target_semaphore(%run_scoped3A : memref<!tpu.dma_semaphore, #tpu.memory_space<semaphore_mem>>)
      %dma_wait3A = tpu.memref_slice %arg5[%mul3A_9, %mul3A_11] : memref<128x256xf32, #tpu.memory_space<hbm>> -> memref<8x128xf32, #tpu.memory_space<hbm>>
      %dma_wait3A_14 = arith.constant 0 : i32
      %dma_wait3A_15 = tpu.memref_slice %arg8[%mul3A_7, %dma_wait3A_14] : memref<128x128xf32, #tpu.memory_space<vmem_shared>> -> memref<8x128xf32, #tpu.memory_space<vmem_shared>>
      tpu.wait_dma2 semaphore(%run_scoped3A : memref<!tpu.dma_semaphore, #tpu.memory_space<semaphore_mem>>) src(%dma_wait3A_15 : memref<8x128xf32, #tpu.memory_space<vmem_shared>>) dst(%dma_wait3A : memref<8x128xf32, #tpu.memory_space<hbm>>)
      tpu.yield
    }) : () -> ()
    return
  }
}

module attributes {stable_mosaic.version = 14 : i64} {
  func.func @_mm_body(%arg0: i32, %arg1: i32, %arg2: memref<256x256xf32, #tpu.memory_space<vmem>>, %arg3: memref<256x512xf32, #tpu.memory_space<vmem>>, %arg4: memref<256x512xf32, #tpu.memory_space<vmem>>) attributes {dimension_semantics = [#tpu.dimension_semantics<arbitrary>, #tpu.dimension_semantics<arbitrary>], iteration_bounds = array<i64: 40, 10>, scalar_prefetch = 0 : i64, scratch_operands = 0 : i64, tpu.core_type = #tpu.core_type<tc>, window_params = [{transform_indices = @transform_0, window_bounds = array<i64: 256, 256>}, {transform_indices = @transform_1, window_bounds = array<i64: 256, 512>}, {transform_indices = @transform_2, window_bounds = array<i64: 256, 512>}]} {
    %get3A = arith.constant 0 : index
    %get3A_0 = arith.constant 0 : index
    %get3A_1 = vector.load %arg2[%get3A, %get3A_0] : memref<256x256xf32, #tpu.memory_space<vmem>>, vector<256x256xf32>
    %get3A_2 = arith.constant 0 : index
    %get3A_3 = arith.constant 0 : index
    %get3A_4 = vector.load %arg3[%get3A_2, %get3A_3] : memref<256x512xf32, #tpu.memory_space<vmem>>, vector<256x512xf32>
    %dot_general3A = arith.constant dense<0.000000e+00> : vector<256x512xf32>
    %dot_general3A_5 = tpu.matmul %get3A_1, %get3A_4, %dot_general3A {dimension_numbers = #tpu.dot_dimension_numbers<[1], [0], [0], [1], [0, 0, 1, 1], [], []>, transpose_lhs_hint = false} : vector<256x256xf32>, vector<256x512xf32>, vector<256x512xf32> -> vector<256x512xf32>
    %swap3A = arith.constant 0 : index
    %swap3A_6 = arith.constant 0 : index
    %swap3A_7 = vector.load %arg4[%swap3A, %swap3A_6] : memref<256x512xf32, #tpu.memory_space<vmem>>, vector<256x512xf32>
    tpu.vector_store %arg4[%swap3A, %swap3A_6], %dot_general3A_5 {strides = array<i32>} : memref<256x512xf32, #tpu.memory_space<vmem>>, vector<256x512xf32>,
    return
  }
  func.func @transform_0(%arg0: i32, %arg1: i32) -> (i32, i32) {
    %c0_i32 = arith.constant 0 : i32
    %c0_i32_0 = arith.constant 0 : i32
    return %arg0, %c0_i32 : i32, i32
  }
  func.func @transform_1(%arg0: i32, %arg1: i32) -> (i32, i32) {
    %c0_i32 = arith.constant 0 : i32
    %c0_i32_0 = arith.constant 0 : i32
    return %c0_i32, %arg1 : i32, i32
  }
  func.func @transform_2(%arg0: i32, %arg1: i32) -> (i32, i32) {
    %c0_i32 = arith.constant 0 : i32
    return %arg0, %arg1 : i32, i32
  }
}

module attributes {stable_mosaic.version = 14 : i64} {
  func.func @_mm_body(%arg0: i32, %arg1: i32, %arg2: memref<256x256xf32, #tpu.memory_space<vmem>>, %arg3: memref<256x256xf32, #tpu.memory_space<vmem>>, %arg4: memref<256x256xf32, #tpu.memory_space<vmem>>) attributes {dimension_semantics = [#tpu.dimension_semantics<arbitrary>, #tpu.dimension_semantics<arbitrary>], iteration_bounds = array<i64: 40, 1>, scalar_prefetch = 0 : i64, scratch_operands = 0 : i64, tpu.core_type = #tpu.core_type<tc>, window_params = [{transform_indices = @transform_0, window_bounds = array<i64: 256, 256>}, {transform_indices = @transform_1, window_bounds = array<i64: 256, 256>}, {transform_indices = @transform_2, window_bounds = array<i64: 256, 256>}]} {
    %get3A = arith.constant 0 : index
    %get3A_0 = arith.constant 0 : index
    %get3A_1 = vector.load %arg2[%get3A, %get3A_0] : memref<256x256xf32, #tpu.memory_space<vmem>>, vector<256x256xf32>
    %get3A_2 = arith.constant 0 : index
    %get3A_3 = arith.constant 0 : index
    %get3A_4 = vector.load %arg3[%get3A_2, %get3A_3] : memref<256x256xf32, #tpu.memory_space<vmem>>, vector<256x256xf32>
    %dot_general3A = arith.constant dense<0.000000e+00> : vector<256x256xf32>
    %dot_general3A_5 = tpu.matmul %get3A_1, %get3A_4, %dot_general3A {dimension_numbers = #tpu.dot_dimension_numbers<[1], [0], [0], [1], [0, 0, 1, 1], [], []>, transpose_lhs_hint = false} : vector<256x256xf32>, vector<256x256xf32>, vector<256x256xf32> -> vector<256x256xf32>
    %swap3A = arith.constant 0 : index
    %swap3A_6 = arith.constant 0 : index
    %swap3A_7 = vector.load %arg4[%swap3A, %swap3A_6] : memref<256x256xf32, #tpu.memory_space<vmem>>, vector<256x256xf32>
    tpu.vector_store %arg4[%swap3A, %swap3A_6], %dot_general3A_5 {strides = array<i32>} : memref<256x256xf32, #tpu.memory_space<vmem>>, vector<256x256xf32>,
    return
  }
  func.func @transform_0(%arg0: i32, %arg1: i32) -> (i32, i32) {
    %c0_i32 = arith.constant 0 : i32
    %c0_i32_0 = arith.constant 0 : i32
    return %arg0, %c0_i32 : i32, i32
  }
  func.func @transform_1(%arg0: i32, %arg1: i32) -> (i32, i32) {
    %c0_i32 = arith.constant 0 : i32
    %c0_i32_0 = arith.constant 0 : i32
    return %c0_i32, %arg1 : i32, i32
  }
  func.func @transform_2(%arg0: i32, %arg1: i32) -> (i32, i32) {
    %c0_i32 = arith.constant 0 : i32
    return %arg0, %arg1 : i32, i32
  }
}

module attributes {stable_mosaic.version = 14 : i64} {
  func.func @_mm_body(%arg0: i32, %arg1: i32, %arg2: memref<256x256xf32, #tpu.memory_space<vmem>>, %arg3: memref<256x512xf32, #tpu.memory_space<vmem>>, %arg4: memref<256x512xf32, #tpu.memory_space<vmem>>) attributes {dimension_semantics = [#tpu.dimension_semantics<arbitrary>, #tpu.dimension_semantics<arbitrary>], iteration_bounds = array<i64: 40, 2>, scalar_prefetch = 0 : i64, scratch_operands = 0 : i64, tpu.core_type = #tpu.core_type<tc>, window_params = [{transform_indices = @transform_0, window_bounds = array<i64: 256, 256>}, {transform_indices = @transform_1, window_bounds = array<i64: 256, 512>}, {transform_indices = @transform_2, window_bounds = array<i64: 256, 512>}]} {
    %get3A = arith.constant 0 : index
    %get3A_0 = arith.constant 0 : index
    %get3A_1 = vector.load %arg2[%get3A, %get3A_0] : memref<256x256xf32, #tpu.memory_space<vmem>>, vector<256x256xf32>
    %get3A_2 = arith.constant 0 : index
    %get3A_3 = arith.constant 0 : index
    %get3A_4 = vector.load %arg3[%get3A_2, %get3A_3] : memref<256x512xf32, #tpu.memory_space<vmem>>, vector<256x512xf32>
    %dot_general3A = arith.constant dense<0.000000e+00> : vector<256x512xf32>
    %dot_general3A_5 = tpu.matmul %get3A_1, %get3A_4, %dot_general3A {dimension_numbers = #tpu.dot_dimension_numbers<[1], [0], [0], [1], [0, 0, 1, 1], [], []>, transpose_lhs_hint = false} : vector<256x256xf32>, vector<256x512xf32>, vector<256x512xf32> -> vector<256x512xf32>
    %swap3A = arith.constant 0 : index
    %swap3A_6 = arith.constant 0 : index
    %swap3A_7 = vector.load %arg4[%swap3A, %swap3A_6] : memref<256x512xf32, #tpu.memory_space<vmem>>, vector<256x512xf32>
    tpu.vector_store %arg4[%swap3A, %swap3A_6], %dot_general3A_5 {strides = array<i32>} : memref<256x512xf32, #tpu.memory_space<vmem>>, vector<256x512xf32>,
    return
  }
  func.func @transform_0(%arg0: i32, %arg1: i32) -> (i32, i32) {
    %c0_i32 = arith.constant 0 : i32
    %c0_i32_0 = arith.constant 0 : i32
    return %arg0, %c0_i32 : i32, i32
  }
  func.func @transform_1(%arg0: i32, %arg1: i32) -> (i32, i32) {
    %c0_i32 = arith.constant 0 : i32
    %c0_i32_0 = arith.constant 0 : i32
    return %c0_i32, %arg1 : i32, i32
  }
  func.func @transform_2(%arg0: i32, %arg1: i32) -> (i32, i32) {
    %c0_i32 = arith.constant 0 : i32
    return %arg0, %arg1 : i32, i32
  }
}

module attributes {stable_mosaic.version = 14 : i64} {
  func.func @_mm_body(%arg0: i32, %arg1: i32, %arg2: memref<256x256xf32, #tpu.memory_space<vmem>>, %arg3: memref<256x1xf32, #tpu.memory_space<vmem>>, %arg4: memref<256x1xf32, #tpu.memory_space<vmem>>) attributes {dimension_semantics = [#tpu.dimension_semantics<arbitrary>, #tpu.dimension_semantics<arbitrary>], iteration_bounds = array<i64: 40, 1>, scalar_prefetch = 0 : i64, scratch_operands = 0 : i64, tpu.core_type = #tpu.core_type<tc>, window_params = [{transform_indices = @transform_0, window_bounds = array<i64: 256, 256>}, {transform_indices = @transform_1, window_bounds = array<i64: 256, 1>}, {transform_indices = @transform_2, window_bounds = array<i64: 256, 1>}]} {
    %get3A = arith.constant 0 : index
    %get3A_0 = arith.constant 0 : index
    %get3A_1 = vector.load %arg2[%get3A, %get3A_0] : memref<256x256xf32, #tpu.memory_space<vmem>>, vector<256x256xf32>
    %get3A_2 = arith.constant 0 : index
    %get3A_3 = arith.constant 0 : index
    %get3A_4 = vector.load %arg3[%get3A_2, %get3A_3] : memref<256x1xf32, #tpu.memory_space<vmem>>, vector<256x1xf32>
    %dot_general3A = arith.constant dense<0.000000e+00> : vector<256x1xf32>
    %dot_general3A_5 = tpu.matmul %get3A_1, %get3A_4, %dot_general3A {dimension_numbers = #tpu.dot_dimension_numbers<[1], [0], [0], [1], [0, 0, 1, 1], [], []>, transpose_lhs_hint = false} : vector<256x256xf32>, vector<256x1xf32>, vector<256x1xf32> -> vector<256x1xf32>
    %swap3A = arith.constant 0 : index
    %swap3A_6 = arith.constant 0 : index
    %swap3A_7 = vector.load %arg4[%swap3A, %swap3A_6] : memref<256x1xf32, #tpu.memory_space<vmem>>, vector<256x1xf32>
    tpu.vector_store %arg4[%swap3A, %swap3A_6], %dot_general3A_5 {strides = array<i32>} : memref<256x1xf32, #tpu.memory_space<vmem>>, vector<256x1xf32>,
    return
  }
  func.func @transform_0(%arg0: i32, %arg1: i32) -> (i32, i32) {
    %c0_i32 = arith.constant 0 : i32
    %c0_i32_0 = arith.constant 0 : i32
    return %arg0, %c0_i32 : i32, i32
  }
  func.func @transform_1(%arg0: i32, %arg1: i32) -> (i32, i32) {
    %c0_i32 = arith.constant 0 : i32
    %c0_i32_0 = arith.constant 0 : i32
    return %c0_i32, %arg1 : i32, i32
  }
  func.func @transform_2(%arg0: i32, %arg1: i32) -> (i32, i32) {
    %c0_i32 = arith.constant 0 : i32
    return %arg0, %arg1 : i32, i32
  }
}

module attributes {stable_mosaic.version = 14 : i64} {
  func.func @_mm_body(%arg0: i32, %arg1: i32, %arg2: memref<16x256xf32, #tpu.memory_space<vmem>>, %arg3: memref<256x256xf32, #tpu.memory_space<vmem>>, %arg4: memref<16x256xf32, #tpu.memory_space<vmem>>) attributes {dimension_semantics = [#tpu.dimension_semantics<arbitrary>, #tpu.dimension_semantics<arbitrary>], iteration_bounds = array<i64: 1, 1>, scalar_prefetch = 0 : i64, scratch_operands = 0 : i64, tpu.core_type = #tpu.core_type<tc>, window_params = [{transform_indices = @transform_0, window_bounds = array<i64: 16, 256>}, {transform_indices = @transform_1, window_bounds = array<i64: 256, 256>}, {transform_indices = @transform_2, window_bounds = array<i64: 16, 256>}]} {
    %get3A = arith.constant 0 : index
    %get3A_0 = arith.constant 0 : index
    %get3A_1 = vector.load %arg2[%get3A, %get3A_0] : memref<16x256xf32, #tpu.memory_space<vmem>>, vector<16x256xf32>
    %get3A_2 = arith.constant 0 : index
    %get3A_3 = arith.constant 0 : index
    %get3A_4 = vector.load %arg3[%get3A_2, %get3A_3] : memref<256x256xf32, #tpu.memory_space<vmem>>, vector<256x256xf32>
    %dot_general3A = arith.constant dense<0.000000e+00> : vector<16x256xf32>
    %dot_general3A_5 = tpu.matmul %get3A_1, %get3A_4, %dot_general3A {dimension_numbers = #tpu.dot_dimension_numbers<[1], [0], [0], [1], [0, 0, 1, 1], [], []>, transpose_lhs_hint = false} : vector<16x256xf32>, vector<256x256xf32>, vector<16x256xf32> -> vector<16x256xf32>
    %swap3A = arith.constant 0 : index
    %swap3A_6 = arith.constant 0 : index
    %swap3A_7 = vector.load %arg4[%swap3A, %swap3A_6] : memref<16x256xf32, #tpu.memory_space<vmem>>, vector<16x256xf32>
    tpu.vector_store %arg4[%swap3A, %swap3A_6], %dot_general3A_5 {strides = array<i32>} : memref<16x256xf32, #tpu.memory_space<vmem>>, vector<16x256xf32>,
    return
  }
  func.func @transform_0(%arg0: i32, %arg1: i32) -> (i32, i32) {
    %c0_i32 = arith.constant 0 : i32
    %c0_i32_0 = arith.constant 0 : i32
    return %arg0, %c0_i32 : i32, i32
  }
  func.func @transform_1(%arg0: i32, %arg1: i32) -> (i32, i32) {
    %c0_i32 = arith.constant 0 : i32
    %c0_i32_0 = arith.constant 0 : i32
    return %c0_i32, %arg1 : i32, i32
  }
  func.func @transform_2(%arg0: i32, %arg1: i32) -> (i32, i32) {
    %c0_i32 = arith.constant 0 : i32
    return %arg0, %arg1 : i32, i32
  }
}

module attributes {stable_mosaic.version = 14 : i64} {
  func.func @_mm_body(%arg0: i32, %arg1: i32, %arg2: memref<16x512xf32, #tpu.memory_space<vmem>>, %arg3: memref<512x128xf32, #tpu.memory_space<vmem>>, %arg4: memref<16x128xf32, #tpu.memory_space<vmem>>) attributes {dimension_semantics = [#tpu.dimension_semantics<arbitrary>, #tpu.dimension_semantics<arbitrary>], iteration_bounds = array<i64: 1, 1>, scalar_prefetch = 0 : i64, scratch_operands = 0 : i64, tpu.core_type = #tpu.core_type<tc>, window_params = [{transform_indices = @transform_0, window_bounds = array<i64: 16, 512>}, {transform_indices = @transform_1, window_bounds = array<i64: 512, 128>}, {transform_indices = @transform_2, window_bounds = array<i64: 16, 128>}]} {
    %get3A = arith.constant 0 : index
    %get3A_0 = arith.constant 0 : index
    %get3A_1 = vector.load %arg2[%get3A, %get3A_0] : memref<16x512xf32, #tpu.memory_space<vmem>>, vector<16x512xf32>
    %get3A_2 = arith.constant 0 : index
    %get3A_3 = arith.constant 0 : index
    %get3A_4 = vector.load %arg3[%get3A_2, %get3A_3] : memref<512x128xf32, #tpu.memory_space<vmem>>, vector<512x128xf32>
    %dot_general3A = arith.constant dense<0.000000e+00> : vector<16x128xf32>
    %dot_general3A_5 = tpu.matmul %get3A_1, %get3A_4, %dot_general3A {dimension_numbers = #tpu.dot_dimension_numbers<[1], [0], [0], [1], [0, 0, 1, 1], [], []>, transpose_lhs_hint = false} : vector<16x512xf32>, vector<512x128xf32>, vector<16x128xf32> -> vector<16x128xf32>
    %swap3A = arith.constant 0 : index
    %swap3A_6 = arith.constant 0 : index
    %swap3A_7 = vector.load %arg4[%swap3A, %swap3A_6] : memref<16x128xf32, #tpu.memory_space<vmem>>, vector<16x128xf32>
    tpu.vector_store %arg4[%swap3A, %swap3A_6], %dot_general3A_5 {strides = array<i32>} : memref<16x128xf32, #tpu.memory_space<vmem>>, vector<16x128xf32>,
    return
  }
  func.func @transform_0(%arg0: i32, %arg1: i32) -> (i32, i32) {
    %c0_i32 = arith.constant 0 : i32
    %c0_i32_0 = arith.constant 0 : i32
    return %arg0, %c0_i32 : i32, i32
  }
  func.func @transform_1(%arg0: i32, %arg1: i32) -> (i32, i32) {
    %c0_i32 = arith.constant 0 : i32
    %c0_i32_0 = arith.constant 0 : i32
    return %c0_i32, %arg1 : i32, i32
  }
  func.func @transform_2(%arg0: i32, %arg1: i32) -> (i32, i32) {
    %c0_i32 = arith.constant 0 : i32
    return %arg0, %arg1 : i32, i32
  }
}

</mosaic_0001>

<sc_bundles>
// kernel: kernel.23.cloned.1.call-start
scs
__scs_entry_jumppad:
0x0: {  	(pc) =	sbr.rel $0x88, $3  }
0x1: {  	(tag) =	ssettag $0x0;
	lr =	simm.s32 $0x1  }
0x2: {  	[smem:$0x3F81] =	sst lr;
	_ =	strace $0xD0000000  }
0x3: {  	_ = 	snop  }
0x4: {  	_ = 	snop  }
0x5: {  	_ = 	snop  }
0x6: {  	_ = 	snop  }
0x7: {  	_ = 	snop  }
__scs_overlays_trampoline_lowered:
0x8: {  	[smem:$0x3F90] =	sst s0  }
0x9: {  	[smem:$0x3F91] =	sst s1  }
0xa: {  	[smem:$0x3F92] =	sst s2  }
0xb: {  	[smem:$0x3F93] =	sst s3  }
0xc: {  	[smem:$0x3F94] =	sst s4  }
0xd: {  	[smem:$0x3F95] =	sst s5  }
0xe: {  	[smem:$0x3F96] =	sst s6  }
0xf: {  	[smem:$0x3F97] =	sst s7  }
0x10: {  	[smem:$0x3F98] =	sst s8  }
0x11: {  	[smem:$0x3F99] =	sst s9;
	s0 =	simm.s32 @!p0 $0x0  }
0x12: {  	s1 =	sld [smem:$0x3F7F];
	s0 =	simm.s32 @p0 $0x1  }
0x13: {  	[smem:$0x3F9A] =	sst s0;
	s0 =	simm.s32 @!p1 $0x0  }
0x14: {  	s2 =	sld [smem:$0x3F7E];
	s0 =	simm.s32 @p1 $0x1  }
0x15: {  	[smem:$0x3F9B] =	sst s0;
	s0 =	simm.s32 @!p2 $0x0  }
0x16: {  	s3 =	sld [smem:$0x3FDB];
	s0 =	simm.s32 @p2 $0x1  }
0x17: {  	s4 =	simm.s32 $0x1BF5;
	[smem:$0x3F9D] =	sst s0  }
0x18: {  	s0 =	sld [smem:$0x3F80];
	_ =	swait.ge [sflag:s4], $0x0  }
0x19: {  	s7 =	sld [smem:$0x3F81]  }
0x1a: {  	s8 =	sadd.s32 $0xFFFFE003, lr  }
0x1b: {  	s9 =	sadd.s32 $0xFFFFFEF7, lr;
	s5 =	simm.s32 $0xFFFFFFFF;
	p2 =	slt.u32 s8, $0xFFFFF086  }
0x1c: {  	p1 =	slt.u32 s9, $0xF7A;
	s5 =	simm.s32 @!p2 $0x0  }
0x1d: {  	s5 =	simm.s32 @p1 $0x1;
	p0 =	seq.s32 s7, s2  }
0x1e: {  	s7 =	smul.u32 @!p0 $0xF7A, s2;
	p2 =	seq.s32 @!p0 s5, $0x0  }
0x1f: {  	s9 =	smul.u32 $0xF7A, s1;
	s8 =	simm.s32 @!p0 $0x1BF5;
	p2 =	por !p2, p0  }
0x20: {  	[sflag:s8] =	ssyncset.s32 @!p0 $0xFFFFF086;
	s6 =	sadd.s32 @!p0 s3, s7;
	s7 =	simm.s32 @!p0 $0x108  }
0x21: {  	s3 =	sadd.s32 s3, s9;
	s6 =	sadd.s32 @!p0 $0x88, s6;
	s7 =	simm.s32 @p2 $0x1082  }
0x22: {  	[simem:s7], [sflag:s8] =	dma.local @!p0 [hbm:s6], $0xF7A  }
0x23: {  	s9 =	sor.u32 $0xD0000000, s2;
	s6 =	simm.s32 $0x108;
	_ =	swait.ge @!p0 [sflag:s8], $0x0  }
0x24: {  	s3 =	sadd.s32 $0x88, s3;
	s6 =	simm.s32 @!p1 $0x1082;
	[sflag:s4] =	ssyncset.s32 $0xFFFFF086  }
0x25: {  	[simem:s6], [sflag:s4] =	dma.local [hbm:s3], $0xF7A  }
0x26: {  	[smem:$0x3F81] =	sst s1;
	(tag) =	ssettag s2;
	_ =	strace s9  }
0x27: {  	s1 =	sld [smem:$0x3F91]  }
0x28: {  	s2 =	sld [smem:$0x3F92]  }
0x29: {  	s4 =	sld [smem:$0x3F94]  }
0x2a: {  	p0 =	seq.s32 s5, $0x0;
	s5 =	sld [smem:$0x3F95]  }
0x2b: {  	s6 =	sld [smem:$0x3F96]  }
0x2c: {  	s7 =	sld [smem:$0x3F97]  }
0x2d: {  	s3 =	simm.s32 $0x108;
	s8 =	sld [smem:$0x3F98]  }
0x2e: {  	s3 =	simm.s32 @!p0 $0x1082;
	s9 =	sld [smem:$0x3F99]  }
0x2f: {  	lr =	sadd.s32 s0, s3;
	s0 =	sld [smem:$0x3F90]  }
0x30: {  	s3 =	sld [smem:$0x3F93]  }
0x31: {  	[smem:$0x3F9C] =	sst s10  }
0x32: {  	s10 =	sld [smem:$0x3F9A];
	_ =	sdelay $0x3  }
0x33: {  	p0 =	seq.s32 s10, $0x1;
	s10 =	sld [smem:$0x3F9C];
	_ =	sdelay $0x3  }
0x34: {  	[smem:$0x3F9C] =	sst s10  }
0x35: {  	s10 =	sld [smem:$0x3F9B];
	_ =	sdelay $0x3  }
0x36: {  	p1 =	seq.s32 s10, $0x1;
	s10 =	sld [smem:$0x3F9C];
	_ =	sdelay $0x3  }
0x37: {  	[smem:$0x3F9C] =	sst s10  }
0x38: {  	s10 =	sld [smem:$0x3F9D]  }
0x39: {  	_ = 	snop;
	(pc) =	sbr.ind lr, $3  }
0x3a: {  	_ = 	snop  }
0x3b: {  	_ = 	snop  }
0x3c: {  	p2 =	seq.s32 s10, $0x1;
	s10 =	sld [smem:$0x3F9C]  }
0x3d: {  	_ =	shalt  }
0x3e: {  	_ =	shalt  }
0x3f: {  	_ =	shalt  }
0x40: {  	_ =	shalt  }
0x41: {  	_ =	shalt  }
0x42: {  	_ =	shalt  }
0x43: {  	_ =	shalt  }
0x44: {  	_ =	shalt  }
0x45: {  	_ =	shalt  }
0x46: {  	_ =	shalt  }
0x47: {  	_ =	shalt  }
0x48: {  	_ =	shalt  }
0x49: {  	_ =	shalt  }
0x4a: {  	_ =	shalt  }
0x4b: {  	_ =	shalt  }
0x4c: {  	_ =	shalt  }
0x4d: {  	_ =	shalt  }
0x4e: {  	_ =	shalt  }
0x4f: {  	_ =	shalt  }
0x50: {  	_ =	shalt  }
0x51: {  	_ =	shalt  }
0x52: {  	_ =	shalt  }
0x53: {  	_ =	shalt  }
0x54: {  	_ =	shalt  }
0x55: {  	_ =	shalt  }
0x56: {  	_ =	shalt  }
0x57: {  	_ =	shalt  }
0x58: {  	_ =	shalt  }
0x59: {  	_ =	shalt  }
0x5a: {  	_ =	shalt  }
0x5b: {  	_ =	shalt  }
0x5c: {  	_ =	shalt  }
0x5d: {  	_ =	shalt  }
0x5e: {  	_ =	shalt  }
0x5f: {  	_ =	shalt  }
0x60: {  	_ =	shalt  }
0x61: {  	_ =	shalt  }
0x62: {  	_ =	shalt  }
0x63: {  	_ =	shalt  }
0x64: {  	_ =	shalt  }
0x65: {  	_ =	shalt  }
0x66: {  	_ =	shalt  }
0x67: {  	_ =	shalt  }
0x68: {  	_ =	shalt  }
0x69: {  	_ =	shalt  }
0x6a: {  	_ =	shalt  }
0x6b: {  	_ =	shalt  }
0x6c: {  	_ =	shalt  }
0x6d: {  	_ =	shalt  }
0x6e: {  	_ =	shalt  }
0x6f: {  	_ =	shalt  }
0x70: {  	_ =	shalt  }
0x71: {  	_ =	shalt  }
0x72: {  	_ =	shalt  }
0x73: {  	_ =	shalt  }
0x74: {  	_ =	shalt  }
0x75: {  	_ =	shalt  }
0x76: {  	_ =	shalt  }
0x77: {  	_ =	shalt  }
0x78: {  	_ =	shalt  }
0x79: {  	_ =	shalt  }
0x7a: {  	_ =	shalt  }
0x7b: {  	_ =	shalt  }
0x7c: {  	_ =	shalt  }
0x7d: {  	_ =	shalt  }
0x7e: {  	_ =	shalt  }
0x7f: {  	_ =	shalt  }
0x80: {  	_ =	shalt  }
0x81: {  	_ =	shalt  }
0x82: {  	_ =	shalt  }
0x83: {  	_ =	shalt  }
0x84: {  	_ =	shalt  }
0x85: {  	_ =	shalt  }
0x86: {  	_ =	shalt  }
0x87: {  	_ =	shalt  }
.Lfunc_end0:
.L_simem_size_0:
called_computation_lowered:
.L_overlay_start_0:
0x88: {  	s2 =	sld [smem:$0x3FD9]  }
0x89: {  	s3 =	sld [smem:$0x3FFE];
	_ =	sdelay $0x1  }
0x8a: {  	s1 =	srdreg.scid  }
0x8b: {  	s0 =	sand.u32 $0x1, s1  }
0x8c: {  	s16 =	sshll.u32 s0, $0xA;
	s2 =	sadd.s32 s3, s2  }
0x8d: {  	s2 =	sadd.s32 s2, s16  }
0x8e: {  	[smem:$0x3FA8] =	sst s2  }
0x8f: {  	_ = 	snop  }
0x90: {  	(tm) =	ssettm $0x1  }
0x91: {  	s17 =	sld [smem:$0x3FFB];
	_ =	sdelay $0x3  }
0x92: {  	_ =	strace s17  }
0x93: {  	s2 =	sld [smem:$0x3FFC];
	_ =	sdelay $0x3  }
0x94: {  	_ =	strace s2  }
0x95: {  	s2 =	sld [smem:$0x3FFD];
	_ =	sdelay $0x3  }
0x96: {  	_ =	strace s2  }
0x97: {  	_ =	strace $0x8FFFFFFF  }
0x98: {  	s18 =	sld [smem:$0x3FDB];
	_ =	sdelay $0x1  }
0x99: {  	s19 =	simm.s32 $_scs_section_size  }
0x9a: {  	s4 =	simm.s32 $_size__tile_overlayer_lowered;
	s5 =	simm.s32 $_tile_overlayer_lowered  }
0x9b: {  	s22 =	simm.s32 $0x1BFF;
	s21 =	sshll.u32 s5, $0x1;
	s2 =	sadd.s32 s19, s18  }
0x9c: {  	s6 =	simm.s32 $0x0;
	s20 =	sshll.u32 s4, $0x1;
	s4 =	sadd.s32 s21, s2  }
0x9d: {  	[timem:s6], [sflag:s22] =	dma.local [hbm:s4], s20  }
0x9e: {  	_ =	swait.ge [sflag:s22], s20  }
0x9f: {  	s3 =	ssub.s32 $0x0, s20;
	[sflag:s22] =	ssyncset.done $0x0  }
0xa0: {  	[sflag:s22] =	ssyncadd.s32 s3;
	_ =	sdelay $0x1  }
0xa1: {  	s23 =	simm.s32 $0x1B8B  }
0xa2: {  	_ =	swait.ge [sflag:s23], $0x1  }
0xa3: {  	[sflag:s23] =	ssyncset.done $0x0  }
0xa4: {  	s25 =	simm.s32 $0x1B8E;
	s24 =	sld [smem:$0x3FFE];
	[sflag:s23] =	ssyncadd.s32 $0xFFFFFFFF  }
0xa5: {  	s26 =	simm.s32 $execute0_lowered;
	[smem:$0x3FD2] =	sst s25  }
0xa6: {  	s4 =	sshll.u32 s26, $0x1;
	_ =	strace $0x80000046;
	[dreg:$0x1] =	wrdreg $0xFFFFFFFF  }
0xa7: {  	s28 =	simm.s32 $_size_execute0_lowered;
	s2 =	sadd.s32 s2, s4;
	[dreg:$0x0] =	wrdreg $0x0  }
0xa8: {  	s4 =	sshll.u32 s28, $0x1;
	[dreg:$0x2] =	wrdreg s2  }
0xa9: {  	[dreg:$0x3] =	wrdreg s4  }
0xaa: {  	[dreg:$0x4] =	wrdreg $0xC0  }
0xab: {  	_ =	task [dreg:s6], $0x5FFFF  }
0xac: {  	[dreg:$0x1] =	wrdreg $0xFFFFFFFF  }
0xad: {  	[dreg:$0x0] =	wrdreg $0x60  }
0xae: {  	[dreg:$0x2] =	wrdreg s24  }
0xaf: {  	[dreg:$0x3] =	wrdreg $0x54000  }
0xb0: {  	[dreg:$0x4] =	wrdreg $0x9  }
0xb1: {  	_ =	task.clear_ibuf [dreg:s6], $0x5FFFF;
	_ =	strace $0x90000046  }
0xb2: {  	s29 =	simm.s32 $0x9;
	_ =	strace $0x80000048  }
0xb3: {  	_ =	swait.ge [sflag:s29], $0x1  }
0xb4: {  	[sflag:s29] =	ssyncadd.s32 $0xFFFFFFFF  }
0xb5: {  	_ =	strace $0x90000048  }
0xb6: {  	_ =	sfence  }
0xb7: {  	s30 =	sld [smem:$0x0];
	_ =	sdelay $0x2  }
0xb8: {  	s31 =	sshll.u32 s1, $0xD;
	s1 =	sshrl.u32 s1, $0x2  }
0xb9: {  	s3 =	sand.u32 $0x4000, s31;
	s1 =	sadd.s32 s1, s30  }
0xba: {  	s0 =	sor.u32 s3, s0;
	s1 =	sshll.u32 s1, $0x11  }
0xbb: {  	s0 =	sor.u32 s1, s0  }
0xbc: {  	s0 =	sadd.s32 $0x8F2B, s0  }
0xbd: {  	[sflag:s0] =	ssyncadd.remote.s32 $0x1  }
0xbe: {  	_ =	sfence.sel $0xFFFF  }
0xbf: {  	[dreg:$0x0] =	wrdreg $0xFFFFFFFF;
	(pc) =	sbr.abs _section_cstart, $3  }
0xc0: {  	[dreg:$0x1] =	wrdreg $0xFFFFFFFF  }
0xc1: {  	_ =	task.clear_ibuf [dreg:s6], $0x2FFFF;
	_ =	strace $0x9FFFFFFF  }
0xc2: {  	(tm) =	ssettm $0x7FFFFFFF  }
0xc3: {  	_ =	shalt  }
tec
execute0_lowered:
.L_overlay_start_1:
0x0: {  	(tag) =	ssettag $0x1  }
0x1: {  	s0 =	stileid.u32;
	s1 =	srdreg.scid  }
0x2: {  	s6 =	rddreg [dreg:$0x0];
	s4 =	smul.u32 $0x28000, s0  }
0x3: {  	s2 =	rddreg [dreg:$0x1];
	s3 =	simm.s32 $0x0;
	s9 =	smul.u32 $0x13C00, s0  }
0x4: {  	s14 =	simm.s32 $0x0;
	s5 =	sand.u32 $0x1, s1;
	s12 =	smul.u32 $0x4F000, s0  }
0x5: {  	s24 =	sshll.u32 s0, $0x1;
	[smem:$0x7FF] =	sst s3;
	s8 =	smul.u32 $0x13C000, s5  }
0x6: {  	s29 =	sshll.u32 s0, $0x6;
	s1 =	sor.u32 s5, s24;
	s30 =	smul.u32 $0x14000, s5  }
0x7: {  	s26 =	ssub.s32 $0x2, s5;
	s5 =	sor.u32 $0x1C01, s29;
	s7 =	smul.u32 $0x280, s1  }
0x8: {  	s1 =	rddreg [dreg:$0x2];
	_ =	strace $0x80000047;
	s10 =	sadd.s32 s4, s6  }
0x9: {  	s11 =	sshrl.u32 s26, $0x1;
	s4 =	sadd.s32 $0x2A6A00, s6;
	s28 =	sshrl.u32 s12, $0x2  }
0xa: {  	s12 =	simm.s32 $0x1400;
	s25 =	sadd.s32 s9, s8;
	s8 =	ssub.s32 s26, s11  }
0xb: {  	s13 =	sadd.s32 s28, s2;
	s31 =	sadd.s32 s30, s10;
	s11 =	simm.s32 $0x1  }
0xc: {  	s7 =	sadd.s32 s7, s6;
	s9 =	sshrl.u32 s25, $0x3;
	s8 =	smax.u32 s8, $0x1  }
0xd: {  	s10 =	sshrl.u32 s13, $0x3;
	s9 =	sadd.s32 s9, s6;
	s6 =	sadd.s32 $0x2A1A00, s7  }
0xe: {  	s13 =	simm.s32 $0x80;
	s7 =	sadd.s32 $0x2A9200, s9;
	s9 =	sadd.s32 $0x21A00, s31  }
.LBB2_1:
0xf: {  	[spmem:s10], [sflag:s5] =	dma.local [hbm:s4], $0x2780  }
0x10: {  	_ =	swait.ge [sflag:s11], $0x2780  }
0x11: {  	[sflag:s11] =	ssyncset.done $0x0  }
0x12: {  	[sflag:s11] =	ssyncadd.s32 $0xFFFFD880  }
0x13: {  	[tilespmem:s3], [sflag:$0x1] =	stream.linear.gather [hbm4b:s6+s3], $0x1400, $0x38;
	[tilespmem:$0x19000] =	vst v63  }
0x14: {  	_ =	swait.ge [sflag:s11], $0x1400  }
0x15: {  	[sflag:s11] =	ssyncset.done $0x0  }
0x16: {  	[sflag:s11] =	ssyncadd.s32 $0xFFFFEC00  }
0x17: {  	[bflag:$0x0] =	sbarrier.arrive $0xFFFF  }
0x18: {  	[tilespmem:s12], [sflag:$0x1] =	stream.linear.gather [hbm4b:s9+s3], $0x4000, $0x38;
	[tilespmem:$0x19000] =	vst v63  }
0x19: {  	_ =	swait.ge [sflag:s11], $0x4000  }
0x1a: {  	[sflag:s11] =	ssyncset.done $0x0  }
0x1b: {  	s15 =	simm.s32 $0x0;
	[sflag:s11] =	ssyncadd.s32 $0xFFFFC000  }
0x1c: {  	[spmem:s2] =	stream.indirect.scatter.add.f32 [tilespmem:s12], [sflag:$0x1], $0x80, s15, s13, $0xb8;
	[tilespmem:$0x19000] =	vst v63  }
0x1d: {  	_ =	swait.ge [sflag:s11], $0x4000  }
0x1e: {  	s16 =	smov.u32 s9;
	s15 =	simm.s32 $0x200;
	[sflag:s11] =	ssyncset.done $0x0  }
.LBB2_2:
0x1f: {  	p0 =	sne.s32 s15, $0x4E00;
	[sflag:s11] =	ssyncadd.s32 $0xFFFFC000;
	s16 =	sadd.s32 $0x800, s16  }
0x20: {  	[tilespmem:s12], [sflag:$0x1] =	stream.linear.gather [hbm4b:s16+s3], $0x4000, $0x38;
	[tilespmem:$0x19000] =	vst v63  }
0x21: {  	s17 =	smov.u32 s15;
	s15 =	sadd.s32 $0x200, s15;
	_ =	swait.ge [sflag:s11], $0x4000  }
.Ltmp0:
0x22: {  	[sflag:s11] =	ssyncset.done $0x0;
	(pc) =	sbr.rel @p0 .LBB2_2-.Ltmp0, $4  }
0x23: {  	s17 =	sshra.s32 s17, $0x2;
	[sflag:s11] =	ssyncadd.s32 $0xFFFFC000  }
0x24: {  	[spmem:s2] =	stream.indirect.scatter.add.f32 [tilespmem:s12], [sflag:$0x1], $0x80, s17, s13, $0xb8;
	[tilespmem:$0x19000] =	vst v63  }
0x25: {  	_ =	swait.ge [sflag:s11], $0x4000  }
0x26: {  	[sflag:s11] =	ssyncset.done $0x0  }
0x27: {  	s14 =	sadd.s32 $0x1, s14  }
0x28: {  	[sflag:s11] =	ssyncadd.s32 $0xFFFFC000;
	p0 =	sne.s32 s14, s8  }
.Ltmp1:
0x29: {  	[bflag:$0x0] =	sbarrier.arrive $0xFFFF;
	(pc) =	sbr.rel @p0 .LBB2_1-.Ltmp1, $4  }
0x2a: {  	[hbm:s7], [sflag:s5] =	dma.local [spmem:s10], $0x2780  }
0x2b: {  	_ =	swait.ge [sflag:s11], $0x2780  }
0x2c: {  	[sflag:s11] =	ssyncset.done $0x0  }
0x2d: {  	[sflag:s11] =	ssyncadd.s32 $0xFFFFD880  }
0x2e: {  	_ =	sfence.sel $0x180000  }
0x2f: {  	[bflag:$0x0] =	sbarrier.arrive $0xFFFF  }
0x30: {  	p0 =	sne.s32 s0, $0x0;
	_ =	strace $0x90000047  }
0x31: {  	s0 =	sadd.s32 @!p0 $0x100000, s1;
	[bflag:$0x2] =	sbarrier.arrive $0xFFFF  }
0x32: {  	[sflag:s0] =	ssyncadd.tile.s32 @!p0 $0x1;
	_ =	shalt  }
.Lfunc_end2:
_tile_overlayer_lowered:
.L_overlay_start_2:
0x33: {  	(tag) =	ssettag $0x2  }
0x34: {  	s0 =	rddreg [dreg:$0x0];
	s2 =	stileid.u32  }
0x35: {  	s1 =	rddreg [dreg:$0x1];
	p0 =	sne.s32 s2, $0x0  }
0x36: {  	s3 =	rddreg [dreg:$0x2];
	[bflag:$0x3] =	sbarrier.arrive $0xFFFF;
	s2 =	simm.s32 @!p0 $0x1C01  }
0x37: {  	[timem:s3], [sflag:s2] =	dma.local @!p0 [hbm:s0], s1  }
0x38: {  	s0 =	simm.s32 @!p0 $0x1  }
0x39: {  	_ =	swait.ge @!p0 [sflag:s0], s1  }
0x3a: {  	s1 =	ssub.s32 @!p0 $0x0, s1;
	[sflag:s0] =	ssyncset.done @!p0 $0x0  }
0x3b: {  	[sflag:s0] =	ssyncadd.s32 @!p0 s1  }
0x3c: {  	[bflag:$0x3] =	sbarrier.arrive $0xFFFF  }
0x3d: {  	_ =	shalt  }

// kernel: kernel.26.cloned.1.call-start
scs
__scs_entry_jumppad:
0x0: {  	(pc) =	sbr.rel $0x88, $3  }
0x1: {  	(tag) =	ssettag $0x0;
	lr =	simm.s32 $0x1  }
0x2: {  	[smem:$0x3F81] =	sst lr;
	_ =	strace $0xD0000000  }
0x3: {  	_ = 	snop  }
0x4: {  	_ = 	snop  }
0x5: {  	_ = 	snop  }
0x6: {  	_ = 	snop  }
0x7: {  	_ = 	snop  }
__scs_overlays_trampoline_lowered:
0x8: {  	[smem:$0x3F90] =	sst s0  }
0x9: {  	[smem:$0x3F91] =	sst s1  }
0xa: {  	[smem:$0x3F92] =	sst s2  }
0xb: {  	[smem:$0x3F93] =	sst s3  }
0xc: {  	[smem:$0x3F94] =	sst s4  }
0xd: {  	[smem:$0x3F95] =	sst s5  }
0xe: {  	[smem:$0x3F96] =	sst s6  }
0xf: {  	[smem:$0x3F97] =	sst s7  }
0x10: {  	[smem:$0x3F98] =	sst s8  }
0x11: {  	[smem:$0x3F99] =	sst s9;
	s0 =	simm.s32 @!p0 $0x0  }
0x12: {  	s1 =	sld [smem:$0x3F7F];
	s0 =	simm.s32 @p0 $0x1  }
0x13: {  	[smem:$0x3F9A] =	sst s0;
	s0 =	simm.s32 @!p1 $0x0  }
0x14: {  	s2 =	sld [smem:$0x3F7E];
	s0 =	simm.s32 @p1 $0x1  }
0x15: {  	[smem:$0x3F9B] =	sst s0;
	s0 =	simm.s32 @!p2 $0x0  }
0x16: {  	s3 =	sld [smem:$0x3FDB];
	s0 =	simm.s32 @p2 $0x1  }
0x17: {  	s4 =	simm.s32 $0x1BF5;
	[smem:$0x3F9D] =	sst s0  }
0x18: {  	s0 =	sld [smem:$0x3F80];
	_ =	swait.ge [sflag:s4], $0x0  }
0x19: {  	s7 =	sld [smem:$0x3F81]  }
0x1a: {  	s8 =	sadd.s32 $0xFFFFE003, lr  }
0x1b: {  	s9 =	sadd.s32 $0xFFFFFEF7, lr;
	s5 =	simm.s32 $0xFFFFFFFF;
	p2 =	slt.u32 s8, $0xFFFFF086  }
0x1c: {  	p1 =	slt.u32 s9, $0xF7A;
	s5 =	simm.s32 @!p2 $0x0  }
0x1d: {  	s5 =	simm.s32 @p1 $0x1;
	p0 =	seq.s32 s7, s2  }
0x1e: {  	s7 =	smul.u32 @!p0 $0xF7A, s2;
	p2 =	seq.s32 @!p0 s5, $0x0  }
0x1f: {  	s9 =	smul.u32 $0xF7A, s1;
	s8 =	simm.s32 @!p0 $0x1BF5;
	p2 =	por !p2, p0  }
0x20: {  	[sflag:s8] =	ssyncset.s32 @!p0 $0xFFFFF086;
	s6 =	sadd.s32 @!p0 s3, s7;
	s7 =	simm.s32 @!p0 $0x108  }
0x21: {  	s3 =	sadd.s32 s3, s9;
	s6 =	sadd.s32 @!p0 $0x88, s6;
	s7 =	simm.s32 @p2 $0x1082  }
0x22: {  	[simem:s7], [sflag:s8] =	dma.local @!p0 [hbm:s6], $0xF7A  }
0x23: {  	s9 =	sor.u32 $0xD0000000, s2;
	s6 =	simm.s32 $0x108;
	_ =	swait.ge @!p0 [sflag:s8], $0x0  }
0x24: {  	s3 =	sadd.s32 $0x88, s3;
	s6 =	simm.s32 @!p1 $0x1082;
	[sflag:s4] =	ssyncset.s32 $0xFFFFF086  }
0x25: {  	[simem:s6], [sflag:s4] =	dma.local [hbm:s3], $0xF7A  }
0x26: {  	[smem:$0x3F81] =	sst s1;
	(tag) =	ssettag s2;
	_ =	strace s9  }
0x27: {  	s1 =	sld [smem:$0x3F91]  }
0x28: {  	s2 =	sld [smem:$0x3F92]  }
0x29: {  	s4 =	sld [smem:$0x3F94]  }
0x2a: {  	p0 =	seq.s32 s5, $0x0;
	s5 =	sld [smem:$0x3F95]  }
0x2b: {  	s6 =	sld [smem:$0x3F96]  }
0x2c: {  	s7 =	sld [smem:$0x3F97]  }
0x2d: {  	s3 =	simm.s32 $0x108;
	s8 =	sld [smem:$0x3F98]  }
0x2e: {  	s3 =	simm.s32 @!p0 $0x1082;
	s9 =	sld [smem:$0x3F99]  }
0x2f: {  	lr =	sadd.s32 s0, s3;
	s0 =	sld [smem:$0x3F90]  }
0x30: {  	s3 =	sld [smem:$0x3F93]  }
0x31: {  	[smem:$0x3F9C] =	sst s10  }
0x32: {  	s10 =	sld [smem:$0x3F9A];
	_ =	sdelay $0x3  }
0x33: {  	p0 =	seq.s32 s10, $0x1;
	s10 =	sld [smem:$0x3F9C];
	_ =	sdelay $0x3  }
0x34: {  	[smem:$0x3F9C] =	sst s10  }
0x35: {  	s10 =	sld [smem:$0x3F9B];
	_ =	sdelay $0x3  }
0x36: {  	p1 =	seq.s32 s10, $0x1;
	s10 =	sld [smem:$0x3F9C];
	_ =	sdelay $0x3  }
0x37: {  	[smem:$0x3F9C] =	sst s10  }
0x38: {  	s10 =	sld [smem:$0x3F9D]  }
0x39: {  	_ = 	snop;
	(pc) =	sbr.ind lr, $3  }
0x3a: {  	_ = 	snop  }
0x3b: {  	_ = 	snop  }
0x3c: {  	p2 =	seq.s32 s10, $0x1;
	s10 =	sld [smem:$0x3F9C]  }
0x3d: {  	_ =	shalt  }
0x3e: {  	_ =	shalt  }
0x3f: {  	_ =	shalt  }
0x40: {  	_ =	shalt  }
0x41: {  	_ =	shalt  }
0x42: {  	_ =	shalt  }
0x43: {  	_ =	shalt  }
0x44: {  	_ =	shalt  }
0x45: {  	_ =	shalt  }
0x46: {  	_ =	shalt  }
0x47: {  	_ =	shalt  }
0x48: {  	_ =	shalt  }
0x49: {  	_ =	shalt  }
0x4a: {  	_ =	shalt  }
0x4b: {  	_ =	shalt  }
0x4c: {  	_ =	shalt  }
0x4d: {  	_ =	shalt  }
0x4e: {  	_ =	shalt  }
0x4f: {  	_ =	shalt  }
0x50: {  	_ =	shalt  }
0x51: {  	_ =	shalt  }
0x52: {  	_ =	shalt  }
0x53: {  	_ =	shalt  }
0x54: {  	_ =	shalt  }
0x55: {  	_ =	shalt  }
0x56: {  	_ =	shalt  }
0x57: {  	_ =	shalt  }
0x58: {  	_ =	shalt  }
0x59: {  	_ =	shalt  }
0x5a: {  	_ =	shalt  }
0x5b: {  	_ =	shalt  }
0x5c: {  	_ =	shalt  }
0x5d: {  	_ =	shalt  }
0x5e: {  	_ =	shalt  }
0x5f: {  	_ =	shalt  }
0x60: {  	_ =	shalt  }
0x61: {  	_ =	shalt  }
0x62: {  	_ =	shalt  }
0x63: {  	_ =	shalt  }
0x64: {  	_ =	shalt  }
0x65: {  	_ =	shalt  }
0x66: {  	_ =	shalt  }
0x67: {  	_ =	shalt  }
0x68: {  	_ =	shalt  }
0x69: {  	_ =	shalt  }
0x6a: {  	_ =	shalt  }
0x6b: {  	_ =	shalt  }
0x6c: {  	_ =	shalt  }
0x6d: {  	_ =	shalt  }
0x6e: {  	_ =	shalt  }
0x6f: {  	_ =	shalt  }
0x70: {  	_ =	shalt  }
0x71: {  	_ =	shalt  }
0x72: {  	_ =	shalt  }
0x73: {  	_ =	shalt  }
0x74: {  	_ =	shalt  }
0x75: {  	_ =	shalt  }
0x76: {  	_ =	shalt  }
0x77: {  	_ =	shalt  }
0x78: {  	_ =	shalt  }
0x79: {  	_ =	shalt  }
0x7a: {  	_ =	shalt  }
0x7b: {  	_ =	shalt  }
0x7c: {  	_ =	shalt  }
0x7d: {  	_ =	shalt  }
0x7e: {  	_ =	shalt  }
0x7f: {  	_ =	shalt  }
0x80: {  	_ =	shalt  }
0x81: {  	_ =	shalt  }
0x82: {  	_ =	shalt  }
0x83: {  	_ =	shalt  }
0x84: {  	_ =	shalt  }
0x85: {  	_ =	shalt  }
0x86: {  	_ =	shalt  }
0x87: {  	_ =	shalt  }
.Lfunc_end0:
.L_simem_size_0:
called_computation.1_lowered:
.L_overlay_start_0:
0x88: {  	s2 =	sld [smem:$0x3FD9]  }
0x89: {  	s3 =	sld [smem:$0x3FFE];
	_ =	sdelay $0x1  }
0x8a: {  	s1 =	srdreg.scid  }
0x8b: {  	s0 =	sand.u32 $0x1, s1  }
0x8c: {  	s16 =	sshll.u32 s0, $0xA;
	s2 =	sadd.s32 s3, s2  }
0x8d: {  	s2 =	sadd.s32 s2, s16  }
0x8e: {  	[smem:$0x3FA8] =	sst s2  }
0x8f: {  	_ = 	snop  }
0x90: {  	(tm) =	ssettm $0x1  }
0x91: {  	s17 =	sld [smem:$0x3FFB];
	_ =	sdelay $0x3  }
0x92: {  	_ =	strace s17  }
0x93: {  	s2 =	sld [smem:$0x3FFC];
	_ =	sdelay $0x3  }
0x94: {  	_ =	strace s2  }
0x95: {  	s2 =	sld [smem:$0x3FFD];
	_ =	sdelay $0x3  }
0x96: {  	_ =	strace s2  }
0x97: {  	_ =	strace $0x8FFFFFFF  }
0x98: {  	s18 =	sld [smem:$0x3FDB];
	_ =	sdelay $0x1  }
0x99: {  	s19 =	simm.s32 $_scs_section_size  }
0x9a: {  	s4 =	simm.s32 $_size__tile_overlayer_lowered;
	s5 =	simm.s32 $_tile_overlayer_lowered  }
0x9b: {  	s22 =	simm.s32 $0x1BFF;
	s21 =	sshll.u32 s5, $0x1;
	s2 =	sadd.s32 s19, s18  }
0x9c: {  	s6 =	simm.s32 $0x0;
	s20 =	sshll.u32 s4, $0x1;
	s4 =	sadd.s32 s21, s2  }
0x9d: {  	[timem:s6], [sflag:s22] =	dma.local [hbm:s4], s20  }
0x9e: {  	_ =	swait.ge [sflag:s22], s20  }
0x9f: {  	s3 =	ssub.s32 $0x0, s20;
	[sflag:s22] =	ssyncset.done $0x0  }
0xa0: {  	[sflag:s22] =	ssyncadd.s32 s3;
	_ =	sdelay $0x1  }
0xa1: {  	s23 =	simm.s32 $0x1B8B  }
0xa2: {  	_ =	swait.ge [sflag:s23], $0x1  }
0xa3: {  	[sflag:s23] =	ssyncset.done $0x0  }
0xa4: {  	s25 =	simm.s32 $0x1B8E;
	s24 =	sld [smem:$0x3FFE];
	[sflag:s23] =	ssyncadd.s32 $0xFFFFFFFF  }
0xa5: {  	s26 =	simm.s32 $execute0_lowered;
	[smem:$0x3FD2] =	sst s25  }
0xa6: {  	s4 =	sshll.u32 s26, $0x1;
	_ =	strace $0x80000049;
	[dreg:$0x1] =	wrdreg $0xFFFFFFFF  }
0xa7: {  	s28 =	simm.s32 $_size_execute0_lowered;
	s2 =	sadd.s32 s2, s4;
	[dreg:$0x0] =	wrdreg $0x0  }
0xa8: {  	s4 =	sshll.u32 s28, $0x1;
	[dreg:$0x2] =	wrdreg s2  }
0xa9: {  	[dreg:$0x3] =	wrdreg s4  }
0xaa: {  	[dreg:$0x4] =	wrdreg $0xC0  }
0xab: {  	_ =	task [dreg:s6], $0x5FFFF  }
0xac: {  	[dreg:$0x1] =	wrdreg $0xFFFFFFFF  }
0xad: {  	[dreg:$0x0] =	wrdreg $0x60  }
0xae: {  	[dreg:$0x2] =	wrdreg s24  }
0xaf: {  	[dreg:$0x3] =	wrdreg $0x9  }
0xb0: {  	_ =	task.clear_ibuf [dreg:s6], $0x4FFFF;
	_ =	strace $0x90000049  }
0xb1: {  	s29 =	simm.s32 $0x9;
	_ =	strace $0x8000004B  }
0xb2: {  	_ =	swait.ge [sflag:s29], $0x1  }
0xb3: {  	[sflag:s29] =	ssyncadd.s32 $0xFFFFFFFF  }
0xb4: {  	_ =	strace $0x9000004B  }
0xb5: {  	_ =	sfence  }
0xb6: {  	s30 =	sld [smem:$0x0];
	_ =	sdelay $0x2  }
0xb7: {  	s31 =	sshll.u32 s1, $0xD;
	s1 =	sshrl.u32 s1, $0x2  }
0xb8: {  	s3 =	sand.u32 $0x4000, s31;
	s1 =	sadd.s32 s1, s30  }
0xb9: {  	s0 =	sor.u32 s3, s0;
	s1 =	sshll.u32 s1, $0x11  }
0xba: {  	s0 =	sor.u32 s1, s0  }
0xbb: {  	s0 =	sadd.s32 $0x8F2B, s0  }
0xbc: {  	[sflag:s0] =	ssyncadd.remote.s32 $0x1  }
0xbd: {  	_ =	sfence.sel $0xFFFF  }
0xbe: {  	[dreg:$0x0] =	wrdreg $0xFFFFFFFF;
	(pc) =	sbr.abs _section_cstart, $3  }
0xbf: {  	[dreg:$0x1] =	wrdreg $0xFFFFFFFF  }
0xc0: {  	_ =	task.clear_ibuf [dreg:s6], $0x2FFFF;
	_ =	strace $0x9FFFFFFF  }
0xc1: {  	(tm) =	ssettm $0x7FFFFFFF  }
tec
execute0_lowered:
.L_overlay_start_1:
0x0: {  	(tag) =	ssettag $0x1  }
0x1: {  	s4 =	rddreg [dreg:$0x0]  }
0x2: {  	s0 =	rddreg [dreg:$0x1];
	s3 =	srdreg.scid  }
0x3: {  	s1 =	stileid.u32;
	s2 =	simm.s32 $0x0;
	s10 =	simm.s32 $0x5400  }
0x4: {  	s11 =	simm.s32 $0x1;
	s12 =	simm.s32 $0x0;
	s3 =	sand.u32 $0x1, s3  }
0x5: {  	s5 =	smul.u32 $0x140000, s1;
	[smem:$0x7FF] =	sst s2;
	s6 =	sshll.u32 s1, $0x1  }
0x6: {  	s7 =	smul.u32 $0xA0000, s3;
	s6 =	sor.u32 s3, s6;
	s30 =	ssub.s32 $0x2, s3  }
0x7: {  	_ =	strace $0x8000004A;
	s6 =	smul.u32 $0x280, s6;
	s8 =	sshrl.u32 s30, $0x1  }
0x8: {  	s3 =	sadd.s32 $0x21A00, s4;
	s5 =	sadd.s32 s7, s5;
	s31 =	ssub.s32 s30, s8  }
0x9: {  	s7 =	simm.s32 $0x2;
	s5 =	sshrl.u32 s5, $0x3;
	s6 =	sadd.s32 s6, s4  }
0xa: {  	s8 =	simm.s32 $0x80;
	s9 =	sadd.s32 s5, s4;
	s4 =	sadd.s32 $0x2A1A00, s6  }
0xb: {  	s5 =	smax.u32 s31, $0x1;
	s6 =	sadd.s32 $0x2A9200, s9;
	s9 =	simm.s32 $0x1400  }
.LBB2_1:
0xc: {  	[tilespmem:s2], [sflag:$0x2] =	stream.linear.gather [hbm4b:s4+s2], $0x1400, $0x38;
	[tilespmem:$0x9400] =	vst v63  }
0xd: {  	_ =	swait.ge [sflag:s7], $0x1400  }
0xe: {  	[sflag:s7] =	ssyncset.done $0x0  }
0xf: {  	s13 =	simm.s32 $0x0;
	[sflag:s7] =	ssyncadd.s32 $0xFFFFEC00  }
0x10: {  	[tilespmem:s9], [sflag:$0x1] =	stream.indirect.gather [hbm4b:s3+s8], $0x80, s13, s8, $0xb8;
	[tilespmem:$0x9400] =	vst v63  }
0x11: {  	_ = 	snop  }
0x12: {  	[tilespmem:s10], [sflag:$0x1] =	stream.indirect.gather [hbm4b:s3+s8], $0x80, s8, s8, $0xb8;
	[tilespmem:$0x9400] =	vst v63  }
0x13: {  	_ =	swait.ge [sflag:s11], $0x4000  }
0x14: {  	[sflag:s11] =	ssyncset.done $0x0  }
0x15: {  	[sflag:s11] =	ssyncadd.s32 $0xFFFFC000  }
0x16: {  	_ =	swait.ge [sflag:s11], $0x4000  }
0x17: {  	[sflag:s11] =	ssyncset.done $0x0  }
0x18: {  	s31 =	sadd.s32 $0x0, s6;
	[sflag:s11] =	ssyncadd.s32 $0xFFFFC000  }
0x19: {  	[hbm4b:s31+s2] =	stream.linear.scatter [tilespmem:s9], [sflag:$0x2], $0x8000, $0x38;
	[tilespmem:$0x9400] =	vst v63  }
0x1a: {  	s15 =	simm.s32 $0x2000;
	_ =	swait.ge [sflag:s7], $0x8000  }
0x1b: {  	s14 =	simm.s32 $0x180;
	s13 =	simm.s32 $0x1000;
	[sflag:s7] =	ssyncset.done $0x0  }
.LBB2_2:
0x1c: {  	p0 =	sne.s32 s15, $0x13000;
	s16 =	sadd.s32 $0xFFFFFF80, s14;
	[sflag:s7] =	ssyncadd.s32 $0xFFFF8000  }
0x1d: {  	[tilespmem:s9], [sflag:$0x1] =	stream.indirect.gather [hbm4b:s3+s8], $0x80, s16, s8, $0xb8;
	[tilespmem:$0x9400] =	vst v63  }
0x1e: {  	s16 =	smov.u32 s15;
	s15 =	sadd.s32 $0x1000, s15  }
0x1f: {  	[tilespmem:s10], [sflag:$0x1] =	stream.indirect.gather [hbm4b:s3+s8], $0x80, s14, s8, $0xb8;
	[tilespmem:$0x9400] =	vst v63  }
0x20: {  	_ =	swait.ge [sflag:s11], $0x4000  }
0x21: {  	[sflag:s11] =	ssyncset.done $0x0  }
0x22: {  	[sflag:s11] =	ssyncadd.s32 $0xFFFFC000  }
0x23: {  	_ =	swait.ge [sflag:s11], $0x4000  }
.Ltmp0:
0x24: {  	[sflag:s11] =	ssyncset.done $0x0;
	(pc) =	sbr.rel @p0 .LBB2_2-.Ltmp0, $4  }
0x25: {  	s17 =	sadd.s32 s13, s6;
	s13 =	smov.u32 s16;
	[sflag:s11] =	ssyncadd.s32 $0xFFFFC000  }
0x26: {  	[hbm4b:s17+s2] =	stream.linear.scatter [tilespmem:s9], [sflag:$0x2], $0x8000, $0x38;
	[tilespmem:$0x9400] =	vst v63  }
0x27: {  	_ =	swait.ge [sflag:s7], $0x8000  }
0x28: {  	s14 =	sadd.s32 $0x100, s14;
	[sflag:s7] =	ssyncset.done $0x0  }
0x29: {  	s15 =	sadd.s32 $0xFFFFFF80, s14;
	[sflag:s7] =	ssyncadd.s32 $0xFFFF8000  }
0x2a: {  	[tilespmem:s9], [sflag:$0x1] =	stream.indirect.gather [hbm4b:s3+s8], $0x80, s15, s8, $0xb8;
	[tilespmem:$0x9400] =	vst v63  }
0x2b: {  	_ = 	snop  }
0x2c: {  	[tilespmem:s10], [sflag:$0x1] =	stream.indirect.gather [hbm4b:s3+s8], $0x80, s14, s8, $0xb8;
	[tilespmem:$0x9400] =	vst v63  }
0x2d: {  	_ =	swait.ge [sflag:s11], $0x4000  }
0x2e: {  	[sflag:s11] =	ssyncset.done $0x0  }
0x2f: {  	[sflag:s11] =	ssyncadd.s32 $0xFFFFC000  }
0x30: {  	s12 =	sadd.s32 $0x1, s12;
	_ =	swait.ge [sflag:s11], $0x4000  }
0x31: {  	p0 =	sne.s32 s12, s5;
	[sflag:s11] =	ssyncset.done $0x0  }
.Ltmp1:
0x32: {  	s13 =	sadd.s32 s13, s6;
	[sflag:s11] =	ssyncadd.s32 $0xFFFFC000;
	(pc) =	sbr.rel @p0 .LBB2_1-.Ltmp1, $4  }
0x33: {  	[hbm4b:s13+s2] =	stream.linear.scatter [tilespmem:s9], [sflag:$0x2], $0x8000, $0x38;
	[tilespmem:$0x9400] =	vst v63  }
0x34: {  	_ =	swait.ge [sflag:s7], $0x8000  }
0x35: {  	[sflag:s7] =	ssyncset.done $0x0  }
0x36: {  	[sflag:s7] =	ssyncadd.s32 $0xFFFF8000  }
0x37: {  	_ =	sfence.sel $0x180000  }
0x38: {  	[bflag:$0x0] =	sbarrier.arrive $0xFFFF  }
0x39: {  	p0 =	sne.s32 s1, $0x0;
	_ =	strace $0x9000004A  }
0x3a: {  	s0 =	sadd.s32 @!p0 $0x100000, s0;
	[bflag:$0x2] =	sbarrier.arrive $0xFFFF  }
0x3b: {  	[sflag:s0] =	ssyncadd.tile.s32 @!p0 $0x1;
	_ =	shalt  }
.Lfunc_end2:
_tile_overlayer_lowered:
.L_overlay_start_2:
0x3c: {  	(tag) =	ssettag $0x2  }
0x3d: {  	s0 =	rddreg [dreg:$0x0];
	s2 =	stileid.u32  }
0x3e: {  	s1 =	rddreg [dreg:$0x1];
	p0 =	sne.s32 s2, $0x0  }
0x3f: {  	s3 =	rddreg [dreg:$0x2];
	[bflag:$0x3] =	sbarrier.arrive $0xFFFF;
	s2 =	simm.s32 @!p0 $0x1C02  }
0x40: {  	[timem:s3], [sflag:s2] =	dma.local @!p0 [hbm:s0], s1  }
0x41: {  	s0 =	simm.s32 @!p0 $0x2  }
0x42: {  	_ =	swait.ge @!p0 [sflag:s0], s1  }
0x43: {  	s1 =	ssub.s32 @!p0 $0x0, s1;
	[sflag:s0] =	ssyncset.done @!p0 $0x0  }
0x44: {  	[sflag:s0] =	ssyncadd.s32 @!p0 s1  }
0x45: {  	[bflag:$0x3] =	sbarrier.arrive $0xFFFF  }
0x46: {  	_ =	shalt  }

// kernel: kernel.29.cloned.1.call-start
scs
__scs_entry_jumppad:
0x0: {  	(pc) =	sbr.rel $0x88, $3  }
0x1: {  	(tag) =	ssettag $0x0;
	lr =	simm.s32 $0x1  }
0x2: {  	[smem:$0x3F81] =	sst lr;
	_ =	strace $0xD0000000  }
0x3: {  	_ = 	snop  }
0x4: {  	_ = 	snop  }
0x5: {  	_ = 	snop  }
0x6: {  	_ = 	snop  }
0x7: {  	_ = 	snop  }
__scs_overlays_trampoline_lowered:
0x8: {  	[smem:$0x3F90] =	sst s0  }
0x9: {  	[smem:$0x3F91] =	sst s1  }
0xa: {  	[smem:$0x3F92] =	sst s2  }
0xb: {  	[smem:$0x3F93] =	sst s3  }
0xc: {  	[smem:$0x3F94] =	sst s4  }
0xd: {  	[smem:$0x3F95] =	sst s5  }
0xe: {  	[smem:$0x3F96] =	sst s6  }
0xf: {  	[smem:$0x3F97] =	sst s7  }
0x10: {  	[smem:$0x3F98] =	sst s8  }
0x11: {  	[smem:$0x3F99] =	sst s9;
	s0 =	simm.s32 @!p0 $0x0  }
0x12: {  	s1 =	sld [smem:$0x3F7F];
	s0 =	simm.s32 @p0 $0x1  }
0x13: {  	[smem:$0x3F9A] =	sst s0;
	s0 =	simm.s32 @!p1 $0x0  }
0x14: {  	s2 =	sld [smem:$0x3F7E];
	s0 =	simm.s32 @p1 $0x1  }
0x15: {  	[smem:$0x3F9B] =	sst s0;
	s0 =	simm.s32 @!p2 $0x0  }
0x16: {  	s3 =	sld [smem:$0x3FDB];
	s0 =	simm.s32 @p2 $0x1  }
0x17: {  	s4 =	simm.s32 $0x1BF5;
	[smem:$0x3F9D] =	sst s0  }
0x18: {  	s0 =	sld [smem:$0x3F80];
	_ =	swait.ge [sflag:s4], $0x0  }
0x19: {  	s7 =	sld [smem:$0x3F81]  }
0x1a: {  	s8 =	sadd.s32 $0xFFFFE003, lr  }
0x1b: {  	s9 =	sadd.s32 $0xFFFFFEF7, lr;
	s5 =	simm.s32 $0xFFFFFFFF;
	p2 =	slt.u32 s8, $0xFFFFF086  }
0x1c: {  	p1 =	slt.u32 s9, $0xF7A;
	s5 =	simm.s32 @!p2 $0x0  }
0x1d: {  	s5 =	simm.s32 @p1 $0x1;
	p0 =	seq.s32 s7, s2  }
0x1e: {  	s7 =	smul.u32 @!p0 $0xF7A, s2;
	p2 =	seq.s32 @!p0 s5, $0x0  }
0x1f: {  	s9 =	smul.u32 $0xF7A, s1;
	s8 =	simm.s32 @!p0 $0x1BF5;
	p2 =	por !p2, p0  }
0x20: {  	[sflag:s8] =	ssyncset.s32 @!p0 $0xFFFFF086;
	s6 =	sadd.s32 @!p0 s3, s7;
	s7 =	simm.s32 @!p0 $0x108  }
0x21: {  	s3 =	sadd.s32 s3, s9;
	s6 =	sadd.s32 @!p0 $0x88, s6;
	s7 =	simm.s32 @p2 $0x1082  }
0x22: {  	[simem:s7], [sflag:s8] =	dma.local @!p0 [hbm:s6], $0xF7A  }
0x23: {  	s9 =	sor.u32 $0xD0000000, s2;
	s6 =	simm.s32 $0x108;
	_ =	swait.ge @!p0 [sflag:s8], $0x0  }
0x24: {  	s3 =	sadd.s32 $0x88, s3;
	s6 =	simm.s32 @!p1 $0x1082;
	[sflag:s4] =	ssyncset.s32 $0xFFFFF086  }
0x25: {  	[simem:s6], [sflag:s4] =	dma.local [hbm:s3], $0xF7A  }
0x26: {  	[smem:$0x3F81] =	sst s1;
	(tag) =	ssettag s2;
	_ =	strace s9  }
0x27: {  	s1 =	sld [smem:$0x3F91]  }
0x28: {  	s2 =	sld [smem:$0x3F92]  }
0x29: {  	s4 =	sld [smem:$0x3F94]  }
0x2a: {  	p0 =	seq.s32 s5, $0x0;
	s5 =	sld [smem:$0x3F95]  }
0x2b: {  	s6 =	sld [smem:$0x3F96]  }
0x2c: {  	s7 =	sld [smem:$0x3F97]  }
0x2d: {  	s3 =	simm.s32 $0x108;
	s8 =	sld [smem:$0x3F98]  }
0x2e: {  	s3 =	simm.s32 @!p0 $0x1082;
	s9 =	sld [smem:$0x3F99]  }
0x2f: {  	lr =	sadd.s32 s0, s3;
	s0 =	sld [smem:$0x3F90]  }
0x30: {  	s3 =	sld [smem:$0x3F93]  }
0x31: {  	[smem:$0x3F9C] =	sst s10  }
0x32: {  	s10 =	sld [smem:$0x3F9A];
	_ =	sdelay $0x3  }
0x33: {  	p0 =	seq.s32 s10, $0x1;
	s10 =	sld [smem:$0x3F9C];
	_ =	sdelay $0x3  }
0x34: {  	[smem:$0x3F9C] =	sst s10  }
0x35: {  	s10 =	sld [smem:$0x3F9B];
	_ =	sdelay $0x3  }
0x36: {  	p1 =	seq.s32 s10, $0x1;
	s10 =	sld [smem:$0x3F9C];
	_ =	sdelay $0x3  }
0x37: {  	[smem:$0x3F9C] =	sst s10  }
0x38: {  	s10 =	sld [smem:$0x3F9D]  }
0x39: {  	_ = 	snop;
	(pc) =	sbr.ind lr, $3  }
0x3a: {  	_ = 	snop  }
0x3b: {  	_ = 	snop  }
0x3c: {  	p2 =	seq.s32 s10, $0x1;
	s10 =	sld [smem:$0x3F9C]  }
0x3d: {  	_ =	shalt  }
0x3e: {  	_ =	shalt  }
0x3f: {  	_ =	shalt  }
0x40: {  	_ =	shalt  }
0x41: {  	_ =	shalt  }
0x42: {  	_ =	shalt  }
0x43: {  	_ =	shalt  }
0x44: {  	_ =	shalt  }
0x45: {  	_ =	shalt  }
0x46: {  	_ =	shalt  }
0x47: {  	_ =	shalt  }
0x48: {  	_ =	shalt  }
0x49: {  	_ =	shalt  }
0x4a: {  	_ =	shalt  }
0x4b: {  	_ =	shalt  }
0x4c: {  	_ =	shalt  }
0x4d: {  	_ =	shalt  }
0x4e: {  	_ =	shalt  }
0x4f: {  	_ =	shalt  }
0x50: {  	_ =	shalt  }
0x51: {  	_ =	shalt  }
0x52: {  	_ =	shalt  }
0x53: {  	_ =	shalt  }
0x54: {  	_ =	shalt  }
0x55: {  	_ =	shalt  }
0x56: {  	_ =	shalt  }
0x57: {  	_ =	shalt  }
0x58: {  	_ =	shalt  }
0x59: {  	_ =	shalt  }
0x5a: {  	_ =	shalt  }
0x5b: {  	_ =	shalt  }
0x5c: {  	_ =	shalt  }
0x5d: {  	_ =	shalt  }
0x5e: {  	_ =	shalt  }
0x5f: {  	_ =	shalt  }
0x60: {  	_ =	shalt  }
0x61: {  	_ =	shalt  }
0x62: {  	_ =	shalt  }
0x63: {  	_ =	shalt  }
0x64: {  	_ =	shalt  }
0x65: {  	_ =	shalt  }
0x66: {  	_ =	shalt  }
0x67: {  	_ =	shalt  }
0x68: {  	_ =	shalt  }
0x69: {  	_ =	shalt  }
0x6a: {  	_ =	shalt  }
0x6b: {  	_ =	shalt  }
0x6c: {  	_ =	shalt  }
0x6d: {  	_ =	shalt  }
0x6e: {  	_ =	shalt  }
0x6f: {  	_ =	shalt  }
0x70: {  	_ =	shalt  }
0x71: {  	_ =	shalt  }
0x72: {  	_ =	shalt  }
0x73: {  	_ =	shalt  }
0x74: {  	_ =	shalt  }
0x75: {  	_ =	shalt  }
0x76: {  	_ =	shalt  }
0x77: {  	_ =	shalt  }
0x78: {  	_ =	shalt  }
0x79: {  	_ =	shalt  }
0x7a: {  	_ =	shalt  }
0x7b: {  	_ =	shalt  }
0x7c: {  	_ =	shalt  }
0x7d: {  	_ =	shalt  }
0x7e: {  	_ =	shalt  }
0x7f: {  	_ =	shalt  }
0x80: {  	_ =	shalt  }
0x81: {  	_ =	shalt  }
0x82: {  	_ =	shalt  }
0x83: {  	_ =	shalt  }
0x84: {  	_ =	shalt  }
0x85: {  	_ =	shalt  }
0x86: {  	_ =	shalt  }
0x87: {  	_ =	shalt  }
.Lfunc_end0:
.L_simem_size_0:
called_computation.2_lowered:
.L_overlay_start_0:
0x88: {  	s2 =	sld [smem:$0x3FD9]  }
0x89: {  	s3 =	sld [smem:$0x3FFE];
	_ =	sdelay $0x1  }
0x8a: {  	s1 =	srdreg.scid  }
0x8b: {  	s0 =	sand.u32 $0x1, s1  }
0x8c: {  	s16 =	sshll.u32 s0, $0xA;
	s2 =	sadd.s32 s3, s2  }
0x8d: {  	s2 =	sadd.s32 s2, s16  }
0x8e: {  	[smem:$0x3FA8] =	sst s2  }
0x8f: {  	_ = 	snop  }
0x90: {  	(tm) =	ssettm $0x1  }
0x91: {  	s17 =	sld [smem:$0x3FFB];
	_ =	sdelay $0x3  }
0x92: {  	_ =	strace s17  }
0x93: {  	s2 =	sld [smem:$0x3FFC];
	_ =	sdelay $0x3  }
0x94: {  	_ =	strace s2  }
0x95: {  	s2 =	sld [smem:$0x3FFD];
	_ =	sdelay $0x3  }
0x96: {  	_ =	strace s2  }
0x97: {  	_ =	strace $0x8FFFFFFF  }
0x98: {  	s18 =	sld [smem:$0x3FDB];
	_ =	sdelay $0x1  }
0x99: {  	s19 =	simm.s32 $_scs_section_size  }
0x9a: {  	s4 =	simm.s32 $_size__tile_overlayer_lowered;
	s5 =	simm.s32 $_tile_overlayer_lowered  }
0x9b: {  	s22 =	simm.s32 $0x1BFF;
	s21 =	sshll.u32 s5, $0x1;
	s2 =	sadd.s32 s19, s18  }
0x9c: {  	s6 =	simm.s32 $0x0;
	s20 =	sshll.u32 s4, $0x1;
	s4 =	sadd.s32 s21, s2  }
0x9d: {  	[timem:s6], [sflag:s22] =	dma.local [hbm:s4], s20  }
0x9e: {  	_ =	swait.ge [sflag:s22], s20  }
0x9f: {  	s3 =	ssub.s32 $0x0, s20;
	[sflag:s22] =	ssyncset.done $0x0  }
0xa0: {  	[sflag:s22] =	ssyncadd.s32 s3;
	_ =	sdelay $0x1  }
0xa1: {  	s23 =	simm.s32 $0x1B8B  }
0xa2: {  	_ =	swait.ge [sflag:s23], $0x1  }
0xa3: {  	[sflag:s23] =	ssyncset.done $0x0  }
0xa4: {  	s25 =	simm.s32 $0x1B8E;
	s24 =	sld [smem:$0x3FFE];
	[sflag:s23] =	ssyncadd.s32 $0xFFFFFFFF  }
0xa5: {  	s26 =	simm.s32 $execute0_lowered;
	[smem:$0x3FD2] =	sst s25  }
0xa6: {  	s4 =	sshll.u32 s26, $0x1;
	_ =	strace $0x8000004C;
	[dreg:$0x1] =	wrdreg $0xFFFFFFFF  }
0xa7: {  	s28 =	simm.s32 $_size_execute0_lowered;
	s2 =	sadd.s32 s2, s4;
	[dreg:$0x0] =	wrdreg $0x0  }
0xa8: {  	s4 =	sshll.u32 s28, $0x1;
	[dreg:$0x2] =	wrdreg s2  }
0xa9: {  	[dreg:$0x3] =	wrdreg s4  }
0xaa: {  	[dreg:$0x4] =	wrdreg $0xC0  }
0xab: {  	_ =	task [dreg:s6], $0x5FFFF  }
0xac: {  	[dreg:$0x1] =	wrdreg $0xFFFFFFFF  }
0xad: {  	[dreg:$0x0] =	wrdreg $0x60  }
0xae: {  	[dreg:$0x2] =	wrdreg s24  }
0xaf: {  	[dreg:$0x3] =	wrdreg $0xB8000  }
0xb0: {  	[dreg:$0x4] =	wrdreg $0x9  }
0xb1: {  	_ =	task.clear_ibuf [dreg:s6], $0x5FFFF;
	_ =	strace $0x9000004C  }
0xb2: {  	s29 =	simm.s32 $0x9;
	_ =	strace $0x8000004E  }
0xb3: {  	_ =	swait.ge [sflag:s29], $0x1  }
0xb4: {  	[sflag:s29] =	ssyncadd.s32 $0xFFFFFFFF  }
0xb5: {  	_ =	strace $0x9000004E  }
0xb6: {  	_ =	sfence  }
0xb7: {  	s30 =	sld [smem:$0x0];
	_ =	sdelay $0x2  }
0xb8: {  	s31 =	sshll.u32 s1, $0xD;
	s1 =	sshrl.u32 s1, $0x2  }
0xb9: {  	s3 =	sand.u32 $0x4000, s31;
	s1 =	sadd.s32 s1, s30  }
0xba: {  	s0 =	sor.u32 s3, s0;
	s1 =	sshll.u32 s1, $0x11  }
0xbb: {  	s0 =	sor.u32 s1, s0  }
0xbc: {  	s0 =	sadd.s32 $0x8F2B, s0  }
0xbd: {  	[sflag:s0] =	ssyncadd.remote.s32 $0x1  }
0xbe: {  	_ =	sfence.sel $0xFFFF  }
0xbf: {  	[dreg:$0x0] =	wrdreg $0xFFFFFFFF;
	(pc) =	sbr.abs _section_cstart, $3  }
0xc0: {  	[dreg:$0x1] =	wrdreg $0xFFFFFFFF  }
0xc1: {  	_ =	task.clear_ibuf [dreg:s6], $0x2FFFF;
	_ =	strace $0x9FFFFFFF  }
0xc2: {  	(tm) =	ssettm $0x7FFFFFFF  }
0xc3: {  	_ =	shalt  }
tec
execute0_lowered:
.L_overlay_start_1:
0x0: {  	(tag) =	ssettag $0x1  }
0x1: {  	s0 =	srdreg.scid;
	s6 =	rddreg [dreg:$0x0]  }
0x2: {  	s2 =	rddreg [dreg:$0x1];
	s1 =	stileid.u32;
	s16 =	simm.s32 $0x400  }
0x3: {  	s17 =	simm.s32 $0x5000;
	s18 =	simm.s32 $0x7800;
	s19 =	simm.s32 $0x1  }
0x4: {  	s20 =	simm.s32 $0x8;
	s21 =	simm.s32 $0x100;
	s9 =	smul.u32 $0x500, s1  }
0x5: {  	s5 =	sand.u32 $0x1, s0;
	s0 =	rddreg [dreg:$0x2];
	s24 =	smul.u32 $0x27800, s1  }
0x6: {  	s22 =	sshrl.u32 s1, $0x3;
	s23 =	sshll.u32 s1, $0x7;
	s28 =	smul.u32 $0x4F000, s1  }
0x7: {  	s31 =	sshll.u32 s1, $0x6;
	s3 =	sshll.u32 s5, $0x4;
	s8 =	smul.u32 $0x14000, s22  }
0x8: {  	s10 =	sand.u32 $0x380, s23;
	s11 =	sshll.u32 s5, $0xA;
	s26 =	ssub.s32 $0x2, s5  }
0x9: {  	s5 =	sadd.s32 $0x2A6A00, s6;
	s22 =	simm.s32 $0x0;
	s4 =	sor.u32 s1, s3  }
0xa: {  	s3 =	simm.s32 $0x0;
	s9 =	sadd.s32 s9, s6;
	s25 =	sor.u32 s11, s24  }
0xb: {  	s29 =	sshrl.u32 s26, $0x1;
	s30 =	sshrl.u32 s28, $0x2;
	s7 =	smul.u32 $0x500, s4  }
0xc: {  	[smem:$0x7FF] =	sst s3;
	s4 =	sadd.s32 $0xAF5800, s6;
	s8 =	sor.u32 s10, s8  }
0xd: {  	s14 =	ssub.s32 s26, s29;
	s15 =	sadd.s32 s30, s2;
	_ =	strace $0x8000004D  }
0xe: {  	s8 =	sshrl.u32 s8, $0x3;
	s11 =	smax.u32 s14, $0x1;
	s14 =	simm.s32 $0x2800  }
0xf: {  	s7 =	sadd.s32 s7, s6;
	s12 =	sadd.s32 s8, s6;
	s8 =	sshrl.u32 s25, $0x3  }
0x10: {  	s13 =	sadd.s32 s8, s6;
	s6 =	sor.u32 $0x1C02, s31;
	s7 =	sadd.s32 $0x3A00, s7  }
0x11: {  	s8 =	sadd.s32 $0x2A1A00, s9;
	s9 =	sadd.s32 $0x1CA00, s12;
	s12 =	sshrl.u32 s15, $0x3  }
0x12: {  	s15 =	simm.s32 $0x80;
	s10 =	sadd.s32 $0x21A00, s13;
	s13 =	simm.s32 $0x2  }
.LBB2_1:
0x13: {  	[spmem:s12], [sflag:s6] =	dma.local [hbm:s5], $0x2780  }
0x14: {  	_ =	swait.ge [sflag:s13], $0x2780  }
0x15: {  	[sflag:s13] =	ssyncset.done $0x0  }
0x16: {  	[sflag:s13] =	ssyncadd.s32 $0xFFFFD880  }
0x17: {  	[tilespmem:s3], [sflag:$0x2] =	stream.linear.gather [hbm4b:s7+s3], $0x2800, $0x38;
	[tilespmem:$0x1F400] =	vst v63  }
0x18: {  	_ =	swait.ge [sflag:s13], $0x2800  }
0x19: {  	[sflag:s13] =	ssyncset.done $0x0  }
0x1a: {  	[sflag:s13] =	ssyncadd.s32 $0xFFFFD800  }
0x1b: {  	[tilespmem:s14], [sflag:$0x2] =	stream.linear.gather [hbm4b:s8+s3], $0x2800, $0x38;
	[tilespmem:$0x1F400] =	vst v63  }
0x1c: {  	_ =	swait.ge [sflag:s13], $0x2800  }
0x1d: {  	[sflag:s13] =	ssyncset.done $0x0  }
0x1e: {  	[sflag:s13] =	ssyncadd.s32 $0xFFFFD800  }
0x1f: {  	[tilespmem:s17], [sflag:$0x2] =	stream.strided.gather [hbm4b:s9+s15], $0x2800, s16, s15, $0x38;
	[tilespmem:$0x1F400] =	vst v63  }
0x20: {  	_ =	swait.ge [sflag:s13], $0x2800  }
0x21: {  	[sflag:s13] =	ssyncset.done $0x0  }
0x22: {  	[sflag:s13] =	ssyncadd.s32 $0xFFFFD800  }
0x23: {  	s23 =	simm.s32 $0x0;
	s24 =	simm.s32 $0x0;
	[bflag:$0x0] =	sbarrier.arrive $0xFFFF  }
.LBB2_2:
0x24: {  	s25 =	sshll.u32 s24, $0x7  }
0x25: {  	[tilespmem:s18], [sflag:$0x1] =	stream.indirect.gather [hbm4b:s4+s15], $0x80, s25, s15, $0xb8;
	[tilespmem:$0x1F400] =	vst v63  }
0x26: {  	s26 =	sadd.s32 $0x0, s23;
	_ =	swait.ge [sflag:s19], $0x4000  }
0x27: {  	v0 =	vmov s26;
	[sflag:s19] =	ssyncset.done $0x0  }
0x28: {  	s26 =	simm.s32 $0x7840;
	[sflag:s19] =	ssyncadd.s32 $0xFFFFC000  }
0x29: {  	v4 =	vld [tilespmem:s26+$0x30]  }
0x2a: {  	v7 =	vld [tilespmem:s26+$0x10]  }
0x2b: {  	v5 =	vld [tilespmem:s26+$0xFFFFFFC0]  }
0x2c: {  	v1 =	vld.idx.msk [tilespmem:v0+s17+$0x0], $0xffff  }
0x2d: {  	v9 =	vld [tilespmem:s26+$0xFFFFFFE0]  }
0x2e: {  	v2 =	vld [tilespmem:s26+$0x20]  }
0x2f: {  	v3 =	vld [tilespmem:s26+$0xFFFFFFD0]  }
0x30: {  	v0 =	vld [tilespmem:s26+$0xFFFFFFF0]  }
0x31: {  	v8 =	vmul.f32 v4, v1;
	v4 =	vld [tilespmem:s26+$0x0]  }
0x32: {  	v6 =	vmul.f32 v5, v1  }
0x33: {  	s28 =	simm.s32 $0x1;
	s29 =	simm.s32 $0x7840;
	v5 =	vmul.f32 v9, v1;
	v7 =	vmul.f32 v7, v1  }
.LBB2_3:
0x34: {  	p0 =	sne.s32 s28, $0x7F  }
0x35: {  	v3 =	vmul.f32 v3, v1;
	v2 =	vmul.f32 v2, v1;
	[tilespmem:s26+$0x30] =	vst v8;
	s29 =	sadd.s32 $0x80, s29;
	s30 =	smov.u32 s28;
	s28 =	sadd.s32 $0x1, s28  }
0x36: {  	[tilespmem:s26+$0xFFFFFFC0] =	vst v6;
	v6 =	vmul.f32 v0, v1;
	v1 =	vmul.f32 v4, v1  }
0x37: {  	s30 =	sadd.s32 s30, s23;
	[tilespmem:s26+$0x10] =	vst v7  }
0x38: {  	v4 =	vmov s30;
	[tilespmem:s26+$0xFFFFFFE0] =	vst v5  }
0x39: {  	v0 =	vld [tilespmem:s29+$0xFFFFFFF0];
	[tilespmem:s26+$0xFFFFFFF0] =	vst v6  }
0x3a: {  	v5 =	vld [tilespmem:s29+$0x30];
	[tilespmem:s26+$0x0] =	vst v1  }
0x3b: {  	v7 =	vld [tilespmem:s29+$0x10];
	[tilespmem:s26+$0x20] =	vst v2  }
0x3c: {  	v6 =	vld [tilespmem:s29+$0xFFFFFFC0];
	[tilespmem:s26+$0xFFFFFFD0] =	vst v3;
	s26 =	smov.u32 s29  }
0x3d: {  	v1 =	vld.idx.msk [tilespmem:v4+s17+$0x0], $0xffff  }
0x3e: {  	v9 =	vld [tilespmem:s29+$0xFFFFFFE0]  }
0x3f: {  	v2 =	vld [tilespmem:s29+$0x20]  }
.Ltmp0:
0x40: {  	v3 =	vld [tilespmem:s29+$0xFFFFFFD0];
	(pc) =	sbr.rel @p0 .LBB2_3-.Ltmp0, $3  }
0x41: {  	v4 =	vld [tilespmem:s29+$0x0];
	_ =	sdelay $0x1  }
0x42: {  	v6 =	vmul.f32 v6, v1;
	v8 =	vmul.f32 v5, v1  }
0x43: {  	v7 =	vmul.f32 v7, v1;
	v5 =	vmul.f32 v9, v1  }
0x44: {  	[tilespmem:s26+$0x30] =	vst v8  }
0x45: {  	[tilespmem:s26+$0xFFFFFFC0] =	vst v6  }
0x46: {  	v0 =	vmul.f32 v0, v1;
	[tilespmem:s26+$0x10] =	vst v7  }
0x47: {  	v2 =	vmul.f32 v2, v1;
	[tilespmem:s26+$0xFFFFFFE0] =	vst v5  }
0x48: {  	v63 =	vmul.f32 v3, v1;
	[tilespmem:s26+$0xFFFFFFF0] =	vst v0  }
0x49: {  	s24 =	sadd.s32 $0x1, s24;
	v4 =	vmul.f32 v4, v1;
	[tilespmem:s26+$0x20] =	vst v2  }
0x4a: {  	p0 =	sne.s32 s24, $0x50;
	[tilespmem:s26+$0xFFFFFFD0] =	vst v63  }
.Ltmp1:
0x4b: {  	s25 =	sadd.s32 $0x2800, s25;
	[tilespmem:s26+$0x0] =	vst v4;
	(pc) =	sbr.rel @p0 .LBB2_2-.Ltmp1, $4  }
0x4c: {  	[spmem:s2] =	stream.indirect.scatter.add.f32 [tilespmem:s18], [sflag:$0x2], $0x80, s25, s15, $0xb8;
	[tilespmem:$0x1F400] =	vst v63  }
0x4d: {  	_ =	swait.ge [sflag:s13], $0x4000  }
0x4e: {  	[sflag:s13] =	ssyncset.done $0x0  }
0x4f: {  	s23 =	sadd.s32 $0x80, s23;
	[sflag:s13] =	ssyncadd.s32 $0xFFFFC000  }
0x50: {  	s22 =	sadd.s32 $0x1, s22  }
0x51: {  	p0 =	sne.s32 s22, s11  }
.Ltmp2:
0x52: {  	[bflag:$0x0] =	sbarrier.arrive $0xFFFF;
	(pc) =	sbr.rel @p0 .LBB2_1-.Ltmp2, $4  }
0x53: {  	[hbm:s10@s21], [sflag:s6] =	dma.strided [spmem:s12@s15], $0x2780, s20, $0x10   }
0x54: {  	_ =	swait.ge [sflag:s13], $0x2780  }
0x55: {  	[sflag:s13] =	ssyncset.done $0x0  }
0x56: {  	[sflag:s13] =	ssyncadd.s32 $0xFFFFD880  }
0x57: {  	_ =	sfence.sel $0x180000  }
0x58: {  	[bflag:$0x0] =	sbarrier.arrive $0xFFFF  }
0x59: {  	p0 =	sne.s32 s1, $0x0;
	_ =	strace $0x9000004D  }
0x5a: {  	s0 =	sadd.s32 @!p0 $0x100000, s0;
	[bflag:$0x2] =	sbarrier.arrive $0xFFFF  }
0x5b: {  	[sflag:s0] =	ssyncadd.tile.s32 @!p0 $0x1;
	_ =	shalt  }
.Lfunc_end2:
_tile_overlayer_lowered:
.L_overlay_start_2:
0x5c: {  	(tag) =	ssettag $0x2  }
0x5d: {  	s0 =	rddreg [dreg:$0x0];
	s2 =	stileid.u32  }
0x5e: {  	s1 =	rddreg [dreg:$0x1];
	p0 =	sne.s32 s2, $0x0  }
0x5f: {  	s3 =	rddreg [dreg:$0x2];
	[bflag:$0x3] =	sbarrier.arrive $0xFFFF;
	s2 =	simm.s32 @!p0 $0x1C02  }
0x60: {  	[timem:s3], [sflag:s2] =	dma.local @!p0 [hbm:s0], s1  }
0x61: {  	s0 =	simm.s32 @!p0 $0x2  }
0x62: {  	_ =	swait.ge @!p0 [sflag:s0], s1  }
0x63: {  	s1 =	ssub.s32 @!p0 $0x0, s1;
	[sflag:s0] =	ssyncset.done @!p0 $0x0  }
0x64: {  	[sflag:s0] =	ssyncadd.s32 @!p0 s1  }
0x65: {  	[bflag:$0x3] =	sbarrier.arrive $0xFFFF  }
0x66: {  	_ =	shalt  }

// kernel: kernel.32.cloned.1.call-start
scs
__scs_entry_jumppad:
0x0: {  	(pc) =	sbr.rel $0x88, $3  }
0x1: {  	(tag) =	ssettag $0x0;
	lr =	simm.s32 $0x1  }
0x2: {  	[smem:$0x3F81] =	sst lr;
	_ =	strace $0xD0000000  }
0x3: {  	_ = 	snop  }
0x4: {  	_ = 	snop  }
0x5: {  	_ = 	snop  }
0x6: {  	_ = 	snop  }
0x7: {  	_ = 	snop  }
__scs_overlays_trampoline_lowered:
0x8: {  	[smem:$0x3F90] =	sst s0  }
0x9: {  	[smem:$0x3F91] =	sst s1  }
0xa: {  	[smem:$0x3F92] =	sst s2  }
0xb: {  	[smem:$0x3F93] =	sst s3  }
0xc: {  	[smem:$0x3F94] =	sst s4  }
0xd: {  	[smem:$0x3F95] =	sst s5  }
0xe: {  	[smem:$0x3F96] =	sst s6  }
0xf: {  	[smem:$0x3F97] =	sst s7  }
0x10: {  	[smem:$0x3F98] =	sst s8  }
0x11: {  	[smem:$0x3F99] =	sst s9;
	s0 =	simm.s32 @!p0 $0x0  }
0x12: {  	s1 =	sld [smem:$0x3F7F];
	s0 =	simm.s32 @p0 $0x1  }
0x13: {  	[smem:$0x3F9A] =	sst s0;
	s0 =	simm.s32 @!p1 $0x0  }
0x14: {  	s2 =	sld [smem:$0x3F7E];
	s0 =	simm.s32 @p1 $0x1  }
0x15: {  	[smem:$0x3F9B] =	sst s0;
	s0 =	simm.s32 @!p2 $0x0  }
0x16: {  	s3 =	sld [smem:$0x3FDB];
	s0 =	simm.s32 @p2 $0x1  }
0x17: {  	s4 =	simm.s32 $0x1BF5;
	[smem:$0x3F9D] =	sst s0  }
0x18: {  	s0 =	sld [smem:$0x3F80];
	_ =	swait.ge [sflag:s4], $0x0  }
0x19: {  	s7 =	sld [smem:$0x3F81]  }
0x1a: {  	s8 =	sadd.s32 $0xFFFFE003, lr  }
0x1b: {  	s9 =	sadd.s32 $0xFFFFFEF7, lr;
	s5 =	simm.s32 $0xFFFFFFFF;
	p2 =	slt.u32 s8, $0xFFFFF086  }
0x1c: {  	p1 =	slt.u32 s9, $0xF7A;
	s5 =	simm.s32 @!p2 $0x0  }
0x1d: {  	s5 =	simm.s32 @p1 $0x1;
	p0 =	seq.s32 s7, s2  }
0x1e: {  	s7 =	smul.u32 @!p0 $0xF7A, s2;
	p2 =	seq.s32 @!p0 s5, $0x0  }
0x1f: {  	s9 =	smul.u32 $0xF7A, s1;
	s8 =	simm.s32 @!p0 $0x1BF5;
	p2 =	por !p2, p0  }
0x20: {  	[sflag:s8] =	ssyncset.s32 @!p0 $0xFFFFF086;
	s6 =	sadd.s32 @!p0 s3, s7;
	s7 =	simm.s32 @!p0 $0x108  }
0x21: {  	s3 =	sadd.s32 s3, s9;
	s6 =	sadd.s32 @!p0 $0x88, s6;
	s7 =	simm.s32 @p2 $0x1082  }
0x22: {  	[simem:s7], [sflag:s8] =	dma.local @!p0 [hbm:s6], $0xF7A  }
0x23: {  	s9 =	sor.u32 $0xD0000000, s2;
	s6 =	simm.s32 $0x108;
	_ =	swait.ge @!p0 [sflag:s8], $0x0  }
0x24: {  	s3 =	sadd.s32 $0x88, s3;
	s6 =	simm.s32 @!p1 $0x1082;
	[sflag:s4] =	ssyncset.s32 $0xFFFFF086  }
0x25: {  	[simem:s6], [sflag:s4] =	dma.local [hbm:s3], $0xF7A  }
0x26: {  	[smem:$0x3F81] =	sst s1;
	(tag) =	ssettag s2;
	_ =	strace s9  }
0x27: {  	s1 =	sld [smem:$0x3F91]  }
0x28: {  	s2 =	sld [smem:$0x3F92]  }
0x29: {  	s4 =	sld [smem:$0x3F94]  }
0x2a: {  	p0 =	seq.s32 s5, $0x0;
	s5 =	sld [smem:$0x3F95]  }
0x2b: {  	s6 =	sld [smem:$0x3F96]  }
0x2c: {  	s7 =	sld [smem:$0x3F97]  }
0x2d: {  	s3 =	simm.s32 $0x108;
	s8 =	sld [smem:$0x3F98]  }
0x2e: {  	s3 =	simm.s32 @!p0 $0x1082;
	s9 =	sld [smem:$0x3F99]  }
0x2f: {  	lr =	sadd.s32 s0, s3;
	s0 =	sld [smem:$0x3F90]  }
0x30: {  	s3 =	sld [smem:$0x3F93]  }
0x31: {  	[smem:$0x3F9C] =	sst s10  }
0x32: {  	s10 =	sld [smem:$0x3F9A];
	_ =	sdelay $0x3  }
0x33: {  	p0 =	seq.s32 s10, $0x1;
	s10 =	sld [smem:$0x3F9C];
	_ =	sdelay $0x3  }
0x34: {  	[smem:$0x3F9C] =	sst s10  }
0x35: {  	s10 =	sld [smem:$0x3F9B];
	_ =	sdelay $0x3  }
0x36: {  	p1 =	seq.s32 s10, $0x1;
	s10 =	sld [smem:$0x3F9C];
	_ =	sdelay $0x3  }
0x37: {  	[smem:$0x3F9C] =	sst s10  }
0x38: {  	s10 =	sld [smem:$0x3F9D]  }
0x39: {  	_ = 	snop;
	(pc) =	sbr.ind lr, $3  }
0x3a: {  	_ = 	snop  }
0x3b: {  	_ = 	snop  }
0x3c: {  	p2 =	seq.s32 s10, $0x1;
	s10 =	sld [smem:$0x3F9C]  }
0x3d: {  	_ =	shalt  }
0x3e: {  	_ =	shalt  }
0x3f: {  	_ =	shalt  }
0x40: {  	_ =	shalt  }
0x41: {  	_ =	shalt  }
0x42: {  	_ =	shalt  }
0x43: {  	_ =	shalt  }
0x44: {  	_ =	shalt  }
0x45: {  	_ =	shalt  }
0x46: {  	_ =	shalt  }
0x47: {  	_ =	shalt  }
0x48: {  	_ =	shalt  }
0x49: {  	_ =	shalt  }
0x4a: {  	_ =	shalt  }
0x4b: {  	_ =	shalt  }
0x4c: {  	_ =	shalt  }
0x4d: {  	_ =	shalt  }
0x4e: {  	_ =	shalt  }
0x4f: {  	_ =	shalt  }
0x50: {  	_ =	shalt  }
0x51: {  	_ =	shalt  }
0x52: {  	_ =	shalt  }
0x53: {  	_ =	shalt  }
0x54: {  	_ =	shalt  }
0x55: {  	_ =	shalt  }
0x56: {  	_ =	shalt  }
0x57: {  	_ =	shalt  }
0x58: {  	_ =	shalt  }
0x59: {  	_ =	shalt  }
0x5a: {  	_ =	shalt  }
0x5b: {  	_ =	shalt  }
0x5c: {  	_ =	shalt  }
0x5d: {  	_ =	shalt  }
0x5e: {  	_ =	shalt  }
0x5f: {  	_ =	shalt  }
0x60: {  	_ =	shalt  }
0x61: {  	_ =	shalt  }
0x62: {  	_ =	shalt  }
0x63: {  	_ =	shalt  }
0x64: {  	_ =	shalt  }
0x65: {  	_ =	shalt  }
0x66: {  	_ =	shalt  }
0x67: {  	_ =	shalt  }
0x68: {  	_ =	shalt  }
0x69: {  	_ =	shalt  }
0x6a: {  	_ =	shalt  }
0x6b: {  	_ =	shalt  }
0x6c: {  	_ =	shalt  }
0x6d: {  	_ =	shalt  }
0x6e: {  	_ =	shalt  }
0x6f: {  	_ =	shalt  }
0x70: {  	_ =	shalt  }
0x71: {  	_ =	shalt  }
0x72: {  	_ =	shalt  }
0x73: {  	_ =	shalt  }
0x74: {  	_ =	shalt  }
0x75: {  	_ =	shalt  }
0x76: {  	_ =	shalt  }
0x77: {  	_ =	shalt  }
0x78: {  	_ =	shalt  }
0x79: {  	_ =	shalt  }
0x7a: {  	_ =	shalt  }
0x7b: {  	_ =	shalt  }
0x7c: {  	_ =	shalt  }
0x7d: {  	_ =	shalt  }
0x7e: {  	_ =	shalt  }
0x7f: {  	_ =	shalt  }
0x80: {  	_ =	shalt  }
0x81: {  	_ =	shalt  }
0x82: {  	_ =	shalt  }
0x83: {  	_ =	shalt  }
0x84: {  	_ =	shalt  }
0x85: {  	_ =	shalt  }
0x86: {  	_ =	shalt  }
0x87: {  	_ =	shalt  }
.Lfunc_end0:
.L_simem_size_0:
called_computation.3_lowered:
.L_overlay_start_0:
0x88: {  	s2 =	sld [smem:$0x3FD9]  }
0x89: {  	s3 =	sld [smem:$0x3FFE];
	_ =	sdelay $0x1  }
0x8a: {  	s1 =	srdreg.scid  }
0x8b: {  	s0 =	sand.u32 $0x1, s1  }
0x8c: {  	s17 =	sshll.u32 s0, $0xA;
	s2 =	sadd.s32 s3, s2  }
0x8d: {  	s2 =	sadd.s32 s2, s17  }
0x8e: {  	[smem:$0x3FA8] =	sst s2  }
0x8f: {  	_ = 	snop  }
0x90: {  	(tm) =	ssettm $0x1  }
0x91: {  	s18 =	sld [smem:$0x3FFB];
	_ =	sdelay $0x3  }
0x92: {  	_ =	strace s18  }
0x93: {  	s2 =	sld [smem:$0x3FFC];
	_ =	sdelay $0x3  }
0x94: {  	_ =	strace s2  }
0x95: {  	s2 =	sld [smem:$0x3FFD];
	_ =	sdelay $0x3  }
0x96: {  	_ =	strace s2  }
0x97: {  	_ =	strace $0x8FFFFFFF  }
0x98: {  	s19 =	sld [smem:$0x3FDB];
	_ =	sdelay $0x1  }
0x99: {  	s20 =	simm.s32 $_scs_section_size  }
0x9a: {  	s4 =	simm.s32 $_size__tile_overlayer_lowered;
	s5 =	simm.s32 $_tile_overlayer_lowered  }
0x9b: {  	s6 =	simm.s32 $0x1BFF;
	s21 =	sshll.u32 s5, $0x1;
	s3 =	sadd.s32 s20, s19  }
0x9c: {  	s22 =	simm.s32 $0x0;
	s4 =	sshll.u32 s4, $0x1;
	s5 =	sadd.s32 s21, s3  }
0x9d: {  	[timem:s22], [sflag:s6] =	dma.local [hbm:s5], s4  }
0x9e: {  	_ =	swait.ge [sflag:s6], s4  }
0x9f: {  	s4 =	ssub.s32 $0x0, s4;
	[sflag:s6] =	ssyncset.done $0x0  }
0xa0: {  	[sflag:s6] =	ssyncadd.s32 s4;
	_ =	sdelay $0x1  }
0xa1: {  	s23 =	simm.s32 $0x1B8B  }
0xa2: {  	_ =	swait.ge [sflag:s23], $0x1  }
0xa3: {  	[sflag:s23] =	ssyncset.done $0x0  }
0xa4: {  	[sflag:s23] =	ssyncadd.s32 $0xFFFFFFFF  }
0xa5: {  	s4 =	sld [smem:$0x0]  }
0xa6: {  	s5 =	sand.u32 $0xFFFFFFFE, s1  }
0xa7: {  	p0 =	sne.s32 s1, s5  }
0xa8: {  	s5 =	sshll.u32 @p0 s5, $0xE  }
0xa9: {  	s5 =	sadd.s32 @p0 $0x11B8D, s5;
	s6 =	sshll.u32 @p0 s4, $0x11  }
0xaa: {  	s5 =	sor.u32 @p0 s6, s5  }
0xab: {  	[sflag:s5] =	ssyncadd.remote.s32 @p0 $0x1;
	_ =	sdelay $0x1  }
0xac: {  	s5 =	simm.s32 @p0 $0x1B8D  }
0xad: {  	_ =	swait.eq @p0 [sflag:s5], $0x1  }
0xae: {  	[sflag:s5] =	ssyncadd.s32 @p0 $0xFFFFFFFF  }
0xaf: {  	s6 =	sshll.u32 @!p0 s1, $0xE  }
0xb0: {  	s6 =	sor.u32 @!p0 $0x4000, s6;
	s5 =	simm.s32 @!p0 $0x1B8D  }
0xb1: {  	s4 =	sshll.u32 @!p0 s4, $0x11;
	s6 =	sadd.s32 @!p0 $0x11B8D, s6;
	_ =	swait.eq @!p0 [sflag:s5], $0x1  }
0xb2: {  	s4 =	sor.u32 @!p0 s4, s6;
	[sflag:s5] =	ssyncadd.s32 @!p0 $0xFFFFFFFF  }
0xb3: {  	s25 =	simm.s32 $0x1B8E;
	s24 =	sld [smem:$0x3FFE];
	[sflag:s4] =	ssyncadd.remote.s32 @!p0 $0x1  }
0xb4: {  	s26 =	simm.s32 $execute0_lowered;
	[smem:$0x3FD2] =	sst s25  }
0xb5: {  	s5 =	sshll.u32 s26, $0x1;
	_ =	strace $0x80000052;
	[dreg:$0x1] =	wrdreg $0xFFFFFFFF  }
0xb6: {  	s28 =	simm.s32 $_size_execute0_lowered;
	s3 =	sadd.s32 s3, s5;
	[dreg:$0x0] =	wrdreg $0x0  }
0xb7: {  	s5 =	sshll.u32 s28, $0x1;
	[dreg:$0x2] =	wrdreg s3  }
0xb8: {  	[dreg:$0x3] =	wrdreg s5  }
0xb9: {  	[dreg:$0x4] =	wrdreg $0xC0  }
0xba: {  	_ =	task [dreg:s22], $0x5FFFF  }
0xbb: {  	[dreg:$0x1] =	wrdreg $0xFFFFFFFF  }
0xbc: {  	[dreg:$0x0] =	wrdreg $0x60  }
0xbd: {  	[dreg:$0x2] =	wrdreg s24  }
0xbe: {  	[dreg:$0x3] =	wrdreg $0x9  }
0xbf: {  	_ =	task.clear_ibuf [dreg:s22], $0x4FFFF;
	_ =	strace $0x90000052  }
0xc0: {  	s29 =	simm.s32 $0x9;
	_ =	strace $0x80000054  }
0xc1: {  	_ =	swait.ge [sflag:s29], $0x1  }
0xc2: {  	[sflag:s29] =	ssyncadd.s32 $0xFFFFFFFF  }
0xc3: {  	_ =	strace $0x90000054  }
0xc4: {  	_ =	sfence  }
0xc5: {  	s30 =	sld [smem:$0x0];
	_ =	sdelay $0x2  }
0xc6: {  	s31 =	sshll.u32 s1, $0xD;
	s1 =	sshrl.u32 s1, $0x2  }
0xc7: {  	s4 =	sand.u32 $0x4000, s31;
	s1 =	sadd.s32 s1, s30  }
0xc8: {  	s0 =	sor.u32 s4, s0;
	s1 =	sshll.u32 s1, $0x11  }
0xc9: {  	s0 =	sor.u32 s1, s0  }
0xca: {  	s0 =	sadd.s32 $0x8F2B, s0  }
0xcb: {  	[sflag:s0] =	ssyncadd.remote.s32 $0x1  }
0xcc: {  	_ =	sfence.sel $0xFFFF  }
0xcd: {  	[dreg:$0x0] =	wrdreg $0xFFFFFFFF;
	(pc) =	sbr.abs _section_cstart, $3  }
0xce: {  	[dreg:$0x1] =	wrdreg $0xFFFFFFFF  }
0xcf: {  	_ =	task.clear_ibuf [dreg:s22], $0x2FFFF;
	_ =	strace $0x9FFFFFFF  }
0xd0: {  	(tm) =	ssettm $0x7FFFFFFF  }
0xd1: {  	_ =	shalt  }
tec
execute0_lowered:
.L_overlay_start_1:
0x0: {  	(tag) =	ssettag $0x1  }
0x1: {  	s0 =	srdreg.scid;
	s3 =	stileid.u32  }
0x2: {  	s4 =	rddreg [dreg:$0x0];
	s16 =	simm.s32 $0x1C00;
	s17 =	simm.s32 $0x2400  }
0x3: {  	s18 =	simm.s32 $0x2C00;
	s19 =	simm.s32 $0x3400;
	s21 =	simm.s32 $0x3C00  }
0x4: {  	s22 =	simm.s32 $0x4400;
	s23 =	simm.s32 $0x4C00;
	s24 =	simm.s32 $0x5400  }
0x5: {  	s6 =	simm.s32 $0x2;
	s0 =	sand.u32 $0x1, s0;
	s1 =	smul.u32 $0x280000, s3  }
0x6: {  	s25 =	simm.s32 $0x5C00;
	s7 =	simm.s32 $0x1400;
	s2 =	smul.u32 $0x140000, s0  }
0x7: {  	s26 =	simm.s32 $0x6400;
	s8 =	simm.s32 $0x6C00;
	s9 =	simm.s32 $0x7400  }
0x8: {  	s10 =	simm.s32 $0x7C00;
	s1 =	sadd.s32 s2, s1;
	s2 =	simm.s32 $0x0  }
0x9: {  	s11 =	simm.s32 $0x8400;
	s12 =	simm.s32 $0x8C00;
	[smem:$0x7FF] =	sst s2  }
0xa: {  	s13 =	simm.s32 $0x9400;
	_ =	strace $0x80000053;
	[dreg:$0x3] =	wrdreg s16  }
0xb: {  	s14 =	simm.s32 $0x9C00;
	s3 =	sshll.u32 s3, $0x1;
	[dreg:$0x4] =	wrdreg s17  }
0xc: {  	s3 =	sor.u32 s0, s3;
	s0 =	ssub.s32 $0x2, s0;
	[dreg:$0x5] =	wrdreg s18  }
0xd: {  	s15 =	simm.s32 $0xA400;
	s20 =	sshrl.u32 s0, $0x1;
	[dreg:$0x6] =	wrdreg s19  }
0xe: {  	s28 =	simm.s32 $0x10400;
	s0 =	ssub.s32 s0, s20;
	[dreg:$0x7] =	wrdreg s21  }
0xf: {  	s29 =	simm.s32 $0x10C00;
	s0 =	smax.u32 s0, $0x1;
	[dreg:$0x8] =	wrdreg s22  }
0x10: {  	s30 =	simm.s32 $0x1;
	s31 =	simm.s32 $0x0;
	[dreg:$0xe] =	wrdreg s0  }
0x11: {  	s5 =	smul.u32 $0x280, s3;
	s3 =	sadd.s32 $0x1A3400, s4;
	[dreg:$0x9] =	wrdreg s23  }
0x12: {  	s20 =	simm.s32 $0xCC00;
	s1 =	sshrl.u32 s1, $0x3;
	[dreg:$0xa] =	wrdreg s24  }
0x13: {  	s1 =	sadd.s32 s1, s4;
	s4 =	sadd.s32 s5, s4;
	[dreg:$0xb] =	wrdreg s25  }
0x14: {  	[dreg:$0xc] =	wrdreg s26;
	s16 =	simm.s32 $0xAC00;
	s17 =	simm.s32 $0xB400  }
0x15: {  	s18 =	simm.s32 $0xBC00;
	s19 =	simm.s32 $0xC400;
	s21 =	simm.s32 $0xD400  }
0x16: {  	v2 =	vlaneseq.u32;
	s22 =	simm.s32 $0xDC00;
	s23 =	simm.s32 $0xE400;
	s1 =	sadd.s32 $0x7A9200, s1  }
0x17: {  	vm0 =	vmmov $0xffff;
	v1 =	vshrl.u32 v2, $0x3;
	s24 =	simm.s32 $0xEC00;
	s4 =	sadd.s32 $0x2A1A00, s4;
	[dreg:$0x2] =	wrdreg s1  }
0x18: {  	v0 =	vand.u32 $0x7, v2;
	v2 =	vor.u32 $0x8, v2;
	v1 =	vmul.u32 $0x8, v1;
	s25 =	simm.s32 $0xF400;
	s26 =	simm.s32 $0xFC00;
	[dreg:$0xd] =	wrdreg s4  }
.LBB2_1:
0x19: {  	s0 =	rddreg [dreg:$0xd]  }
0x1a: {  	[tilespmem:s2], [sflag:$0x2] =	stream.linear.gather [hbm4b:s0+s2], $0x1400, $0x38;
	[tilespmem:$0x11400] =	vst v63  }
0x1b: {  	_ =	swait.ge [sflag:s6], $0x1400  }
0x1c: {  	[sflag:s6] =	ssyncset.done $0x0  }
0x1d: {  	s1 =	simm.s32 $0x80;
	s0 =	simm.s32 $0x0;
	[sflag:s6] =	ssyncadd.s32 $0xFFFFEC00  }
.LBB2_2:
0x1e: {  	v3 =	vld [tilespmem:s1+$0xFFFFFF80];
	_ =	sdelay $0x4  }
0x1f: {  	v4 =	vshll.u32 v3, $0x1  }
0x20: {  	v3 =	vand.u32 $0x7, v3;
	v4 =	vand.u32 $0xFFFFFFF0, v4  }
0x21: {  	v3 =	vor.u32 v3, v4  }
0x22: {  	v4 =	vperm.xlane v3, v0;
	_ =	sdelay $0x1  }
0x23: {  	v3 =	vperm.xlane v3, v2;
	v4 =	vadd.s32 v1, v4;
	_ =	sdelay $0x1  }
0x24: {  	v3 =	vadd.s32 v1, v3;
	_ =	sdelay $0x2  }
0x25: {  	[tilespmem:s7], [sflag:$0x1] =	stream.indirect_vreg.gather [hbm4b:s3+s2], $0x80, v4, vm0, $0xb8;
	[tilespmem:$0x11400] =	vst v63  }
0x26: {  	s4 =	rddreg [dreg:$0x3]  }
0x27: {  	[tilespmem:s4], [sflag:$0x1] =	stream.indirect_vreg.gather [hbm4b:s3+s2], $0x80, v3, vm0, $0xb8;
	[tilespmem:$0x11400] =	vst v63  }
0x28: {  	v3 =	vld [tilespmem:s1+$0xFFFFFF90];
	_ =	sdelay $0x4  }
0x29: {  	v49 =	vshll.u32 v3, $0x1  }
0x2a: {  	v3 =	vand.u32 $0x7, v3;
	v4 =	vand.u32 $0xFFFFFFF0, v49  }
0x2b: {  	v3 =	vor.u32 v3, v4  }
0x2c: {  	v4 =	vperm.xlane v3, v0;
	_ =	sdelay $0x1  }
0x2d: {  	v3 =	vperm.xlane v3, v2;
	v4 =	vadd.s32 v1, v4;
	_ =	sdelay $0x1  }
0x2e: {  	v3 =	vadd.s32 v1, v3;
	_ =	sdelay $0x1  }
0x2f: {  	s4 =	rddreg [dreg:$0x4]  }
0x30: {  	[tilespmem:s4], [sflag:$0x1] =	stream.indirect_vreg.gather [hbm4b:s3+s2], $0x80, v4, vm0, $0xb8;
	[tilespmem:$0x11400] =	vst v63  }
0x31: {  	s5 =	rddreg [dreg:$0x5]  }
0x32: {  	[tilespmem:s5], [sflag:$0x1] =	stream.indirect_vreg.gather [hbm4b:s3+s2], $0x80, v3, vm0, $0xb8;
	[tilespmem:$0x11400] =	vst v63  }
0x33: {  	v3 =	vld [tilespmem:s1+$0xFFFFFFA0];
	_ =	sdelay $0x4  }
0x34: {  	v50 =	vshll.u32 v3, $0x1  }
0x35: {  	v3 =	vand.u32 $0x7, v3;
	v4 =	vand.u32 $0xFFFFFFF0, v50  }
0x36: {  	v3 =	vor.u32 v3, v4  }
0x37: {  	v4 =	vperm.xlane v3, v0;
	_ =	sdelay $0x1  }
0x38: {  	v3 =	vperm.xlane v3, v2;
	v4 =	vadd.s32 v1, v4;
	_ =	sdelay $0x1  }
0x39: {  	v3 =	vadd.s32 v1, v3;
	_ =	sdelay $0x1  }
0x3a: {  	s4 =	rddreg [dreg:$0x6]  }
0x3b: {  	[tilespmem:s4], [sflag:$0x1] =	stream.indirect_vreg.gather [hbm4b:s3+s2], $0x80, v4, vm0, $0xb8;
	[tilespmem:$0x11400] =	vst v63  }
0x3c: {  	s5 =	rddreg [dreg:$0x7]  }
0x3d: {  	[tilespmem:s5], [sflag:$0x1] =	stream.indirect_vreg.gather [hbm4b:s3+s2], $0x80, v3, vm0, $0xb8;
	[tilespmem:$0x11400] =	vst v63  }
0x3e: {  	v3 =	vld [tilespmem:s1+$0xFFFFFFB0];
	_ =	sdelay $0x4  }
0x3f: {  	v51 =	vshll.u32 v3, $0x1  }
0x40: {  	v3 =	vand.u32 $0x7, v3;
	v4 =	vand.u32 $0xFFFFFFF0, v51  }
0x41: {  	v3 =	vor.u32 v3, v4  }
0x42: {  	v4 =	vperm.xlane v3, v0;
	_ =	sdelay $0x1  }
0x43: {  	v3 =	vperm.xlane v3, v2;
	v4 =	vadd.s32 v1, v4;
	_ =	sdelay $0x1  }
0x44: {  	v3 =	vadd.s32 v1, v3;
	_ =	sdelay $0x1  }
0x45: {  	s4 =	rddreg [dreg:$0x8]  }
0x46: {  	[tilespmem:s4], [sflag:$0x1] =	stream.indirect_vreg.gather [hbm4b:s3+s2], $0x80, v4, vm0, $0xb8;
	[tilespmem:$0x11400] =	vst v63  }
0x47: {  	s5 =	rddreg [dreg:$0x9]  }
0x48: {  	[tilespmem:s5], [sflag:$0x1] =	stream.indirect_vreg.gather [hbm4b:s3+s2], $0x80, v3, vm0, $0xb8;
	[tilespmem:$0x11400] =	vst v63  }
0x49: {  	v3 =	vld [tilespmem:s1+$0xFFFFFFC0];
	_ =	sdelay $0x4  }
0x4a: {  	v52 =	vshll.u32 v3, $0x1  }
0x4b: {  	v3 =	vand.u32 $0x7, v3;
	v4 =	vand.u32 $0xFFFFFFF0, v52  }
0x4c: {  	v3 =	vor.u32 v3, v4  }
0x4d: {  	v4 =	vperm.xlane v3, v0;
	_ =	sdelay $0x1  }
0x4e: {  	v3 =	vperm.xlane v3, v2;
	v4 =	vadd.s32 v1, v4;
	_ =	sdelay $0x1  }
0x4f: {  	v3 =	vadd.s32 v1, v3;
	_ =	sdelay $0x1  }
0x50: {  	s4 =	rddreg [dreg:$0xa]  }
0x51: {  	[tilespmem:s4], [sflag:$0x1] =	stream.indirect_vreg.gather [hbm4b:s3+s2], $0x80, v4, vm0, $0xb8;
	[tilespmem:$0x11400] =	vst v63  }
0x52: {  	s5 =	rddreg [dreg:$0xb]  }
0x53: {  	[tilespmem:s5], [sflag:$0x1] =	stream.indirect_vreg.gather [hbm4b:s3+s2], $0x80, v3, vm0, $0xb8;
	[tilespmem:$0x11400] =	vst v63  }
0x54: {  	v3 =	vld [tilespmem:s1+$0xFFFFFFD0];
	_ =	sdelay $0x4  }
0x55: {  	v53 =	vshll.u32 v3, $0x1  }
0x56: {  	v3 =	vand.u32 $0x7, v3;
	v4 =	vand.u32 $0xFFFFFFF0, v53  }
0x57: {  	v3 =	vor.u32 v3, v4  }
0x58: {  	v4 =	vperm.xlane v3, v0;
	_ =	sdelay $0x1  }
0x59: {  	v3 =	vperm.xlane v3, v2;
	v4 =	vadd.s32 v1, v4;
	_ =	sdelay $0x1  }
0x5a: {  	v3 =	vadd.s32 v1, v3;
	_ =	sdelay $0x1  }
0x5b: {  	s5 =	rddreg [dreg:$0xc]  }
0x5c: {  	[tilespmem:s5], [sflag:$0x1] =	stream.indirect_vreg.gather [hbm4b:s3+s2], $0x80, v4, vm0, $0xb8;
	[tilespmem:$0x11400] =	vst v63  }
0x5d: {  	_ = 	snop  }
0x5e: {  	[tilespmem:s8], [sflag:$0x1] =	stream.indirect_vreg.gather [hbm4b:s3+s2], $0x80, v3, vm0, $0xb8;
	[tilespmem:$0x11400] =	vst v63  }
0x5f: {  	v3 =	vld [tilespmem:s1+$0xFFFFFFE0];
	_ =	sdelay $0x4  }
0x60: {  	v54 =	vshll.u32 v3, $0x1  }
0x61: {  	v3 =	vand.u32 $0x7, v3;
	v4 =	vand.u32 $0xFFFFFFF0, v54  }
0x62: {  	v3 =	vor.u32 v3, v4  }
0x63: {  	v4 =	vperm.xlane v3, v0;
	_ =	sdelay $0x1  }
0x64: {  	v3 =	vperm.xlane v3, v2;
	v4 =	vadd.s32 v1, v4;
	_ =	sdelay $0x1  }
0x65: {  	v3 =	vadd.s32 v1, v3;
	_ =	sdelay $0x2  }
0x66: {  	[tilespmem:s9], [sflag:$0x1] =	stream.indirect_vreg.gather [hbm4b:s3+s2], $0x80, v4, vm0, $0xb8;
	[tilespmem:$0x11400] =	vst v63  }
0x67: {  	_ = 	snop  }
0x68: {  	[tilespmem:s10], [sflag:$0x1] =	stream.indirect_vreg.gather [hbm4b:s3+s2], $0x80, v3, vm0, $0xb8;
	[tilespmem:$0x11400] =	vst v63  }
0x69: {  	v3 =	vld [tilespmem:s1+$0xFFFFFFF0];
	_ =	sdelay $0x4  }
0x6a: {  	v55 =	vshll.u32 v3, $0x1  }
0x6b: {  	v3 =	vand.u32 $0x7, v3;
	v4 =	vand.u32 $0xFFFFFFF0, v55  }
0x6c: {  	v3 =	vor.u32 v3, v4  }
0x6d: {  	v4 =	vperm.xlane v3, v0;
	_ =	sdelay $0x1  }
0x6e: {  	v3 =	vperm.xlane v3, v2;
	v4 =	vadd.s32 v1, v4;
	_ =	sdelay $0x1  }
0x6f: {  	v3 =	vadd.s32 v1, v3;
	_ =	sdelay $0x2  }
0x70: {  	[tilespmem:s11], [sflag:$0x1] =	stream.indirect_vreg.gather [hbm4b:s3+s2], $0x80, v4, vm0, $0xb8;
	[tilespmem:$0x11400] =	vst v63  }
0x71: {  	_ = 	snop  }
0x72: {  	[tilespmem:s12], [sflag:$0x1] =	stream.indirect_vreg.gather [hbm4b:s3+s2], $0x80, v3, vm0, $0xb8;
	[tilespmem:$0x11400] =	vst v63  }
0x73: {  	v3 =	vld [tilespmem:s1+$0x0];
	_ =	sdelay $0x4  }
0x74: {  	v56 =	vshll.u32 v3, $0x1  }
0x75: {  	v3 =	vand.u32 $0x7, v3;
	v4 =	vand.u32 $0xFFFFFFF0, v56  }
0x76: {  	v3 =	vor.u32 v3, v4  }
0x77: {  	v4 =	vperm.xlane v3, v0;
	_ =	sdelay $0x1  }
0x78: {  	v3 =	vperm.xlane v3, v2;
	v4 =	vadd.s32 v1, v4;
	_ =	sdelay $0x1  }
0x79: {  	v3 =	vadd.s32 v1, v3;
	_ =	sdelay $0x2  }
0x7a: {  	[tilespmem:s13], [sflag:$0x1] =	stream.indirect_vreg.gather [hbm4b:s3+s2], $0x80, v4, vm0, $0xb8;
	[tilespmem:$0x11400] =	vst v63  }
0x7b: {  	_ = 	snop  }
0x7c: {  	[tilespmem:s14], [sflag:$0x1] =	stream.indirect_vreg.gather [hbm4b:s3+s2], $0x80, v3, vm0, $0xb8;
	[tilespmem:$0x11400] =	vst v63  }
0x7d: {  	v3 =	vld [tilespmem:s1+$0x10];
	_ =	sdelay $0x4  }
0x7e: {  	v57 =	vshll.u32 v3, $0x1  }
0x7f: {  	v3 =	vand.u32 $0x7, v3;
	v4 =	vand.u32 $0xFFFFFFF0, v57  }
0x80: {  	v3 =	vor.u32 v3, v4  }
0x81: {  	v4 =	vperm.xlane v3, v0;
	_ =	sdelay $0x1  }
0x82: {  	v3 =	vperm.xlane v3, v2;
	v4 =	vadd.s32 v1, v4;
	_ =	sdelay $0x1  }
0x83: {  	v3 =	vadd.s32 v1, v3;
	_ =	sdelay $0x2  }
0x84: {  	[tilespmem:s15], [sflag:$0x1] =	stream.indirect_vreg.gather [hbm4b:s3+s2], $0x80, v4, vm0, $0xb8;
	[tilespmem:$0x11400] =	vst v63  }
0x85: {  	_ = 	snop  }
0x86: {  	[tilespmem:s16], [sflag:$0x1] =	stream.indirect_vreg.gather [hbm4b:s3+s2], $0x80, v3, vm0, $0xb8;
	[tilespmem:$0x11400] =	vst v63  }
0x87: {  	v3 =	vld [tilespmem:s1+$0x20];
	_ =	sdelay $0x4  }
0x88: {  	v58 =	vshll.u32 v3, $0x1  }
0x89: {  	v3 =	vand.u32 $0x7, v3;
	v4 =	vand.u32 $0xFFFFFFF0, v58  }
0x8a: {  	v3 =	vor.u32 v3, v4  }
0x8b: {  	v4 =	vperm.xlane v3, v0;
	_ =	sdelay $0x1  }
0x8c: {  	v3 =	vperm.xlane v3, v2;
	v4 =	vadd.s32 v1, v4;
	_ =	sdelay $0x1  }
0x8d: {  	v3 =	vadd.s32 v1, v3;
	_ =	sdelay $0x2  }
0x8e: {  	[tilespmem:s17], [sflag:$0x1] =	stream.indirect_vreg.gather [hbm4b:s3+s2], $0x80, v4, vm0, $0xb8;
	[tilespmem:$0x11400] =	vst v63  }
0x8f: {  	_ = 	snop  }
0x90: {  	[tilespmem:s18], [sflag:$0x1] =	stream.indirect_vreg.gather [hbm4b:s3+s2], $0x80, v3, vm0, $0xb8;
	[tilespmem:$0x11400] =	vst v63  }
0x91: {  	v3 =	vld [tilespmem:s1+$0x30];
	_ =	sdelay $0x4  }
0x92: {  	v59 =	vshll.u32 v3, $0x1  }
0x93: {  	v3 =	vand.u32 $0x7, v3;
	v4 =	vand.u32 $0xFFFFFFF0, v59  }
0x94: {  	v3 =	vor.u32 v3, v4  }
0x95: {  	v4 =	vperm.xlane v3, v0;
	_ =	sdelay $0x1  }
0x96: {  	v3 =	vperm.xlane v3, v2;
	v4 =	vadd.s32 v1, v4;
	_ =	sdelay $0x1  }
0x97: {  	v3 =	vadd.s32 v1, v3;
	_ =	sdelay $0x2  }
0x98: {  	[tilespmem:s19], [sflag:$0x1] =	stream.indirect_vreg.gather [hbm4b:s3+s2], $0x80, v4, vm0, $0xb8;
	[tilespmem:$0x11400] =	vst v63  }
0x99: {  	_ = 	snop  }
0x9a: {  	[tilespmem:s20], [sflag:$0x1] =	stream.indirect_vreg.gather [hbm4b:s3+s2], $0x80, v3, vm0, $0xb8;
	[tilespmem:$0x11400] =	vst v63  }
0x9b: {  	v3 =	vld [tilespmem:s1+$0x40];
	_ =	sdelay $0x4  }
0x9c: {  	v60 =	vshll.u32 v3, $0x1  }
0x9d: {  	v3 =	vand.u32 $0x7, v3;
	v4 =	vand.u32 $0xFFFFFFF0, v60  }
0x9e: {  	v3 =	vor.u32 v3, v4  }
0x9f: {  	v4 =	vperm.xlane v3, v0;
	_ =	sdelay $0x1  }
0xa0: {  	v3 =	vperm.xlane v3, v2;
	v4 =	vadd.s32 v1, v4;
	_ =	sdelay $0x1  }
0xa1: {  	v3 =	vadd.s32 v1, v3;
	_ =	sdelay $0x2  }
0xa2: {  	[tilespmem:s21], [sflag:$0x1] =	stream.indirect_vreg.gather [hbm4b:s3+s2], $0x80, v4, vm0, $0xb8;
	[tilespmem:$0x11400] =	vst v63  }
0xa3: {  	_ = 	snop  }
0xa4: {  	[tilespmem:s22], [sflag:$0x1] =	stream.indirect_vreg.gather [hbm4b:s3+s2], $0x80, v3, vm0, $0xb8;
	[tilespmem:$0x11400] =	vst v63  }
0xa5: {  	v3 =	vld [tilespmem:s1+$0x50];
	_ =	sdelay $0x4  }
0xa6: {  	v61 =	vshll.u32 v3, $0x1  }
0xa7: {  	v3 =	vand.u32 $0x7, v3;
	v4 =	vand.u32 $0xFFFFFFF0, v61  }
0xa8: {  	v3 =	vor.u32 v3, v4  }
0xa9: {  	v4 =	vperm.xlane v3, v0;
	_ =	sdelay $0x1  }
0xaa: {  	v3 =	vperm.xlane v3, v2;
	v4 =	vadd.s32 v1, v4;
	_ =	sdelay $0x1  }
0xab: {  	v3 =	vadd.s32 v1, v3;
	_ =	sdelay $0x2  }
0xac: {  	[tilespmem:s23], [sflag:$0x1] =	stream.indirect_vreg.gather [hbm4b:s3+s2], $0x80, v4, vm0, $0xb8;
	[tilespmem:$0x11400] =	vst v63  }
0xad: {  	_ = 	snop  }
0xae: {  	[tilespmem:s24], [sflag:$0x1] =	stream.indirect_vreg.gather [hbm4b:s3+s2], $0x80, v3, vm0, $0xb8;
	[tilespmem:$0x11400] =	vst v63  }
0xaf: {  	v3 =	vld [tilespmem:s1+$0x60];
	_ =	sdelay $0x4  }
0xb0: {  	v62 =	vshll.u32 v3, $0x1  }
0xb1: {  	v3 =	vand.u32 $0x7, v3;
	v4 =	vand.u32 $0xFFFFFFF0, v62  }
0xb2: {  	v3 =	vor.u32 v3, v4  }
0xb3: {  	v4 =	vperm.xlane v3, v0;
	_ =	sdelay $0x1  }
0xb4: {  	v3 =	vperm.xlane v3, v2;
	v4 =	vadd.s32 v1, v4;
	_ =	sdelay $0x1  }
0xb5: {  	v3 =	vadd.s32 v1, v3;
	_ =	sdelay $0x2  }
0xb6: {  	[tilespmem:s25], [sflag:$0x1] =	stream.indirect_vreg.gather [hbm4b:s3+s2], $0x80, v4, vm0, $0xb8;
	[tilespmem:$0x11400] =	vst v63  }
0xb7: {  	_ = 	snop  }
0xb8: {  	[tilespmem:s26], [sflag:$0x1] =	stream.indirect_vreg.gather [hbm4b:s3+s2], $0x80, v3, vm0, $0xb8;
	[tilespmem:$0x11400] =	vst v63  }
0xb9: {  	v3 =	vld [tilespmem:s1+$0x70];
	_ =	sdelay $0x4  }
0xba: {  	v63 =	vshll.u32 v3, $0x1  }
0xbb: {  	v3 =	vand.u32 $0x7, v3;
	v4 =	vand.u32 $0xFFFFFFF0, v63  }
0xbc: {  	v3 =	vor.u32 v3, v4  }
0xbd: {  	v4 =	vperm.xlane v3, v0;
	_ =	sdelay $0x1  }
0xbe: {  	v3 =	vperm.xlane v3, v2;
	v4 =	vadd.s32 v1, v4;
	_ =	sdelay $0x1  }
0xbf: {  	v3 =	vadd.s32 v1, v3;
	_ =	sdelay $0x2  }
0xc0: {  	[tilespmem:s28], [sflag:$0x1] =	stream.indirect_vreg.gather [hbm4b:s3+s2], $0x80, v4, vm0, $0xb8;
	[tilespmem:$0x11400] =	vst v63  }
0xc1: {  	_ = 	snop  }
0xc2: {  	[tilespmem:s29], [sflag:$0x1] =	stream.indirect_vreg.gather [hbm4b:s3+s2], $0x80, v3, vm0, $0xb8;
	[tilespmem:$0x11400] =	vst v63  }
0xc3: {  	_ =	swait.ge [sflag:s30], $0x8000  }
0xc4: {  	[sflag:s30] =	ssyncset.done $0x0  }
0xc5: {  	[sflag:s30] =	ssyncadd.s32 $0xFFFF8000  }
0xc6: {  	_ =	swait.ge [sflag:s30], $0x8000  }
0xc7: {  	p0 =	sne.s32 s0, $0x26000;
	s5 =	rddreg [dreg:$0x2];
	[sflag:s30] =	ssyncset.done $0x0  }
.Ltmp0:
0xc8: {  	[sflag:s30] =	ssyncadd.s32 $0xFFFF8000;
	s4 =	sadd.s32 s0, s5;
	(pc) =	sbr.rel @p0 .LBB2_2-.Ltmp0, $4  }
0xc9: {  	[hbm4b:s4+s2] =	stream.linear.scatter [tilespmem:s7], [sflag:$0x2], $0x10000, $0x38;
	[tilespmem:$0x11400] =	vst v63  }
0xca: {  	_ =	swait.ge [sflag:s6], $0x10000  }
0xcb: {  	[sflag:s6] =	ssyncset.done $0x0  }
0xcc: {  	s1 =	sadd.s32 $0x100, s1;
	s0 =	sadd.s32 $0x2000, s0;
	[sflag:s6] =	ssyncadd.s32 $0xFFFF0000  }
0xcd: {  	s31 =	sadd.s32 $0x1, s31;
	s0 =	rddreg [dreg:$0xe]  }
0xce: {  	p0 =	sne.s32 s31, s0  }
.Ltmp1:
0xcf: {  	_ = 	snop;
	(pc) =	sbr.rel @p0 .LBB2_1-.Ltmp1, $1  }
0xd0: {  	_ =	sdelay $0x3  }
0xd1: {  	_ =	sfence.sel $0x180000  }
0xd2: {  	[bflag:$0x0] =	sbarrier.arrive $0xFFFF  }
0xd3: {  	_ =	strace $0x90000053  }
0xd4: {  	s0 =	stileid.u32;
	[bflag:$0x2] =	sbarrier.arrive $0xFFFF  }
0xd5: {  	p0 =	sne.s32 s0, $0x0;
	s0 =	rddreg [dreg:$0x1]  }
0xd6: {  	s0 =	sadd.s32 @!p0 $0x100000, s0  }
0xd7: {  	[sflag:s0] =	ssyncadd.tile.s32 @!p0 $0x1;
	_ =	shalt  }
.Lfunc_end2:
_tile_overlayer_lowered:
.L_overlay_start_2:
0xd8: {  	(tag) =	ssettag $0x2  }
0xd9: {  	s0 =	rddreg [dreg:$0x0];
	s2 =	stileid.u32  }
0xda: {  	s1 =	rddreg [dreg:$0x1];
	p0 =	sne.s32 s2, $0x0  }
0xdb: {  	s3 =	rddreg [dreg:$0x2];
	[bflag:$0x3] =	sbarrier.arrive $0xFFFF;
	s2 =	simm.s32 @!p0 $0x1C02  }
0xdc: {  	[timem:s3], [sflag:s2] =	dma.local @!p0 [hbm:s0], s1  }
0xdd: {  	s0 =	simm.s32 @!p0 $0x2  }
0xde: {  	_ =	swait.ge @!p0 [sflag:s0], s1  }
0xdf: {  	s1 =	ssub.s32 @!p0 $0x0, s1;
	[sflag:s0] =	ssyncset.done @!p0 $0x0  }
0xe0: {  	[sflag:s0] =	ssyncadd.s32 @!p0 s1  }
0xe1: {  	[bflag:$0x3] =	sbarrier.arrive $0xFFFF  }
0xe2: {  	_ =	shalt  }

// kernel: kernel.35.cloned.1.call-start
scs
__scs_entry_jumppad:
0x0: {  	(pc) =	sbr.rel $0x88, $3  }
0x1: {  	(tag) =	ssettag $0x0;
	lr =	simm.s32 $0x1  }
0x2: {  	[smem:$0x3F81] =	sst lr;
	_ =	strace $0xD0000000  }
0x3: {  	_ = 	snop  }
0x4: {  	_ = 	snop  }
0x5: {  	_ = 	snop  }
0x6: {  	_ = 	snop  }
0x7: {  	_ = 	snop  }
__scs_overlays_trampoline_lowered:
0x8: {  	[smem:$0x3F90] =	sst s0  }
0x9: {  	[smem:$0x3F91] =	sst s1  }
0xa: {  	[smem:$0x3F92] =	sst s2  }
0xb: {  	[smem:$0x3F93] =	sst s3  }
0xc: {  	[smem:$0x3F94] =	sst s4  }
0xd: {  	[smem:$0x3F95] =	sst s5  }
0xe: {  	[smem:$0x3F96] =	sst s6  }
0xf: {  	[smem:$0x3F97] =	sst s7  }
0x10: {  	[smem:$0x3F98] =	sst s8  }
0x11: {  	[smem:$0x3F99] =	sst s9;
	s0 =	simm.s32 @!p0 $0x0  }
0x12: {  	s1 =	sld [smem:$0x3F7F];
	s0 =	simm.s32 @p0 $0x1  }
0x13: {  	[smem:$0x3F9A] =	sst s0;
	s0 =	simm.s32 @!p1 $0x0  }
0x14: {  	s2 =	sld [smem:$0x3F7E];
	s0 =	simm.s32 @p1 $0x1  }
0x15: {  	[smem:$0x3F9B] =	sst s0;
	s0 =	simm.s32 @!p2 $0x0  }
0x16: {  	s3 =	sld [smem:$0x3FDB];
	s0 =	simm.s32 @p2 $0x1  }
0x17: {  	s4 =	simm.s32 $0x1BF5;
	[smem:$0x3F9D] =	sst s0  }
0x18: {  	s0 =	sld [smem:$0x3F80];
	_ =	swait.ge [sflag:s4], $0x0  }
0x19: {  	s7 =	sld [smem:$0x3F81]  }
0x1a: {  	s8 =	sadd.s32 $0xFFFFE003, lr  }
0x1b: {  	s9 =	sadd.s32 $0xFFFFFEF7, lr;
	s5 =	simm.s32 $0xFFFFFFFF;
	p2 =	slt.u32 s8, $0xFFFFF086  }
0x1c: {  	p1 =	slt.u32 s9, $0xF7A;
	s5 =	simm.s32 @!p2 $0x0  }
0x1d: {  	s5 =	simm.s32 @p1 $0x1;
	p0 =	seq.s32 s7, s2  }
0x1e: {  	s7 =	smul.u32 @!p0 $0xF7A, s2;
	p2 =	seq.s32 @!p0 s5, $0x0  }
0x1f: {  	s9 =	smul.u32 $0xF7A, s1;
	s8 =	simm.s32 @!p0 $0x1BF5;
	p2 =	por !p2, p0  }
0x20: {  	[sflag:s8] =	ssyncset.s32 @!p0 $0xFFFFF086;
	s6 =	sadd.s32 @!p0 s3, s7;
	s7 =	simm.s32 @!p0 $0x108  }
0x21: {  	s3 =	sadd.s32 s3, s9;
	s6 =	sadd.s32 @!p0 $0x88, s6;
	s7 =	simm.s32 @p2 $0x1082  }
0x22: {  	[simem:s7], [sflag:s8] =	dma.local @!p0 [hbm:s6], $0xF7A  }
0x23: {  	s9 =	sor.u32 $0xD0000000, s2;
	s6 =	simm.s32 $0x108;
	_ =	swait.ge @!p0 [sflag:s8], $0x0  }
0x24: {  	s3 =	sadd.s32 $0x88, s3;
	s6 =	simm.s32 @!p1 $0x1082;
	[sflag:s4] =	ssyncset.s32 $0xFFFFF086  }
0x25: {  	[simem:s6], [sflag:s4] =	dma.local [hbm:s3], $0xF7A  }
0x26: {  	[smem:$0x3F81] =	sst s1;
	(tag) =	ssettag s2;
	_ =	strace s9  }
0x27: {  	s1 =	sld [smem:$0x3F91]  }
0x28: {  	s2 =	sld [smem:$0x3F92]  }
0x29: {  	s4 =	sld [smem:$0x3F94]  }
0x2a: {  	p0 =	seq.s32 s5, $0x0;
	s5 =	sld [smem:$0x3F95]  }
0x2b: {  	s6 =	sld [smem:$0x3F96]  }
0x2c: {  	s7 =	sld [smem:$0x3F97]  }
0x2d: {  	s3 =	simm.s32 $0x108;
	s8 =	sld [smem:$0x3F98]  }
0x2e: {  	s3 =	simm.s32 @!p0 $0x1082;
	s9 =	sld [smem:$0x3F99]  }
0x2f: {  	lr =	sadd.s32 s0, s3;
	s0 =	sld [smem:$0x3F90]  }
0x30: {  	s3 =	sld [smem:$0x3F93]  }
0x31: {  	[smem:$0x3F9C] =	sst s10  }
0x32: {  	s10 =	sld [smem:$0x3F9A];
	_ =	sdelay $0x3  }
0x33: {  	p0 =	seq.s32 s10, $0x1;
	s10 =	sld [smem:$0x3F9C];
	_ =	sdelay $0x3  }
0x34: {  	[smem:$0x3F9C] =	sst s10  }
0x35: {  	s10 =	sld [smem:$0x3F9B];
	_ =	sdelay $0x3  }
0x36: {  	p1 =	seq.s32 s10, $0x1;
	s10 =	sld [smem:$0x3F9C];
	_ =	sdelay $0x3  }
0x37: {  	[smem:$0x3F9C] =	sst s10  }
0x38: {  	s10 =	sld [smem:$0x3F9D]  }
0x39: {  	_ = 	snop;
	(pc) =	sbr.ind lr, $3  }
0x3a: {  	_ = 	snop  }
0x3b: {  	_ = 	snop  }
0x3c: {  	p2 =	seq.s32 s10, $0x1;
	s10 =	sld [smem:$0x3F9C]  }
0x3d: {  	_ =	shalt  }
0x3e: {  	_ =	shalt  }
0x3f: {  	_ =	shalt  }
0x40: {  	_ =	shalt  }
0x41: {  	_ =	shalt  }
0x42: {  	_ =	shalt  }
0x43: {  	_ =	shalt  }
0x44: {  	_ =	shalt  }
0x45: {  	_ =	shalt  }
0x46: {  	_ =	shalt  }
0x47: {  	_ =	shalt  }
0x48: {  	_ =	shalt  }
0x49: {  	_ =	shalt  }
0x4a: {  	_ =	shalt  }
0x4b: {  	_ =	shalt  }
0x4c: {  	_ =	shalt  }
0x4d: {  	_ =	shalt  }
0x4e: {  	_ =	shalt  }
0x4f: {  	_ =	shalt  }
0x50: {  	_ =	shalt  }
0x51: {  	_ =	shalt  }
0x52: {  	_ =	shalt  }
0x53: {  	_ =	shalt  }
0x54: {  	_ =	shalt  }
0x55: {  	_ =	shalt  }
0x56: {  	_ =	shalt  }
0x57: {  	_ =	shalt  }
0x58: {  	_ =	shalt  }
0x59: {  	_ =	shalt  }
0x5a: {  	_ =	shalt  }
0x5b: {  	_ =	shalt  }
0x5c: {  	_ =	shalt  }
0x5d: {  	_ =	shalt  }
0x5e: {  	_ =	shalt  }
0x5f: {  	_ =	shalt  }
0x60: {  	_ =	shalt  }
0x61: {  	_ =	shalt  }
0x62: {  	_ =	shalt  }
0x63: {  	_ =	shalt  }
0x64: {  	_ =	shalt  }
0x65: {  	_ =	shalt  }
0x66: {  	_ =	shalt  }
0x67: {  	_ =	shalt  }
0x68: {  	_ =	shalt  }
0x69: {  	_ =	shalt  }
0x6a: {  	_ =	shalt  }
0x6b: {  	_ =	shalt  }
0x6c: {  	_ =	shalt  }
0x6d: {  	_ =	shalt  }
0x6e: {  	_ =	shalt  }
0x6f: {  	_ =	shalt  }
0x70: {  	_ =	shalt  }
0x71: {  	_ =	shalt  }
0x72: {  	_ =	shalt  }
0x73: {  	_ =	shalt  }
0x74: {  	_ =	shalt  }
0x75: {  	_ =	shalt  }
0x76: {  	_ =	shalt  }
0x77: {  	_ =	shalt  }
0x78: {  	_ =	shalt  }
0x79: {  	_ =	shalt  }
0x7a: {  	_ =	shalt  }
0x7b: {  	_ =	shalt  }
0x7c: {  	_ =	shalt  }
0x7d: {  	_ =	shalt  }
0x7e: {  	_ =	shalt  }
0x7f: {  	_ =	shalt  }
0x80: {  	_ =	shalt  }
0x81: {  	_ =	shalt  }
0x82: {  	_ =	shalt  }
0x83: {  	_ =	shalt  }
0x84: {  	_ =	shalt  }
0x85: {  	_ =	shalt  }
0x86: {  	_ =	shalt  }
0x87: {  	_ =	shalt  }
.Lfunc_end0:
.L_simem_size_0:
called_computation.4_lowered:
.L_overlay_start_0:
0x88: {  	s2 =	sld [smem:$0x3FD9]  }
0x89: {  	s3 =	sld [smem:$0x3FFE];
	_ =	sdelay $0x1  }
0x8a: {  	s1 =	srdreg.scid  }
0x8b: {  	s0 =	sand.u32 $0x1, s1  }
0x8c: {  	s16 =	sshll.u32 s0, $0xA;
	s2 =	sadd.s32 s3, s2  }
0x8d: {  	s2 =	sadd.s32 s2, s16  }
0x8e: {  	[smem:$0x3FA8] =	sst s2  }
0x8f: {  	_ = 	snop  }
0x90: {  	(tm) =	ssettm $0x1  }
0x91: {  	s17 =	sld [smem:$0x3FFB];
	_ =	sdelay $0x3  }
0x92: {  	_ =	strace s17  }
0x93: {  	s2 =	sld [smem:$0x3FFC];
	_ =	sdelay $0x3  }
0x94: {  	_ =	strace s2  }
0x95: {  	s2 =	sld [smem:$0x3FFD];
	_ =	sdelay $0x3  }
0x96: {  	_ =	strace s2  }
0x97: {  	_ =	strace $0x8FFFFFFF  }
0x98: {  	s18 =	sld [smem:$0x3FDB];
	_ =	sdelay $0x1  }
0x99: {  	s19 =	simm.s32 $_scs_section_size  }
0x9a: {  	s4 =	simm.s32 $_size__tile_overlayer_lowered;
	s5 =	simm.s32 $_tile_overlayer_lowered  }
0x9b: {  	s22 =	simm.s32 $0x1BFF;
	s21 =	sshll.u32 s5, $0x1;
	s2 =	sadd.s32 s19, s18  }
0x9c: {  	s6 =	simm.s32 $0x0;
	s20 =	sshll.u32 s4, $0x1;
	s4 =	sadd.s32 s21, s2  }
0x9d: {  	[timem:s6], [sflag:s22] =	dma.local [hbm:s4], s20  }
0x9e: {  	_ =	swait.ge [sflag:s22], s20  }
0x9f: {  	s3 =	ssub.s32 $0x0, s20;
	[sflag:s22] =	ssyncset.done $0x0  }
0xa0: {  	[sflag:s22] =	ssyncadd.s32 s3;
	_ =	sdelay $0x1  }
0xa1: {  	s23 =	simm.s32 $0x1B8B  }
0xa2: {  	_ =	swait.ge [sflag:s23], $0x1  }
0xa3: {  	[sflag:s23] =	ssyncset.done $0x0  }
0xa4: {  	s25 =	simm.s32 $0x1B8E;
	s24 =	sld [smem:$0x3FFE];
	[sflag:s23] =	ssyncadd.s32 $0xFFFFFFFF  }
0xa5: {  	s26 =	simm.s32 $execute0_lowered;
	[smem:$0x3FD2] =	sst s25  }
0xa6: {  	s4 =	sshll.u32 s26, $0x1;
	_ =	strace $0x8000004F;
	[dreg:$0x1] =	wrdreg $0xFFFFFFFF  }
0xa7: {  	s28 =	simm.s32 $_size_execute0_lowered;
	s2 =	sadd.s32 s2, s4;
	[dreg:$0x0] =	wrdreg $0x0  }
0xa8: {  	s4 =	sshll.u32 s28, $0x1;
	[dreg:$0x2] =	wrdreg s2  }
0xa9: {  	[dreg:$0x3] =	wrdreg s4  }
0xaa: {  	[dreg:$0x4] =	wrdreg $0xC0  }
0xab: {  	_ =	task [dreg:s6], $0x5FFFF  }
0xac: {  	[dreg:$0x1] =	wrdreg $0xFFFFFFFF  }
0xad: {  	[dreg:$0x0] =	wrdreg $0x60  }
0xae: {  	[dreg:$0x2] =	wrdreg s24  }
0xaf: {  	[dreg:$0x3] =	wrdreg $0xA  }
0xb0: {  	_ =	task.clear_ibuf [dreg:s6], $0x4FFFF;
	_ =	strace $0x9000004F  }
0xb1: {  	s29 =	simm.s32 $0xA;
	_ =	strace $0x80000051  }
0xb2: {  	_ =	swait.ge [sflag:s29], $0x1  }
0xb3: {  	[sflag:s29] =	ssyncadd.s32 $0xFFFFFFFF  }
0xb4: {  	_ =	strace $0x90000051  }
0xb5: {  	_ =	sfence  }
0xb6: {  	s30 =	sld [smem:$0x0];
	_ =	sdelay $0x2  }
0xb7: {  	s31 =	sshll.u32 s1, $0xD;
	s1 =	sshrl.u32 s1, $0x2  }
0xb8: {  	s3 =	sand.u32 $0x4000, s31;
	s1 =	sadd.s32 s1, s30  }
0xb9: {  	s0 =	sor.u32 s3, s0;
	s1 =	sshll.u32 s1, $0x11  }
0xba: {  	s0 =	sor.u32 s1, s0  }
0xbb: {  	s0 =	sadd.s32 $0x8F2B, s0  }
0xbc: {  	[sflag:s0] =	ssyncadd.remote.s32 $0x1  }
0xbd: {  	_ =	sfence.sel $0xFFFF  }
0xbe: {  	[dreg:$0x0] =	wrdreg $0xFFFFFFFF;
	(pc) =	sbr.abs _section_cstart, $3  }
0xbf: {  	[dreg:$0x1] =	wrdreg $0xFFFFFFFF  }
0xc0: {  	_ =	task.clear_ibuf [dreg:s6], $0x2FFFF;
	_ =	strace $0x9FFFFFFF  }
0xc1: {  	(tm) =	ssettm $0x7FFFFFFF  }
tec
execute0_lowered:
.L_overlay_start_1:
0x0: {  	(tag) =	ssettag $0x1  }
0x1: {  	s0 =	srdreg.scid;
	s3 =	stileid.u32  }
0x2: {  	s4 =	rddreg [dreg:$0x0];
	s16 =	simm.s32 $0x1C00;
	s17 =	simm.s32 $0x2400  }
0x3: {  	s18 =	simm.s32 $0x2C00;
	s19 =	simm.s32 $0x3400;
	s21 =	simm.s32 $0x3C00  }
0x4: {  	s22 =	simm.s32 $0x4400;
	s23 =	simm.s32 $0x4C00;
	s24 =	simm.s32 $0x5400  }
0x5: {  	s6 =	simm.s32 $0x2;
	s0 =	sand.u32 $0x1, s0;
	s1 =	smul.u32 $0x280000, s3  }
0x6: {  	s25 =	simm.s32 $0x5C00;
	s7 =	simm.s32 $0x1400;
	s2 =	smul.u32 $0x140000, s0  }
0x7: {  	s26 =	simm.s32 $0x6400;
	s8 =	simm.s32 $0x6C00;
	s9 =	simm.s32 $0x7400  }
0x8: {  	s10 =	simm.s32 $0x7C00;
	s1 =	sadd.s32 s2, s1;
	s2 =	simm.s32 $0x0  }
0x9: {  	s11 =	simm.s32 $0x8400;
	s12 =	simm.s32 $0x8C00;
	[smem:$0x7FF] =	sst s2  }
0xa: {  	s13 =	simm.s32 $0x9400;
	_ =	strace $0x80000050;
	[dreg:$0x3] =	wrdreg s16  }
0xb: {  	s14 =	simm.s32 $0x9C00;
	s3 =	sshll.u32 s3, $0x1;
	[dreg:$0x4] =	wrdreg s17  }
0xc: {  	s3 =	sor.u32 s0, s3;
	s0 =	ssub.s32 $0x2, s0;
	[dreg:$0x5] =	wrdreg s18  }
0xd: {  	s15 =	simm.s32 $0xA400;
	s20 =	sshrl.u32 s0, $0x1;
	[dreg:$0x6] =	wrdreg s19  }
0xe: {  	s28 =	simm.s32 $0x10400;
	s0 =	ssub.s32 s0, s20;
	[dreg:$0x7] =	wrdreg s21  }
0xf: {  	s29 =	simm.s32 $0x10C00;
	s0 =	smax.u32 s0, $0x1;
	[dreg:$0x8] =	wrdreg s22  }
0x10: {  	s30 =	simm.s32 $0x1;
	s31 =	simm.s32 $0x0;
	[dreg:$0xe] =	wrdreg s0  }
0x11: {  	s5 =	smul.u32 $0x280, s3;
	s3 =	sadd.s32 $0x155200, s4;
	[dreg:$0x9] =	wrdreg s23  }
0x12: {  	s20 =	simm.s32 $0xCC00;
	s1 =	sshrl.u32 s1, $0x3;
	[dreg:$0xa] =	wrdreg s24  }
0x13: {  	s1 =	sadd.s32 s1, s4;
	s4 =	sadd.s32 s5, s4;
	[dreg:$0xb] =	wrdreg s25  }
0x14: {  	[dreg:$0xc] =	wrdreg s26;
	s16 =	simm.s32 $0xAC00;
	s17 =	simm.s32 $0xB400  }
0x15: {  	s18 =	simm.s32 $0xBC00;
	s19 =	simm.s32 $0xC400;
	s21 =	simm.s32 $0xD400  }
0x16: {  	v2 =	vlaneseq.u32;
	s22 =	simm.s32 $0xDC00;
	s23 =	simm.s32 $0xE400;
	s1 =	sadd.s32 $0x2A9200, s1  }
0x17: {  	vm0 =	vmmov $0xffff;
	v1 =	vshrl.u32 v2, $0x3;
	s24 =	simm.s32 $0xEC00;
	s4 =	sadd.s32 $0x17A00, s4;
	[dreg:$0x2] =	wrdreg s1  }
0x18: {  	v0 =	vand.u32 $0x7, v2;
	v2 =	vor.u32 $0x8, v2;
	v1 =	vmul.u32 $0x8, v1;
	s25 =	simm.s32 $0xF400;
	s26 =	simm.s32 $0xFC00;
	[dreg:$0xd] =	wrdreg s4  }
.LBB2_1:
0x19: {  	s0 =	rddreg [dreg:$0xd]  }
0x1a: {  	[tilespmem:s2], [sflag:$0x2] =	stream.linear.gather [hbm4b:s0+s2], $0x1400, $0x38;
	[tilespmem:$0x11400] =	vst v63  }
0x1b: {  	_ =	swait.ge [sflag:s6], $0x1400  }
0x1c: {  	[sflag:s6] =	ssyncset.done $0x0  }
0x1d: {  	s1 =	simm.s32 $0x80;
	s0 =	simm.s32 $0x0;
	[sflag:s6] =	ssyncadd.s32 $0xFFFFEC00  }
.LBB2_2:
0x1e: {  	v3 =	vld [tilespmem:s1+$0xFFFFFF80];
	_ =	sdelay $0x4  }
0x1f: {  	v4 =	vshll.u32 v3, $0x1  }
0x20: {  	v3 =	vand.u32 $0x7, v3;
	v4 =	vand.u32 $0xFFFFFFF0, v4  }
0x21: {  	v3 =	vor.u32 v3, v4  }
0x22: {  	v4 =	vperm.xlane v3, v0;
	_ =	sdelay $0x1  }
0x23: {  	v3 =	vperm.xlane v3, v2;
	v4 =	vadd.s32 v1, v4;
	_ =	sdelay $0x1  }
0x24: {  	v3 =	vadd.s32 v1, v3;
	_ =	sdelay $0x2  }
0x25: {  	[tilespmem:s7], [sflag:$0x1] =	stream.indirect_vreg.gather [hbm4b:s3+s2], $0x80, v4, vm0, $0xb8;
	[tilespmem:$0x11400] =	vst v63  }
0x26: {  	s4 =	rddreg [dreg:$0x3]  }
0x27: {  	[tilespmem:s4], [sflag:$0x1] =	stream.indirect_vreg.gather [hbm4b:s3+s2], $0x80, v3, vm0, $0xb8;
	[tilespmem:$0x11400] =	vst v63  }
0x28: {  	v3 =	vld [tilespmem:s1+$0xFFFFFF90];
	_ =	sdelay $0x4  }
0x29: {  	v49 =	vshll.u32 v3, $0x1  }
0x2a: {  	v3 =	vand.u32 $0x7, v3;
	v4 =	vand.u32 $0xFFFFFFF0, v49  }
0x2b: {  	v3 =	vor.u32 v3, v4  }
0x2c: {  	v4 =	vperm.xlane v3, v0;
	_ =	sdelay $0x1  }
0x2d: {  	v3 =	vperm.xlane v3, v2;
	v4 =	vadd.s32 v1, v4;
	_ =	sdelay $0x1  }
0x2e: {  	v3 =	vadd.s32 v1, v3;
	_ =	sdelay $0x1  }
0x2f: {  	s4 =	rddreg [dreg:$0x4]  }
0x30: {  	[tilespmem:s4], [sflag:$0x1] =	stream.indirect_vreg.gather [hbm4b:s3+s2], $0x80, v4, vm0, $0xb8;
	[tilespmem:$0x11400] =	vst v63  }
0x31: {  	s5 =	rddreg [dreg:$0x5]  }
0x32: {  	[tilespmem:s5], [sflag:$0x1] =	stream.indirect_vreg.gather [hbm4b:s3+s2], $0x80, v3, vm0, $0xb8;
	[tilespmem:$0x11400] =	vst v63  }
0x33: {  	v3 =	vld [tilespmem:s1+$0xFFFFFFA0];
	_ =	sdelay $0x4  }
0x34: {  	v50 =	vshll.u32 v3, $0x1  }
0x35: {  	v3 =	vand.u32 $0x7, v3;
	v4 =	vand.u32 $0xFFFFFFF0, v50  }
0x36: {  	v3 =	vor.u32 v3, v4  }
0x37: {  	v4 =	vperm.xlane v3, v0;
	_ =	sdelay $0x1  }
0x38: {  	v3 =	vperm.xlane v3, v2;
	v4 =	vadd.s32 v1, v4;
	_ =	sdelay $0x1  }
0x39: {  	v3 =	vadd.s32 v1, v3;
	_ =	sdelay $0x1  }
0x3a: {  	s4 =	rddreg [dreg:$0x6]  }
0x3b: {  	[tilespmem:s4], [sflag:$0x1] =	stream.indirect_vreg.gather [hbm4b:s3+s2], $0x80, v4, vm0, $0xb8;
	[tilespmem:$0x11400] =	vst v63  }
0x3c: {  	s5 =	rddreg [dreg:$0x7]  }
0x3d: {  	[tilespmem:s5], [sflag:$0x1] =	stream.indirect_vreg.gather [hbm4b:s3+s2], $0x80, v3, vm0, $0xb8;
	[tilespmem:$0x11400] =	vst v63  }
0x3e: {  	v3 =	vld [tilespmem:s1+$0xFFFFFFB0];
	_ =	sdelay $0x4  }
0x3f: {  	v51 =	vshll.u32 v3, $0x1  }
0x40: {  	v3 =	vand.u32 $0x7, v3;
	v4 =	vand.u32 $0xFFFFFFF0, v51  }
0x41: {  	v3 =	vor.u32 v3, v4  }
0x42: {  	v4 =	vperm.xlane v3, v0;
	_ =	sdelay $0x1  }
0x43: {  	v3 =	vperm.xlane v3, v2;
	v4 =	vadd.s32 v1, v4;
	_ =	sdelay $0x1  }
0x44: {  	v3 =	vadd.s32 v1, v3;
	_ =	sdelay $0x1  }
0x45: {  	s4 =	rddreg [dreg:$0x8]  }
0x46: {  	[tilespmem:s4], [sflag:$0x1] =	stream.indirect_vreg.gather [hbm4b:s3+s2], $0x80, v4, vm0, $0xb8;
	[tilespmem:$0x11400] =	vst v63  }
0x47: {  	s5 =	rddreg [dreg:$0x9]  }
0x48: {  	[tilespmem:s5], [sflag:$0x1] =	stream.indirect_vreg.gather [hbm4b:s3+s2], $0x80, v3, vm0, $0xb8;
	[tilespmem:$0x11400] =	vst v63  }
0x49: {  	v3 =	vld [tilespmem:s1+$0xFFFFFFC0];
	_ =	sdelay $0x4  }
0x4a: {  	v52 =	vshll.u32 v3, $0x1  }
0x4b: {  	v3 =	vand.u32 $0x7, v3;
	v4 =	vand.u32 $0xFFFFFFF0, v52  }
0x4c: {  	v3 =	vor.u32 v3, v4  }
0x4d: {  	v4 =	vperm.xlane v3, v0;
	_ =	sdelay $0x1  }
0x4e: {  	v3 =	vperm.xlane v3, v2;
	v4 =	vadd.s32 v1, v4;
	_ =	sdelay $0x1  }
0x4f: {  	v3 =	vadd.s32 v1, v3;
	_ =	sdelay $0x1  }
0x50: {  	s4 =	rddreg [dreg:$0xa]  }
0x51: {  	[tilespmem:s4], [sflag:$0x1] =	stream.indirect_vreg.gather [hbm4b:s3+s2], $0x80, v4, vm0, $0xb8;
	[tilespmem:$0x11400] =	vst v63  }
0x52: {  	s5 =	rddreg [dreg:$0xb]  }
0x53: {  	[tilespmem:s5], [sflag:$0x1] =	stream.indirect_vreg.gather [hbm4b:s3+s2], $0x80, v3, vm0, $0xb8;
	[tilespmem:$0x11400] =	vst v63  }
0x54: {  	v3 =	vld [tilespmem:s1+$0xFFFFFFD0];
	_ =	sdelay $0x4  }
0x55: {  	v53 =	vshll.u32 v3, $0x1  }
0x56: {  	v3 =	vand.u32 $0x7, v3;
	v4 =	vand.u32 $0xFFFFFFF0, v53  }
0x57: {  	v3 =	vor.u32 v3, v4  }
0x58: {  	v4 =	vperm.xlane v3, v0;
	_ =	sdelay $0x1  }
0x59: {  	v3 =	vperm.xlane v3, v2;
	v4 =	vadd.s32 v1, v4;
	_ =	sdelay $0x1  }
0x5a: {  	v3 =	vadd.s32 v1, v3;
	_ =	sdelay $0x1  }
0x5b: {  	s5 =	rddreg [dreg:$0xc]  }
0x5c: {  	[tilespmem:s5], [sflag:$0x1] =	stream.indirect_vreg.gather [hbm4b:s3+s2], $0x80, v4, vm0, $0xb8;
	[tilespmem:$0x11400] =	vst v63  }
0x5d: {  	_ = 	snop  }
0x5e: {  	[tilespmem:s8], [sflag:$0x1] =	stream.indirect_vreg.gather [hbm4b:s3+s2], $0x80, v3, vm0, $0xb8;
	[tilespmem:$0x11400] =	vst v63  }
0x5f: {  	v3 =	vld [tilespmem:s1+$0xFFFFFFE0];
	_ =	sdelay $0x4  }
0x60: {  	v54 =	vshll.u32 v3, $0x1  }
0x61: {  	v3 =	vand.u32 $0x7, v3;
	v4 =	vand.u32 $0xFFFFFFF0, v54  }
0x62: {  	v3 =	vor.u32 v3, v4  }
0x63: {  	v4 =	vperm.xlane v3, v0;
	_ =	sdelay $0x1  }
0x64: {  	v3 =	vperm.xlane v3, v2;
	v4 =	vadd.s32 v1, v4;
	_ =	sdelay $0x1  }
0x65: {  	v3 =	vadd.s32 v1, v3;
	_ =	sdelay $0x2  }
0x66: {  	[tilespmem:s9], [sflag:$0x1] =	stream.indirect_vreg.gather [hbm4b:s3+s2], $0x80, v4, vm0, $0xb8;
	[tilespmem:$0x11400] =	vst v63  }
0x67: {  	_ = 	snop  }
0x68: {  	[tilespmem:s10], [sflag:$0x1] =	stream.indirect_vreg.gather [hbm4b:s3+s2], $0x80, v3, vm0, $0xb8;
	[tilespmem:$0x11400] =	vst v63  }
0x69: {  	v3 =	vld [tilespmem:s1+$0xFFFFFFF0];
	_ =	sdelay $0x4  }
0x6a: {  	v55 =	vshll.u32 v3, $0x1  }
0x6b: {  	v3 =	vand.u32 $0x7, v3;
	v4 =	vand.u32 $0xFFFFFFF0, v55  }
0x6c: {  	v3 =	vor.u32 v3, v4  }
0x6d: {  	v4 =	vperm.xlane v3, v0;
	_ =	sdelay $0x1  }
0x6e: {  	v3 =	vperm.xlane v3, v2;
	v4 =	vadd.s32 v1, v4;
	_ =	sdelay $0x1  }
0x6f: {  	v3 =	vadd.s32 v1, v3;
	_ =	sdelay $0x2  }
0x70: {  	[tilespmem:s11], [sflag:$0x1] =	stream.indirect_vreg.gather [hbm4b:s3+s2], $0x80, v4, vm0, $0xb8;
	[tilespmem:$0x11400] =	vst v63  }
0x71: {  	_ = 	snop  }
0x72: {  	[tilespmem:s12], [sflag:$0x1] =	stream.indirect_vreg.gather [hbm4b:s3+s2], $0x80, v3, vm0, $0xb8;
	[tilespmem:$0x11400] =	vst v63  }
0x73: {  	v3 =	vld [tilespmem:s1+$0x0];
	_ =	sdelay $0x4  }
0x74: {  	v56 =	vshll.u32 v3, $0x1  }
0x75: {  	v3 =	vand.u32 $0x7, v3;
	v4 =	vand.u32 $0xFFFFFFF0, v56  }
0x76: {  	v3 =	vor.u32 v3, v4  }
0x77: {  	v4 =	vperm.xlane v3, v0;
	_ =	sdelay $0x1  }
0x78: {  	v3 =	vperm.xlane v3, v2;
	v4 =	vadd.s32 v1, v4;
	_ =	sdelay $0x1  }
0x79: {  	v3 =	vadd.s32 v1, v3;
	_ =	sdelay $0x2  }
0x7a: {  	[tilespmem:s13], [sflag:$0x1] =	stream.indirect_vreg.gather [hbm4b:s3+s2], $0x80, v4, vm0, $0xb8;
	[tilespmem:$0x11400] =	vst v63  }
0x7b: {  	_ = 	snop  }
0x7c: {  	[tilespmem:s14], [sflag:$0x1] =	stream.indirect_vreg.gather [hbm4b:s3+s2], $0x80, v3, vm0, $0xb8;
	[tilespmem:$0x11400] =	vst v63  }
0x7d: {  	v3 =	vld [tilespmem:s1+$0x10];
	_ =	sdelay $0x4  }
0x7e: {  	v57 =	vshll.u32 v3, $0x1  }
0x7f: {  	v3 =	vand.u32 $0x7, v3;
	v4 =	vand.u32 $0xFFFFFFF0, v57  }
0x80: {  	v3 =	vor.u32 v3, v4  }
0x81: {  	v4 =	vperm.xlane v3, v0;
	_ =	sdelay $0x1  }
0x82: {  	v3 =	vperm.xlane v3, v2;
	v4 =	vadd.s32 v1, v4;
	_ =	sdelay $0x1  }
0x83: {  	v3 =	vadd.s32 v1, v3;
	_ =	sdelay $0x2  }
0x84: {  	[tilespmem:s15], [sflag:$0x1] =	stream.indirect_vreg.gather [hbm4b:s3+s2], $0x80, v4, vm0, $0xb8;
	[tilespmem:$0x11400] =	vst v63  }
0x85: {  	_ = 	snop  }
0x86: {  	[tilespmem:s16], [sflag:$0x1] =	stream.indirect_vreg.gather [hbm4b:s3+s2], $0x80, v3, vm0, $0xb8;
	[tilespmem:$0x11400] =	vst v63  }
0x87: {  	v3 =	vld [tilespmem:s1+$0x20];
	_ =	sdelay $0x4  }
0x88: {  	v58 =	vshll.u32 v3, $0x1  }
0x89: {  	v3 =	vand.u32 $0x7, v3;
	v4 =	vand.u32 $0xFFFFFFF0, v58  }
0x8a: {  	v3 =	vor.u32 v3, v4  }
0x8b: {  	v4 =	vperm.xlane v3, v0;
	_ =	sdelay $0x1  }
0x8c: {  	v3 =	vperm.xlane v3, v2;
	v4 =	vadd.s32 v1, v4;
	_ =	sdelay $0x1  }
0x8d: {  	v3 =	vadd.s32 v1, v3;
	_ =	sdelay $0x2  }
0x8e: {  	[tilespmem:s17], [sflag:$0x1] =	stream.indirect_vreg.gather [hbm4b:s3+s2], $0x80, v4, vm0, $0xb8;
	[tilespmem:$0x11400] =	vst v63  }
0x8f: {  	_ = 	snop  }
0x90: {  	[tilespmem:s18], [sflag:$0x1] =	stream.indirect_vreg.gather [hbm4b:s3+s2], $0x80, v3, vm0, $0xb8;
	[tilespmem:$0x11400] =	vst v63  }
0x91: {  	v3 =	vld [tilespmem:s1+$0x30];
	_ =	sdelay $0x4  }
0x92: {  	v59 =	vshll.u32 v3, $0x1  }
0x93: {  	v3 =	vand.u32 $0x7, v3;
	v4 =	vand.u32 $0xFFFFFFF0, v59  }
0x94: {  	v3 =	vor.u32 v3, v4  }
0x95: {  	v4 =	vperm.xlane v3, v0;
	_ =	sdelay $0x1  }
0x96: {  	v3 =	vperm.xlane v3, v2;
	v4 =	vadd.s32 v1, v4;
	_ =	sdelay $0x1  }
0x97: {  	v3 =	vadd.s32 v1, v3;
	_ =	sdelay $0x2  }
0x98: {  	[tilespmem:s19], [sflag:$0x1] =	stream.indirect_vreg.gather [hbm4b:s3+s2], $0x80, v4, vm0, $0xb8;
	[tilespmem:$0x11400] =	vst v63  }
0x99: {  	_ = 	snop  }
0x9a: {  	[tilespmem:s20], [sflag:$0x1] =	stream.indirect_vreg.gather [hbm4b:s3+s2], $0x80, v3, vm0, $0xb8;
	[tilespmem:$0x11400] =	vst v63  }
0x9b: {  	v3 =	vld [tilespmem:s1+$0x40];
	_ =	sdelay $0x4  }
0x9c: {  	v60 =	vshll.u32 v3, $0x1  }
0x9d: {  	v3 =	vand.u32 $0x7, v3;
	v4 =	vand.u32 $0xFFFFFFF0, v60  }
0x9e: {  	v3 =	vor.u32 v3, v4  }
0x9f: {  	v4 =	vperm.xlane v3, v0;
	_ =	sdelay $0x1  }
0xa0: {  	v3 =	vperm.xlane v3, v2;
	v4 =	vadd.s32 v1, v4;
	_ =	sdelay $0x1  }
0xa1: {  	v3 =	vadd.s32 v1, v3;
	_ =	sdelay $0x2  }
0xa2: {  	[tilespmem:s21], [sflag:$0x1] =	stream.indirect_vreg.gather [hbm4b:s3+s2], $0x80, v4, vm0, $0xb8;
	[tilespmem:$0x11400] =	vst v63  }
0xa3: {  	_ = 	snop  }
0xa4: {  	[tilespmem:s22], [sflag:$0x1] =	stream.indirect_vreg.gather [hbm4b:s3+s2], $0x80, v3, vm0, $0xb8;
	[tilespmem:$0x11400] =	vst v63  }
0xa5: {  	v3 =	vld [tilespmem:s1+$0x50];
	_ =	sdelay $0x4  }
0xa6: {  	v61 =	vshll.u32 v3, $0x1  }
0xa7: {  	v3 =	vand.u32 $0x7, v3;
	v4 =	vand.u32 $0xFFFFFFF0, v61  }
0xa8: {  	v3 =	vor.u32 v3, v4  }
0xa9: {  	v4 =	vperm.xlane v3, v0;
	_ =	sdelay $0x1  }
0xaa: {  	v3 =	vperm.xlane v3, v2;
	v4 =	vadd.s32 v1, v4;
	_ =	sdelay $0x1  }
0xab: {  	v3 =	vadd.s32 v1, v3;
	_ =	sdelay $0x2  }
0xac: {  	[tilespmem:s23], [sflag:$0x1] =	stream.indirect_vreg.gather [hbm4b:s3+s2], $0x80, v4, vm0, $0xb8;
	[tilespmem:$0x11400] =	vst v63  }
0xad: {  	_ = 	snop  }
0xae: {  	[tilespmem:s24], [sflag:$0x1] =	stream.indirect_vreg.gather [hbm4b:s3+s2], $0x80, v3, vm0, $0xb8;
	[tilespmem:$0x11400] =	vst v63  }
0xaf: {  	v3 =	vld [tilespmem:s1+$0x60];
	_ =	sdelay $0x4  }
0xb0: {  	v62 =	vshll.u32 v3, $0x1  }
0xb1: {  	v3 =	vand.u32 $0x7, v3;
	v4 =	vand.u32 $0xFFFFFFF0, v62  }
0xb2: {  	v3 =	vor.u32 v3, v4  }
0xb3: {  	v4 =	vperm.xlane v3, v0;
	_ =	sdelay $0x1  }
0xb4: {  	v3 =	vperm.xlane v3, v2;
	v4 =	vadd.s32 v1, v4;
	_ =	sdelay $0x1  }
0xb5: {  	v3 =	vadd.s32 v1, v3;
	_ =	sdelay $0x2  }
0xb6: {  	[tilespmem:s25], [sflag:$0x1] =	stream.indirect_vreg.gather [hbm4b:s3+s2], $0x80, v4, vm0, $0xb8;
	[tilespmem:$0x11400] =	vst v63  }
0xb7: {  	_ = 	snop  }
0xb8: {  	[tilespmem:s26], [sflag:$0x1] =	stream.indirect_vreg.gather [hbm4b:s3+s2], $0x80, v3, vm0, $0xb8;
	[tilespmem:$0x11400] =	vst v63  }
0xb9: {  	v3 =	vld [tilespmem:s1+$0x70];
	_ =	sdelay $0x4  }
0xba: {  	v63 =	vshll.u32 v3, $0x1  }
0xbb: {  	v3 =	vand.u32 $0x7, v3;
	v4 =	vand.u32 $0xFFFFFFF0, v63  }
0xbc: {  	v3 =	vor.u32 v3, v4  }
0xbd: {  	v4 =	vperm.xlane v3, v0;
	_ =	sdelay $0x1  }
0xbe: {  	v3 =	vperm.xlane v3, v2;
	v4 =	vadd.s32 v1, v4;
	_ =	sdelay $0x1  }
0xbf: {  	v3 =	vadd.s32 v1, v3;
	_ =	sdelay $0x2  }
0xc0: {  	[tilespmem:s28], [sflag:$0x1] =	stream.indirect_vreg.gather [hbm4b:s3+s2], $0x80, v4, vm0, $0xb8;
	[tilespmem:$0x11400] =	vst v63  }
0xc1: {  	_ = 	snop  }
0xc2: {  	[tilespmem:s29], [sflag:$0x1] =	stream.indirect_vreg.gather [hbm4b:s3+s2], $0x80, v3, vm0, $0xb8;
	[tilespmem:$0x11400] =	vst v63  }
0xc3: {  	_ =	swait.ge [sflag:s30], $0x8000  }
0xc4: {  	[sflag:s30] =	ssyncset.done $0x0  }
0xc5: {  	[sflag:s30] =	ssyncadd.s32 $0xFFFF8000  }
0xc6: {  	_ =	swait.ge [sflag:s30], $0x8000  }
0xc7: {  	p0 =	sne.s32 s0, $0x26000;
	s5 =	rddreg [dreg:$0x2];
	[sflag:s30] =	ssyncset.done $0x0  }
.Ltmp0:
0xc8: {  	[sflag:s30] =	ssyncadd.s32 $0xFFFF8000;
	s4 =	sadd.s32 s0, s5;
	(pc) =	sbr.rel @p0 .LBB2_2-.Ltmp0, $4  }
0xc9: {  	[hbm4b:s4+s2] =	stream.linear.scatter [tilespmem:s7], [sflag:$0x2], $0x10000, $0x38;
	[tilespmem:$0x11400] =	vst v63  }
0xca: {  	_ =	swait.ge [sflag:s6], $0x10000  }
0xcb: {  	[sflag:s6] =	ssyncset.done $0x0  }
0xcc: {  	s1 =	sadd.s32 $0x100, s1;
	s0 =	sadd.s32 $0x2000, s0;
	[sflag:s6] =	ssyncadd.s32 $0xFFFF0000  }
0xcd: {  	s31 =	sadd.s32 $0x1, s31;
	s0 =	rddreg [dreg:$0xe]  }
0xce: {  	p0 =	sne.s32 s31, s0  }
.Ltmp1:
0xcf: {  	_ = 	snop;
	(pc) =	sbr.rel @p0 .LBB2_1-.Ltmp1, $1  }
0xd0: {  	_ =	sdelay $0x3  }
0xd1: {  	_ =	sfence.sel $0x180000  }
0xd2: {  	[bflag:$0x0] =	sbarrier.arrive $0xFFFF  }
0xd3: {  	_ =	strace $0x90000050  }
0xd4: {  	s0 =	stileid.u32;
	[bflag:$0x2] =	sbarrier.arrive $0xFFFF  }
0xd5: {  	p0 =	sne.s32 s0, $0x0;
	s0 =	rddreg [dreg:$0x1]  }
0xd6: {  	s0 =	sadd.s32 @!p0 $0x100000, s0  }
0xd7: {  	[sflag:s0] =	ssyncadd.tile.s32 @!p0 $0x1;
	_ =	shalt  }
.Lfunc_end2:
_tile_overlayer_lowered:
.L_overlay_start_2:
0xd8: {  	(tag) =	ssettag $0x2  }
0xd9: {  	s0 =	rddreg [dreg:$0x0];
	s2 =	stileid.u32  }
0xda: {  	s1 =	rddreg [dreg:$0x1];
	p0 =	sne.s32 s2, $0x0  }
0xdb: {  	s3 =	rddreg [dreg:$0x2];
	[bflag:$0x3] =	sbarrier.arrive $0xFFFF;
	s2 =	simm.s32 @!p0 $0x1C02  }
0xdc: {  	[timem:s3], [sflag:s2] =	dma.local @!p0 [hbm:s0], s1  }
0xdd: {  	s0 =	simm.s32 @!p0 $0x2  }
0xde: {  	_ =	swait.ge @!p0 [sflag:s0], s1  }
0xdf: {  	s1 =	ssub.s32 @!p0 $0x0, s1;
	[sflag:s0] =	ssyncset.done @!p0 $0x0  }
0xe0: {  	[sflag:s0] =	ssyncadd.s32 @!p0 s1  }
0xe1: {  	[bflag:$0x3] =	sbarrier.arrive $0xFFFF  }
0xe2: {  	_ =	shalt  }

// kernel: kernel.38.cloned.1.call-start
scs
__scs_entry_jumppad:
0x0: {  	(pc) =	sbr.rel $0x88, $3  }
0x1: {  	(tag) =	ssettag $0x0;
	lr =	simm.s32 $0x1  }
0x2: {  	[smem:$0x3F81] =	sst lr;
	_ =	strace $0xD0000000  }
0x3: {  	_ = 	snop  }
0x4: {  	_ = 	snop  }
0x5: {  	_ = 	snop  }
0x6: {  	_ = 	snop  }
0x7: {  	_ = 	snop  }
__scs_overlays_trampoline_lowered:
0x8: {  	[smem:$0x3F90] =	sst s0  }
0x9: {  	[smem:$0x3F91] =	sst s1  }
0xa: {  	[smem:$0x3F92] =	sst s2  }
0xb: {  	[smem:$0x3F93] =	sst s3  }
0xc: {  	[smem:$0x3F94] =	sst s4  }
0xd: {  	[smem:$0x3F95] =	sst s5  }
0xe: {  	[smem:$0x3F96] =	sst s6  }
0xf: {  	[smem:$0x3F97] =	sst s7  }
0x10: {  	[smem:$0x3F98] =	sst s8  }
0x11: {  	[smem:$0x3F99] =	sst s9;
	s0 =	simm.s32 @!p0 $0x0  }
0x12: {  	s1 =	sld [smem:$0x3F7F];
	s0 =	simm.s32 @p0 $0x1  }
0x13: {  	[smem:$0x3F9A] =	sst s0;
	s0 =	simm.s32 @!p1 $0x0  }
0x14: {  	s2 =	sld [smem:$0x3F7E];
	s0 =	simm.s32 @p1 $0x1  }
0x15: {  	[smem:$0x3F9B] =	sst s0;
	s0 =	simm.s32 @!p2 $0x0  }
0x16: {  	s3 =	sld [smem:$0x3FDB];
	s0 =	simm.s32 @p2 $0x1  }
0x17: {  	s4 =	simm.s32 $0x1BF5;
	[smem:$0x3F9D] =	sst s0  }
0x18: {  	s0 =	sld [smem:$0x3F80];
	_ =	swait.ge [sflag:s4], $0x0  }
0x19: {  	s7 =	sld [smem:$0x3F81]  }
0x1a: {  	s8 =	sadd.s32 $0xFFFFE003, lr  }
0x1b: {  	s9 =	sadd.s32 $0xFFFFFEF7, lr;
	s5 =	simm.s32 $0xFFFFFFFF;
	p2 =	slt.u32 s8, $0xFFFFF086  }
0x1c: {  	p1 =	slt.u32 s9, $0xF7A;
	s5 =	simm.s32 @!p2 $0x0  }
0x1d: {  	s5 =	simm.s32 @p1 $0x1;
	p0 =	seq.s32 s7, s2  }
0x1e: {  	s7 =	smul.u32 @!p0 $0xF7A, s2;
	p2 =	seq.s32 @!p0 s5, $0x0  }
0x1f: {  	s9 =	smul.u32 $0xF7A, s1;
	s8 =	simm.s32 @!p0 $0x1BF5;
	p2 =	por !p2, p0  }
0x20: {  	[sflag:s8] =	ssyncset.s32 @!p0 $0xFFFFF086;
	s6 =	sadd.s32 @!p0 s3, s7;
	s7 =	simm.s32 @!p0 $0x108  }
0x21: {  	s3 =	sadd.s32 s3, s9;
	s6 =	sadd.s32 @!p0 $0x88, s6;
	s7 =	simm.s32 @p2 $0x1082  }
0x22: {  	[simem:s7], [sflag:s8] =	dma.local @!p0 [hbm:s6], $0xF7A  }
0x23: {  	s9 =	sor.u32 $0xD0000000, s2;
	s6 =	simm.s32 $0x108;
	_ =	swait.ge @!p0 [sflag:s8], $0x0  }
0x24: {  	s3 =	sadd.s32 $0x88, s3;
	s6 =	simm.s32 @!p1 $0x1082;
	[sflag:s4] =	ssyncset.s32 $0xFFFFF086  }
0x25: {  	[simem:s6], [sflag:s4] =	dma.local [hbm:s3], $0xF7A  }
0x26: {  	[smem:$0x3F81] =	sst s1;
	(tag) =	ssettag s2;
	_ =	strace s9  }
0x27: {  	s1 =	sld [smem:$0x3F91]  }
0x28: {  	s2 =	sld [smem:$0x3F92]  }
0x29: {  	s4 =	sld [smem:$0x3F94]  }
0x2a: {  	p0 =	seq.s32 s5, $0x0;
	s5 =	sld [smem:$0x3F95]  }
0x2b: {  	s6 =	sld [smem:$0x3F96]  }
0x2c: {  	s7 =	sld [smem:$0x3F97]  }
0x2d: {  	s3 =	simm.s32 $0x108;
	s8 =	sld [smem:$0x3F98]  }
0x2e: {  	s3 =	simm.s32 @!p0 $0x1082;
	s9 =	sld [smem:$0x3F99]  }
0x2f: {  	lr =	sadd.s32 s0, s3;
	s0 =	sld [smem:$0x3F90]  }
0x30: {  	s3 =	sld [smem:$0x3F93]  }
0x31: {  	[smem:$0x3F9C] =	sst s10  }
0x32: {  	s10 =	sld [smem:$0x3F9A];
	_ =	sdelay $0x3  }
0x33: {  	p0 =	seq.s32 s10, $0x1;
	s10 =	sld [smem:$0x3F9C];
	_ =	sdelay $0x3  }
0x34: {  	[smem:$0x3F9C] =	sst s10  }
0x35: {  	s10 =	sld [smem:$0x3F9B];
	_ =	sdelay $0x3  }
0x36: {  	p1 =	seq.s32 s10, $0x1;
	s10 =	sld [smem:$0x3F9C];
	_ =	sdelay $0x3  }
0x37: {  	[smem:$0x3F9C] =	sst s10  }
0x38: {  	s10 =	sld [smem:$0x3F9D]  }
0x39: {  	_ = 	snop;
	(pc) =	sbr.ind lr, $3  }
0x3a: {  	_ = 	snop  }
0x3b: {  	_ = 	snop  }
0x3c: {  	p2 =	seq.s32 s10, $0x1;
	s10 =	sld [smem:$0x3F9C]  }
0x3d: {  	_ =	shalt  }
0x3e: {  	_ =	shalt  }
0x3f: {  	_ =	shalt  }
0x40: {  	_ =	shalt  }
0x41: {  	_ =	shalt  }
0x42: {  	_ =	shalt  }
0x43: {  	_ =	shalt  }
0x44: {  	_ =	shalt  }
0x45: {  	_ =	shalt  }
0x46: {  	_ =	shalt  }
0x47: {  	_ =	shalt  }
0x48: {  	_ =	shalt  }
0x49: {  	_ =	shalt  }
0x4a: {  	_ =	shalt  }
0x4b: {  	_ =	shalt  }
0x4c: {  	_ =	shalt  }
0x4d: {  	_ =	shalt  }
0x4e: {  	_ =	shalt  }
0x4f: {  	_ =	shalt  }
0x50: {  	_ =	shalt  }
0x51: {  	_ =	shalt  }
0x52: {  	_ =	shalt  }
0x53: {  	_ =	shalt  }
0x54: {  	_ =	shalt  }
0x55: {  	_ =	shalt  }
0x56: {  	_ =	shalt  }
0x57: {  	_ =	shalt  }
0x58: {  	_ =	shalt  }
0x59: {  	_ =	shalt  }
0x5a: {  	_ =	shalt  }
0x5b: {  	_ =	shalt  }
0x5c: {  	_ =	shalt  }
0x5d: {  	_ =	shalt  }
0x5e: {  	_ =	shalt  }
0x5f: {  	_ =	shalt  }
0x60: {  	_ =	shalt  }
0x61: {  	_ =	shalt  }
0x62: {  	_ =	shalt  }
0x63: {  	_ =	shalt  }
0x64: {  	_ =	shalt  }
0x65: {  	_ =	shalt  }
0x66: {  	_ =	shalt  }
0x67: {  	_ =	shalt  }
0x68: {  	_ =	shalt  }
0x69: {  	_ =	shalt  }
0x6a: {  	_ =	shalt  }
0x6b: {  	_ =	shalt  }
0x6c: {  	_ =	shalt  }
0x6d: {  	_ =	shalt  }
0x6e: {  	_ =	shalt  }
0x6f: {  	_ =	shalt  }
0x70: {  	_ =	shalt  }
0x71: {  	_ =	shalt  }
0x72: {  	_ =	shalt  }
0x73: {  	_ =	shalt  }
0x74: {  	_ =	shalt  }
0x75: {  	_ =	shalt  }
0x76: {  	_ =	shalt  }
0x77: {  	_ =	shalt  }
0x78: {  	_ =	shalt  }
0x79: {  	_ =	shalt  }
0x7a: {  	_ =	shalt  }
0x7b: {  	_ =	shalt  }
0x7c: {  	_ =	shalt  }
0x7d: {  	_ =	shalt  }
0x7e: {  	_ =	shalt  }
0x7f: {  	_ =	shalt  }
0x80: {  	_ =	shalt  }
0x81: {  	_ =	shalt  }
0x82: {  	_ =	shalt  }
0x83: {  	_ =	shalt  }
0x84: {  	_ =	shalt  }
0x85: {  	_ =	shalt  }
0x86: {  	_ =	shalt  }
0x87: {  	_ =	shalt  }
.Lfunc_end0:
.L_simem_size_0:
called_computation.5_lowered:
.L_overlay_start_0:
0x88: {  	s2 =	sld [smem:$0x3FD9]  }
0x89: {  	s3 =	sld [smem:$0x3FFE];
	_ =	sdelay $0x1  }
0x8a: {  	s1 =	srdreg.scid  }
0x8b: {  	s0 =	sand.u32 $0x1, s1  }
0x8c: {  	s17 =	sshll.u32 s0, $0xA;
	s2 =	sadd.s32 s3, s2  }
0x8d: {  	s2 =	sadd.s32 s2, s17  }
0x8e: {  	[smem:$0x3FA8] =	sst s2  }
0x8f: {  	_ = 	snop  }
0x90: {  	(tm) =	ssettm $0x1  }
0x91: {  	s18 =	sld [smem:$0x3FFB];
	_ =	sdelay $0x3  }
0x92: {  	_ =	strace s18  }
0x93: {  	s2 =	sld [smem:$0x3FFC];
	_ =	sdelay $0x3  }
0x94: {  	_ =	strace s2  }
0x95: {  	s2 =	sld [smem:$0x3FFD];
	_ =	sdelay $0x3  }
0x96: {  	_ =	strace s2  }
0x97: {  	_ =	strace $0x8FFFFFFF  }
0x98: {  	s19 =	sld [smem:$0x3FDB];
	_ =	sdelay $0x1  }
0x99: {  	s20 =	simm.s32 $_scs_section_size  }
0x9a: {  	s4 =	simm.s32 $_size__tile_overlayer_lowered;
	s5 =	simm.s32 $_tile_overlayer_lowered  }
0x9b: {  	s6 =	simm.s32 $0x1BFF;
	s21 =	sshll.u32 s5, $0x1;
	s3 =	sadd.s32 s20, s19  }
0x9c: {  	s22 =	simm.s32 $0x0;
	s4 =	sshll.u32 s4, $0x1;
	s5 =	sadd.s32 s21, s3  }
0x9d: {  	[timem:s22], [sflag:s6] =	dma.local [hbm:s5], s4  }
0x9e: {  	_ =	swait.ge [sflag:s6], s4  }
0x9f: {  	s4 =	ssub.s32 $0x0, s4;
	[sflag:s6] =	ssyncset.done $0x0  }
0xa0: {  	[sflag:s6] =	ssyncadd.s32 s4;
	_ =	sdelay $0x1  }
0xa1: {  	s23 =	simm.s32 $0x1B8B  }
0xa2: {  	_ =	swait.ge [sflag:s23], $0x1  }
0xa3: {  	[sflag:s23] =	ssyncset.done $0x0  }
0xa4: {  	[sflag:s23] =	ssyncadd.s32 $0xFFFFFFFF  }
0xa5: {  	s4 =	sld [smem:$0x0]  }
0xa6: {  	s5 =	sand.u32 $0xFFFFFFFE, s1  }
0xa7: {  	p0 =	sne.s32 s1, s5  }
0xa8: {  	s5 =	sshll.u32 @p0 s5, $0xE  }
0xa9: {  	s5 =	sadd.s32 @p0 $0x11B8D, s5;
	s6 =	sshll.u32 @p0 s4, $0x11  }
0xaa: {  	s5 =	sor.u32 @p0 s6, s5  }
0xab: {  	[sflag:s5] =	ssyncadd.remote.s32 @p0 $0x1;
	_ =	sdelay $0x1  }
0xac: {  	s5 =	simm.s32 @p0 $0x1B8D  }
0xad: {  	_ =	swait.eq @p0 [sflag:s5], $0x1  }
0xae: {  	[sflag:s5] =	ssyncadd.s32 @p0 $0xFFFFFFFF  }
0xaf: {  	s6 =	sshll.u32 @!p0 s1, $0xE  }
0xb0: {  	s6 =	sor.u32 @!p0 $0x4000, s6;
	s5 =	simm.s32 @!p0 $0x1B8D  }
0xb1: {  	s4 =	sshll.u32 @!p0 s4, $0x11;
	s6 =	sadd.s32 @!p0 $0x11B8D, s6;
	_ =	swait.eq @!p0 [sflag:s5], $0x1  }
0xb2: {  	s4 =	sor.u32 @!p0 s4, s6;
	[sflag:s5] =	ssyncadd.s32 @!p0 $0xFFFFFFFF  }
0xb3: {  	s25 =	simm.s32 $0x1B8E;
	s24 =	sld [smem:$0x3FFE];
	[sflag:s4] =	ssyncadd.remote.s32 @!p0 $0x1  }
0xb4: {  	s26 =	simm.s32 $execute0_lowered;
	[smem:$0x3FD2] =	sst s25  }
0xb5: {  	s5 =	sshll.u32 s26, $0x1;
	_ =	strace $0x80000058;
	[dreg:$0x1] =	wrdreg $0xFFFFFFFF  }
0xb6: {  	s28 =	simm.s32 $_size_execute0_lowered;
	s3 =	sadd.s32 s3, s5;
	[dreg:$0x0] =	wrdreg $0x0  }
0xb7: {  	s5 =	sshll.u32 s28, $0x1;
	[dreg:$0x2] =	wrdreg s3  }
0xb8: {  	[dreg:$0x3] =	wrdreg s5  }
0xb9: {  	[dreg:$0x4] =	wrdreg $0xC0  }
0xba: {  	_ =	task [dreg:s22], $0x5FFFF  }
0xbb: {  	[dreg:$0x1] =	wrdreg $0xFFFFFFFF  }
0xbc: {  	[dreg:$0x0] =	wrdreg $0x60  }
0xbd: {  	[dreg:$0x2] =	wrdreg s24  }
0xbe: {  	[dreg:$0x3] =	wrdreg $0xB8000  }
0xbf: {  	[dreg:$0x4] =	wrdreg $0x9  }
0xc0: {  	_ =	task.clear_ibuf [dreg:s22], $0x5FFFF;
	_ =	strace $0x90000058  }
0xc1: {  	s29 =	simm.s32 $0x9;
	_ =	strace $0x8000005A  }
0xc2: {  	_ =	swait.ge [sflag:s29], $0x1  }
0xc3: {  	[sflag:s29] =	ssyncadd.s32 $0xFFFFFFFF  }
0xc4: {  	_ =	strace $0x9000005A  }
0xc5: {  	_ =	sfence  }
0xc6: {  	s30 =	sld [smem:$0x0];
	_ =	sdelay $0x2  }
0xc7: {  	s31 =	sshll.u32 s1, $0xD;
	s1 =	sshrl.u32 s1, $0x2  }
0xc8: {  	s4 =	sand.u32 $0x4000, s31;
	s1 =	sadd.s32 s1, s30  }
0xc9: {  	s0 =	sor.u32 s4, s0;
	s1 =	sshll.u32 s1, $0x11  }
0xca: {  	s0 =	sor.u32 s1, s0  }
0xcb: {  	s0 =	sadd.s32 $0x8F2B, s0  }
0xcc: {  	[sflag:s0] =	ssyncadd.remote.s32 $0x1  }
0xcd: {  	_ =	sfence.sel $0xFFFF  }
0xce: {  	[dreg:$0x0] =	wrdreg $0xFFFFFFFF;
	(pc) =	sbr.abs _section_cstart, $3  }
0xcf: {  	[dreg:$0x1] =	wrdreg $0xFFFFFFFF  }
0xd0: {  	_ =	task.clear_ibuf [dreg:s22], $0x2FFFF;
	_ =	strace $0x9FFFFFFF  }
0xd1: {  	(tm) =	ssettm $0x7FFFFFFF  }
tec
execute0_lowered:
.L_overlay_start_1:
0x0: {  	(tag) =	ssettag $0x1  }
0x1: {  	s0 =	srdreg.scid;
	s6 =	rddreg [dreg:$0x0]  }
0x2: {  	s2 =	rddreg [dreg:$0x1];
	s1 =	stileid.u32;
	s16 =	simm.s32 $0x400  }
0x3: {  	s17 =	simm.s32 $0x5000;
	s18 =	simm.s32 $0x7800;
	s19 =	simm.s32 $0x1  }
0x4: {  	s5 =	sand.u32 $0x1, s0;
	s0 =	rddreg [dreg:$0x2];
	s9 =	smul.u32 $0x500, s1  }
0x5: {  	s20 =	sshrl.u32 s1, $0x3;
	s21 =	sshll.u32 s1, $0x7;
	s22 =	smul.u32 $0x27800, s1  }
0x6: {  	s28 =	smul.u32 $0x4F000, s1;
	s31 =	sshll.u32 s1, $0x6;
	s3 =	sshll.u32 s5, $0x4  }
0x7: {  	s8 =	smul.u32 $0x14000, s20;
	s10 =	sand.u32 $0x380, s21;
	s24 =	sshll.u32 s5, $0xA  }
0x8: {  	s26 =	ssub.s32 $0x2, s5;
	s5 =	sadd.s32 $0x2A6A00, s6;
	s20 =	simm.s32 $0x8  }
0x9: {  	s21 =	simm.s32 $0x100;
	s4 =	sor.u32 s1, s3;
	s3 =	simm.s32 $0x0  }
0xa: {  	s9 =	sadd.s32 s9, s6;
	s25 =	sor.u32 s24, s22;
	s29 =	sshrl.u32 s26, $0x1  }
0xb: {  	s30 =	sshrl.u32 s28, $0x2;
	s22 =	simm.s32 $0x0;
	s7 =	smul.u32 $0x500, s4  }
0xc: {  	[smem:$0x7FF] =	sst s3;
	s4 =	sadd.s32 $0x2A9200, s6;
	s8 =	sor.u32 s10, s8  }
0xd: {  	s14 =	ssub.s32 s26, s29;
	s15 =	sadd.s32 s30, s2;
	_ =	strace $0x80000059  }
0xe: {  	s23 =	sshrl.u32 s8, $0x3;
	s11 =	sadd.s32 s7, s6;
	s7 =	sshrl.u32 s25, $0x3  }
0xf: {  	s12 =	sadd.s32 s23, s6;
	s13 =	sadd.s32 s7, s6;
	s6 =	sor.u32 $0x1C02, s31  }
0x10: {  	s7 =	sadd.s32 $0x2A1A00, s9;
	s8 =	sadd.s32 $0x8A00, s11;
	s9 =	sadd.s32 $0x12A00, s12  }
0x11: {  	s11 =	smax.u32 s14, $0x1;
	s12 =	sshrl.u32 s15, $0x3;
	s14 =	simm.s32 $0x2800  }
0x12: {  	s15 =	simm.s32 $0x80;
	s10 =	sadd.s32 $0x1A4200, s13;
	s13 =	simm.s32 $0x2  }
.LBB2_1:
0x13: {  	[spmem:s12], [sflag:s6] =	dma.local [hbm:s5], $0x2780  }
0x14: {  	_ =	swait.ge [sflag:s13], $0x2780  }
0x15: {  	[sflag:s13] =	ssyncset.done $0x0  }
0x16: {  	[sflag:s13] =	ssyncadd.s32 $0xFFFFD880  }
0x17: {  	[tilespmem:s3], [sflag:$0x2] =	stream.linear.gather [hbm4b:s8+s3], $0x2800, $0x38;
	[tilespmem:$0x1F400] =	vst v63  }
0x18: {  	_ =	swait.ge [sflag:s13], $0x2800  }
0x19: {  	[sflag:s13] =	ssyncset.done $0x0  }
0x1a: {  	[sflag:s13] =	ssyncadd.s32 $0xFFFFD800  }
0x1b: {  	[tilespmem:s14], [sflag:$0x2] =	stream.linear.gather [hbm4b:s7+s3], $0x2800, $0x38;
	[tilespmem:$0x1F400] =	vst v63  }
0x1c: {  	_ =	swait.ge [sflag:s13], $0x2800  }
0x1d: {  	[sflag:s13] =	ssyncset.done $0x0  }
0x1e: {  	[sflag:s13] =	ssyncadd.s32 $0xFFFFD800  }
0x1f: {  	[tilespmem:s17], [sflag:$0x2] =	stream.strided.gather [hbm4b:s9+s15], $0x2800, s16, s15, $0x38;
	[tilespmem:$0x1F400] =	vst v63  }
0x20: {  	_ =	swait.ge [sflag:s13], $0x2800  }
0x21: {  	[sflag:s13] =	ssyncset.done $0x0  }
0x22: {  	[sflag:s13] =	ssyncadd.s32 $0xFFFFD800  }
0x23: {  	s23 =	simm.s32 $0x0;
	s24 =	simm.s32 $0x0;
	[bflag:$0x0] =	sbarrier.arrive $0xFFFF  }
.LBB2_2:
0x24: {  	s25 =	sshll.u32 s24, $0x7  }
0x25: {  	[tilespmem:s18], [sflag:$0x1] =	stream.indirect.gather [hbm4b:s4+s15], $0x80, s25, s15, $0xb8;
	[tilespmem:$0x1F400] =	vst v63  }
0x26: {  	s26 =	sadd.s32 $0x0, s23;
	_ =	swait.ge [sflag:s19], $0x4000  }
0x27: {  	v0 =	vmov s26;
	[sflag:s19] =	ssyncset.done $0x0  }
0x28: {  	s26 =	simm.s32 $0x7840;
	[sflag:s19] =	ssyncadd.s32 $0xFFFFC000  }
0x29: {  	v4 =	vld [tilespmem:s26+$0x30]  }
0x2a: {  	v7 =	vld [tilespmem:s26+$0x10]  }
0x2b: {  	v5 =	vld [tilespmem:s26+$0xFFFFFFC0]  }
0x2c: {  	v1 =	vld.idx.msk [tilespmem:v0+s17+$0x0], $0xffff  }
0x2d: {  	v9 =	vld [tilespmem:s26+$0xFFFFFFE0]  }
0x2e: {  	v2 =	vld [tilespmem:s26+$0x20]  }
0x2f: {  	v3 =	vld [tilespmem:s26+$0xFFFFFFD0]  }
0x30: {  	v0 =	vld [tilespmem:s26+$0xFFFFFFF0]  }
0x31: {  	v8 =	vmul.f32 v4, v1;
	v4 =	vld [tilespmem:s26+$0x0]  }
0x32: {  	v6 =	vmul.f32 v5, v1  }
0x33: {  	s28 =	simm.s32 $0x1;
	s29 =	simm.s32 $0x7840;
	v5 =	vmul.f32 v9, v1;
	v7 =	vmul.f32 v7, v1  }
.LBB2_3:
0x34: {  	p0 =	sne.s32 s28, $0x7F  }
0x35: {  	v3 =	vmul.f32 v3, v1;
	v2 =	vmul.f32 v2, v1;
	[tilespmem:s26+$0x30] =	vst v8;
	s29 =	sadd.s32 $0x80, s29;
	s30 =	smov.u32 s28;
	s28 =	sadd.s32 $0x1, s28  }
0x36: {  	[tilespmem:s26+$0xFFFFFFC0] =	vst v6;
	v6 =	vmul.f32 v0, v1;
	v1 =	vmul.f32 v4, v1  }
0x37: {  	s30 =	sadd.s32 s30, s23;
	[tilespmem:s26+$0x10] =	vst v7  }
0x38: {  	v4 =	vmov s30;
	[tilespmem:s26+$0xFFFFFFE0] =	vst v5  }
0x39: {  	v0 =	vld [tilespmem:s29+$0xFFFFFFF0];
	[tilespmem:s26+$0xFFFFFFF0] =	vst v6  }
0x3a: {  	v5 =	vld [tilespmem:s29+$0x30];
	[tilespmem:s26+$0x0] =	vst v1  }
0x3b: {  	v7 =	vld [tilespmem:s29+$0x10];
	[tilespmem:s26+$0x20] =	vst v2  }
0x3c: {  	v6 =	vld [tilespmem:s29+$0xFFFFFFC0];
	[tilespmem:s26+$0xFFFFFFD0] =	vst v3;
	s26 =	smov.u32 s29  }
0x3d: {  	v1 =	vld.idx.msk [tilespmem:v4+s17+$0x0], $0xffff  }
0x3e: {  	v9 =	vld [tilespmem:s29+$0xFFFFFFE0]  }
0x3f: {  	v2 =	vld [tilespmem:s29+$0x20]  }
.Ltmp0:
0x40: {  	v3 =	vld [tilespmem:s29+$0xFFFFFFD0];
	(pc) =	sbr.rel @p0 .LBB2_3-.Ltmp0, $3  }
0x41: {  	v4 =	vld [tilespmem:s29+$0x0];
	_ =	sdelay $0x1  }
0x42: {  	v6 =	vmul.f32 v6, v1;
	v8 =	vmul.f32 v5, v1  }
0x43: {  	v7 =	vmul.f32 v7, v1;
	v5 =	vmul.f32 v9, v1  }
0x44: {  	[tilespmem:s26+$0x30] =	vst v8  }
0x45: {  	[tilespmem:s26+$0xFFFFFFC0] =	vst v6  }
0x46: {  	v0 =	vmul.f32 v0, v1;
	[tilespmem:s26+$0x10] =	vst v7  }
0x47: {  	v2 =	vmul.f32 v2, v1;
	[tilespmem:s26+$0xFFFFFFE0] =	vst v5  }
0x48: {  	v63 =	vmul.f32 v3, v1;
	[tilespmem:s26+$0xFFFFFFF0] =	vst v0  }
0x49: {  	s24 =	sadd.s32 $0x1, s24;
	v4 =	vmul.f32 v4, v1;
	[tilespmem:s26+$0x20] =	vst v2  }
0x4a: {  	p0 =	sne.s32 s24, $0x50;
	[tilespmem:s26+$0xFFFFFFD0] =	vst v63  }
.Ltmp1:
0x4b: {  	s25 =	sadd.s32 $0x2800, s25;
	[tilespmem:s26+$0x0] =	vst v4;
	(pc) =	sbr.rel @p0 .LBB2_2-.Ltmp1, $4  }
0x4c: {  	[spmem:s2] =	stream.indirect.scatter.add.f32 [tilespmem:s18], [sflag:$0x2], $0x80, s25, s15, $0xb8;
	[tilespmem:$0x1F400] =	vst v63  }
0x4d: {  	_ =	swait.ge [sflag:s13], $0x4000  }
0x4e: {  	[sflag:s13] =	ssyncset.done $0x0  }
0x4f: {  	s23 =	sadd.s32 $0x80, s23;
	[sflag:s13] =	ssyncadd.s32 $0xFFFFC000  }
0x50: {  	s22 =	sadd.s32 $0x1, s22  }
0x51: {  	p0 =	sne.s32 s22, s11  }
.Ltmp2:
0x52: {  	[bflag:$0x0] =	sbarrier.arrive $0xFFFF;
	(pc) =	sbr.rel @p0 .LBB2_1-.Ltmp2, $4  }
0x53: {  	[hbm:s10@s21], [sflag:s6] =	dma.strided [spmem:s12@s15], $0x2780, s20, $0x10   }
0x54: {  	_ =	swait.ge [sflag:s13], $0x2780  }
0x55: {  	[sflag:s13] =	ssyncset.done $0x0  }
0x56: {  	[sflag:s13] =	ssyncadd.s32 $0xFFFFD880  }
0x57: {  	_ =	sfence.sel $0x180000  }
0x58: {  	[bflag:$0x0] =	sbarrier.arrive $0xFFFF  }
0x59: {  	p0 =	sne.s32 s1, $0x0;
	_ =	strace $0x90000059  }
0x5a: {  	s0 =	sadd.s32 @!p0 $0x100000, s0;
	[bflag:$0x2] =	sbarrier.arrive $0xFFFF  }
0x5b: {  	[sflag:s0] =	ssyncadd.tile.s32 @!p0 $0x1;
	_ =	shalt  }
.Lfunc_end2:
_tile_overlayer_lowered:
.L_overlay_start_2:
0x5c: {  	(tag) =	ssettag $0x2  }
0x5d: {  	s0 =	rddreg [dreg:$0x0];
	s2 =	stileid.u32  }
0x5e: {  	s1 =	rddreg [dreg:$0x1];
	p0 =	sne.s32 s2, $0x0  }
0x5f: {  	s3 =	rddreg [dreg:$0x2];
	[bflag:$0x3] =	sbarrier.arrive $0xFFFF;
	s2 =	simm.s32 @!p0 $0x1C02  }
0x60: {  	[timem:s3], [sflag:s2] =	dma.local @!p0 [hbm:s0], s1  }
0x61: {  	s0 =	simm.s32 @!p0 $0x2  }
0x62: {  	_ =	swait.ge @!p0 [sflag:s0], s1  }
0x63: {  	s1 =	ssub.s32 @!p0 $0x0, s1;
	[sflag:s0] =	ssyncset.done @!p0 $0x0  }
0x64: {  	[sflag:s0] =	ssyncadd.s32 @!p0 s1  }
0x65: {  	[bflag:$0x3] =	sbarrier.arrive $0xFFFF  }
0x66: {  	_ =	shalt  }

// kernel: kernel.41.cloned.1.call-start
scs
__scs_entry_jumppad:
0x0: {  	(pc) =	sbr.rel $0x88, $3  }
0x1: {  	(tag) =	ssettag $0x0;
	lr =	simm.s32 $0x1  }
0x2: {  	[smem:$0x3F81] =	sst lr;
	_ =	strace $0xD0000000  }
0x3: {  	_ = 	snop  }
0x4: {  	_ = 	snop  }
0x5: {  	_ = 	snop  }
0x6: {  	_ = 	snop  }
0x7: {  	_ = 	snop  }
__scs_overlays_trampoline_lowered:
0x8: {  	[smem:$0x3F90] =	sst s0  }
0x9: {  	[smem:$0x3F91] =	sst s1  }
0xa: {  	[smem:$0x3F92] =	sst s2  }
0xb: {  	[smem:$0x3F93] =	sst s3  }
0xc: {  	[smem:$0x3F94] =	sst s4  }
0xd: {  	[smem:$0x3F95] =	sst s5  }
0xe: {  	[smem:$0x3F96] =	sst s6  }
0xf: {  	[smem:$0x3F97] =	sst s7  }
0x10: {  	[smem:$0x3F98] =	sst s8  }
0x11: {  	[smem:$0x3F99] =	sst s9;
	s0 =	simm.s32 @!p0 $0x0  }
0x12: {  	s1 =	sld [smem:$0x3F7F];
	s0 =	simm.s32 @p0 $0x1  }
0x13: {  	[smem:$0x3F9A] =	sst s0;
	s0 =	simm.s32 @!p1 $0x0  }
0x14: {  	s2 =	sld [smem:$0x3F7E];
	s0 =	simm.s32 @p1 $0x1  }
0x15: {  	[smem:$0x3F9B] =	sst s0;
	s0 =	simm.s32 @!p2 $0x0  }
0x16: {  	s3 =	sld [smem:$0x3FDB];
	s0 =	simm.s32 @p2 $0x1  }
0x17: {  	s4 =	simm.s32 $0x1BF5;
	[smem:$0x3F9D] =	sst s0  }
0x18: {  	s0 =	sld [smem:$0x3F80];
	_ =	swait.ge [sflag:s4], $0x0  }
0x19: {  	s7 =	sld [smem:$0x3F81]  }
0x1a: {  	s8 =	sadd.s32 $0xFFFFE003, lr  }
0x1b: {  	s9 =	sadd.s32 $0xFFFFFEF7, lr;
	s5 =	simm.s32 $0xFFFFFFFF;
	p2 =	slt.u32 s8, $0xFFFFF086  }
0x1c: {  	p1 =	slt.u32 s9, $0xF7A;
	s5 =	simm.s32 @!p2 $0x0  }
0x1d: {  	s5 =	simm.s32 @p1 $0x1;
	p0 =	seq.s32 s7, s2  }
0x1e: {  	s7 =	smul.u32 @!p0 $0xF7A, s2;
	p2 =	seq.s32 @!p0 s5, $0x0  }
0x1f: {  	s9 =	smul.u32 $0xF7A, s1;
	s8 =	simm.s32 @!p0 $0x1BF5;
	p2 =	por !p2, p0  }
0x20: {  	[sflag:s8] =	ssyncset.s32 @!p0 $0xFFFFF086;
	s6 =	sadd.s32 @!p0 s3, s7;
	s7 =	simm.s32 @!p0 $0x108  }
0x21: {  	s3 =	sadd.s32 s3, s9;
	s6 =	sadd.s32 @!p0 $0x88, s6;
	s7 =	simm.s32 @p2 $0x1082  }
0x22: {  	[simem:s7], [sflag:s8] =	dma.local @!p0 [hbm:s6], $0xF7A  }
0x23: {  	s9 =	sor.u32 $0xD0000000, s2;
	s6 =	simm.s32 $0x108;
	_ =	swait.ge @!p0 [sflag:s8], $0x0  }
0x24: {  	s3 =	sadd.s32 $0x88, s3;
	s6 =	simm.s32 @!p1 $0x1082;
	[sflag:s4] =	ssyncset.s32 $0xFFFFF086  }
0x25: {  	[simem:s6], [sflag:s4] =	dma.local [hbm:s3], $0xF7A  }
0x26: {  	[smem:$0x3F81] =	sst s1;
	(tag) =	ssettag s2;
	_ =	strace s9  }
0x27: {  	s1 =	sld [smem:$0x3F91]  }
0x28: {  	s2 =	sld [smem:$0x3F92]  }
0x29: {  	s4 =	sld [smem:$0x3F94]  }
0x2a: {  	p0 =	seq.s32 s5, $0x0;
	s5 =	sld [smem:$0x3F95]  }
0x2b: {  	s6 =	sld [smem:$0x3F96]  }
0x2c: {  	s7 =	sld [smem:$0x3F97]  }
0x2d: {  	s3 =	simm.s32 $0x108;
	s8 =	sld [smem:$0x3F98]  }
0x2e: {  	s3 =	simm.s32 @!p0 $0x1082;
	s9 =	sld [smem:$0x3F99]  }
0x2f: {  	lr =	sadd.s32 s0, s3;
	s0 =	sld [smem:$0x3F90]  }
0x30: {  	s3 =	sld [smem:$0x3F93]  }
0x31: {  	[smem:$0x3F9C] =	sst s10  }
0x32: {  	s10 =	sld [smem:$0x3F9A];
	_ =	sdelay $0x3  }
0x33: {  	p0 =	seq.s32 s10, $0x1;
	s10 =	sld [smem:$0x3F9C];
	_ =	sdelay $0x3  }
0x34: {  	[smem:$0x3F9C] =	sst s10  }
0x35: {  	s10 =	sld [smem:$0x3F9B];
	_ =	sdelay $0x3  }
0x36: {  	p1 =	seq.s32 s10, $0x1;
	s10 =	sld [smem:$0x3F9C];
	_ =	sdelay $0x3  }
0x37: {  	[smem:$0x3F9C] =	sst s10  }
0x38: {  	s10 =	sld [smem:$0x3F9D]  }
0x39: {  	_ = 	snop;
	(pc) =	sbr.ind lr, $3  }
0x3a: {  	_ = 	snop  }
0x3b: {  	_ = 	snop  }
0x3c: {  	p2 =	seq.s32 s10, $0x1;
	s10 =	sld [smem:$0x3F9C]  }
0x3d: {  	_ =	shalt  }
0x3e: {  	_ =	shalt  }
0x3f: {  	_ =	shalt  }
0x40: {  	_ =	shalt  }
0x41: {  	_ =	shalt  }
0x42: {  	_ =	shalt  }
0x43: {  	_ =	shalt  }
0x44: {  	_ =	shalt  }
0x45: {  	_ =	shalt  }
0x46: {  	_ =	shalt  }
0x47: {  	_ =	shalt  }
0x48: {  	_ =	shalt  }
0x49: {  	_ =	shalt  }
0x4a: {  	_ =	shalt  }
0x4b: {  	_ =	shalt  }
0x4c: {  	_ =	shalt  }
0x4d: {  	_ =	shalt  }
0x4e: {  	_ =	shalt  }
0x4f: {  	_ =	shalt  }
0x50: {  	_ =	shalt  }
0x51: {  	_ =	shalt  }
0x52: {  	_ =	shalt  }
0x53: {  	_ =	shalt  }
0x54: {  	_ =	shalt  }
0x55: {  	_ =	shalt  }
0x56: {  	_ =	shalt  }
0x57: {  	_ =	shalt  }
0x58: {  	_ =	shalt  }
0x59: {  	_ =	shalt  }
0x5a: {  	_ =	shalt  }
0x5b: {  	_ =	shalt  }
0x5c: {  	_ =	shalt  }
0x5d: {  	_ =	shalt  }
0x5e: {  	_ =	shalt  }
0x5f: {  	_ =	shalt  }
0x60: {  	_ =	shalt  }
0x61: {  	_ =	shalt  }
0x62: {  	_ =	shalt  }
0x63: {  	_ =	shalt  }
0x64: {  	_ =	shalt  }
0x65: {  	_ =	shalt  }
0x66: {  	_ =	shalt  }
0x67: {  	_ =	shalt  }
0x68: {  	_ =	shalt  }
0x69: {  	_ =	shalt  }
0x6a: {  	_ =	shalt  }
0x6b: {  	_ =	shalt  }
0x6c: {  	_ =	shalt  }
0x6d: {  	_ =	shalt  }
0x6e: {  	_ =	shalt  }
0x6f: {  	_ =	shalt  }
0x70: {  	_ =	shalt  }
0x71: {  	_ =	shalt  }
0x72: {  	_ =	shalt  }
0x73: {  	_ =	shalt  }
0x74: {  	_ =	shalt  }
0x75: {  	_ =	shalt  }
0x76: {  	_ =	shalt  }
0x77: {  	_ =	shalt  }
0x78: {  	_ =	shalt  }
0x79: {  	_ =	shalt  }
0x7a: {  	_ =	shalt  }
0x7b: {  	_ =	shalt  }
0x7c: {  	_ =	shalt  }
0x7d: {  	_ =	shalt  }
0x7e: {  	_ =	shalt  }
0x7f: {  	_ =	shalt  }
0x80: {  	_ =	shalt  }
0x81: {  	_ =	shalt  }
0x82: {  	_ =	shalt  }
0x83: {  	_ =	shalt  }
0x84: {  	_ =	shalt  }
0x85: {  	_ =	shalt  }
0x86: {  	_ =	shalt  }
0x87: {  	_ =	shalt  }
.Lfunc_end0:
.L_simem_size_0:
called_computation.6_lowered:
.L_overlay_start_0:
0x88: {  	s2 =	sld [smem:$0x3FD9]  }
0x89: {  	s3 =	sld [smem:$0x3FFE];
	_ =	sdelay $0x1  }
0x8a: {  	s1 =	srdreg.scid  }
0x8b: {  	s0 =	sand.u32 $0x1, s1  }
0x8c: {  	s16 =	sshll.u32 s0, $0xA;
	s2 =	sadd.s32 s3, s2  }
0x8d: {  	s2 =	sadd.s32 s2, s16  }
0x8e: {  	[smem:$0x3FA8] =	sst s2  }
0x8f: {  	_ = 	snop  }
0x90: {  	(tm) =	ssettm $0x1  }
0x91: {  	s17 =	sld [smem:$0x3FFB];
	_ =	sdelay $0x3  }
0x92: {  	_ =	strace s17  }
0x93: {  	s2 =	sld [smem:$0x3FFC];
	_ =	sdelay $0x3  }
0x94: {  	_ =	strace s2  }
0x95: {  	s2 =	sld [smem:$0x3FFD];
	_ =	sdelay $0x3  }
0x96: {  	_ =	strace s2  }
0x97: {  	_ =	strace $0x8FFFFFFF  }
0x98: {  	s18 =	sld [smem:$0x3FDB];
	_ =	sdelay $0x1  }
0x99: {  	s19 =	simm.s32 $_scs_section_size  }
0x9a: {  	s4 =	simm.s32 $_size__tile_overlayer_lowered;
	s5 =	simm.s32 $_tile_overlayer_lowered  }
0x9b: {  	s22 =	simm.s32 $0x1BFF;
	s21 =	sshll.u32 s5, $0x1;
	s2 =	sadd.s32 s19, s18  }
0x9c: {  	s6 =	simm.s32 $0x0;
	s20 =	sshll.u32 s4, $0x1;
	s4 =	sadd.s32 s21, s2  }
0x9d: {  	[timem:s6], [sflag:s22] =	dma.local [hbm:s4], s20  }
0x9e: {  	_ =	swait.ge [sflag:s22], s20  }
0x9f: {  	s3 =	ssub.s32 $0x0, s20;
	[sflag:s22] =	ssyncset.done $0x0  }
0xa0: {  	[sflag:s22] =	ssyncadd.s32 s3;
	_ =	sdelay $0x1  }
0xa1: {  	s23 =	simm.s32 $0x1B8B  }
0xa2: {  	_ =	swait.ge [sflag:s23], $0x1  }
0xa3: {  	[sflag:s23] =	ssyncset.done $0x0  }
0xa4: {  	s25 =	simm.s32 $0x1B8E;
	s24 =	sld [smem:$0x3FFE];
	[sflag:s23] =	ssyncadd.s32 $0xFFFFFFFF  }
0xa5: {  	s26 =	simm.s32 $execute0_lowered;
	[smem:$0x3FD2] =	sst s25  }
0xa6: {  	s4 =	sshll.u32 s26, $0x1;
	_ =	strace $0x80000055;
	[dreg:$0x1] =	wrdreg $0xFFFFFFFF  }
0xa7: {  	s28 =	simm.s32 $_size_execute0_lowered;
	s2 =	sadd.s32 s2, s4;
	[dreg:$0x0] =	wrdreg $0x0  }
0xa8: {  	s4 =	sshll.u32 s28, $0x1;
	[dreg:$0x2] =	wrdreg s2  }
0xa9: {  	[dreg:$0x3] =	wrdreg s4  }
0xaa: {  	[dreg:$0x4] =	wrdreg $0xC0  }
0xab: {  	_ =	task [dreg:s6], $0x5FFFF  }
0xac: {  	[dreg:$0x1] =	wrdreg $0xFFFFFFFF  }
0xad: {  	[dreg:$0x0] =	wrdreg $0x60  }
0xae: {  	[dreg:$0x2] =	wrdreg s24  }
0xaf: {  	[dreg:$0x3] =	wrdreg $0x68000  }
0xb0: {  	[dreg:$0x4] =	wrdreg $0xA  }
0xb1: {  	_ =	task.clear_ibuf [dreg:s6], $0x5FFFF;
	_ =	strace $0x90000055  }
0xb2: {  	s29 =	simm.s32 $0xA;
	_ =	strace $0x80000057  }
0xb3: {  	_ =	swait.ge [sflag:s29], $0x1  }
0xb4: {  	[sflag:s29] =	ssyncadd.s32 $0xFFFFFFFF  }
0xb5: {  	_ =	strace $0x90000057  }
0xb6: {  	_ =	sfence  }
0xb7: {  	s30 =	sld [smem:$0x0];
	_ =	sdelay $0x2  }
0xb8: {  	s31 =	sshll.u32 s1, $0xD;
	s1 =	sshrl.u32 s1, $0x2  }
0xb9: {  	s3 =	sand.u32 $0x4000, s31;
	s1 =	sadd.s32 s1, s30  }
0xba: {  	s0 =	sor.u32 s3, s0;
	s1 =	sshll.u32 s1, $0x11  }
0xbb: {  	s0 =	sor.u32 s1, s0  }
0xbc: {  	s0 =	sadd.s32 $0x8F2B, s0  }
0xbd: {  	[sflag:s0] =	ssyncadd.remote.s32 $0x1  }
0xbe: {  	_ =	sfence.sel $0xFFFF  }
0xbf: {  	[dreg:$0x0] =	wrdreg $0xFFFFFFFF;
	(pc) =	sbr.abs _section_cstart, $3  }
0xc0: {  	[dreg:$0x1] =	wrdreg $0xFFFFFFFF  }
0xc1: {  	_ =	task.clear_ibuf [dreg:s6], $0x2FFFF;
	_ =	strace $0x9FFFFFFF  }
0xc2: {  	(tm) =	ssettm $0x7FFFFFFF  }
0xc3: {  	_ =	shalt  }
tec
execute0_lowered:
.L_overlay_start_1:
0x0: {  	(tag) =	ssettag $0x1  }
0x1: {  	s1 =	srdreg.scid  }
0x2: {  	s0 =	stileid.u32;
	s6 =	rddreg [dreg:$0x0]  }
0x3: {  	s2 =	rddreg [dreg:$0x1];
	s13 =	simm.s32 $0x80;
	s14 =	simm.s32 $0x400  }
0x4: {  	s15 =	simm.s32 $0x1400;
	s16 =	simm.s32 $0x0;
	s26 =	smul.u32 $0x13C00, s0  }
0x5: {  	s5 =	sand.u32 $0x1, s1;
	s7 =	sshrl.u32 s0, $0x2;
	s29 =	smul.u32 $0x4F000, s0  }
0x6: {  	s25 =	sshll.u32 s0, $0x1;
	s1 =	rddreg [dreg:$0x2];
	s7 =	smul.u32 $0xA000, s7  }
0x7: {  	s31 =	sshll.u32 s0, $0x6;
	s3 =	sor.u32 s5, s25;
	s9 =	smul.u32 $0x13C000, s5  }
0x8: {  	s5 =	ssub.s32 $0x2, s5;
	s4 =	smul.u32 $0x280, s3;
	s8 =	sshll.u32 s3, $0x7  }
0x9: {  	s3 =	simm.s32 $0x0;
	s30 =	sshrl.u32 s5, $0x1;
	s8 =	sand.u32 $0x380, s8  }
0xa: {  	[smem:$0x7FF] =	sst s3;
	s11 =	ssub.s32 s5, s30;
	s5 =	sor.u32 $0x1C01, s31  }
0xb: {  	s7 =	sor.u32 s7, s8;
	_ =	strace $0x80000056;
	s10 =	sadd.s32 s4, s6  }
0xc: {  	s8 =	sadd.s32 s26, s9;
	s4 =	sadd.s32 $0x2A6A00, s6;
	s9 =	sshrl.u32 s29, $0x2  }
0xd: {  	s28 =	sshrl.u32 s7, $0x3;
	s8 =	sshrl.u32 s8, $0x3;
	s12 =	sadd.s32 s9, s2  }
0xe: {  	s9 =	smax.u32 s11, $0x1;
	s11 =	simm.s32 $0x1;
	s7 =	sadd.s32 s28, s6  }
0xf: {  	s8 =	sadd.s32 s8, s6;
	s6 =	sadd.s32 $0x2A1A00, s10;
	s10 =	sshrl.u32 s12, $0x3  }
0x10: {  	s12 =	simm.s32 $0x2800;
	s7 =	sadd.s32 $0x3A00, s7;
	s8 =	sadd.s32 $0x155200, s8  }
.LBB2_1:
0x11: {  	[spmem:s10], [sflag:s5] =	dma.local [hbm:s4], $0x2780  }
0x12: {  	_ =	swait.ge [sflag:s11], $0x2780  }
0x13: {  	[sflag:s11] =	ssyncset.done $0x0  }
0x14: {  	[sflag:s11] =	ssyncadd.s32 $0xFFFFD880  }
0x15: {  	[tilespmem:s12], [sflag:$0x1] =	stream.linear.gather [hbm4b:s4+s3], $0x4000, $0x38;
	[tilespmem:$0x1A400] =	vst v63  }
0x16: {  	_ =	swait.ge [sflag:s11], $0x4000  }
0x17: {  	[sflag:s11] =	ssyncset.done $0x0  }
0x18: {  	[sflag:s11] =	ssyncadd.s32 $0xFFFFC000  }
0x19: {  	[tilespmem:s3], [sflag:$0x1] =	stream.linear.gather [hbm4b:s6+s3], $0x1400, $0x38;
	[tilespmem:$0x1A400] =	vst v63  }
0x1a: {  	_ =	swait.ge [sflag:s11], $0x1400  }
0x1b: {  	[sflag:s11] =	ssyncset.done $0x0  }
0x1c: {  	[sflag:s11] =	ssyncadd.s32 $0xFFFFEC00  }
0x1d: {  	[tilespmem:s15], [sflag:$0x1] =	stream.strided.gather [hbm4b:s7+s13], $0x1400, s14, s13, $0x38;
	[tilespmem:$0x1A400] =	vst v63  }
0x1e: {  	_ =	swait.ge [sflag:s11], $0x1400  }
0x1f: {  	[sflag:s11] =	ssyncset.done $0x0  }
0x20: {  	[sflag:s11] =	ssyncadd.s32 $0xFFFFEC00  }
0x21: {  	s17 =	simm.s32 $0x0;
	s18 =	simm.s32 $0x0;
	[bflag:$0x0] =	sbarrier.arrive $0xFFFF  }
.LBB2_2:
0x22: {  	v0 =	vmov s17;
	_ =	sdelay $0x4  }
0x23: {  	s19 =	sshll.u32 s18, $0x7;
	s20 =	sadd.s32 $0x1, s17;
	v0 =	vld.idx.msk [tilespmem:v0+s15+$0x0], $0xffff  }
0x24: {  	s21 =	simm.s32 $0x0;
	s22 =	simm.s32 $0x200;
	s23 =	simm.s32 $0x400;
	v1 =	vmov s20  }
.LBB2_3:
0x25: {  	p0 =	sne.s32 s23, $0xFE00;
	_ =	sdelay $0x1  }
.Ltmp0:
0x26: {  	s24 =	sshra.s32 s21, $0x2;
	s21 =	smov.u32 s22;
	(pc) =	sbr.rel @p0 .LBB2_3-.Ltmp0, $4  }
0x27: {  	s22 =	smov.u32 s23;
	[tilespmem:s24+$0x2800] =	vst v0  }
0x28: {  	v0 =	vld.idx.msk [tilespmem:v1+s15+$0x0], $0xffff  }
0x29: {  	s20 =	sadd.s32 $0x1, s20  }
0x2a: {  	s23 =	sadd.s32 $0x200, s23;
	v1 =	vmov s20  }
0x2b: {  	_ =	sdelay $0x1  }
0x2c: {  	s20 =	sshra.s32 s21, $0x2  }
0x2d: {  	[tilespmem:s20+$0x2800] =	vst v0  }
0x2e: {  	v0 =	vld.idx.msk [tilespmem:v1+s15+$0x0], $0xffff;
	_ =	sdelay $0x2  }
0x2f: {  	s18 =	sadd.s32 $0x1, s18  }
0x30: {  	s31 =	sshra.s32 s22, $0x2;
	p0 =	sne.s32 s18, $0x28  }
.Ltmp1:
0x31: {  	[tilespmem:s31+$0x2800] =	vst v0;
	(pc) =	sbr.rel @p0 .LBB2_2-.Ltmp1, $4  }
0x32: {  	[spmem:s2] =	stream.indirect.scatter.add.f32 [tilespmem:s12], [sflag:$0x1], $0x80, s19, s13, $0xb8;
	[tilespmem:$0x1A400] =	vst v63  }
0x33: {  	_ =	swait.ge [sflag:s11], $0x4000  }
0x34: {  	[sflag:s11] =	ssyncset.done $0x0  }
0x35: {  	s17 =	sadd.s32 $0x80, s17;
	[sflag:s11] =	ssyncadd.s32 $0xFFFFC000  }
0x36: {  	s16 =	sadd.s32 $0x1, s16  }
0x37: {  	p0 =	sne.s32 s16, s9  }
.Ltmp2:
0x38: {  	[bflag:$0x0] =	sbarrier.arrive $0xFFFF;
	(pc) =	sbr.rel @p0 .LBB2_1-.Ltmp2, $4  }
0x39: {  	[hbm:s8], [sflag:s5] =	dma.local [spmem:s10], $0x2780  }
0x3a: {  	_ =	swait.ge [sflag:s11], $0x2780  }
0x3b: {  	[sflag:s11] =	ssyncset.done $0x0  }
0x3c: {  	[sflag:s11] =	ssyncadd.s32 $0xFFFFD880  }
0x3d: {  	_ =	sfence.sel $0x180000  }
0x3e: {  	[bflag:$0x0] =	sbarrier.arrive $0xFFFF  }
0x3f: {  	p0 =	sne.s32 s0, $0x0;
	_ =	strace $0x90000056  }
0x40: {  	s0 =	sadd.s32 @!p0 $0x100000, s1;
	[bflag:$0x2] =	sbarrier.arrive $0xFFFF  }
0x41: {  	[sflag:s0] =	ssyncadd.tile.s32 @!p0 $0x1;
	_ =	shalt  }
.Lfunc_end2:
_tile_overlayer_lowered:
.L_overlay_start_2:
0x42: {  	(tag) =	ssettag $0x2  }
0x43: {  	s0 =	rddreg [dreg:$0x0];
	s2 =	stileid.u32  }
0x44: {  	s1 =	rddreg [dreg:$0x1];
	p0 =	sne.s32 s2, $0x0  }
0x45: {  	s3 =	rddreg [dreg:$0x2];
	[bflag:$0x3] =	sbarrier.arrive $0xFFFF;
	s2 =	simm.s32 @!p0 $0x1C01  }
0x46: {  	[timem:s3], [sflag:s2] =	dma.local @!p0 [hbm:s0], s1  }
0x47: {  	s0 =	simm.s32 @!p0 $0x1  }
0x48: {  	_ =	swait.ge @!p0 [sflag:s0], s1  }
0x49: {  	s1 =	ssub.s32 @!p0 $0x0, s1;
	[sflag:s0] =	ssyncset.done @!p0 $0x0  }
0x4a: {  	[sflag:s0] =	ssyncadd.s32 @!p0 s1  }
0x4b: {  	[bflag:$0x3] =	sbarrier.arrive $0xFFFF  }
0x4c: {  	_ =	shalt  }

// kernel: kernel.44.cloned.1.call-start
scs
__scs_entry_jumppad:
0x0: {  	(pc) =	sbr.rel $0x88, $3  }
0x1: {  	(tag) =	ssettag $0x0;
	lr =	simm.s32 $0x1  }
0x2: {  	[smem:$0x3F81] =	sst lr;
	_ =	strace $0xD0000000  }
0x3: {  	_ = 	snop  }
0x4: {  	_ = 	snop  }
0x5: {  	_ = 	snop  }
0x6: {  	_ = 	snop  }
0x7: {  	_ = 	snop  }
__scs_overlays_trampoline_lowered:
0x8: {  	[smem:$0x3F90] =	sst s0  }
0x9: {  	[smem:$0x3F91] =	sst s1  }
0xa: {  	[smem:$0x3F92] =	sst s2  }
0xb: {  	[smem:$0x3F93] =	sst s3  }
0xc: {  	[smem:$0x3F94] =	sst s4  }
0xd: {  	[smem:$0x3F95] =	sst s5  }
0xe: {  	[smem:$0x3F96] =	sst s6  }
0xf: {  	[smem:$0x3F97] =	sst s7  }
0x10: {  	[smem:$0x3F98] =	sst s8  }
0x11: {  	[smem:$0x3F99] =	sst s9;
	s0 =	simm.s32 @!p0 $0x0  }
0x12: {  	s1 =	sld [smem:$0x3F7F];
	s0 =	simm.s32 @p0 $0x1  }
0x13: {  	[smem:$0x3F9A] =	sst s0;
	s0 =	simm.s32 @!p1 $0x0  }
0x14: {  	s2 =	sld [smem:$0x3F7E];
	s0 =	simm.s32 @p1 $0x1  }
0x15: {  	[smem:$0x3F9B] =	sst s0;
	s0 =	simm.s32 @!p2 $0x0  }
0x16: {  	s3 =	sld [smem:$0x3FDB];
	s0 =	simm.s32 @p2 $0x1  }
0x17: {  	s4 =	simm.s32 $0x1BF5;
	[smem:$0x3F9D] =	sst s0  }
0x18: {  	s0 =	sld [smem:$0x3F80];
	_ =	swait.ge [sflag:s4], $0x0  }
0x19: {  	s7 =	sld [smem:$0x3F81]  }
0x1a: {  	s8 =	sadd.s32 $0xFFFFE003, lr  }
0x1b: {  	s9 =	sadd.s32 $0xFFFFFEF7, lr;
	s5 =	simm.s32 $0xFFFFFFFF;
	p2 =	slt.u32 s8, $0xFFFFF086  }
0x1c: {  	p1 =	slt.u32 s9, $0xF7A;
	s5 =	simm.s32 @!p2 $0x0  }
0x1d: {  	s5 =	simm.s32 @p1 $0x1;
	p0 =	seq.s32 s7, s2  }
0x1e: {  	s7 =	smul.u32 @!p0 $0xF7A, s2;
	p2 =	seq.s32 @!p0 s5, $0x0  }
0x1f: {  	s9 =	smul.u32 $0xF7A, s1;
	s8 =	simm.s32 @!p0 $0x1BF5;
	p2 =	por !p2, p0  }
0x20: {  	[sflag:s8] =	ssyncset.s32 @!p0 $0xFFFFF086;
	s6 =	sadd.s32 @!p0 s3, s7;
	s7 =	simm.s32 @!p0 $0x108  }
0x21: {  	s3 =	sadd.s32 s3, s9;
	s6 =	sadd.s32 @!p0 $0x88, s6;
	s7 =	simm.s32 @p2 $0x1082  }
0x22: {  	[simem:s7], [sflag:s8] =	dma.local @!p0 [hbm:s6], $0xF7A  }
0x23: {  	s9 =	sor.u32 $0xD0000000, s2;
	s6 =	simm.s32 $0x108;
	_ =	swait.ge @!p0 [sflag:s8], $0x0  }
0x24: {  	s3 =	sadd.s32 $0x88, s3;
	s6 =	simm.s32 @!p1 $0x1082;
	[sflag:s4] =	ssyncset.s32 $0xFFFFF086  }
0x25: {  	[simem:s6], [sflag:s4] =	dma.local [hbm:s3], $0xF7A  }
0x26: {  	[smem:$0x3F81] =	sst s1;
	(tag) =	ssettag s2;
	_ =	strace s9  }
0x27: {  	s1 =	sld [smem:$0x3F91]  }
0x28: {  	s2 =	sld [smem:$0x3F92]  }
0x29: {  	s4 =	sld [smem:$0x3F94]  }
0x2a: {  	p0 =	seq.s32 s5, $0x0;
	s5 =	sld [smem:$0x3F95]  }
0x2b: {  	s6 =	sld [smem:$0x3F96]  }
0x2c: {  	s7 =	sld [smem:$0x3F97]  }
0x2d: {  	s3 =	simm.s32 $0x108;
	s8 =	sld [smem:$0x3F98]  }
0x2e: {  	s3 =	simm.s32 @!p0 $0x1082;
	s9 =	sld [smem:$0x3F99]  }
0x2f: {  	lr =	sadd.s32 s0, s3;
	s0 =	sld [smem:$0x3F90]  }
0x30: {  	s3 =	sld [smem:$0x3F93]  }
0x31: {  	[smem:$0x3F9C] =	sst s10  }
0x32: {  	s10 =	sld [smem:$0x3F9A];
	_ =	sdelay $0x3  }
0x33: {  	p0 =	seq.s32 s10, $0x1;
	s10 =	sld [smem:$0x3F9C];
	_ =	sdelay $0x3  }
0x34: {  	[smem:$0x3F9C] =	sst s10  }
0x35: {  	s10 =	sld [smem:$0x3F9B];
	_ =	sdelay $0x3  }
0x36: {  	p1 =	seq.s32 s10, $0x1;
	s10 =	sld [smem:$0x3F9C];
	_ =	sdelay $0x3  }
0x37: {  	[smem:$0x3F9C] =	sst s10  }
0x38: {  	s10 =	sld [smem:$0x3F9D]  }
0x39: {  	_ = 	snop;
	(pc) =	sbr.ind lr, $3  }
0x3a: {  	_ = 	snop  }
0x3b: {  	_ = 	snop  }
0x3c: {  	p2 =	seq.s32 s10, $0x1;
	s10 =	sld [smem:$0x3F9C]  }
0x3d: {  	_ =	shalt  }
0x3e: {  	_ =	shalt  }
0x3f: {  	_ =	shalt  }
0x40: {  	_ =	shalt  }
0x41: {  	_ =	shalt  }
0x42: {  	_ =	shalt  }
0x43: {  	_ =	shalt  }
0x44: {  	_ =	shalt  }
0x45: {  	_ =	shalt  }
0x46: {  	_ =	shalt  }
0x47: {  	_ =	shalt  }
0x48: {  	_ =	shalt  }
0x49: {  	_ =	shalt  }
0x4a: {  	_ =	shalt  }
0x4b: {  	_ =	shalt  }
0x4c: {  	_ =	shalt  }
0x4d: {  	_ =	shalt  }
0x4e: {  	_ =	shalt  }
0x4f: {  	_ =	shalt  }
0x50: {  	_ =	shalt  }
0x51: {  	_ =	shalt  }
0x52: {  	_ =	shalt  }
0x53: {  	_ =	shalt  }
0x54: {  	_ =	shalt  }
0x55: {  	_ =	shalt  }
0x56: {  	_ =	shalt  }
0x57: {  	_ =	shalt  }
0x58: {  	_ =	shalt  }
0x59: {  	_ =	shalt  }
0x5a: {  	_ =	shalt  }
0x5b: {  	_ =	shalt  }
0x5c: {  	_ =	shalt  }
0x5d: {  	_ =	shalt  }
0x5e: {  	_ =	shalt  }
0x5f: {  	_ =	shalt  }
0x60: {  	_ =	shalt  }
0x61: {  	_ =	shalt  }
0x62: {  	_ =	shalt  }
0x63: {  	_ =	shalt  }
0x64: {  	_ =	shalt  }
0x65: {  	_ =	shalt  }
0x66: {  	_ =	shalt  }
0x67: {  	_ =	shalt  }
0x68: {  	_ =	shalt  }
0x69: {  	_ =	shalt  }
0x6a: {  	_ =	shalt  }
0x6b: {  	_ =	shalt  }
0x6c: {  	_ =	shalt  }
0x6d: {  	_ =	shalt  }
0x6e: {  	_ =	shalt  }
0x6f: {  	_ =	shalt  }
0x70: {  	_ =	shalt  }
0x71: {  	_ =	shalt  }
0x72: {  	_ =	shalt  }
0x73: {  	_ =	shalt  }
0x74: {  	_ =	shalt  }
0x75: {  	_ =	shalt  }
0x76: {  	_ =	shalt  }
0x77: {  	_ =	shalt  }
0x78: {  	_ =	shalt  }
0x79: {  	_ =	shalt  }
0x7a: {  	_ =	shalt  }
0x7b: {  	_ =	shalt  }
0x7c: {  	_ =	shalt  }
0x7d: {  	_ =	shalt  }
0x7e: {  	_ =	shalt  }
0x7f: {  	_ =	shalt  }
0x80: {  	_ =	shalt  }
0x81: {  	_ =	shalt  }
0x82: {  	_ =	shalt  }
0x83: {  	_ =	shalt  }
0x84: {  	_ =	shalt  }
0x85: {  	_ =	shalt  }
0x86: {  	_ =	shalt  }
0x87: {  	_ =	shalt  }
.Lfunc_end0:
.L_simem_size_0:
called_computation.7_lowered:
.L_overlay_start_0:
0x88: {  	s2 =	sld [smem:$0x3FD9]  }
0x89: {  	s3 =	sld [smem:$0x3FFE];
	_ =	sdelay $0x1  }
0x8a: {  	s1 =	srdreg.scid  }
0x8b: {  	s0 =	sand.u32 $0x1, s1  }
0x8c: {  	s17 =	sshll.u32 s0, $0xA;
	s2 =	sadd.s32 s3, s2  }
0x8d: {  	s2 =	sadd.s32 s2, s17  }
0x8e: {  	[smem:$0x3FA8] =	sst s2  }
0x8f: {  	_ = 	snop  }
0x90: {  	(tm) =	ssettm $0x1  }
0x91: {  	s18 =	sld [smem:$0x3FFB];
	_ =	sdelay $0x3  }
0x92: {  	_ =	strace s18  }
0x93: {  	s2 =	sld [smem:$0x3FFC];
	_ =	sdelay $0x3  }
0x94: {  	_ =	strace s2  }
0x95: {  	s2 =	sld [smem:$0x3FFD];
	_ =	sdelay $0x3  }
0x96: {  	_ =	strace s2  }
0x97: {  	_ =	strace $0x8FFFFFFF  }
0x98: {  	s19 =	sld [smem:$0x3FDB];
	_ =	sdelay $0x1  }
0x99: {  	s20 =	simm.s32 $_scs_section_size  }
0x9a: {  	s4 =	simm.s32 $_size__tile_overlayer_lowered;
	s5 =	simm.s32 $_tile_overlayer_lowered  }
0x9b: {  	s6 =	simm.s32 $0x1BFF;
	s21 =	sshll.u32 s5, $0x1;
	s3 =	sadd.s32 s20, s19  }
0x9c: {  	s22 =	simm.s32 $0x0;
	s4 =	sshll.u32 s4, $0x1;
	s5 =	sadd.s32 s21, s3  }
0x9d: {  	[timem:s22], [sflag:s6] =	dma.local [hbm:s5], s4  }
0x9e: {  	_ =	swait.ge [sflag:s6], s4  }
0x9f: {  	s4 =	ssub.s32 $0x0, s4;
	[sflag:s6] =	ssyncset.done $0x0  }
0xa0: {  	[sflag:s6] =	ssyncadd.s32 s4;
	_ =	sdelay $0x1  }
0xa1: {  	s23 =	simm.s32 $0x1B8B  }
0xa2: {  	_ =	swait.ge [sflag:s23], $0x1  }
0xa3: {  	[sflag:s23] =	ssyncset.done $0x0  }
0xa4: {  	[sflag:s23] =	ssyncadd.s32 $0xFFFFFFFF  }
0xa5: {  	s4 =	sld [smem:$0x0]  }
0xa6: {  	s5 =	sand.u32 $0xFFFFFFFE, s1  }
0xa7: {  	p0 =	sne.s32 s1, s5  }
0xa8: {  	s5 =	sshll.u32 @p0 s5, $0xE  }
0xa9: {  	s5 =	sadd.s32 @p0 $0x11B8D, s5;
	s6 =	sshll.u32 @p0 s4, $0x11  }
0xaa: {  	s5 =	sor.u32 @p0 s6, s5  }
0xab: {  	[sflag:s5] =	ssyncadd.remote.s32 @p0 $0x1;
	_ =	sdelay $0x1  }
0xac: {  	s5 =	simm.s32 @p0 $0x1B8D  }
0xad: {  	_ =	swait.eq @p0 [sflag:s5], $0x1  }
0xae: {  	[sflag:s5] =	ssyncadd.s32 @p0 $0xFFFFFFFF  }
0xaf: {  	s6 =	sshll.u32 @!p0 s1, $0xE  }
0xb0: {  	s6 =	sor.u32 @!p0 $0x4000, s6;
	s5 =	simm.s32 @!p0 $0x1B8D  }
0xb1: {  	s4 =	sshll.u32 @!p0 s4, $0x11;
	s6 =	sadd.s32 @!p0 $0x11B8D, s6;
	_ =	swait.eq @!p0 [sflag:s5], $0x1  }
0xb2: {  	s4 =	sor.u32 @!p0 s4, s6;
	[sflag:s5] =	ssyncadd.s32 @!p0 $0xFFFFFFFF  }
0xb3: {  	s25 =	simm.s32 $0x1B8E;
	s24 =	sld [smem:$0x3FFE];
	[sflag:s4] =	ssyncadd.remote.s32 @!p0 $0x1  }
0xb4: {  	s26 =	simm.s32 $execute0_lowered;
	[smem:$0x3FD2] =	sst s25  }
0xb5: {  	s5 =	sshll.u32 s26, $0x1;
	_ =	strace $0x8000005E;
	[dreg:$0x1] =	wrdreg $0xFFFFFFFF  }
0xb6: {  	s28 =	simm.s32 $_size_execute0_lowered;
	s3 =	sadd.s32 s3, s5;
	[dreg:$0x0] =	wrdreg $0x0  }
0xb7: {  	s5 =	sshll.u32 s28, $0x1;
	[dreg:$0x2] =	wrdreg s3  }
0xb8: {  	[dreg:$0x3] =	wrdreg s5  }
0xb9: {  	[dreg:$0x4] =	wrdreg $0xC0  }
0xba: {  	_ =	task [dreg:s22], $0x5FFFF  }
0xbb: {  	[dreg:$0x1] =	wrdreg $0xFFFFFFFF  }
0xbc: {  	[dreg:$0x0] =	wrdreg $0x60  }
0xbd: {  	[dreg:$0x2] =	wrdreg s24  }
0xbe: {  	[dreg:$0x3] =	wrdreg $0x9  }
0xbf: {  	_ =	task.clear_ibuf [dreg:s22], $0x4FFFF;
	_ =	strace $0x9000005E  }
0xc0: {  	s29 =	simm.s32 $0x9;
	_ =	strace $0x80000060  }
0xc1: {  	_ =	swait.ge [sflag:s29], $0x1  }
0xc2: {  	[sflag:s29] =	ssyncadd.s32 $0xFFFFFFFF  }
0xc3: {  	_ =	strace $0x90000060  }
0xc4: {  	_ =	sfence  }
0xc5: {  	s30 =	sld [smem:$0x0];
	_ =	sdelay $0x2  }
0xc6: {  	s31 =	sshll.u32 s1, $0xD;
	s1 =	sshrl.u32 s1, $0x2  }
0xc7: {  	s4 =	sand.u32 $0x4000, s31;
	s1 =	sadd.s32 s1, s30  }
0xc8: {  	s0 =	sor.u32 s4, s0;
	s1 =	sshll.u32 s1, $0x11  }
0xc9: {  	s0 =	sor.u32 s1, s0  }
0xca: {  	s0 =	sadd.s32 $0x8F2B, s0  }
0xcb: {  	[sflag:s0] =	ssyncadd.remote.s32 $0x1  }
0xcc: {  	_ =	sfence.sel $0xFFFF  }
0xcd: {  	[dreg:$0x0] =	wrdreg $0xFFFFFFFF;
	(pc) =	sbr.abs _section_cstart, $3  }
0xce: {  	[dreg:$0x1] =	wrdreg $0xFFFFFFFF  }
0xcf: {  	_ =	task.clear_ibuf [dreg:s22], $0x2FFFF;
	_ =	strace $0x9FFFFFFF  }
0xd0: {  	(tm) =	ssettm $0x7FFFFFFF  }
0xd1: {  	_ =	shalt  }
tec
execute0_lowered:
.L_overlay_start_1:
0x0: {  	(tag) =	ssettag $0x1  }
0x1: {  	s0 =	srdreg.scid;
	s3 =	stileid.u32  }
0x2: {  	s4 =	rddreg [dreg:$0x0];
	s16 =	simm.s32 $0x1C00;
	s17 =	simm.s32 $0x2400  }
0x3: {  	s18 =	simm.s32 $0x2C00;
	s19 =	simm.s32 $0x3400;
	s21 =	simm.s32 $0x3C00  }
0x4: {  	s22 =	simm.s32 $0x4400;
	s23 =	simm.s32 $0x4C00;
	s24 =	simm.s32 $0x5400  }
0x5: {  	s6 =	simm.s32 $0x2;
	s0 =	sand.u32 $0x1, s0;
	s1 =	smul.u32 $0x280000, s3  }
0x6: {  	s25 =	simm.s32 $0x5C00;
	s7 =	simm.s32 $0x1400;
	s2 =	smul.u32 $0x140000, s0  }
0x7: {  	s26 =	simm.s32 $0x6400;
	s8 =	simm.s32 $0x6C00;
	s9 =	simm.s32 $0x7400  }
0x8: {  	s10 =	simm.s32 $0x7C00;
	s1 =	sadd.s32 s2, s1;
	s2 =	simm.s32 $0x0  }
0x9: {  	s11 =	simm.s32 $0x8400;
	s12 =	simm.s32 $0x8C00;
	[smem:$0x7FF] =	sst s2  }
0xa: {  	s13 =	simm.s32 $0x9400;
	_ =	strace $0x8000005F;
	[dreg:$0x3] =	wrdreg s16  }
0xb: {  	s14 =	simm.s32 $0x9C00;
	s3 =	sshll.u32 s3, $0x1;
	[dreg:$0x4] =	wrdreg s17  }
0xc: {  	s3 =	sor.u32 s0, s3;
	s0 =	ssub.s32 $0x2, s0;
	[dreg:$0x5] =	wrdreg s18  }
0xd: {  	s15 =	simm.s32 $0xA400;
	s20 =	sshrl.u32 s0, $0x1;
	[dreg:$0x6] =	wrdreg s19  }
0xe: {  	s28 =	simm.s32 $0x10400;
	s0 =	ssub.s32 s0, s20;
	[dreg:$0x7] =	wrdreg s21  }
0xf: {  	s29 =	simm.s32 $0x10C00;
	s0 =	smax.u32 s0, $0x1;
	[dreg:$0x8] =	wrdreg s22  }
0x10: {  	s30 =	simm.s32 $0x1;
	s31 =	simm.s32 $0x0;
	[dreg:$0xe] =	wrdreg s0  }
0x11: {  	s5 =	smul.u32 $0x280, s3;
	s3 =	sadd.s32 $0x1A3400, s4;
	[dreg:$0x9] =	wrdreg s23  }
0x12: {  	s20 =	simm.s32 $0xCC00;
	s1 =	sshrl.u32 s1, $0x3;
	[dreg:$0xa] =	wrdreg s24  }
0x13: {  	s1 =	sadd.s32 s1, s4;
	s4 =	sadd.s32 s5, s4;
	[dreg:$0xb] =	wrdreg s25  }
0x14: {  	[dreg:$0xc] =	wrdreg s26;
	s16 =	simm.s32 $0xAC00;
	s17 =	simm.s32 $0xB400  }
0x15: {  	s18 =	simm.s32 $0xBC00;
	s19 =	simm.s32 $0xC400;
	s21 =	simm.s32 $0xD400  }
0x16: {  	v2 =	vlaneseq.u32;
	s22 =	simm.s32 $0xDC00;
	s23 =	simm.s32 $0xE400;
	s1 =	sadd.s32 $0x7A9200, s1  }
0x17: {  	vm0 =	vmmov $0xffff;
	v1 =	vshrl.u32 v2, $0x3;
	s24 =	simm.s32 $0xEC00;
	s4 =	sadd.s32 $0x2A1A00, s4;
	[dreg:$0x2] =	wrdreg s1  }
0x18: {  	v0 =	vand.u32 $0x7, v2;
	v2 =	vor.u32 $0x8, v2;
	v1 =	vmul.u32 $0x8, v1;
	s25 =	simm.s32 $0xF400;
	s26 =	simm.s32 $0xFC00;
	[dreg:$0xd] =	wrdreg s4  }
.LBB2_1:
0x19: {  	s0 =	rddreg [dreg:$0xd]  }
0x1a: {  	[tilespmem:s2], [sflag:$0x2] =	stream.linear.gather [hbm4b:s0+s2], $0x1400, $0x38;
	[tilespmem:$0x11400] =	vst v63  }
0x1b: {  	_ =	swait.ge [sflag:s6], $0x1400  }
0x1c: {  	[sflag:s6] =	ssyncset.done $0x0  }
0x1d: {  	s1 =	simm.s32 $0x80;
	s0 =	simm.s32 $0x0;
	[sflag:s6] =	ssyncadd.s32 $0xFFFFEC00  }
.LBB2_2:
0x1e: {  	v3 =	vld [tilespmem:s1+$0xFFFFFF80];
	_ =	sdelay $0x4  }
0x1f: {  	v4 =	vshll.u32 v3, $0x1  }
0x20: {  	v3 =	vand.u32 $0x7, v3;
	v4 =	vand.u32 $0xFFFFFFF0, v4  }
0x21: {  	v3 =	vor.u32 v3, v4  }
0x22: {  	v4 =	vperm.xlane v3, v0;
	_ =	sdelay $0x1  }
0x23: {  	v3 =	vperm.xlane v3, v2;
	v4 =	vadd.s32 v1, v4;
	_ =	sdelay $0x1  }
0x24: {  	v3 =	vadd.s32 v1, v3;
	_ =	sdelay $0x2  }
0x25: {  	[tilespmem:s7], [sflag:$0x1] =	stream.indirect_vreg.gather [hbm4b:s3+s2], $0x80, v4, vm0, $0xb8;
	[tilespmem:$0x11400] =	vst v63  }
0x26: {  	s4 =	rddreg [dreg:$0x3]  }
0x27: {  	[tilespmem:s4], [sflag:$0x1] =	stream.indirect_vreg.gather [hbm4b:s3+s2], $0x80, v3, vm0, $0xb8;
	[tilespmem:$0x11400] =	vst v63  }
0x28: {  	v3 =	vld [tilespmem:s1+$0xFFFFFF90];
	_ =	sdelay $0x4  }
0x29: {  	v49 =	vshll.u32 v3, $0x1  }
0x2a: {  	v3 =	vand.u32 $0x7, v3;
	v4 =	vand.u32 $0xFFFFFFF0, v49  }
0x2b: {  	v3 =	vor.u32 v3, v4  }
0x2c: {  	v4 =	vperm.xlane v3, v0;
	_ =	sdelay $0x1  }
0x2d: {  	v3 =	vperm.xlane v3, v2;
	v4 =	vadd.s32 v1, v4;
	_ =	sdelay $0x1  }
0x2e: {  	v3 =	vadd.s32 v1, v3;
	_ =	sdelay $0x1  }
0x2f: {  	s4 =	rddreg [dreg:$0x4]  }
0x30: {  	[tilespmem:s4], [sflag:$0x1] =	stream.indirect_vreg.gather [hbm4b:s3+s2], $0x80, v4, vm0, $0xb8;
	[tilespmem:$0x11400] =	vst v63  }
0x31: {  	s5 =	rddreg [dreg:$0x5]  }
0x32: {  	[tilespmem:s5], [sflag:$0x1] =	stream.indirect_vreg.gather [hbm4b:s3+s2], $0x80, v3, vm0, $0xb8;
	[tilespmem:$0x11400] =	vst v63  }
0x33: {  	v3 =	vld [tilespmem:s1+$0xFFFFFFA0];
	_ =	sdelay $0x4  }
0x34: {  	v50 =	vshll.u32 v3, $0x1  }
0x35: {  	v3 =	vand.u32 $0x7, v3;
	v4 =	vand.u32 $0xFFFFFFF0, v50  }
0x36: {  	v3 =	vor.u32 v3, v4  }
0x37: {  	v4 =	vperm.xlane v3, v0;
	_ =	sdelay $0x1  }
0x38: {  	v3 =	vperm.xlane v3, v2;
	v4 =	vadd.s32 v1, v4;
	_ =	sdelay $0x1  }
0x39: {  	v3 =	vadd.s32 v1, v3;
	_ =	sdelay $0x1  }
0x3a: {  	s4 =	rddreg [dreg:$0x6]  }
0x3b: {  	[tilespmem:s4], [sflag:$0x1] =	stream.indirect_vreg.gather [hbm4b:s3+s2], $0x80, v4, vm0, $0xb8;
	[tilespmem:$0x11400] =	vst v63  }
0x3c: {  	s5 =	rddreg [dreg:$0x7]  }
0x3d: {  	[tilespmem:s5], [sflag:$0x1] =	stream.indirect_vreg.gather [hbm4b:s3+s2], $0x80, v3, vm0, $0xb8;
	[tilespmem:$0x11400] =	vst v63  }
0x3e: {  	v3 =	vld [tilespmem:s1+$0xFFFFFFB0];
	_ =	sdelay $0x4  }
0x3f: {  	v51 =	vshll.u32 v3, $0x1  }
0x40: {  	v3 =	vand.u32 $0x7, v3;
	v4 =	vand.u32 $0xFFFFFFF0, v51  }
0x41: {  	v3 =	vor.u32 v3, v4  }
0x42: {  	v4 =	vperm.xlane v3, v0;
	_ =	sdelay $0x1  }
0x43: {  	v3 =	vperm.xlane v3, v2;
	v4 =	vadd.s32 v1, v4;
	_ =	sdelay $0x1  }
0x44: {  	v3 =	vadd.s32 v1, v3;
	_ =	sdelay $0x1  }
0x45: {  	s4 =	rddreg [dreg:$0x8]  }
0x46: {  	[tilespmem:s4], [sflag:$0x1] =	stream.indirect_vreg.gather [hbm4b:s3+s2], $0x80, v4, vm0, $0xb8;
	[tilespmem:$0x11400] =	vst v63  }
0x47: {  	s5 =	rddreg [dreg:$0x9]  }
0x48: {  	[tilespmem:s5], [sflag:$0x1] =	stream.indirect_vreg.gather [hbm4b:s3+s2], $0x80, v3, vm0, $0xb8;
	[tilespmem:$0x11400] =	vst v63  }
0x49: {  	v3 =	vld [tilespmem:s1+$0xFFFFFFC0];
	_ =	sdelay $0x4  }
0x4a: {  	v52 =	vshll.u32 v3, $0x1  }
0x4b: {  	v3 =	vand.u32 $0x7, v3;
	v4 =	vand.u32 $0xFFFFFFF0, v52  }
0x4c: {  	v3 =	vor.u32 v3, v4  }
0x4d: {  	v4 =	vperm.xlane v3, v0;
	_ =	sdelay $0x1  }
0x4e: {  	v3 =	vperm.xlane v3, v2;
	v4 =	vadd.s32 v1, v4;
	_ =	sdelay $0x1  }
0x4f: {  	v3 =	vadd.s32 v1, v3;
	_ =	sdelay $0x1  }
0x50: {  	s4 =	rddreg [dreg:$0xa]  }
0x51: {  	[tilespmem:s4], [sflag:$0x1] =	stream.indirect_vreg.gather [hbm4b:s3+s2], $0x80, v4, vm0, $0xb8;
	[tilespmem:$0x11400] =	vst v63  }
0x52: {  	s5 =	rddreg [dreg:$0xb]  }
0x53: {  	[tilespmem:s5], [sflag:$0x1] =	stream.indirect_vreg.gather [hbm4b:s3+s2], $0x80, v3, vm0, $0xb8;
	[tilespmem:$0x11400] =	vst v63  }
0x54: {  	v3 =	vld [tilespmem:s1+$0xFFFFFFD0];
	_ =	sdelay $0x4  }
0x55: {  	v53 =	vshll.u32 v3, $0x1  }
0x56: {  	v3 =	vand.u32 $0x7, v3;
	v4 =	vand.u32 $0xFFFFFFF0, v53  }
0x57: {  	v3 =	vor.u32 v3, v4  }
0x58: {  	v4 =	vperm.xlane v3, v0;
	_ =	sdelay $0x1  }
0x59: {  	v3 =	vperm.xlane v3, v2;
	v4 =	vadd.s32 v1, v4;
	_ =	sdelay $0x1  }
0x5a: {  	v3 =	vadd.s32 v1, v3;
	_ =	sdelay $0x1  }
0x5b: {  	s5 =	rddreg [dreg:$0xc]  }
0x5c: {  	[tilespmem:s5], [sflag:$0x1] =	stream.indirect_vreg.gather [hbm4b:s3+s2], $0x80, v4, vm0, $0xb8;
	[tilespmem:$0x11400] =	vst v63  }
0x5d: {  	_ = 	snop  }
0x5e: {  	[tilespmem:s8], [sflag:$0x1] =	stream.indirect_vreg.gather [hbm4b:s3+s2], $0x80, v3, vm0, $0xb8;
	[tilespmem:$0x11400] =	vst v63  }
0x5f: {  	v3 =	vld [tilespmem:s1+$0xFFFFFFE0];
	_ =	sdelay $0x4  }
0x60: {  	v54 =	vshll.u32 v3, $0x1  }
0x61: {  	v3 =	vand.u32 $0x7, v3;
	v4 =	vand.u32 $0xFFFFFFF0, v54  }
0x62: {  	v3 =	vor.u32 v3, v4  }
0x63: {  	v4 =	vperm.xlane v3, v0;
	_ =	sdelay $0x1  }
0x64: {  	v3 =	vperm.xlane v3, v2;
	v4 =	vadd.s32 v1, v4;
	_ =	sdelay $0x1  }
0x65: {  	v3 =	vadd.s32 v1, v3;
	_ =	sdelay $0x2  }
0x66: {  	[tilespmem:s9], [sflag:$0x1] =	stream.indirect_vreg.gather [hbm4b:s3+s2], $0x80, v4, vm0, $0xb8;
	[tilespmem:$0x11400] =	vst v63  }
0x67: {  	_ = 	snop  }
0x68: {  	[tilespmem:s10], [sflag:$0x1] =	stream.indirect_vreg.gather [hbm4b:s3+s2], $0x80, v3, vm0, $0xb8;
	[tilespmem:$0x11400] =	vst v63  }
0x69: {  	v3 =	vld [tilespmem:s1+$0xFFFFFFF0];
	_ =	sdelay $0x4  }
0x6a: {  	v55 =	vshll.u32 v3, $0x1  }
0x6b: {  	v3 =	vand.u32 $0x7, v3;
	v4 =	vand.u32 $0xFFFFFFF0, v55  }
0x6c: {  	v3 =	vor.u32 v3, v4  }
0x6d: {  	v4 =	vperm.xlane v3, v0;
	_ =	sdelay $0x1  }
0x6e: {  	v3 =	vperm.xlane v3, v2;
	v4 =	vadd.s32 v1, v4;
	_ =	sdelay $0x1  }
0x6f: {  	v3 =	vadd.s32 v1, v3;
	_ =	sdelay $0x2  }
0x70: {  	[tilespmem:s11], [sflag:$0x1] =	stream.indirect_vreg.gather [hbm4b:s3+s2], $0x80, v4, vm0, $0xb8;
	[tilespmem:$0x11400] =	vst v63  }
0x71: {  	_ = 	snop  }
0x72: {  	[tilespmem:s12], [sflag:$0x1] =	stream.indirect_vreg.gather [hbm4b:s3+s2], $0x80, v3, vm0, $0xb8;
	[tilespmem:$0x11400] =	vst v63  }
0x73: {  	v3 =	vld [tilespmem:s1+$0x0];
	_ =	sdelay $0x4  }
0x74: {  	v56 =	vshll.u32 v3, $0x1  }
0x75: {  	v3 =	vand.u32 $0x7, v3;
	v4 =	vand.u32 $0xFFFFFFF0, v56  }
0x76: {  	v3 =	vor.u32 v3, v4  }
0x77: {  	v4 =	vperm.xlane v3, v0;
	_ =	sdelay $0x1  }
0x78: {  	v3 =	vperm.xlane v3, v2;
	v4 =	vadd.s32 v1, v4;
	_ =	sdelay $0x1  }
0x79: {  	v3 =	vadd.s32 v1, v3;
	_ =	sdelay $0x2  }
0x7a: {  	[tilespmem:s13], [sflag:$0x1] =	stream.indirect_vreg.gather [hbm4b:s3+s2], $0x80, v4, vm0, $0xb8;
	[tilespmem:$0x11400] =	vst v63  }
0x7b: {  	_ = 	snop  }
0x7c: {  	[tilespmem:s14], [sflag:$0x1] =	stream.indirect_vreg.gather [hbm4b:s3+s2], $0x80, v3, vm0, $0xb8;
	[tilespmem:$0x11400] =	vst v63  }
0x7d: {  	v3 =	vld [tilespmem:s1+$0x10];
	_ =	sdelay $0x4  }
0x7e: {  	v57 =	vshll.u32 v3, $0x1  }
0x7f: {  	v3 =	vand.u32 $0x7, v3;
	v4 =	vand.u32 $0xFFFFFFF0, v57  }
0x80: {  	v3 =	vor.u32 v3, v4  }
0x81: {  	v4 =	vperm.xlane v3, v0;
	_ =	sdelay $0x1  }
0x82: {  	v3 =	vperm.xlane v3, v2;
	v4 =	vadd.s32 v1, v4;
	_ =	sdelay $0x1  }
0x83: {  	v3 =	vadd.s32 v1, v3;
	_ =	sdelay $0x2  }
0x84: {  	[tilespmem:s15], [sflag:$0x1] =	stream.indirect_vreg.gather [hbm4b:s3+s2], $0x80, v4, vm0, $0xb8;
	[tilespmem:$0x11400] =	vst v63  }
0x85: {  	_ = 	snop  }
0x86: {  	[tilespmem:s16], [sflag:$0x1] =	stream.indirect_vreg.gather [hbm4b:s3+s2], $0x80, v3, vm0, $0xb8;
	[tilespmem:$0x11400] =	vst v63  }
0x87: {  	v3 =	vld [tilespmem:s1+$0x20];
	_ =	sdelay $0x4  }
0x88: {  	v58 =	vshll.u32 v3, $0x1  }
0x89: {  	v3 =	vand.u32 $0x7, v3;
	v4 =	vand.u32 $0xFFFFFFF0, v58  }
0x8a: {  	v3 =	vor.u32 v3, v4  }
0x8b: {  	v4 =	vperm.xlane v3, v0;
	_ =	sdelay $0x1  }
0x8c: {  	v3 =	vperm.xlane v3, v2;
	v4 =	vadd.s32 v1, v4;
	_ =	sdelay $0x1  }
0x8d: {  	v3 =	vadd.s32 v1, v3;
	_ =	sdelay $0x2  }
0x8e: {  	[tilespmem:s17], [sflag:$0x1] =	stream.indirect_vreg.gather [hbm4b:s3+s2], $0x80, v4, vm0, $0xb8;
	[tilespmem:$0x11400] =	vst v63  }
0x8f: {  	_ = 	snop  }
0x90: {  	[tilespmem:s18], [sflag:$0x1] =	stream.indirect_vreg.gather [hbm4b:s3+s2], $0x80, v3, vm0, $0xb8;
	[tilespmem:$0x11400] =	vst v63  }
0x91: {  	v3 =	vld [tilespmem:s1+$0x30];
	_ =	sdelay $0x4  }
0x92: {  	v59 =	vshll.u32 v3, $0x1  }
0x93: {  	v3 =	vand.u32 $0x7, v3;
	v4 =	vand.u32 $0xFFFFFFF0, v59  }
0x94: {  	v3 =	vor.u32 v3, v4  }
0x95: {  	v4 =	vperm.xlane v3, v0;
	_ =	sdelay $0x1  }
0x96: {  	v3 =	vperm.xlane v3, v2;
	v4 =	vadd.s32 v1, v4;
	_ =	sdelay $0x1  }
0x97: {  	v3 =	vadd.s32 v1, v3;
	_ =	sdelay $0x2  }
0x98: {  	[tilespmem:s19], [sflag:$0x1] =	stream.indirect_vreg.gather [hbm4b:s3+s2], $0x80, v4, vm0, $0xb8;
	[tilespmem:$0x11400] =	vst v63  }
0x99: {  	_ = 	snop  }
0x9a: {  	[tilespmem:s20], [sflag:$0x1] =	stream.indirect_vreg.gather [hbm4b:s3+s2], $0x80, v3, vm0, $0xb8;
	[tilespmem:$0x11400] =	vst v63  }
0x9b: {  	v3 =	vld [tilespmem:s1+$0x40];
	_ =	sdelay $0x4  }
0x9c: {  	v60 =	vshll.u32 v3, $0x1  }
0x9d: {  	v3 =	vand.u32 $0x7, v3;
	v4 =	vand.u32 $0xFFFFFFF0, v60  }
0x9e: {  	v3 =	vor.u32 v3, v4  }
0x9f: {  	v4 =	vperm.xlane v3, v0;
	_ =	sdelay $0x1  }
0xa0: {  	v3 =	vperm.xlane v3, v2;
	v4 =	vadd.s32 v1, v4;
	_ =	sdelay $0x1  }
0xa1: {  	v3 =	vadd.s32 v1, v3;
	_ =	sdelay $0x2  }
0xa2: {  	[tilespmem:s21], [sflag:$0x1] =	stream.indirect_vreg.gather [hbm4b:s3+s2], $0x80, v4, vm0, $0xb8;
	[tilespmem:$0x11400] =	vst v63  }
0xa3: {  	_ = 	snop  }
0xa4: {  	[tilespmem:s22], [sflag:$0x1] =	stream.indirect_vreg.gather [hbm4b:s3+s2], $0x80, v3, vm0, $0xb8;
	[tilespmem:$0x11400] =	vst v63  }
0xa5: {  	v3 =	vld [tilespmem:s1+$0x50];
	_ =	sdelay $0x4  }
0xa6: {  	v61 =	vshll.u32 v3, $0x1  }
0xa7: {  	v3 =	vand.u32 $0x7, v3;
	v4 =	vand.u32 $0xFFFFFFF0, v61  }
0xa8: {  	v3 =	vor.u32 v3, v4  }
0xa9: {  	v4 =	vperm.xlane v3, v0;
	_ =	sdelay $0x1  }
0xaa: {  	v3 =	vperm.xlane v3, v2;
	v4 =	vadd.s32 v1, v4;
	_ =	sdelay $0x1  }
0xab: {  	v3 =	vadd.s32 v1, v3;
	_ =	sdelay $0x2  }
0xac: {  	[tilespmem:s23], [sflag:$0x1] =	stream.indirect_vreg.gather [hbm4b:s3+s2], $0x80, v4, vm0, $0xb8;
	[tilespmem:$0x11400] =	vst v63  }
0xad: {  	_ = 	snop  }
0xae: {  	[tilespmem:s24], [sflag:$0x1] =	stream.indirect_vreg.gather [hbm4b:s3+s2], $0x80, v3, vm0, $0xb8;
	[tilespmem:$0x11400] =	vst v63  }
0xaf: {  	v3 =	vld [tilespmem:s1+$0x60];
	_ =	sdelay $0x4  }
0xb0: {  	v62 =	vshll.u32 v3, $0x1  }
0xb1: {  	v3 =	vand.u32 $0x7, v3;
	v4 =	vand.u32 $0xFFFFFFF0, v62  }
0xb2: {  	v3 =	vor.u32 v3, v4  }
0xb3: {  	v4 =	vperm.xlane v3, v0;
	_ =	sdelay $0x1  }
0xb4: {  	v3 =	vperm.xlane v3, v2;
	v4 =	vadd.s32 v1, v4;
	_ =	sdelay $0x1  }
0xb5: {  	v3 =	vadd.s32 v1, v3;
	_ =	sdelay $0x2  }
0xb6: {  	[tilespmem:s25], [sflag:$0x1] =	stream.indirect_vreg.gather [hbm4b:s3+s2], $0x80, v4, vm0, $0xb8;
	[tilespmem:$0x11400] =	vst v63  }
0xb7: {  	_ = 	snop  }
0xb8: {  	[tilespmem:s26], [sflag:$0x1] =	stream.indirect_vreg.gather [hbm4b:s3+s2], $0x80, v3, vm0, $0xb8;
	[tilespmem:$0x11400] =	vst v63  }
0xb9: {  	v3 =	vld [tilespmem:s1+$0x70];
	_ =	sdelay $0x4  }
0xba: {  	v63 =	vshll.u32 v3, $0x1  }
0xbb: {  	v3 =	vand.u32 $0x7, v3;
	v4 =	vand.u32 $0xFFFFFFF0, v63  }
0xbc: {  	v3 =	vor.u32 v3, v4  }
0xbd: {  	v4 =	vperm.xlane v3, v0;
	_ =	sdelay $0x1  }
0xbe: {  	v3 =	vperm.xlane v3, v2;
	v4 =	vadd.s32 v1, v4;
	_ =	sdelay $0x1  }
0xbf: {  	v3 =	vadd.s32 v1, v3;
	_ =	sdelay $0x2  }
0xc0: {  	[tilespmem:s28], [sflag:$0x1] =	stream.indirect_vreg.gather [hbm4b:s3+s2], $0x80, v4, vm0, $0xb8;
	[tilespmem:$0x11400] =	vst v63  }
0xc1: {  	_ = 	snop  }
0xc2: {  	[tilespmem:s29], [sflag:$0x1] =	stream.indirect_vreg.gather [hbm4b:s3+s2], $0x80, v3, vm0, $0xb8;
	[tilespmem:$0x11400] =	vst v63  }
0xc3: {  	_ =	swait.ge [sflag:s30], $0x8000  }
0xc4: {  	[sflag:s30] =	ssyncset.done $0x0  }
0xc5: {  	[sflag:s30] =	ssyncadd.s32 $0xFFFF8000  }
0xc6: {  	_ =	swait.ge [sflag:s30], $0x8000  }
0xc7: {  	p0 =	sne.s32 s0, $0x26000;
	s5 =	rddreg [dreg:$0x2];
	[sflag:s30] =	ssyncset.done $0x0  }
.Ltmp0:
0xc8: {  	[sflag:s30] =	ssyncadd.s32 $0xFFFF8000;
	s4 =	sadd.s32 s0, s5;
	(pc) =	sbr.rel @p0 .LBB2_2-.Ltmp0, $4  }
0xc9: {  	[hbm4b:s4+s2] =	stream.linear.scatter [tilespmem:s7], [sflag:$0x2], $0x10000, $0x38;
	[tilespmem:$0x11400] =	vst v63  }
0xca: {  	_ =	swait.ge [sflag:s6], $0x10000  }
0xcb: {  	[sflag:s6] =	ssyncset.done $0x0  }
0xcc: {  	s1 =	sadd.s32 $0x100, s1;
	s0 =	sadd.s32 $0x2000, s0;
	[sflag:s6] =	ssyncadd.s32 $0xFFFF0000  }
0xcd: {  	s31 =	sadd.s32 $0x1, s31;
	s0 =	rddreg [dreg:$0xe]  }
0xce: {  	p0 =	sne.s32 s31, s0  }
.Ltmp1:
0xcf: {  	_ = 	snop;
	(pc) =	sbr.rel @p0 .LBB2_1-.Ltmp1, $1  }
0xd0: {  	_ =	sdelay $0x3  }
0xd1: {  	_ =	sfence.sel $0x180000  }
0xd2: {  	[bflag:$0x0] =	sbarrier.arrive $0xFFFF  }
0xd3: {  	_ =	strace $0x9000005F  }
0xd4: {  	s0 =	stileid.u32;
	[bflag:$0x2] =	sbarrier.arrive $0xFFFF  }
0xd5: {  	p0 =	sne.s32 s0, $0x0;
	s0 =	rddreg [dreg:$0x1]  }
0xd6: {  	s0 =	sadd.s32 @!p0 $0x100000, s0  }
0xd7: {  	[sflag:s0] =	ssyncadd.tile.s32 @!p0 $0x1;
	_ =	shalt  }
.Lfunc_end2:
_tile_overlayer_lowered:
.L_overlay_start_2:
0xd8: {  	(tag) =	ssettag $0x2  }
0xd9: {  	s0 =	rddreg [dreg:$0x0];
	s2 =	stileid.u32  }
0xda: {  	s1 =	rddreg [dreg:$0x1];
	p0 =	sne.s32 s2, $0x0  }
0xdb: {  	s3 =	rddreg [dreg:$0x2];
	[bflag:$0x3] =	sbarrier.arrive $0xFFFF;
	s2 =	simm.s32 @!p0 $0x1C02  }
0xdc: {  	[timem:s3], [sflag:s2] =	dma.local @!p0 [hbm:s0], s1  }
0xdd: {  	s0 =	simm.s32 @!p0 $0x2  }
0xde: {  	_ =	swait.ge @!p0 [sflag:s0], s1  }
0xdf: {  	s1 =	ssub.s32 @!p0 $0x0, s1;
	[sflag:s0] =	ssyncset.done @!p0 $0x0  }
0xe0: {  	[sflag:s0] =	ssyncadd.s32 @!p0 s1  }
0xe1: {  	[bflag:$0x3] =	sbarrier.arrive $0xFFFF  }
0xe2: {  	_ =	shalt  }

// kernel: kernel.47.cloned.1.call-start
scs
__scs_entry_jumppad:
0x0: {  	(pc) =	sbr.rel $0x88, $3  }
0x1: {  	(tag) =	ssettag $0x0;
	lr =	simm.s32 $0x1  }
0x2: {  	[smem:$0x3F81] =	sst lr;
	_ =	strace $0xD0000000  }
0x3: {  	_ = 	snop  }
0x4: {  	_ = 	snop  }
0x5: {  	_ = 	snop  }
0x6: {  	_ = 	snop  }
0x7: {  	_ = 	snop  }
__scs_overlays_trampoline_lowered:
0x8: {  	[smem:$0x3F90] =	sst s0  }
0x9: {  	[smem:$0x3F91] =	sst s1  }
0xa: {  	[smem:$0x3F92] =	sst s2  }
0xb: {  	[smem:$0x3F93] =	sst s3  }
0xc: {  	[smem:$0x3F94] =	sst s4  }
0xd: {  	[smem:$0x3F95] =	sst s5  }
0xe: {  	[smem:$0x3F96] =	sst s6  }
0xf: {  	[smem:$0x3F97] =	sst s7  }
0x10: {  	[smem:$0x3F98] =	sst s8  }
0x11: {  	[smem:$0x3F99] =	sst s9;
	s0 =	simm.s32 @!p0 $0x0  }
0x12: {  	s1 =	sld [smem:$0x3F7F];
	s0 =	simm.s32 @p0 $0x1  }
0x13: {  	[smem:$0x3F9A] =	sst s0;
	s0 =	simm.s32 @!p1 $0x0  }
0x14: {  	s2 =	sld [smem:$0x3F7E];
	s0 =	simm.s32 @p1 $0x1  }
0x15: {  	[smem:$0x3F9B] =	sst s0;
	s0 =	simm.s32 @!p2 $0x0  }
0x16: {  	s3 =	sld [smem:$0x3FDB];
	s0 =	simm.s32 @p2 $0x1  }
0x17: {  	s4 =	simm.s32 $0x1BF5;
	[smem:$0x3F9D] =	sst s0  }
0x18: {  	s0 =	sld [smem:$0x3F80];
	_ =	swait.ge [sflag:s4], $0x0  }
0x19: {  	s7 =	sld [smem:$0x3F81]  }
0x1a: {  	s8 =	sadd.s32 $0xFFFFE003, lr  }
0x1b: {  	s9 =	sadd.s32 $0xFFFFFEF7, lr;
	s5 =	simm.s32 $0xFFFFFFFF;
	p2 =	slt.u32 s8, $0xFFFFF086  }
0x1c: {  	p1 =	slt.u32 s9, $0xF7A;
	s5 =	simm.s32 @!p2 $0x0  }
0x1d: {  	s5 =	simm.s32 @p1 $0x1;
	p0 =	seq.s32 s7, s2  }
0x1e: {  	s7 =	smul.u32 @!p0 $0xF7A, s2;
	p2 =	seq.s32 @!p0 s5, $0x0  }
0x1f: {  	s9 =	smul.u32 $0xF7A, s1;
	s8 =	simm.s32 @!p0 $0x1BF5;
	p2 =	por !p2, p0  }
0x20: {  	[sflag:s8] =	ssyncset.s32 @!p0 $0xFFFFF086;
	s6 =	sadd.s32 @!p0 s3, s7;
	s7 =	simm.s32 @!p0 $0x108  }
0x21: {  	s3 =	sadd.s32 s3, s9;
	s6 =	sadd.s32 @!p0 $0x88, s6;
	s7 =	simm.s32 @p2 $0x1082  }
0x22: {  	[simem:s7], [sflag:s8] =	dma.local @!p0 [hbm:s6], $0xF7A  }
0x23: {  	s9 =	sor.u32 $0xD0000000, s2;
	s6 =	simm.s32 $0x108;
	_ =	swait.ge @!p0 [sflag:s8], $0x0  }
0x24: {  	s3 =	sadd.s32 $0x88, s3;
	s6 =	simm.s32 @!p1 $0x1082;
	[sflag:s4] =	ssyncset.s32 $0xFFFFF086  }
0x25: {  	[simem:s6], [sflag:s4] =	dma.local [hbm:s3], $0xF7A  }
0x26: {  	[smem:$0x3F81] =	sst s1;
	(tag) =	ssettag s2;
	_ =	strace s9  }
0x27: {  	s1 =	sld [smem:$0x3F91]  }
0x28: {  	s2 =	sld [smem:$0x3F92]  }
0x29: {  	s4 =	sld [smem:$0x3F94]  }
0x2a: {  	p0 =	seq.s32 s5, $0x0;
	s5 =	sld [smem:$0x3F95]  }
0x2b: {  	s6 =	sld [smem:$0x3F96]  }
0x2c: {  	s7 =	sld [smem:$0x3F97]  }
0x2d: {  	s3 =	simm.s32 $0x108;
	s8 =	sld [smem:$0x3F98]  }
0x2e: {  	s3 =	simm.s32 @!p0 $0x1082;
	s9 =	sld [smem:$0x3F99]  }
0x2f: {  	lr =	sadd.s32 s0, s3;
	s0 =	sld [smem:$0x3F90]  }
0x30: {  	s3 =	sld [smem:$0x3F93]  }
0x31: {  	[smem:$0x3F9C] =	sst s10  }
0x32: {  	s10 =	sld [smem:$0x3F9A];
	_ =	sdelay $0x3  }
0x33: {  	p0 =	seq.s32 s10, $0x1;
	s10 =	sld [smem:$0x3F9C];
	_ =	sdelay $0x3  }
0x34: {  	[smem:$0x3F9C] =	sst s10  }
0x35: {  	s10 =	sld [smem:$0x3F9B];
	_ =	sdelay $0x3  }
0x36: {  	p1 =	seq.s32 s10, $0x1;
	s10 =	sld [smem:$0x3F9C];
	_ =	sdelay $0x3  }
0x37: {  	[smem:$0x3F9C] =	sst s10  }
0x38: {  	s10 =	sld [smem:$0x3F9D]  }
0x39: {  	_ = 	snop;
	(pc) =	sbr.ind lr, $3  }
0x3a: {  	_ = 	snop  }
0x3b: {  	_ = 	snop  }
0x3c: {  	p2 =	seq.s32 s10, $0x1;
	s10 =	sld [smem:$0x3F9C]  }
0x3d: {  	_ =	shalt  }
0x3e: {  	_ =	shalt  }
0x3f: {  	_ =	shalt  }
0x40: {  	_ =	shalt  }
0x41: {  	_ =	shalt  }
0x42: {  	_ =	shalt  }
0x43: {  	_ =	shalt  }
0x44: {  	_ =	shalt  }
0x45: {  	_ =	shalt  }
0x46: {  	_ =	shalt  }
0x47: {  	_ =	shalt  }
0x48: {  	_ =	shalt  }
0x49: {  	_ =	shalt  }
0x4a: {  	_ =	shalt  }
0x4b: {  	_ =	shalt  }
0x4c: {  	_ =	shalt  }
0x4d: {  	_ =	shalt  }
0x4e: {  	_ =	shalt  }
0x4f: {  	_ =	shalt  }
0x50: {  	_ =	shalt  }
0x51: {  	_ =	shalt  }
0x52: {  	_ =	shalt  }
0x53: {  	_ =	shalt  }
0x54: {  	_ =	shalt  }
0x55: {  	_ =	shalt  }
0x56: {  	_ =	shalt  }
0x57: {  	_ =	shalt  }
0x58: {  	_ =	shalt  }
0x59: {  	_ =	shalt  }
0x5a: {  	_ =	shalt  }
0x5b: {  	_ =	shalt  }
0x5c: {  	_ =	shalt  }
0x5d: {  	_ =	shalt  }
0x5e: {  	_ =	shalt  }
0x5f: {  	_ =	shalt  }
0x60: {  	_ =	shalt  }
0x61: {  	_ =	shalt  }
0x62: {  	_ =	shalt  }
0x63: {  	_ =	shalt  }
0x64: {  	_ =	shalt  }
0x65: {  	_ =	shalt  }
0x66: {  	_ =	shalt  }
0x67: {  	_ =	shalt  }
0x68: {  	_ =	shalt  }
0x69: {  	_ =	shalt  }
0x6a: {  	_ =	shalt  }
0x6b: {  	_ =	shalt  }
0x6c: {  	_ =	shalt  }
0x6d: {  	_ =	shalt  }
0x6e: {  	_ =	shalt  }
0x6f: {  	_ =	shalt  }
0x70: {  	_ =	shalt  }
0x71: {  	_ =	shalt  }
0x72: {  	_ =	shalt  }
0x73: {  	_ =	shalt  }
0x74: {  	_ =	shalt  }
0x75: {  	_ =	shalt  }
0x76: {  	_ =	shalt  }
0x77: {  	_ =	shalt  }
0x78: {  	_ =	shalt  }
0x79: {  	_ =	shalt  }
0x7a: {  	_ =	shalt  }
0x7b: {  	_ =	shalt  }
0x7c: {  	_ =	shalt  }
0x7d: {  	_ =	shalt  }
0x7e: {  	_ =	shalt  }
0x7f: {  	_ =	shalt  }
0x80: {  	_ =	shalt  }
0x81: {  	_ =	shalt  }
0x82: {  	_ =	shalt  }
0x83: {  	_ =	shalt  }
0x84: {  	_ =	shalt  }
0x85: {  	_ =	shalt  }
0x86: {  	_ =	shalt  }
0x87: {  	_ =	shalt  }
.Lfunc_end0:
.L_simem_size_0:
called_computation.8_lowered:
.L_overlay_start_0:
0x88: {  	s2 =	sld [smem:$0x3FD9]  }
0x89: {  	s3 =	sld [smem:$0x3FFE];
	_ =	sdelay $0x1  }
0x8a: {  	s1 =	srdreg.scid  }
0x8b: {  	s0 =	sand.u32 $0x1, s1  }
0x8c: {  	s16 =	sshll.u32 s0, $0xA;
	s2 =	sadd.s32 s3, s2  }
0x8d: {  	s2 =	sadd.s32 s2, s16  }
0x8e: {  	[smem:$0x3FA8] =	sst s2  }
0x8f: {  	_ = 	snop  }
0x90: {  	(tm) =	ssettm $0x1  }
0x91: {  	s17 =	sld [smem:$0x3FFB];
	_ =	sdelay $0x3  }
0x92: {  	_ =	strace s17  }
0x93: {  	s2 =	sld [smem:$0x3FFC];
	_ =	sdelay $0x3  }
0x94: {  	_ =	strace s2  }
0x95: {  	s2 =	sld [smem:$0x3FFD];
	_ =	sdelay $0x3  }
0x96: {  	_ =	strace s2  }
0x97: {  	_ =	strace $0x8FFFFFFF  }
0x98: {  	s18 =	sld [smem:$0x3FDB];
	_ =	sdelay $0x1  }
0x99: {  	s19 =	simm.s32 $_scs_section_size  }
0x9a: {  	s4 =	simm.s32 $_size__tile_overlayer_lowered;
	s5 =	simm.s32 $_tile_overlayer_lowered  }
0x9b: {  	s22 =	simm.s32 $0x1BFF;
	s21 =	sshll.u32 s5, $0x1;
	s2 =	sadd.s32 s19, s18  }
0x9c: {  	s6 =	simm.s32 $0x0;
	s20 =	sshll.u32 s4, $0x1;
	s4 =	sadd.s32 s21, s2  }
0x9d: {  	[timem:s6], [sflag:s22] =	dma.local [hbm:s4], s20  }
0x9e: {  	_ =	swait.ge [sflag:s22], s20  }
0x9f: {  	s3 =	ssub.s32 $0x0, s20;
	[sflag:s22] =	ssyncset.done $0x0  }
0xa0: {  	[sflag:s22] =	ssyncadd.s32 s3;
	_ =	sdelay $0x1  }
0xa1: {  	s23 =	simm.s32 $0x1B8B  }
0xa2: {  	_ =	swait.ge [sflag:s23], $0x1  }
0xa3: {  	[sflag:s23] =	ssyncset.done $0x0  }
0xa4: {  	s25 =	simm.s32 $0x1B8E;
	s24 =	sld [smem:$0x3FFE];
	[sflag:s23] =	ssyncadd.s32 $0xFFFFFFFF  }
0xa5: {  	s26 =	simm.s32 $execute0_lowered;
	[smem:$0x3FD2] =	sst s25  }
0xa6: {  	s4 =	sshll.u32 s26, $0x1;
	_ =	strace $0x8000005B;
	[dreg:$0x1] =	wrdreg $0xFFFFFFFF  }
0xa7: {  	s28 =	simm.s32 $_size_execute0_lowered;
	s2 =	sadd.s32 s2, s4;
	[dreg:$0x0] =	wrdreg $0x0  }
0xa8: {  	s4 =	sshll.u32 s28, $0x1;
	[dreg:$0x2] =	wrdreg s2  }
0xa9: {  	[dreg:$0x3] =	wrdreg s4  }
0xaa: {  	[dreg:$0x4] =	wrdreg $0xC0  }
0xab: {  	_ =	task [dreg:s6], $0x5FFFF  }
0xac: {  	[dreg:$0x1] =	wrdreg $0xFFFFFFFF  }
0xad: {  	[dreg:$0x0] =	wrdreg $0x60  }
0xae: {  	[dreg:$0x2] =	wrdreg s24  }
0xaf: {  	[dreg:$0x3] =	wrdreg $0xA  }
0xb0: {  	_ =	task.clear_ibuf [dreg:s6], $0x4FFFF;
	_ =	strace $0x9000005B  }
0xb1: {  	s29 =	simm.s32 $0xA;
	_ =	strace $0x8000005D  }
0xb2: {  	_ =	swait.ge [sflag:s29], $0x1  }
0xb3: {  	[sflag:s29] =	ssyncadd.s32 $0xFFFFFFFF  }
0xb4: {  	_ =	strace $0x9000005D  }
0xb5: {  	_ =	sfence  }
0xb6: {  	s30 =	sld [smem:$0x0];
	_ =	sdelay $0x2  }
0xb7: {  	s31 =	sshll.u32 s1, $0xD;
	s1 =	sshrl.u32 s1, $0x2  }
0xb8: {  	s3 =	sand.u32 $0x4000, s31;
	s1 =	sadd.s32 s1, s30  }
0xb9: {  	s0 =	sor.u32 s3, s0;
	s1 =	sshll.u32 s1, $0x11  }
0xba: {  	s0 =	sor.u32 s1, s0  }
0xbb: {  	s0 =	sadd.s32 $0x8F2B, s0  }
0xbc: {  	[sflag:s0] =	ssyncadd.remote.s32 $0x1  }
0xbd: {  	_ =	sfence.sel $0xFFFF  }
0xbe: {  	[dreg:$0x0] =	wrdreg $0xFFFFFFFF;
	(pc) =	sbr.abs _section_cstart, $3  }
0xbf: {  	[dreg:$0x1] =	wrdreg $0xFFFFFFFF  }
0xc0: {  	_ =	task.clear_ibuf [dreg:s6], $0x2FFFF;
	_ =	strace $0x9FFFFFFF  }
0xc1: {  	(tm) =	ssettm $0x7FFFFFFF  }
tec
execute0_lowered:
.L_overlay_start_1:
0x0: {  	(tag) =	ssettag $0x1  }
0x1: {  	s0 =	srdreg.scid;
	s3 =	stileid.u32  }
0x2: {  	s4 =	rddreg [dreg:$0x0];
	s16 =	simm.s32 $0x1C00;
	s17 =	simm.s32 $0x2400  }
0x3: {  	s18 =	simm.s32 $0x2C00;
	s19 =	simm.s32 $0x3400;
	s21 =	simm.s32 $0x3C00  }
0x4: {  	s22 =	simm.s32 $0x4400;
	s23 =	simm.s32 $0x4C00;
	s24 =	simm.s32 $0x5400  }
0x5: {  	s6 =	simm.s32 $0x2;
	s0 =	sand.u32 $0x1, s0;
	s1 =	smul.u32 $0x280000, s3  }
0x6: {  	s25 =	simm.s32 $0x5C00;
	s7 =	simm.s32 $0x1400;
	s2 =	smul.u32 $0x140000, s0  }
0x7: {  	s26 =	simm.s32 $0x6400;
	s8 =	simm.s32 $0x6C00;
	s9 =	simm.s32 $0x7400  }
0x8: {  	s10 =	simm.s32 $0x7C00;
	s1 =	sadd.s32 s2, s1;
	s2 =	simm.s32 $0x0  }
0x9: {  	s11 =	simm.s32 $0x8400;
	s12 =	simm.s32 $0x8C00;
	[smem:$0x7FF] =	sst s2  }
0xa: {  	s13 =	simm.s32 $0x9400;
	_ =	strace $0x8000005C;
	[dreg:$0x3] =	wrdreg s16  }
0xb: {  	s14 =	simm.s32 $0x9C00;
	s3 =	sshll.u32 s3, $0x1;
	[dreg:$0x4] =	wrdreg s17  }
0xc: {  	s3 =	sor.u32 s0, s3;
	s0 =	ssub.s32 $0x2, s0;
	[dreg:$0x5] =	wrdreg s18  }
0xd: {  	s15 =	simm.s32 $0xA400;
	s20 =	sshrl.u32 s0, $0x1;
	[dreg:$0x6] =	wrdreg s19  }
0xe: {  	s28 =	simm.s32 $0x10400;
	s0 =	ssub.s32 s0, s20;
	[dreg:$0x7] =	wrdreg s21  }
0xf: {  	s29 =	simm.s32 $0x10C00;
	s0 =	smax.u32 s0, $0x1;
	[dreg:$0x8] =	wrdreg s22  }
0x10: {  	s30 =	simm.s32 $0x1;
	s31 =	simm.s32 $0x0;
	[dreg:$0xe] =	wrdreg s0  }
0x11: {  	s5 =	smul.u32 $0x280, s3;
	s3 =	sadd.s32 $0x155200, s4;
	[dreg:$0x9] =	wrdreg s23  }
0x12: {  	s20 =	simm.s32 $0xCC00;
	s1 =	sshrl.u32 s1, $0x3;
	[dreg:$0xa] =	wrdreg s24  }
0x13: {  	s1 =	sadd.s32 s1, s4;
	s4 =	sadd.s32 s5, s4;
	[dreg:$0xb] =	wrdreg s25  }
0x14: {  	[dreg:$0xc] =	wrdreg s26;
	s16 =	simm.s32 $0xAC00;
	s17 =	simm.s32 $0xB400  }
0x15: {  	s18 =	simm.s32 $0xBC00;
	s19 =	simm.s32 $0xC400;
	s21 =	simm.s32 $0xD400  }
0x16: {  	v2 =	vlaneseq.u32;
	s22 =	simm.s32 $0xDC00;
	s23 =	simm.s32 $0xE400;
	s1 =	sadd.s32 $0x2A9200, s1  }
0x17: {  	vm0 =	vmmov $0xffff;
	v1 =	vshrl.u32 v2, $0x3;
	s24 =	simm.s32 $0xEC00;
	s4 =	sadd.s32 $0x17A00, s4;
	[dreg:$0x2] =	wrdreg s1  }
0x18: {  	v0 =	vand.u32 $0x7, v2;
	v2 =	vor.u32 $0x8, v2;
	v1 =	vmul.u32 $0x8, v1;
	s25 =	simm.s32 $0xF400;
	s26 =	simm.s32 $0xFC00;
	[dreg:$0xd] =	wrdreg s4  }
.LBB2_1:
0x19: {  	s0 =	rddreg [dreg:$0xd]  }
0x1a: {  	[tilespmem:s2], [sflag:$0x2] =	stream.linear.gather [hbm4b:s0+s2], $0x1400, $0x38;
	[tilespmem:$0x11400] =	vst v63  }
0x1b: {  	_ =	swait.ge [sflag:s6], $0x1400  }
0x1c: {  	[sflag:s6] =	ssyncset.done $0x0  }
0x1d: {  	s1 =	simm.s32 $0x80;
	s0 =	simm.s32 $0x0;
	[sflag:s6] =	ssyncadd.s32 $0xFFFFEC00  }
.LBB2_2:
0x1e: {  	v3 =	vld [tilespmem:s1+$0xFFFFFF80];
	_ =	sdelay $0x4  }
0x1f: {  	v4 =	vshll.u32 v3, $0x1  }
0x20: {  	v3 =	vand.u32 $0x7, v3;
	v4 =	vand.u32 $0xFFFFFFF0, v4  }
0x21: {  	v3 =	vor.u32 v3, v4  }
0x22: {  	v4 =	vperm.xlane v3, v0;
	_ =	sdelay $0x1  }
0x23: {  	v3 =	vperm.xlane v3, v2;
	v4 =	vadd.s32 v1, v4;
	_ =	sdelay $0x1  }
0x24: {  	v3 =	vadd.s32 v1, v3;
	_ =	sdelay $0x2  }
0x25: {  	[tilespmem:s7], [sflag:$0x1] =	stream.indirect_vreg.gather [hbm4b:s3+s2], $0x80, v4, vm0, $0xb8;
	[tilespmem:$0x11400] =	vst v63  }
0x26: {  	s4 =	rddreg [dreg:$0x3]  }
0x27: {  	[tilespmem:s4], [sflag:$0x1] =	stream.indirect_vreg.gather [hbm4b:s3+s2], $0x80, v3, vm0, $0xb8;
	[tilespmem:$0x11400] =	vst v63  }
0x28: {  	v3 =	vld [tilespmem:s1+$0xFFFFFF90];
	_ =	sdelay $0x4  }
0x29: {  	v49 =	vshll.u32 v3, $0x1  }
0x2a: {  	v3 =	vand.u32 $0x7, v3;
	v4 =	vand.u32 $0xFFFFFFF0, v49  }
0x2b: {  	v3 =	vor.u32 v3, v4  }
0x2c: {  	v4 =	vperm.xlane v3, v0;
	_ =	sdelay $0x1  }
0x2d: {  	v3 =	vperm.xlane v3, v2;
	v4 =	vadd.s32 v1, v4;
	_ =	sdelay $0x1  }
0x2e: {  	v3 =	vadd.s32 v1, v3;
	_ =	sdelay $0x1  }
0x2f: {  	s4 =	rddreg [dreg:$0x4]  }
0x30: {  	[tilespmem:s4], [sflag:$0x1] =	stream.indirect_vreg.gather [hbm4b:s3+s2], $0x80, v4, vm0, $0xb8;
	[tilespmem:$0x11400] =	vst v63  }
0x31: {  	s5 =	rddreg [dreg:$0x5]  }
0x32: {  	[tilespmem:s5], [sflag:$0x1] =	stream.indirect_vreg.gather [hbm4b:s3+s2], $0x80, v3, vm0, $0xb8;
	[tilespmem:$0x11400] =	vst v63  }
0x33: {  	v3 =	vld [tilespmem:s1+$0xFFFFFFA0];
	_ =	sdelay $0x4  }
0x34: {  	v50 =	vshll.u32 v3, $0x1  }
0x35: {  	v3 =	vand.u32 $0x7, v3;
	v4 =	vand.u32 $0xFFFFFFF0, v50  }
0x36: {  	v3 =	vor.u32 v3, v4  }
0x37: {  	v4 =	vperm.xlane v3, v0;
	_ =	sdelay $0x1  }
0x38: {  	v3 =	vperm.xlane v3, v2;
	v4 =	vadd.s32 v1, v4;
	_ =	sdelay $0x1  }
0x39: {  	v3 =	vadd.s32 v1, v3;
	_ =	sdelay $0x1  }
0x3a: {  	s4 =	rddreg [dreg:$0x6]  }
0x3b: {  	[tilespmem:s4], [sflag:$0x1] =	stream.indirect_vreg.gather [hbm4b:s3+s2], $0x80, v4, vm0, $0xb8;
	[tilespmem:$0x11400] =	vst v63  }
0x3c: {  	s5 =	rddreg [dreg:$0x7]  }
0x3d: {  	[tilespmem:s5], [sflag:$0x1] =	stream.indirect_vreg.gather [hbm4b:s3+s2], $0x80, v3, vm0, $0xb8;
	[tilespmem:$0x11400] =	vst v63  }
0x3e: {  	v3 =	vld [tilespmem:s1+$0xFFFFFFB0];
	_ =	sdelay $0x4  }
0x3f: {  	v51 =	vshll.u32 v3, $0x1  }
0x40: {  	v3 =	vand.u32 $0x7, v3;
	v4 =	vand.u32 $0xFFFFFFF0, v51  }
0x41: {  	v3 =	vor.u32 v3, v4  }
0x42: {  	v4 =	vperm.xlane v3, v0;
	_ =	sdelay $0x1  }
0x43: {  	v3 =	vperm.xlane v3, v2;
	v4 =	vadd.s32 v1, v4;
	_ =	sdelay $0x1  }
0x44: {  	v3 =	vadd.s32 v1, v3;
	_ =	sdelay $0x1  }
0x45: {  	s4 =	rddreg [dreg:$0x8]  }
0x46: {  	[tilespmem:s4], [sflag:$0x1] =	stream.indirect_vreg.gather [hbm4b:s3+s2], $0x80, v4, vm0, $0xb8;
	[tilespmem:$0x11400] =	vst v63  }
0x47: {  	s5 =	rddreg [dreg:$0x9]  }
0x48: {  	[tilespmem:s5], [sflag:$0x1] =	stream.indirect_vreg.gather [hbm4b:s3+s2], $0x80, v3, vm0, $0xb8;
	[tilespmem:$0x11400] =	vst v63  }
0x49: {  	v3 =	vld [tilespmem:s1+$0xFFFFFFC0];
	_ =	sdelay $0x4  }
0x4a: {  	v52 =	vshll.u32 v3, $0x1  }
0x4b: {  	v3 =	vand.u32 $0x7, v3;
	v4 =	vand.u32 $0xFFFFFFF0, v52  }
0x4c: {  	v3 =	vor.u32 v3, v4  }
0x4d: {  	v4 =	vperm.xlane v3, v0;
	_ =	sdelay $0x1  }
0x4e: {  	v3 =	vperm.xlane v3, v2;
	v4 =	vadd.s32 v1, v4;
	_ =	sdelay $0x1  }
0x4f: {  	v3 =	vadd.s32 v1, v3;
	_ =	sdelay $0x1  }
0x50: {  	s4 =	rddreg [dreg:$0xa]  }
0x51: {  	[tilespmem:s4], [sflag:$0x1] =	stream.indirect_vreg.gather [hbm4b:s3+s2], $0x80, v4, vm0, $0xb8;
	[tilespmem:$0x11400] =	vst v63  }
0x52: {  	s5 =	rddreg [dreg:$0xb]  }
0x53: {  	[tilespmem:s5], [sflag:$0x1] =	stream.indirect_vreg.gather [hbm4b:s3+s2], $0x80, v3, vm0, $0xb8;
	[tilespmem:$0x11400] =	vst v63  }
0x54: {  	v3 =	vld [tilespmem:s1+$0xFFFFFFD0];
	_ =	sdelay $0x4  }
0x55: {  	v53 =	vshll.u32 v3, $0x1  }
0x56: {  	v3 =	vand.u32 $0x7, v3;
	v4 =	vand.u32 $0xFFFFFFF0, v53  }
0x57: {  	v3 =	vor.u32 v3, v4  }
0x58: {  	v4 =	vperm.xlane v3, v0;
	_ =	sdelay $0x1  }
0x59: {  	v3 =	vperm.xlane v3, v2;
	v4 =	vadd.s32 v1, v4;
	_ =	sdelay $0x1  }
0x5a: {  	v3 =	vadd.s32 v1, v3;
	_ =	sdelay $0x1  }
0x5b: {  	s5 =	rddreg [dreg:$0xc]  }
0x5c: {  	[tilespmem:s5], [sflag:$0x1] =	stream.indirect_vreg.gather [hbm4b:s3+s2], $0x80, v4, vm0, $0xb8;
	[tilespmem:$0x11400] =	vst v63  }
0x5d: {  	_ = 	snop  }
0x5e: {  	[tilespmem:s8], [sflag:$0x1] =	stream.indirect_vreg.gather [hbm4b:s3+s2], $0x80, v3, vm0, $0xb8;
	[tilespmem:$0x11400] =	vst v63  }
0x5f: {  	v3 =	vld [tilespmem:s1+$0xFFFFFFE0];
	_ =	sdelay $0x4  }
0x60: {  	v54 =	vshll.u32 v3, $0x1  }
0x61: {  	v3 =	vand.u32 $0x7, v3;
	v4 =	vand.u32 $0xFFFFFFF0, v54  }
0x62: {  	v3 =	vor.u32 v3, v4  }
0x63: {  	v4 =	vperm.xlane v3, v0;
	_ =	sdelay $0x1  }
0x64: {  	v3 =	vperm.xlane v3, v2;
	v4 =	vadd.s32 v1, v4;
	_ =	sdelay $0x1  }
0x65: {  	v3 =	vadd.s32 v1, v3;
	_ =	sdelay $0x2  }
0x66: {  	[tilespmem:s9], [sflag:$0x1] =	stream.indirect_vreg.gather [hbm4b:s3+s2], $0x80, v4, vm0, $0xb8;
	[tilespmem:$0x11400] =	vst v63  }
0x67: {  	_ = 	snop  }
0x68: {  	[tilespmem:s10], [sflag:$0x1] =	stream.indirect_vreg.gather [hbm4b:s3+s2], $0x80, v3, vm0, $0xb8;
	[tilespmem:$0x11400] =	vst v63  }
0x69: {  	v3 =	vld [tilespmem:s1+$0xFFFFFFF0];
	_ =	sdelay $0x4  }
0x6a: {  	v55 =	vshll.u32 v3, $0x1  }
0x6b: {  	v3 =	vand.u32 $0x7, v3;
	v4 =	vand.u32 $0xFFFFFFF0, v55  }
0x6c: {  	v3 =	vor.u32 v3, v4  }
0x6d: {  	v4 =	vperm.xlane v3, v0;
	_ =	sdelay $0x1  }
0x6e: {  	v3 =	vperm.xlane v3, v2;
	v4 =	vadd.s32 v1, v4;
	_ =	sdelay $0x1  }
0x6f: {  	v3 =	vadd.s32 v1, v3;
	_ =	sdelay $0x2  }
0x70: {  	[tilespmem:s11], [sflag:$0x1] =	stream.indirect_vreg.gather [hbm4b:s3+s2], $0x80, v4, vm0, $0xb8;
	[tilespmem:$0x11400] =	vst v63  }
0x71: {  	_ = 	snop  }
0x72: {  	[tilespmem:s12], [sflag:$0x1] =	stream.indirect_vreg.gather [hbm4b:s3+s2], $0x80, v3, vm0, $0xb8;
	[tilespmem:$0x11400] =	vst v63  }
0x73: {  	v3 =	vld [tilespmem:s1+$0x0];
	_ =	sdelay $0x4  }
0x74: {  	v56 =	vshll.u32 v3, $0x1  }
0x75: {  	v3 =	vand.u32 $0x7, v3;
	v4 =	vand.u32 $0xFFFFFFF0, v56  }
0x76: {  	v3 =	vor.u32 v3, v4  }
0x77: {  	v4 =	vperm.xlane v3, v0;
	_ =	sdelay $0x1  }
0x78: {  	v3 =	vperm.xlane v3, v2;
	v4 =	vadd.s32 v1, v4;
	_ =	sdelay $0x1  }
0x79: {  	v3 =	vadd.s32 v1, v3;
	_ =	sdelay $0x2  }
0x7a: {  	[tilespmem:s13], [sflag:$0x1] =	stream.indirect_vreg.gather [hbm4b:s3+s2], $0x80, v4, vm0, $0xb8;
	[tilespmem:$0x11400] =	vst v63  }
0x7b: {  	_ = 	snop  }
0x7c: {  	[tilespmem:s14], [sflag:$0x1] =	stream.indirect_vreg.gather [hbm4b:s3+s2], $0x80, v3, vm0, $0xb8;
	[tilespmem:$0x11400] =	vst v63  }
0x7d: {  	v3 =	vld [tilespmem:s1+$0x10];
	_ =	sdelay $0x4  }
0x7e: {  	v57 =	vshll.u32 v3, $0x1  }
0x7f: {  	v3 =	vand.u32 $0x7, v3;
	v4 =	vand.u32 $0xFFFFFFF0, v57  }
0x80: {  	v3 =	vor.u32 v3, v4  }
0x81: {  	v4 =	vperm.xlane v3, v0;
	_ =	sdelay $0x1  }
0x82: {  	v3 =	vperm.xlane v3, v2;
	v4 =	vadd.s32 v1, v4;
	_ =	sdelay $0x1  }
0x83: {  	v3 =	vadd.s32 v1, v3;
	_ =	sdelay $0x2  }
0x84: {  	[tilespmem:s15], [sflag:$0x1] =	stream.indirect_vreg.gather [hbm4b:s3+s2], $0x80, v4, vm0, $0xb8;
	[tilespmem:$0x11400] =	vst v63  }
0x85: {  	_ = 	snop  }
0x86: {  	[tilespmem:s16], [sflag:$0x1] =	stream.indirect_vreg.gather [hbm4b:s3+s2], $0x80, v3, vm0, $0xb8;
	[tilespmem:$0x11400] =	vst v63  }
0x87: {  	v3 =	vld [tilespmem:s1+$0x20];
	_ =	sdelay $0x4  }
0x88: {  	v58 =	vshll.u32 v3, $0x1  }
0x89: {  	v3 =	vand.u32 $0x7, v3;
	v4 =	vand.u32 $0xFFFFFFF0, v58  }
0x8a: {  	v3 =	vor.u32 v3, v4  }
0x8b: {  	v4 =	vperm.xlane v3, v0;
	_ =	sdelay $0x1  }
0x8c: {  	v3 =	vperm.xlane v3, v2;
	v4 =	vadd.s32 v1, v4;
	_ =	sdelay $0x1  }
0x8d: {  	v3 =	vadd.s32 v1, v3;
	_ =	sdelay $0x2  }
0x8e: {  	[tilespmem:s17], [sflag:$0x1] =	stream.indirect_vreg.gather [hbm4b:s3+s2], $0x80, v4, vm0, $0xb8;
	[tilespmem:$0x11400] =	vst v63  }
0x8f: {  	_ = 	snop  }
0x90: {  	[tilespmem:s18], [sflag:$0x1] =	stream.indirect_vreg.gather [hbm4b:s3+s2], $0x80, v3, vm0, $0xb8;
	[tilespmem:$0x11400] =	vst v63  }
0x91: {  	v3 =	vld [tilespmem:s1+$0x30];
	_ =	sdelay $0x4  }
0x92: {  	v59 =	vshll.u32 v3, $0x1  }
0x93: {  	v3 =	vand.u32 $0x7, v3;
	v4 =	vand.u32 $0xFFFFFFF0, v59  }
0x94: {  	v3 =	vor.u32 v3, v4  }
0x95: {  	v4 =	vperm.xlane v3, v0;
	_ =	sdelay $0x1  }
0x96: {  	v3 =	vperm.xlane v3, v2;
	v4 =	vadd.s32 v1, v4;
	_ =	sdelay $0x1  }
0x97: {  	v3 =	vadd.s32 v1, v3;
	_ =	sdelay $0x2  }
0x98: {  	[tilespmem:s19], [sflag:$0x1] =	stream.indirect_vreg.gather [hbm4b:s3+s2], $0x80, v4, vm0, $0xb8;
	[tilespmem:$0x11400] =	vst v63  }
0x99: {  	_ = 	snop  }
0x9a: {  	[tilespmem:s20], [sflag:$0x1] =	stream.indirect_vreg.gather [hbm4b:s3+s2], $0x80, v3, vm0, $0xb8;
	[tilespmem:$0x11400] =	vst v63  }
0x9b: {  	v3 =	vld [tilespmem:s1+$0x40];
	_ =	sdelay $0x4  }
0x9c: {  	v60 =	vshll.u32 v3, $0x1  }
0x9d: {  	v3 =	vand.u32 $0x7, v3;
	v4 =	vand.u32 $0xFFFFFFF0, v60  }
0x9e: {  	v3 =	vor.u32 v3, v4  }
0x9f: {  	v4 =	vperm.xlane v3, v0;
	_ =	sdelay $0x1  }
0xa0: {  	v3 =	vperm.xlane v3, v2;
	v4 =	vadd.s32 v1, v4;
	_ =	sdelay $0x1  }
0xa1: {  	v3 =	vadd.s32 v1, v3;
	_ =	sdelay $0x2  }
0xa2: {  	[tilespmem:s21], [sflag:$0x1] =	stream.indirect_vreg.gather [hbm4b:s3+s2], $0x80, v4, vm0, $0xb8;
	[tilespmem:$0x11400] =	vst v63  }
0xa3: {  	_ = 	snop  }
0xa4: {  	[tilespmem:s22], [sflag:$0x1] =	stream.indirect_vreg.gather [hbm4b:s3+s2], $0x80, v3, vm0, $0xb8;
	[tilespmem:$0x11400] =	vst v63  }
0xa5: {  	v3 =	vld [tilespmem:s1+$0x50];
	_ =	sdelay $0x4  }
0xa6: {  	v61 =	vshll.u32 v3, $0x1  }
0xa7: {  	v3 =	vand.u32 $0x7, v3;
	v4 =	vand.u32 $0xFFFFFFF0, v61  }
0xa8: {  	v3 =	vor.u32 v3, v4  }
0xa9: {  	v4 =	vperm.xlane v3, v0;
	_ =	sdelay $0x1  }
0xaa: {  	v3 =	vperm.xlane v3, v2;
	v4 =	vadd.s32 v1, v4;
	_ =	sdelay $0x1  }
0xab: {  	v3 =	vadd.s32 v1, v3;
	_ =	sdelay $0x2  }
0xac: {  	[tilespmem:s23], [sflag:$0x1] =	stream.indirect_vreg.gather [hbm4b:s3+s2], $0x80, v4, vm0, $0xb8;
	[tilespmem:$0x11400] =	vst v63  }
0xad: {  	_ = 	snop  }
0xae: {  	[tilespmem:s24], [sflag:$0x1] =	stream.indirect_vreg.gather [hbm4b:s3+s2], $0x80, v3, vm0, $0xb8;
	[tilespmem:$0x11400] =	vst v63  }
0xaf: {  	v3 =	vld [tilespmem:s1+$0x60];
	_ =	sdelay $0x4  }
0xb0: {  	v62 =	vshll.u32 v3, $0x1  }
0xb1: {  	v3 =	vand.u32 $0x7, v3;
	v4 =	vand.u32 $0xFFFFFFF0, v62  }
0xb2: {  	v3 =	vor.u32 v3, v4  }
0xb3: {  	v4 =	vperm.xlane v3, v0;
	_ =	sdelay $0x1  }
0xb4: {  	v3 =	vperm.xlane v3, v2;
	v4 =	vadd.s32 v1, v4;
	_ =	sdelay $0x1  }
0xb5: {  	v3 =	vadd.s32 v1, v3;
	_ =	sdelay $0x2  }
0xb6: {  	[tilespmem:s25], [sflag:$0x1] =	stream.indirect_vreg.gather [hbm4b:s3+s2], $0x80, v4, vm0, $0xb8;
	[tilespmem:$0x11400] =	vst v63  }
0xb7: {  	_ = 	snop  }
0xb8: {  	[tilespmem:s26], [sflag:$0x1] =	stream.indirect_vreg.gather [hbm4b:s3+s2], $0x80, v3, vm0, $0xb8;
	[tilespmem:$0x11400] =	vst v63  }
0xb9: {  	v3 =	vld [tilespmem:s1+$0x70];
	_ =	sdelay $0x4  }
0xba: {  	v63 =	vshll.u32 v3, $0x1  }
0xbb: {  	v3 =	vand.u32 $0x7, v3;
	v4 =	vand.u32 $0xFFFFFFF0, v63  }
0xbc: {  	v3 =	vor.u32 v3, v4  }
0xbd: {  	v4 =	vperm.xlane v3, v0;
	_ =	sdelay $0x1  }
0xbe: {  	v3 =	vperm.xlane v3, v2;
	v4 =	vadd.s32 v1, v4;
	_ =	sdelay $0x1  }
0xbf: {  	v3 =	vadd.s32 v1, v3;
	_ =	sdelay $0x2  }
0xc0: {  	[tilespmem:s28], [sflag:$0x1] =	stream.indirect_vreg.gather [hbm4b:s3+s2], $0x80, v4, vm0, $0xb8;
	[tilespmem:$0x11400] =	vst v63  }
0xc1: {  	_ = 	snop  }
0xc2: {  	[tilespmem:s29], [sflag:$0x1] =	stream.indirect_vreg.gather [hbm4b:s3+s2], $0x80, v3, vm0, $0xb8;
	[tilespmem:$0x11400] =	vst v63  }
0xc3: {  	_ =	swait.ge [sflag:s30], $0x8000  }
0xc4: {  	[sflag:s30] =	ssyncset.done $0x0  }
0xc5: {  	[sflag:s30] =	ssyncadd.s32 $0xFFFF8000  }
0xc6: {  	_ =	swait.ge [sflag:s30], $0x8000  }
0xc7: {  	p0 =	sne.s32 s0, $0x26000;
	s5 =	rddreg [dreg:$0x2];
	[sflag:s30] =	ssyncset.done $0x0  }
.Ltmp0:
0xc8: {  	[sflag:s30] =	ssyncadd.s32 $0xFFFF8000;
	s4 =	sadd.s32 s0, s5;
	(pc) =	sbr.rel @p0 .LBB2_2-.Ltmp0, $4  }
0xc9: {  	[hbm4b:s4+s2] =	stream.linear.scatter [tilespmem:s7], [sflag:$0x2], $0x10000, $0x38;
	[tilespmem:$0x11400] =	vst v63  }
0xca: {  	_ =	swait.ge [sflag:s6], $0x10000  }
0xcb: {  	[sflag:s6] =	ssyncset.done $0x0  }
0xcc: {  	s1 =	sadd.s32 $0x100, s1;
	s0 =	sadd.s32 $0x2000, s0;
	[sflag:s6] =	ssyncadd.s32 $0xFFFF0000  }
0xcd: {  	s31 =	sadd.s32 $0x1, s31;
	s0 =	rddreg [dreg:$0xe]  }
0xce: {  	p0 =	sne.s32 s31, s0  }
.Ltmp1:
0xcf: {  	_ = 	snop;
	(pc) =	sbr.rel @p0 .LBB2_1-.Ltmp1, $1  }
0xd0: {  	_ =	sdelay $0x3  }
0xd1: {  	_ =	sfence.sel $0x180000  }
0xd2: {  	[bflag:$0x0] =	sbarrier.arrive $0xFFFF  }
0xd3: {  	_ =	strace $0x9000005C  }
0xd4: {  	s0 =	stileid.u32;
	[bflag:$0x2] =	sbarrier.arrive $0xFFFF  }
0xd5: {  	p0 =	sne.s32 s0, $0x0;
	s0 =	rddreg [dreg:$0x1]  }
0xd6: {  	s0 =	sadd.s32 @!p0 $0x100000, s0  }
0xd7: {  	[sflag:s0] =	ssyncadd.tile.s32 @!p0 $0x1;
	_ =	shalt  }
.Lfunc_end2:
_tile_overlayer_lowered:
.L_overlay_start_2:
0xd8: {  	(tag) =	ssettag $0x2  }
0xd9: {  	s0 =	rddreg [dreg:$0x0];
	s2 =	stileid.u32  }
0xda: {  	s1 =	rddreg [dreg:$0x1];
	p0 =	sne.s32 s2, $0x0  }
0xdb: {  	s3 =	rddreg [dreg:$0x2];
	[bflag:$0x3] =	sbarrier.arrive $0xFFFF;
	s2 =	simm.s32 @!p0 $0x1C02  }
0xdc: {  	[timem:s3], [sflag:s2] =	dma.local @!p0 [hbm:s0], s1  }
0xdd: {  	s0 =	simm.s32 @!p0 $0x2  }
0xde: {  	_ =	swait.ge @!p0 [sflag:s0], s1  }
0xdf: {  	s1 =	ssub.s32 @!p0 $0x0, s1;
	[sflag:s0] =	ssyncset.done @!p0 $0x0  }
0xe0: {  	[sflag:s0] =	ssyncadd.s32 @!p0 s1  }
0xe1: {  	[bflag:$0x3] =	sbarrier.arrive $0xFFFF  }
0xe2: {  	_ =	shalt  }

// kernel: kernel.50.cloned.1.call-start
scs
__scs_entry_jumppad:
0x0: {  	(pc) =	sbr.rel $0x88, $3  }
0x1: {  	(tag) =	ssettag $0x0;
	lr =	simm.s32 $0x1  }
0x2: {  	[smem:$0x3F81] =	sst lr;
	_ =	strace $0xD0000000  }
0x3: {  	_ = 	snop  }
0x4: {  	_ = 	snop  }
0x5: {  	_ = 	snop  }
0x6: {  	_ = 	snop  }
0x7: {  	_ = 	snop  }
__scs_overlays_trampoline_lowered:
0x8: {  	[smem:$0x3F90] =	sst s0  }
0x9: {  	[smem:$0x3F91] =	sst s1  }
0xa: {  	[smem:$0x3F92] =	sst s2  }
0xb: {  	[smem:$0x3F93] =	sst s3  }
0xc: {  	[smem:$0x3F94] =	sst s4  }
0xd: {  	[smem:$0x3F95] =	sst s5  }
0xe: {  	[smem:$0x3F96] =	sst s6  }
0xf: {  	[smem:$0x3F97] =	sst s7  }
0x10: {  	[smem:$0x3F98] =	sst s8  }
0x11: {  	[smem:$0x3F99] =	sst s9;
	s0 =	simm.s32 @!p0 $0x0  }
0x12: {  	s1 =	sld [smem:$0x3F7F];
	s0 =	simm.s32 @p0 $0x1  }
0x13: {  	[smem:$0x3F9A] =	sst s0;
	s0 =	simm.s32 @!p1 $0x0  }
0x14: {  	s2 =	sld [smem:$0x3F7E];
	s0 =	simm.s32 @p1 $0x1  }
0x15: {  	[smem:$0x3F9B] =	sst s0;
	s0 =	simm.s32 @!p2 $0x0  }
0x16: {  	s3 =	sld [smem:$0x3FDB];
	s0 =	simm.s32 @p2 $0x1  }
0x17: {  	s4 =	simm.s32 $0x1BF5;
	[smem:$0x3F9D] =	sst s0  }
0x18: {  	s0 =	sld [smem:$0x3F80];
	_ =	swait.ge [sflag:s4], $0x0  }
0x19: {  	s7 =	sld [smem:$0x3F81]  }
0x1a: {  	s8 =	sadd.s32 $0xFFFFE003, lr  }
0x1b: {  	s9 =	sadd.s32 $0xFFFFFEF7, lr;
	s5 =	simm.s32 $0xFFFFFFFF;
	p2 =	slt.u32 s8, $0xFFFFF086  }
0x1c: {  	p1 =	slt.u32 s9, $0xF7A;
	s5 =	simm.s32 @!p2 $0x0  }
0x1d: {  	s5 =	simm.s32 @p1 $0x1;
	p0 =	seq.s32 s7, s2  }
0x1e: {  	s7 =	smul.u32 @!p0 $0xF7A, s2;
	p2 =	seq.s32 @!p0 s5, $0x0  }
0x1f: {  	s9 =	smul.u32 $0xF7A, s1;
	s8 =	simm.s32 @!p0 $0x1BF5;
	p2 =	por !p2, p0  }
0x20: {  	[sflag:s8] =	ssyncset.s32 @!p0 $0xFFFFF086;
	s6 =	sadd.s32 @!p0 s3, s7;
	s7 =	simm.s32 @!p0 $0x108  }
0x21: {  	s3 =	sadd.s32 s3, s9;
	s6 =	sadd.s32 @!p0 $0x88, s6;
	s7 =	simm.s32 @p2 $0x1082  }
0x22: {  	[simem:s7], [sflag:s8] =	dma.local @!p0 [hbm:s6], $0xF7A  }
0x23: {  	s9 =	sor.u32 $0xD0000000, s2;
	s6 =	simm.s32 $0x108;
	_ =	swait.ge @!p0 [sflag:s8], $0x0  }
0x24: {  	s3 =	sadd.s32 $0x88, s3;
	s6 =	simm.s32 @!p1 $0x1082;
	[sflag:s4] =	ssyncset.s32 $0xFFFFF086  }
0x25: {  	[simem:s6], [sflag:s4] =	dma.local [hbm:s3], $0xF7A  }
0x26: {  	[smem:$0x3F81] =	sst s1;
	(tag) =	ssettag s2;
	_ =	strace s9  }
0x27: {  	s1 =	sld [smem:$0x3F91]  }
0x28: {  	s2 =	sld [smem:$0x3F92]  }
0x29: {  	s4 =	sld [smem:$0x3F94]  }
0x2a: {  	p0 =	seq.s32 s5, $0x0;
	s5 =	sld [smem:$0x3F95]  }
0x2b: {  	s6 =	sld [smem:$0x3F96]  }
0x2c: {  	s7 =	sld [smem:$0x3F97]  }
0x2d: {  	s3 =	simm.s32 $0x108;
	s8 =	sld [smem:$0x3F98]  }
0x2e: {  	s3 =	simm.s32 @!p0 $0x1082;
	s9 =	sld [smem:$0x3F99]  }
0x2f: {  	lr =	sadd.s32 s0, s3;
	s0 =	sld [smem:$0x3F90]  }
0x30: {  	s3 =	sld [smem:$0x3F93]  }
0x31: {  	[smem:$0x3F9C] =	sst s10  }
0x32: {  	s10 =	sld [smem:$0x3F9A];
	_ =	sdelay $0x3  }
0x33: {  	p0 =	seq.s32 s10, $0x1;
	s10 =	sld [smem:$0x3F9C];
	_ =	sdelay $0x3  }
0x34: {  	[smem:$0x3F9C] =	sst s10  }
0x35: {  	s10 =	sld [smem:$0x3F9B];
	_ =	sdelay $0x3  }
0x36: {  	p1 =	seq.s32 s10, $0x1;
	s10 =	sld [smem:$0x3F9C];
	_ =	sdelay $0x3  }
0x37: {  	[smem:$0x3F9C] =	sst s10  }
0x38: {  	s10 =	sld [smem:$0x3F9D]  }
0x39: {  	_ = 	snop;
	(pc) =	sbr.ind lr, $3  }
0x3a: {  	_ = 	snop  }
0x3b: {  	_ = 	snop  }
0x3c: {  	p2 =	seq.s32 s10, $0x1;
	s10 =	sld [smem:$0x3F9C]  }
0x3d: {  	_ =	shalt  }
0x3e: {  	_ =	shalt  }
0x3f: {  	_ =	shalt  }
0x40: {  	_ =	shalt  }
0x41: {  	_ =	shalt  }
0x42: {  	_ =	shalt  }
0x43: {  	_ =	shalt  }
0x44: {  	_ =	shalt  }
0x45: {  	_ =	shalt  }
0x46: {  	_ =	shalt  }
0x47: {  	_ =	shalt  }
0x48: {  	_ =	shalt  }
0x49: {  	_ =	shalt  }
0x4a: {  	_ =	shalt  }
0x4b: {  	_ =	shalt  }
0x4c: {  	_ =	shalt  }
0x4d: {  	_ =	shalt  }
0x4e: {  	_ =	shalt  }
0x4f: {  	_ =	shalt  }
0x50: {  	_ =	shalt  }
0x51: {  	_ =	shalt  }
0x52: {  	_ =	shalt  }
0x53: {  	_ =	shalt  }
0x54: {  	_ =	shalt  }
0x55: {  	_ =	shalt  }
0x56: {  	_ =	shalt  }
0x57: {  	_ =	shalt  }
0x58: {  	_ =	shalt  }
0x59: {  	_ =	shalt  }
0x5a: {  	_ =	shalt  }
0x5b: {  	_ =	shalt  }
0x5c: {  	_ =	shalt  }
0x5d: {  	_ =	shalt  }
0x5e: {  	_ =	shalt  }
0x5f: {  	_ =	shalt  }
0x60: {  	_ =	shalt  }
0x61: {  	_ =	shalt  }
0x62: {  	_ =	shalt  }
0x63: {  	_ =	shalt  }
0x64: {  	_ =	shalt  }
0x65: {  	_ =	shalt  }
0x66: {  	_ =	shalt  }
0x67: {  	_ =	shalt  }
0x68: {  	_ =	shalt  }
0x69: {  	_ =	shalt  }
0x6a: {  	_ =	shalt  }
0x6b: {  	_ =	shalt  }
0x6c: {  	_ =	shalt  }
0x6d: {  	_ =	shalt  }
0x6e: {  	_ =	shalt  }
0x6f: {  	_ =	shalt  }
0x70: {  	_ =	shalt  }
0x71: {  	_ =	shalt  }
0x72: {  	_ =	shalt  }
0x73: {  	_ =	shalt  }
0x74: {  	_ =	shalt  }
0x75: {  	_ =	shalt  }
0x76: {  	_ =	shalt  }
0x77: {  	_ =	shalt  }
0x78: {  	_ =	shalt  }
0x79: {  	_ =	shalt  }
0x7a: {  	_ =	shalt  }
0x7b: {  	_ =	shalt  }
0x7c: {  	_ =	shalt  }
0x7d: {  	_ =	shalt  }
0x7e: {  	_ =	shalt  }
0x7f: {  	_ =	shalt  }
0x80: {  	_ =	shalt  }
0x81: {  	_ =	shalt  }
0x82: {  	_ =	shalt  }
0x83: {  	_ =	shalt  }
0x84: {  	_ =	shalt  }
0x85: {  	_ =	shalt  }
0x86: {  	_ =	shalt  }
0x87: {  	_ =	shalt  }
.Lfunc_end0:
.L_simem_size_0:
called_computation.9_lowered:
.L_overlay_start_0:
0x88: {  	s2 =	sld [smem:$0x3FD9]  }
0x89: {  	s3 =	sld [smem:$0x3FFE];
	_ =	sdelay $0x1  }
0x8a: {  	s1 =	srdreg.scid  }
0x8b: {  	s0 =	sand.u32 $0x1, s1  }
0x8c: {  	s17 =	sshll.u32 s0, $0xA;
	s2 =	sadd.s32 s3, s2  }
0x8d: {  	s2 =	sadd.s32 s2, s17  }
0x8e: {  	[smem:$0x3FA8] =	sst s2  }
0x8f: {  	_ = 	snop  }
0x90: {  	(tm) =	ssettm $0x1  }
0x91: {  	s18 =	sld [smem:$0x3FFB];
	_ =	sdelay $0x3  }
0x92: {  	_ =	strace s18  }
0x93: {  	s2 =	sld [smem:$0x3FFC];
	_ =	sdelay $0x3  }
0x94: {  	_ =	strace s2  }
0x95: {  	s2 =	sld [smem:$0x3FFD];
	_ =	sdelay $0x3  }
0x96: {  	_ =	strace s2  }
0x97: {  	_ =	strace $0x8FFFFFFF  }
0x98: {  	s19 =	sld [smem:$0x3FDB];
	_ =	sdelay $0x1  }
0x99: {  	s20 =	simm.s32 $_scs_section_size  }
0x9a: {  	s4 =	simm.s32 $_size__tile_overlayer_lowered;
	s5 =	simm.s32 $_tile_overlayer_lowered  }
0x9b: {  	s6 =	simm.s32 $0x1BFF;
	s21 =	sshll.u32 s5, $0x1;
	s3 =	sadd.s32 s20, s19  }
0x9c: {  	s22 =	simm.s32 $0x0;
	s4 =	sshll.u32 s4, $0x1;
	s5 =	sadd.s32 s21, s3  }
0x9d: {  	[timem:s22], [sflag:s6] =	dma.local [hbm:s5], s4  }
0x9e: {  	_ =	swait.ge [sflag:s6], s4  }
0x9f: {  	s4 =	ssub.s32 $0x0, s4;
	[sflag:s6] =	ssyncset.done $0x0  }
0xa0: {  	[sflag:s6] =	ssyncadd.s32 s4;
	_ =	sdelay $0x1  }
0xa1: {  	s23 =	simm.s32 $0x1B8B  }
0xa2: {  	_ =	swait.ge [sflag:s23], $0x1  }
0xa3: {  	[sflag:s23] =	ssyncset.done $0x0  }
0xa4: {  	[sflag:s23] =	ssyncadd.s32 $0xFFFFFFFF  }
0xa5: {  	s4 =	sld [smem:$0x0]  }
0xa6: {  	s5 =	sand.u32 $0xFFFFFFFE, s1  }
0xa7: {  	p0 =	sne.s32 s1, s5  }
0xa8: {  	s5 =	sshll.u32 @p0 s5, $0xE  }
0xa9: {  	s5 =	sadd.s32 @p0 $0x11B8D, s5;
	s6 =	sshll.u32 @p0 s4, $0x11  }
0xaa: {  	s5 =	sor.u32 @p0 s6, s5  }
0xab: {  	[sflag:s5] =	ssyncadd.remote.s32 @p0 $0x1;
	_ =	sdelay $0x1  }
0xac: {  	s5 =	simm.s32 @p0 $0x1B8D  }
0xad: {  	_ =	swait.eq @p0 [sflag:s5], $0x1  }
0xae: {  	[sflag:s5] =	ssyncadd.s32 @p0 $0xFFFFFFFF  }
0xaf: {  	s6 =	sshll.u32 @!p0 s1, $0xE  }
0xb0: {  	s6 =	sor.u32 @!p0 $0x4000, s6;
	s5 =	simm.s32 @!p0 $0x1B8D  }
0xb1: {  	s4 =	sshll.u32 @!p0 s4, $0x11;
	s6 =	sadd.s32 @!p0 $0x11B8D, s6;
	_ =	swait.eq @!p0 [sflag:s5], $0x1  }
0xb2: {  	s4 =	sor.u32 @!p0 s4, s6;
	[sflag:s5] =	ssyncadd.s32 @!p0 $0xFFFFFFFF  }
0xb3: {  	s25 =	simm.s32 $0x1B8E;
	s24 =	sld [smem:$0x3FFE];
	[sflag:s4] =	ssyncadd.remote.s32 @!p0 $0x1  }
0xb4: {  	s26 =	simm.s32 $execute0_lowered;
	[smem:$0x3FD2] =	sst s25  }
0xb5: {  	s5 =	sshll.u32 s26, $0x1;
	_ =	strace $0x80000064;
	[dreg:$0x1] =	wrdreg $0xFFFFFFFF  }
0xb6: {  	s28 =	simm.s32 $_size_execute0_lowered;
	s3 =	sadd.s32 s3, s5;
	[dreg:$0x0] =	wrdreg $0x0  }
0xb7: {  	s5 =	sshll.u32 s28, $0x1;
	[dreg:$0x2] =	wrdreg s3  }
0xb8: {  	[dreg:$0x3] =	wrdreg s5  }
0xb9: {  	[dreg:$0x4] =	wrdreg $0xC0  }
0xba: {  	_ =	task [dreg:s22], $0x5FFFF  }
0xbb: {  	[dreg:$0x1] =	wrdreg $0xFFFFFFFF  }
0xbc: {  	[dreg:$0x0] =	wrdreg $0x60  }
0xbd: {  	[dreg:$0x2] =	wrdreg s24  }
0xbe: {  	[dreg:$0x3] =	wrdreg $0xB8000  }
0xbf: {  	[dreg:$0x4] =	wrdreg $0x9  }
0xc0: {  	_ =	task.clear_ibuf [dreg:s22], $0x5FFFF;
	_ =	strace $0x90000064  }
0xc1: {  	s29 =	simm.s32 $0x9;
	_ =	strace $0x80000066  }
0xc2: {  	_ =	swait.ge [sflag:s29], $0x1  }
0xc3: {  	[sflag:s29] =	ssyncadd.s32 $0xFFFFFFFF  }
0xc4: {  	_ =	strace $0x90000066  }
0xc5: {  	_ =	sfence  }
0xc6: {  	s30 =	sld [smem:$0x0];
	_ =	sdelay $0x2  }
0xc7: {  	s31 =	sshll.u32 s1, $0xD;
	s1 =	sshrl.u32 s1, $0x2  }
0xc8: {  	s4 =	sand.u32 $0x4000, s31;
	s1 =	sadd.s32 s1, s30  }
0xc9: {  	s0 =	sor.u32 s4, s0;
	s1 =	sshll.u32 s1, $0x11  }
0xca: {  	s0 =	sor.u32 s1, s0  }
0xcb: {  	s0 =	sadd.s32 $0x8F2B, s0  }
0xcc: {  	[sflag:s0] =	ssyncadd.remote.s32 $0x1  }
0xcd: {  	_ =	sfence.sel $0xFFFF  }
0xce: {  	[dreg:$0x0] =	wrdreg $0xFFFFFFFF;
	(pc) =	sbr.abs _section_cstart, $3  }
0xcf: {  	[dreg:$0x1] =	wrdreg $0xFFFFFFFF  }
0xd0: {  	_ =	task.clear_ibuf [dreg:s22], $0x2FFFF;
	_ =	strace $0x9FFFFFFF  }
0xd1: {  	(tm) =	ssettm $0x7FFFFFFF  }
tec
execute0_lowered:
.L_overlay_start_1:
0x0: {  	(tag) =	ssettag $0x1  }
0x1: {  	s0 =	srdreg.scid;
	s6 =	rddreg [dreg:$0x0]  }
0x2: {  	s2 =	rddreg [dreg:$0x1];
	s1 =	stileid.u32;
	s16 =	simm.s32 $0x400  }
0x3: {  	s17 =	simm.s32 $0x5000;
	s18 =	simm.s32 $0x7800;
	s19 =	simm.s32 $0x1  }
0x4: {  	s5 =	sand.u32 $0x1, s0;
	s0 =	rddreg [dreg:$0x2];
	s9 =	smul.u32 $0x500, s1  }
0x5: {  	s20 =	sshrl.u32 s1, $0x3;
	s21 =	sshll.u32 s1, $0x7;
	s22 =	smul.u32 $0x27800, s1  }
0x6: {  	s28 =	smul.u32 $0x4F000, s1;
	s31 =	sshll.u32 s1, $0x6;
	s3 =	sshll.u32 s5, $0x4  }
0x7: {  	s8 =	smul.u32 $0x14000, s20;
	s10 =	sand.u32 $0x380, s21;
	s24 =	sshll.u32 s5, $0xA  }
0x8: {  	s26 =	ssub.s32 $0x2, s5;
	s5 =	sadd.s32 $0x2A6A00, s6;
	s20 =	simm.s32 $0x8  }
0x9: {  	s21 =	simm.s32 $0x100;
	s4 =	sor.u32 s1, s3;
	s3 =	simm.s32 $0x0  }
0xa: {  	s9 =	sadd.s32 s9, s6;
	s25 =	sor.u32 s24, s22;
	s29 =	sshrl.u32 s26, $0x1  }
0xb: {  	s30 =	sshrl.u32 s28, $0x2;
	s22 =	simm.s32 $0x0;
	s7 =	smul.u32 $0x500, s4  }
0xc: {  	[smem:$0x7FF] =	sst s3;
	s4 =	sadd.s32 $0x2A9200, s6;
	s8 =	sor.u32 s10, s8  }
0xd: {  	s14 =	ssub.s32 s26, s29;
	s15 =	sadd.s32 s30, s2;
	_ =	strace $0x80000065  }
0xe: {  	s23 =	sshrl.u32 s8, $0x3;
	s11 =	sadd.s32 s7, s6;
	s7 =	sshrl.u32 s25, $0x3  }
0xf: {  	s12 =	sadd.s32 s23, s6;
	s13 =	sadd.s32 s7, s6;
	s6 =	sor.u32 $0x1C02, s31  }
0x10: {  	s7 =	sadd.s32 $0x2A1A00, s9;
	s8 =	sadd.s32 $0x8A00, s11;
	s9 =	sadd.s32 $0x12A00, s12  }
0x11: {  	s11 =	smax.u32 s14, $0x1;
	s12 =	sshrl.u32 s15, $0x3;
	s14 =	simm.s32 $0x2800  }
0x12: {  	s15 =	simm.s32 $0x80;
	s10 =	sadd.s32 $0x1A4200, s13;
	s13 =	simm.s32 $0x2  }
.LBB2_1:
0x13: {  	[spmem:s12], [sflag:s6] =	dma.local [hbm:s5], $0x2780  }
0x14: {  	_ =	swait.ge [sflag:s13], $0x2780  }
0x15: {  	[sflag:s13] =	ssyncset.done $0x0  }
0x16: {  	[sflag:s13] =	ssyncadd.s32 $0xFFFFD880  }
0x17: {  	[tilespmem:s3], [sflag:$0x2] =	stream.linear.gather [hbm4b:s8+s3], $0x2800, $0x38;
	[tilespmem:$0x1F400] =	vst v63  }
0x18: {  	_ =	swait.ge [sflag:s13], $0x2800  }
0x19: {  	[sflag:s13] =	ssyncset.done $0x0  }
0x1a: {  	[sflag:s13] =	ssyncadd.s32 $0xFFFFD800  }
0x1b: {  	[tilespmem:s14], [sflag:$0x2] =	stream.linear.gather [hbm4b:s7+s3], $0x2800, $0x38;
	[tilespmem:$0x1F400] =	vst v63  }
0x1c: {  	_ =	swait.ge [sflag:s13], $0x2800  }
0x1d: {  	[sflag:s13] =	ssyncset.done $0x0  }
0x1e: {  	[sflag:s13] =	ssyncadd.s32 $0xFFFFD800  }
0x1f: {  	[tilespmem:s17], [sflag:$0x2] =	stream.strided.gather [hbm4b:s9+s15], $0x2800, s16, s15, $0x38;
	[tilespmem:$0x1F400] =	vst v63  }
0x20: {  	_ =	swait.ge [sflag:s13], $0x2800  }
0x21: {  	[sflag:s13] =	ssyncset.done $0x0  }
0x22: {  	[sflag:s13] =	ssyncadd.s32 $0xFFFFD800  }
0x23: {  	s23 =	simm.s32 $0x0;
	s24 =	simm.s32 $0x0;
	[bflag:$0x0] =	sbarrier.arrive $0xFFFF  }
.LBB2_2:
0x24: {  	s25 =	sshll.u32 s24, $0x7  }
0x25: {  	[tilespmem:s18], [sflag:$0x1] =	stream.indirect.gather [hbm4b:s4+s15], $0x80, s25, s15, $0xb8;
	[tilespmem:$0x1F400] =	vst v63  }
0x26: {  	s26 =	sadd.s32 $0x0, s23;
	_ =	swait.ge [sflag:s19], $0x4000  }
0x27: {  	v0 =	vmov s26;
	[sflag:s19] =	ssyncset.done $0x0  }
0x28: {  	s26 =	simm.s32 $0x7840;
	[sflag:s19] =	ssyncadd.s32 $0xFFFFC000  }
0x29: {  	v4 =	vld [tilespmem:s26+$0x30]  }
0x2a: {  	v7 =	vld [tilespmem:s26+$0x10]  }
0x2b: {  	v5 =	vld [tilespmem:s26+$0xFFFFFFC0]  }
0x2c: {  	v1 =	vld.idx.msk [tilespmem:v0+s17+$0x0], $0xffff  }
0x2d: {  	v9 =	vld [tilespmem:s26+$0xFFFFFFE0]  }
0x2e: {  	v2 =	vld [tilespmem:s26+$0x20]  }
0x2f: {  	v3 =	vld [tilespmem:s26+$0xFFFFFFD0]  }
0x30: {  	v0 =	vld [tilespmem:s26+$0xFFFFFFF0]  }
0x31: {  	v8 =	vmul.f32 v4, v1;
	v4 =	vld [tilespmem:s26+$0x0]  }
0x32: {  	v6 =	vmul.f32 v5, v1  }
0x33: {  	s28 =	simm.s32 $0x1;
	s29 =	simm.s32 $0x7840;
	v5 =	vmul.f32 v9, v1;
	v7 =	vmul.f32 v7, v1  }
.LBB2_3:
0x34: {  	p0 =	sne.s32 s28, $0x7F  }
0x35: {  	v3 =	vmul.f32 v3, v1;
	v2 =	vmul.f32 v2, v1;
	[tilespmem:s26+$0x30] =	vst v8;
	s29 =	sadd.s32 $0x80, s29;
	s30 =	smov.u32 s28;
	s28 =	sadd.s32 $0x1, s28  }
0x36: {  	[tilespmem:s26+$0xFFFFFFC0] =	vst v6;
	v6 =	vmul.f32 v0, v1;
	v1 =	vmul.f32 v4, v1  }
0x37: {  	s30 =	sadd.s32 s30, s23;
	[tilespmem:s26+$0x10] =	vst v7  }
0x38: {  	v4 =	vmov s30;
	[tilespmem:s26+$0xFFFFFFE0] =	vst v5  }
0x39: {  	v0 =	vld [tilespmem:s29+$0xFFFFFFF0];
	[tilespmem:s26+$0xFFFFFFF0] =	vst v6  }
0x3a: {  	v5 =	vld [tilespmem:s29+$0x30];
	[tilespmem:s26+$0x0] =	vst v1  }
0x3b: {  	v7 =	vld [tilespmem:s29+$0x10];
	[tilespmem:s26+$0x20] =	vst v2  }
0x3c: {  	v6 =	vld [tilespmem:s29+$0xFFFFFFC0];
	[tilespmem:s26+$0xFFFFFFD0] =	vst v3;
	s26 =	smov.u32 s29  }
0x3d: {  	v1 =	vld.idx.msk [tilespmem:v4+s17+$0x0], $0xffff  }
0x3e: {  	v9 =	vld [tilespmem:s29+$0xFFFFFFE0]  }
0x3f: {  	v2 =	vld [tilespmem:s29+$0x20]  }
.Ltmp0:
0x40: {  	v3 =	vld [tilespmem:s29+$0xFFFFFFD0];
	(pc) =	sbr.rel @p0 .LBB2_3-.Ltmp0, $3  }
0x41: {  	v4 =	vld [tilespmem:s29+$0x0];
	_ =	sdelay $0x1  }
0x42: {  	v6 =	vmul.f32 v6, v1;
	v8 =	vmul.f32 v5, v1  }
0x43: {  	v7 =	vmul.f32 v7, v1;
	v5 =	vmul.f32 v9, v1  }
0x44: {  	[tilespmem:s26+$0x30] =	vst v8  }
0x45: {  	[tilespmem:s26+$0xFFFFFFC0] =	vst v6  }
0x46: {  	v0 =	vmul.f32 v0, v1;
	[tilespmem:s26+$0x10] =	vst v7  }
0x47: {  	v2 =	vmul.f32 v2, v1;
	[tilespmem:s26+$0xFFFFFFE0] =	vst v5  }
0x48: {  	v63 =	vmul.f32 v3, v1;
	[tilespmem:s26+$0xFFFFFFF0] =	vst v0  }
0x49: {  	s24 =	sadd.s32 $0x1, s24;
	v4 =	vmul.f32 v4, v1;
	[tilespmem:s26+$0x20] =	vst v2  }
0x4a: {  	p0 =	sne.s32 s24, $0x50;
	[tilespmem:s26+$0xFFFFFFD0] =	vst v63  }
.Ltmp1:
0x4b: {  	s25 =	sadd.s32 $0x2800, s25;
	[tilespmem:s26+$0x0] =	vst v4;
	(pc) =	sbr.rel @p0 .LBB2_2-.Ltmp1, $4  }
0x4c: {  	[spmem:s2] =	stream.indirect.scatter.add.f32 [tilespmem:s18], [sflag:$0x2], $0x80, s25, s15, $0xb8;
	[tilespmem:$0x1F400] =	vst v63  }
0x4d: {  	_ =	swait.ge [sflag:s13], $0x4000  }
0x4e: {  	[sflag:s13] =	ssyncset.done $0x0  }
0x4f: {  	s23 =	sadd.s32 $0x80, s23;
	[sflag:s13] =	ssyncadd.s32 $0xFFFFC000  }
0x50: {  	s22 =	sadd.s32 $0x1, s22  }
0x51: {  	p0 =	sne.s32 s22, s11  }
.Ltmp2:
0x52: {  	[bflag:$0x0] =	sbarrier.arrive $0xFFFF;
	(pc) =	sbr.rel @p0 .LBB2_1-.Ltmp2, $4  }
0x53: {  	[hbm:s10@s21], [sflag:s6] =	dma.strided [spmem:s12@s15], $0x2780, s20, $0x10   }
0x54: {  	_ =	swait.ge [sflag:s13], $0x2780  }
0x55: {  	[sflag:s13] =	ssyncset.done $0x0  }
0x56: {  	[sflag:s13] =	ssyncadd.s32 $0xFFFFD880  }
0x57: {  	_ =	sfence.sel $0x180000  }
0x58: {  	[bflag:$0x0] =	sbarrier.arrive $0xFFFF  }
0x59: {  	p0 =	sne.s32 s1, $0x0;
	_ =	strace $0x90000065  }
0x5a: {  	s0 =	sadd.s32 @!p0 $0x100000, s0;
	[bflag:$0x2] =	sbarrier.arrive $0xFFFF  }
0x5b: {  	[sflag:s0] =	ssyncadd.tile.s32 @!p0 $0x1;
	_ =	shalt  }
.Lfunc_end2:
_tile_overlayer_lowered:
.L_overlay_start_2:
0x5c: {  	(tag) =	ssettag $0x2  }
0x5d: {  	s0 =	rddreg [dreg:$0x0];
	s2 =	stileid.u32  }
0x5e: {  	s1 =	rddreg [dreg:$0x1];
	p0 =	sne.s32 s2, $0x0  }
0x5f: {  	s3 =	rddreg [dreg:$0x2];
	[bflag:$0x3] =	sbarrier.arrive $0xFFFF;
	s2 =	simm.s32 @!p0 $0x1C02  }
0x60: {  	[timem:s3], [sflag:s2] =	dma.local @!p0 [hbm:s0], s1  }
0x61: {  	s0 =	simm.s32 @!p0 $0x2  }
0x62: {  	_ =	swait.ge @!p0 [sflag:s0], s1  }
0x63: {  	s1 =	ssub.s32 @!p0 $0x0, s1;
	[sflag:s0] =	ssyncset.done @!p0 $0x0  }
0x64: {  	[sflag:s0] =	ssyncadd.s32 @!p0 s1  }
0x65: {  	[bflag:$0x3] =	sbarrier.arrive $0xFFFF  }
0x66: {  	_ =	shalt  }

// kernel: kernel.53.cloned.1.call-start
scs
__scs_entry_jumppad:
0x0: {  	(pc) =	sbr.rel $0x88, $3  }
0x1: {  	(tag) =	ssettag $0x0;
	lr =	simm.s32 $0x1  }
0x2: {  	[smem:$0x3F81] =	sst lr;
	_ =	strace $0xD0000000  }
0x3: {  	_ = 	snop  }
0x4: {  	_ = 	snop  }
0x5: {  	_ = 	snop  }
0x6: {  	_ = 	snop  }
0x7: {  	_ = 	snop  }
__scs_overlays_trampoline_lowered:
0x8: {  	[smem:$0x3F90] =	sst s0  }
0x9: {  	[smem:$0x3F91] =	sst s1  }
0xa: {  	[smem:$0x3F92] =	sst s2  }
0xb: {  	[smem:$0x3F93] =	sst s3  }
0xc: {  	[smem:$0x3F94] =	sst s4  }
0xd: {  	[smem:$0x3F95] =	sst s5  }
0xe: {  	[smem:$0x3F96] =	sst s6  }
0xf: {  	[smem:$0x3F97] =	sst s7  }
0x10: {  	[smem:$0x3F98] =	sst s8  }
0x11: {  	[smem:$0x3F99] =	sst s9;
	s0 =	simm.s32 @!p0 $0x0  }
0x12: {  	s1 =	sld [smem:$0x3F7F];
	s0 =	simm.s32 @p0 $0x1  }
0x13: {  	[smem:$0x3F9A] =	sst s0;
	s0 =	simm.s32 @!p1 $0x0  }
0x14: {  	s2 =	sld [smem:$0x3F7E];
	s0 =	simm.s32 @p1 $0x1  }
0x15: {  	[smem:$0x3F9B] =	sst s0;
	s0 =	simm.s32 @!p2 $0x0  }
0x16: {  	s3 =	sld [smem:$0x3FDB];
	s0 =	simm.s32 @p2 $0x1  }
0x17: {  	s4 =	simm.s32 $0x1BF5;
	[smem:$0x3F9D] =	sst s0  }
0x18: {  	s0 =	sld [smem:$0x3F80];
	_ =	swait.ge [sflag:s4], $0x0  }
0x19: {  	s7 =	sld [smem:$0x3F81]  }
0x1a: {  	s8 =	sadd.s32 $0xFFFFE003, lr  }
0x1b: {  	s9 =	sadd.s32 $0xFFFFFEF7, lr;
	s5 =	simm.s32 $0xFFFFFFFF;
	p2 =	slt.u32 s8, $0xFFFFF086  }
0x1c: {  	p1 =	slt.u32 s9, $0xF7A;
	s5 =	simm.s32 @!p2 $0x0  }
0x1d: {  	s5 =	simm.s32 @p1 $0x1;
	p0 =	seq.s32 s7, s2  }
0x1e: {  	s7 =	smul.u32 @!p0 $0xF7A, s2;
	p2 =	seq.s32 @!p0 s5, $0x0  }
0x1f: {  	s9 =	smul.u32 $0xF7A, s1;
	s8 =	simm.s32 @!p0 $0x1BF5;
	p2 =	por !p2, p0  }
0x20: {  	[sflag:s8] =	ssyncset.s32 @!p0 $0xFFFFF086;
	s6 =	sadd.s32 @!p0 s3, s7;
	s7 =	simm.s32 @!p0 $0x108  }
0x21: {  	s3 =	sadd.s32 s3, s9;
	s6 =	sadd.s32 @!p0 $0x88, s6;
	s7 =	simm.s32 @p2 $0x1082  }
0x22: {  	[simem:s7], [sflag:s8] =	dma.local @!p0 [hbm:s6], $0xF7A  }
0x23: {  	s9 =	sor.u32 $0xD0000000, s2;
	s6 =	simm.s32 $0x108;
	_ =	swait.ge @!p0 [sflag:s8], $0x0  }
0x24: {  	s3 =	sadd.s32 $0x88, s3;
	s6 =	simm.s32 @!p1 $0x1082;
	[sflag:s4] =	ssyncset.s32 $0xFFFFF086  }
0x25: {  	[simem:s6], [sflag:s4] =	dma.local [hbm:s3], $0xF7A  }
0x26: {  	[smem:$0x3F81] =	sst s1;
	(tag) =	ssettag s2;
	_ =	strace s9  }
0x27: {  	s1 =	sld [smem:$0x3F91]  }
0x28: {  	s2 =	sld [smem:$0x3F92]  }
0x29: {  	s4 =	sld [smem:$0x3F94]  }
0x2a: {  	p0 =	seq.s32 s5, $0x0;
	s5 =	sld [smem:$0x3F95]  }
0x2b: {  	s6 =	sld [smem:$0x3F96]  }
0x2c: {  	s7 =	sld [smem:$0x3F97]  }
0x2d: {  	s3 =	simm.s32 $0x108;
	s8 =	sld [smem:$0x3F98]  }
0x2e: {  	s3 =	simm.s32 @!p0 $0x1082;
	s9 =	sld [smem:$0x3F99]  }
0x2f: {  	lr =	sadd.s32 s0, s3;
	s0 =	sld [smem:$0x3F90]  }
0x30: {  	s3 =	sld [smem:$0x3F93]  }
0x31: {  	[smem:$0x3F9C] =	sst s10  }
0x32: {  	s10 =	sld [smem:$0x3F9A];
	_ =	sdelay $0x3  }
0x33: {  	p0 =	seq.s32 s10, $0x1;
	s10 =	sld [smem:$0x3F9C];
	_ =	sdelay $0x3  }
0x34: {  	[smem:$0x3F9C] =	sst s10  }
0x35: {  	s10 =	sld [smem:$0x3F9B];
	_ =	sdelay $0x3  }
0x36: {  	p1 =	seq.s32 s10, $0x1;
	s10 =	sld [smem:$0x3F9C];
	_ =	sdelay $0x3  }
0x37: {  	[smem:$0x3F9C] =	sst s10  }
0x38: {  	s10 =	sld [smem:$0x3F9D]  }
0x39: {  	_ = 	snop;
	(pc) =	sbr.ind lr, $3  }
0x3a: {  	_ = 	snop  }
0x3b: {  	_ = 	snop  }
0x3c: {  	p2 =	seq.s32 s10, $0x1;
	s10 =	sld [smem:$0x3F9C]  }
0x3d: {  	_ =	shalt  }
0x3e: {  	_ =	shalt  }
0x3f: {  	_ =	shalt  }
0x40: {  	_ =	shalt  }
0x41: {  	_ =	shalt  }
0x42: {  	_ =	shalt  }
0x43: {  	_ =	shalt  }
0x44: {  	_ =	shalt  }
0x45: {  	_ =	shalt  }
0x46: {  	_ =	shalt  }
0x47: {  	_ =	shalt  }
0x48: {  	_ =	shalt  }
0x49: {  	_ =	shalt  }
0x4a: {  	_ =	shalt  }
0x4b: {  	_ =	shalt  }
0x4c: {  	_ =	shalt  }
0x4d: {  	_ =	shalt  }
0x4e: {  	_ =	shalt  }
0x4f: {  	_ =	shalt  }
0x50: {  	_ =	shalt  }
0x51: {  	_ =	shalt  }
0x52: {  	_ =	shalt  }
0x53: {  	_ =	shalt  }
0x54: {  	_ =	shalt  }
0x55: {  	_ =	shalt  }
0x56: {  	_ =	shalt  }
0x57: {  	_ =	shalt  }
0x58: {  	_ =	shalt  }
0x59: {  	_ =	shalt  }
0x5a: {  	_ =	shalt  }
0x5b: {  	_ =	shalt  }
0x5c: {  	_ =	shalt  }
0x5d: {  	_ =	shalt  }
0x5e: {  	_ =	shalt  }
0x5f: {  	_ =	shalt  }
0x60: {  	_ =	shalt  }
0x61: {  	_ =	shalt  }
0x62: {  	_ =	shalt  }
0x63: {  	_ =	shalt  }
0x64: {  	_ =	shalt  }
0x65: {  	_ =	shalt  }
0x66: {  	_ =	shalt  }
0x67: {  	_ =	shalt  }
0x68: {  	_ =	shalt  }
0x69: {  	_ =	shalt  }
0x6a: {  	_ =	shalt  }
0x6b: {  	_ =	shalt  }
0x6c: {  	_ =	shalt  }
0x6d: {  	_ =	shalt  }
0x6e: {  	_ =	shalt  }
0x6f: {  	_ =	shalt  }
0x70: {  	_ =	shalt  }
0x71: {  	_ =	shalt  }
0x72: {  	_ =	shalt  }
0x73: {  	_ =	shalt  }
0x74: {  	_ =	shalt  }
0x75: {  	_ =	shalt  }
0x76: {  	_ =	shalt  }
0x77: {  	_ =	shalt  }
0x78: {  	_ =	shalt  }
0x79: {  	_ =	shalt  }
0x7a: {  	_ =	shalt  }
0x7b: {  	_ =	shalt  }
0x7c: {  	_ =	shalt  }
0x7d: {  	_ =	shalt  }
0x7e: {  	_ =	shalt  }
0x7f: {  	_ =	shalt  }
0x80: {  	_ =	shalt  }
0x81: {  	_ =	shalt  }
0x82: {  	_ =	shalt  }
0x83: {  	_ =	shalt  }
0x84: {  	_ =	shalt  }
0x85: {  	_ =	shalt  }
0x86: {  	_ =	shalt  }
0x87: {  	_ =	shalt  }
.Lfunc_end0:
.L_simem_size_0:
called_computation.10_lowered:
.L_overlay_start_0:
0x88: {  	s2 =	sld [smem:$0x3FD9]  }
0x89: {  	s3 =	sld [smem:$0x3FFE];
	_ =	sdelay $0x1  }
0x8a: {  	s1 =	srdreg.scid  }
0x8b: {  	s0 =	sand.u32 $0x1, s1  }
0x8c: {  	s16 =	sshll.u32 s0, $0xA;
	s2 =	sadd.s32 s3, s2  }
0x8d: {  	s2 =	sadd.s32 s2, s16  }
0x8e: {  	[smem:$0x3FA8] =	sst s2  }
0x8f: {  	_ = 	snop  }
0x90: {  	(tm) =	ssettm $0x1  }
0x91: {  	s17 =	sld [smem:$0x3FFB];
	_ =	sdelay $0x3  }
0x92: {  	_ =	strace s17  }
0x93: {  	s2 =	sld [smem:$0x3FFC];
	_ =	sdelay $0x3  }
0x94: {  	_ =	strace s2  }
0x95: {  	s2 =	sld [smem:$0x3FFD];
	_ =	sdelay $0x3  }
0x96: {  	_ =	strace s2  }
0x97: {  	_ =	strace $0x8FFFFFFF  }
0x98: {  	s18 =	sld [smem:$0x3FDB];
	_ =	sdelay $0x1  }
0x99: {  	s19 =	simm.s32 $_scs_section_size  }
0x9a: {  	s4 =	simm.s32 $_size__tile_overlayer_lowered;
	s5 =	simm.s32 $_tile_overlayer_lowered  }
0x9b: {  	s22 =	simm.s32 $0x1BFF;
	s21 =	sshll.u32 s5, $0x1;
	s2 =	sadd.s32 s19, s18  }
0x9c: {  	s6 =	simm.s32 $0x0;
	s20 =	sshll.u32 s4, $0x1;
	s4 =	sadd.s32 s21, s2  }
0x9d: {  	[timem:s6], [sflag:s22] =	dma.local [hbm:s4], s20  }
0x9e: {  	_ =	swait.ge [sflag:s22], s20  }
0x9f: {  	s3 =	ssub.s32 $0x0, s20;
	[sflag:s22] =	ssyncset.done $0x0  }
0xa0: {  	[sflag:s22] =	ssyncadd.s32 s3;
	_ =	sdelay $0x1  }
0xa1: {  	s23 =	simm.s32 $0x1B8B  }
0xa2: {  	_ =	swait.ge [sflag:s23], $0x1  }
0xa3: {  	[sflag:s23] =	ssyncset.done $0x0  }
0xa4: {  	s25 =	simm.s32 $0x1B8E;
	s24 =	sld [smem:$0x3FFE];
	[sflag:s23] =	ssyncadd.s32 $0xFFFFFFFF  }
0xa5: {  	s26 =	simm.s32 $execute0_lowered;
	[smem:$0x3FD2] =	sst s25  }
0xa6: {  	s4 =	sshll.u32 s26, $0x1;
	_ =	strace $0x80000061;
	[dreg:$0x1] =	wrdreg $0xFFFFFFFF  }
0xa7: {  	s28 =	simm.s32 $_size_execute0_lowered;
	s2 =	sadd.s32 s2, s4;
	[dreg:$0x0] =	wrdreg $0x0  }
0xa8: {  	s4 =	sshll.u32 s28, $0x1;
	[dreg:$0x2] =	wrdreg s2  }
0xa9: {  	[dreg:$0x3] =	wrdreg s4  }
0xaa: {  	[dreg:$0x4] =	wrdreg $0xC0  }
0xab: {  	_ =	task [dreg:s6], $0x5FFFF  }
0xac: {  	[dreg:$0x1] =	wrdreg $0xFFFFFFFF  }
0xad: {  	[dreg:$0x0] =	wrdreg $0x60  }
0xae: {  	[dreg:$0x2] =	wrdreg s24  }
0xaf: {  	[dreg:$0x3] =	wrdreg $0x68000  }
0xb0: {  	[dreg:$0x4] =	wrdreg $0xA  }
0xb1: {  	_ =	task.clear_ibuf [dreg:s6], $0x5FFFF;
	_ =	strace $0x90000061  }
0xb2: {  	s29 =	simm.s32 $0xA;
	_ =	strace $0x80000063  }
0xb3: {  	_ =	swait.ge [sflag:s29], $0x1  }
0xb4: {  	[sflag:s29] =	ssyncadd.s32 $0xFFFFFFFF  }
0xb5: {  	_ =	strace $0x90000063  }
0xb6: {  	_ =	sfence  }
0xb7: {  	s30 =	sld [smem:$0x0];
	_ =	sdelay $0x2  }
0xb8: {  	s31 =	sshll.u32 s1, $0xD;
	s1 =	sshrl.u32 s1, $0x2  }
0xb9: {  	s3 =	sand.u32 $0x4000, s31;
	s1 =	sadd.s32 s1, s30  }
0xba: {  	s0 =	sor.u32 s3, s0;
	s1 =	sshll.u32 s1, $0x11  }
0xbb: {  	s0 =	sor.u32 s1, s0  }
0xbc: {  	s0 =	sadd.s32 $0x8F2B, s0  }
0xbd: {  	[sflag:s0] =	ssyncadd.remote.s32 $0x1  }
0xbe: {  	_ =	sfence.sel $0xFFFF  }
0xbf: {  	[dreg:$0x0] =	wrdreg $0xFFFFFFFF;
	(pc) =	sbr.abs _section_cstart, $3  }
0xc0: {  	[dreg:$0x1] =	wrdreg $0xFFFFFFFF  }
0xc1: {  	_ =	task.clear_ibuf [dreg:s6], $0x2FFFF;
	_ =	strace $0x9FFFFFFF  }
0xc2: {  	(tm) =	ssettm $0x7FFFFFFF  }
0xc3: {  	_ =	shalt  }
tec
execute0_lowered:
.L_overlay_start_1:
0x0: {  	(tag) =	ssettag $0x1  }
0x1: {  	s1 =	srdreg.scid  }
0x2: {  	s0 =	stileid.u32;
	s6 =	rddreg [dreg:$0x0]  }
0x3: {  	s2 =	rddreg [dreg:$0x1];
	s13 =	simm.s32 $0x80;
	s14 =	simm.s32 $0x400  }
0x4: {  	s15 =	simm.s32 $0x1400;
	s16 =	simm.s32 $0x0;
	s26 =	smul.u32 $0x13C00, s0  }
0x5: {  	s5 =	sand.u32 $0x1, s1;
	s7 =	sshrl.u32 s0, $0x2;
	s29 =	smul.u32 $0x4F000, s0  }
0x6: {  	s25 =	sshll.u32 s0, $0x1;
	s1 =	rddreg [dreg:$0x2];
	s7 =	smul.u32 $0xA000, s7  }
0x7: {  	s31 =	sshll.u32 s0, $0x6;
	s3 =	sor.u32 s5, s25;
	s9 =	smul.u32 $0x13C000, s5  }
0x8: {  	s5 =	ssub.s32 $0x2, s5;
	s4 =	smul.u32 $0x280, s3;
	s8 =	sshll.u32 s3, $0x7  }
0x9: {  	s3 =	simm.s32 $0x0;
	s30 =	sshrl.u32 s5, $0x1;
	s8 =	sand.u32 $0x380, s8  }
0xa: {  	[smem:$0x7FF] =	sst s3;
	s11 =	ssub.s32 s5, s30;
	s5 =	sor.u32 $0x1C01, s31  }
0xb: {  	s7 =	sor.u32 s7, s8;
	_ =	strace $0x80000062;
	s10 =	sadd.s32 s4, s6  }
0xc: {  	s8 =	sadd.s32 s26, s9;
	s4 =	sadd.s32 $0x2A6A00, s6;
	s9 =	sshrl.u32 s29, $0x2  }
0xd: {  	s28 =	sshrl.u32 s7, $0x3;
	s8 =	sshrl.u32 s8, $0x3;
	s12 =	sadd.s32 s9, s2  }
0xe: {  	s9 =	smax.u32 s11, $0x1;
	s11 =	simm.s32 $0x1;
	s7 =	sadd.s32 s28, s6  }
0xf: {  	s8 =	sadd.s32 s8, s6;
	s6 =	sadd.s32 $0x2A1A00, s10;
	s10 =	sshrl.u32 s12, $0x3  }
0x10: {  	s12 =	simm.s32 $0x2800;
	s7 =	sadd.s32 $0x3A00, s7;
	s8 =	sadd.s32 $0x155200, s8  }
.LBB2_1:
0x11: {  	[spmem:s10], [sflag:s5] =	dma.local [hbm:s4], $0x2780  }
0x12: {  	_ =	swait.ge [sflag:s11], $0x2780  }
0x13: {  	[sflag:s11] =	ssyncset.done $0x0  }
0x14: {  	[sflag:s11] =	ssyncadd.s32 $0xFFFFD880  }
0x15: {  	[tilespmem:s12], [sflag:$0x1] =	stream.linear.gather [hbm4b:s4+s3], $0x4000, $0x38;
	[tilespmem:$0x1A400] =	vst v63  }
0x16: {  	_ =	swait.ge [sflag:s11], $0x4000  }
0x17: {  	[sflag:s11] =	ssyncset.done $0x0  }
0x18: {  	[sflag:s11] =	ssyncadd.s32 $0xFFFFC000  }
0x19: {  	[tilespmem:s3], [sflag:$0x1] =	stream.linear.gather [hbm4b:s6+s3], $0x1400, $0x38;
	[tilespmem:$0x1A400] =	vst v63  }
0x1a: {  	_ =	swait.ge [sflag:s11], $0x1400  }
0x1b: {  	[sflag:s11] =	ssyncset.done $0x0  }
0x1c: {  	[sflag:s11] =	ssyncadd.s32 $0xFFFFEC00  }
0x1d: {  	[tilespmem:s15], [sflag:$0x1] =	stream.strided.gather [hbm4b:s7+s13], $0x1400, s14, s13, $0x38;
	[tilespmem:$0x1A400] =	vst v63  }
0x1e: {  	_ =	swait.ge [sflag:s11], $0x1400  }
0x1f: {  	[sflag:s11] =	ssyncset.done $0x0  }
0x20: {  	[sflag:s11] =	ssyncadd.s32 $0xFFFFEC00  }
0x21: {  	s17 =	simm.s32 $0x0;
	s18 =	simm.s32 $0x0;
	[bflag:$0x0] =	sbarrier.arrive $0xFFFF  }
.LBB2_2:
0x22: {  	v0 =	vmov s17;
	_ =	sdelay $0x4  }
0x23: {  	s19 =	sshll.u32 s18, $0x7;
	s20 =	sadd.s32 $0x1, s17;
	v0 =	vld.idx.msk [tilespmem:v0+s15+$0x0], $0xffff  }
0x24: {  	s21 =	simm.s32 $0x0;
	s22 =	simm.s32 $0x200;
	s23 =	simm.s32 $0x400;
	v1 =	vmov s20  }
.LBB2_3:
0x25: {  	p0 =	sne.s32 s23, $0xFE00;
	_ =	sdelay $0x1  }
.Ltmp0:
0x26: {  	s24 =	sshra.s32 s21, $0x2;
	s21 =	smov.u32 s22;
	(pc) =	sbr.rel @p0 .LBB2_3-.Ltmp0, $4  }
0x27: {  	s22 =	smov.u32 s23;
	[tilespmem:s24+$0x2800] =	vst v0  }
0x28: {  	v0 =	vld.idx.msk [tilespmem:v1+s15+$0x0], $0xffff  }
0x29: {  	s20 =	sadd.s32 $0x1, s20  }
0x2a: {  	s23 =	sadd.s32 $0x200, s23;
	v1 =	vmov s20  }
0x2b: {  	_ =	sdelay $0x1  }
0x2c: {  	s20 =	sshra.s32 s21, $0x2  }
0x2d: {  	[tilespmem:s20+$0x2800] =	vst v0  }
0x2e: {  	v0 =	vld.idx.msk [tilespmem:v1+s15+$0x0], $0xffff;
	_ =	sdelay $0x2  }
0x2f: {  	s18 =	sadd.s32 $0x1, s18  }
0x30: {  	s31 =	sshra.s32 s22, $0x2;
	p0 =	sne.s32 s18, $0x28  }
.Ltmp1:
0x31: {  	[tilespmem:s31+$0x2800] =	vst v0;
	(pc) =	sbr.rel @p0 .LBB2_2-.Ltmp1, $4  }
0x32: {  	[spmem:s2] =	stream.indirect.scatter.add.f32 [tilespmem:s12], [sflag:$0x1], $0x80, s19, s13, $0xb8;
	[tilespmem:$0x1A400] =	vst v63  }
0x33: {  	_ =	swait.ge [sflag:s11], $0x4000  }
0x34: {  	[sflag:s11] =	ssyncset.done $0x0  }
0x35: {  	s17 =	sadd.s32 $0x80, s17;
	[sflag:s11] =	ssyncadd.s32 $0xFFFFC000  }
0x36: {  	s16 =	sadd.s32 $0x1, s16  }
0x37: {  	p0 =	sne.s32 s16, s9  }
.Ltmp2:
0x38: {  	[bflag:$0x0] =	sbarrier.arrive $0xFFFF;
	(pc) =	sbr.rel @p0 .LBB2_1-.Ltmp2, $4  }
0x39: {  	[hbm:s8], [sflag:s5] =	dma.local [spmem:s10], $0x2780  }
0x3a: {  	_ =	swait.ge [sflag:s11], $0x2780  }
0x3b: {  	[sflag:s11] =	ssyncset.done $0x0  }
0x3c: {  	[sflag:s11] =	ssyncadd.s32 $0xFFFFD880  }
0x3d: {  	_ =	sfence.sel $0x180000  }
0x3e: {  	[bflag:$0x0] =	sbarrier.arrive $0xFFFF  }
0x3f: {  	p0 =	sne.s32 s0, $0x0;
	_ =	strace $0x90000062  }
0x40: {  	s0 =	sadd.s32 @!p0 $0x100000, s1;
	[bflag:$0x2] =	sbarrier.arrive $0xFFFF  }
0x41: {  	[sflag:s0] =	ssyncadd.tile.s32 @!p0 $0x1;
	_ =	shalt  }
.Lfunc_end2:
_tile_overlayer_lowered:
.L_overlay_start_2:
0x42: {  	(tag) =	ssettag $0x2  }
0x43: {  	s0 =	rddreg [dreg:$0x0];
	s2 =	stileid.u32  }
0x44: {  	s1 =	rddreg [dreg:$0x1];
	p0 =	sne.s32 s2, $0x0  }
0x45: {  	s3 =	rddreg [dreg:$0x2];
	[bflag:$0x3] =	sbarrier.arrive $0xFFFF;
	s2 =	simm.s32 @!p0 $0x1C01  }
0x46: {  	[timem:s3], [sflag:s2] =	dma.local @!p0 [hbm:s0], s1  }
0x47: {  	s0 =	simm.s32 @!p0 $0x1  }
0x48: {  	_ =	swait.ge @!p0 [sflag:s0], s1  }
0x49: {  	s1 =	ssub.s32 @!p0 $0x0, s1;
	[sflag:s0] =	ssyncset.done @!p0 $0x0  }
0x4a: {  	[sflag:s0] =	ssyncadd.s32 @!p0 s1  }
0x4b: {  	[bflag:$0x3] =	sbarrier.arrive $0xFFFF  }
0x4c: {  	_ =	shalt  }

// kernel: kernel.56.cloned.1.call-start
scs
__scs_entry_jumppad:
0x0: {  	(pc) =	sbr.rel $0x88, $3  }
0x1: {  	(tag) =	ssettag $0x0;
	lr =	simm.s32 $0x1  }
0x2: {  	[smem:$0x3F81] =	sst lr;
	_ =	strace $0xD0000000  }
0x3: {  	_ = 	snop  }
0x4: {  	_ = 	snop  }
0x5: {  	_ = 	snop  }
0x6: {  	_ = 	snop  }
0x7: {  	_ = 	snop  }
__scs_overlays_trampoline_lowered:
0x8: {  	[smem:$0x3F90] =	sst s0  }
0x9: {  	[smem:$0x3F91] =	sst s1  }
0xa: {  	[smem:$0x3F92] =	sst s2  }
0xb: {  	[smem:$0x3F93] =	sst s3  }
0xc: {  	[smem:$0x3F94] =	sst s4  }
0xd: {  	[smem:$0x3F95] =	sst s5  }
0xe: {  	[smem:$0x3F96] =	sst s6  }
0xf: {  	[smem:$0x3F97] =	sst s7  }
0x10: {  	[smem:$0x3F98] =	sst s8  }
0x11: {  	[smem:$0x3F99] =	sst s9;
	s0 =	simm.s32 @!p0 $0x0  }
0x12: {  	s1 =	sld [smem:$0x3F7F];
	s0 =	simm.s32 @p0 $0x1  }
0x13: {  	[smem:$0x3F9A] =	sst s0;
	s0 =	simm.s32 @!p1 $0x0  }
0x14: {  	s2 =	sld [smem:$0x3F7E];
	s0 =	simm.s32 @p1 $0x1  }
0x15: {  	[smem:$0x3F9B] =	sst s0;
	s0 =	simm.s32 @!p2 $0x0  }
0x16: {  	s3 =	sld [smem:$0x3FDB];
	s0 =	simm.s32 @p2 $0x1  }
0x17: {  	s4 =	simm.s32 $0x1BF5;
	[smem:$0x3F9D] =	sst s0  }
0x18: {  	s0 =	sld [smem:$0x3F80];
	_ =	swait.ge [sflag:s4], $0x0  }
0x19: {  	s7 =	sld [smem:$0x3F81]  }
0x1a: {  	s8 =	sadd.s32 $0xFFFFE003, lr  }
0x1b: {  	s9 =	sadd.s32 $0xFFFFFEF7, lr;
	s5 =	simm.s32 $0xFFFFFFFF;
	p2 =	slt.u32 s8, $0xFFFFF086  }
0x1c: {  	p1 =	slt.u32 s9, $0xF7A;
	s5 =	simm.s32 @!p2 $0x0  }
0x1d: {  	s5 =	simm.s32 @p1 $0x1;
	p0 =	seq.s32 s7, s2  }
0x1e: {  	s7 =	smul.u32 @!p0 $0xF7A, s2;
	p2 =	seq.s32 @!p0 s5, $0x0  }
0x1f: {  	s9 =	smul.u32 $0xF7A, s1;
	s8 =	simm.s32 @!p0 $0x1BF5;
	p2 =	por !p2, p0  }
0x20: {  	[sflag:s8] =	ssyncset.s32 @!p0 $0xFFFFF086;
	s6 =	sadd.s32 @!p0 s3, s7;
	s7 =	simm.s32 @!p0 $0x108  }
0x21: {  	s3 =	sadd.s32 s3, s9;
	s6 =	sadd.s32 @!p0 $0x88, s6;
	s7 =	simm.s32 @p2 $0x1082  }
0x22: {  	[simem:s7], [sflag:s8] =	dma.local @!p0 [hbm:s6], $0xF7A  }
0x23: {  	s9 =	sor.u32 $0xD0000000, s2;
	s6 =	simm.s32 $0x108;
	_ =	swait.ge @!p0 [sflag:s8], $0x0  }
0x24: {  	s3 =	sadd.s32 $0x88, s3;
	s6 =	simm.s32 @!p1 $0x1082;
	[sflag:s4] =	ssyncset.s32 $0xFFFFF086  }
0x25: {  	[simem:s6], [sflag:s4] =	dma.local [hbm:s3], $0xF7A  }
0x26: {  	[smem:$0x3F81] =	sst s1;
	(tag) =	ssettag s2;
	_ =	strace s9  }
0x27: {  	s1 =	sld [smem:$0x3F91]  }
0x28: {  	s2 =	sld [smem:$0x3F92]  }
0x29: {  	s4 =	sld [smem:$0x3F94]  }
0x2a: {  	p0 =	seq.s32 s5, $0x0;
	s5 =	sld [smem:$0x3F95]  }
0x2b: {  	s6 =	sld [smem:$0x3F96]  }
0x2c: {  	s7 =	sld [smem:$0x3F97]  }
0x2d: {  	s3 =	simm.s32 $0x108;
	s8 =	sld [smem:$0x3F98]  }
0x2e: {  	s3 =	simm.s32 @!p0 $0x1082;
	s9 =	sld [smem:$0x3F99]  }
0x2f: {  	lr =	sadd.s32 s0, s3;
	s0 =	sld [smem:$0x3F90]  }
0x30: {  	s3 =	sld [smem:$0x3F93]  }
0x31: {  	[smem:$0x3F9C] =	sst s10  }
0x32: {  	s10 =	sld [smem:$0x3F9A];
	_ =	sdelay $0x3  }
0x33: {  	p0 =	seq.s32 s10, $0x1;
	s10 =	sld [smem:$0x3F9C];
	_ =	sdelay $0x3  }
0x34: {  	[smem:$0x3F9C] =	sst s10  }
0x35: {  	s10 =	sld [smem:$0x3F9B];
	_ =	sdelay $0x3  }
0x36: {  	p1 =	seq.s32 s10, $0x1;
	s10 =	sld [smem:$0x3F9C];
	_ =	sdelay $0x3  }
0x37: {  	[smem:$0x3F9C] =	sst s10  }
0x38: {  	s10 =	sld [smem:$0x3F9D]  }
0x39: {  	_ = 	snop;
	(pc) =	sbr.ind lr, $3  }
0x3a: {  	_ = 	snop  }
0x3b: {  	_ = 	snop  }
0x3c: {  	p2 =	seq.s32 s10, $0x1;
	s10 =	sld [smem:$0x3F9C]  }
0x3d: {  	_ =	shalt  }
0x3e: {  	_ =	shalt  }
0x3f: {  	_ =	shalt  }
0x40: {  	_ =	shalt  }
0x41: {  	_ =	shalt  }
0x42: {  	_ =	shalt  }
0x43: {  	_ =	shalt  }
0x44: {  	_ =	shalt  }
0x45: {  	_ =	shalt  }
0x46: {  	_ =	shalt  }
0x47: {  	_ =	shalt  }
0x48: {  	_ =	shalt  }
0x49: {  	_ =	shalt  }
0x4a: {  	_ =	shalt  }
0x4b: {  	_ =	shalt  }
0x4c: {  	_ =	shalt  }
0x4d: {  	_ =	shalt  }
0x4e: {  	_ =	shalt  }
0x4f: {  	_ =	shalt  }
0x50: {  	_ =	shalt  }
0x51: {  	_ =	shalt  }
0x52: {  	_ =	shalt  }
0x53: {  	_ =	shalt  }
0x54: {  	_ =	shalt  }
0x55: {  	_ =	shalt  }
0x56: {  	_ =	shalt  }
0x57: {  	_ =	shalt  }
0x58: {  	_ =	shalt  }
0x59: {  	_ =	shalt  }
0x5a: {  	_ =	shalt  }
0x5b: {  	_ =	shalt  }
0x5c: {  	_ =	shalt  }
0x5d: {  	_ =	shalt  }
0x5e: {  	_ =	shalt  }
0x5f: {  	_ =	shalt  }
0x60: {  	_ =	shalt  }
0x61: {  	_ =	shalt  }
0x62: {  	_ =	shalt  }
0x63: {  	_ =	shalt  }
0x64: {  	_ =	shalt  }
0x65: {  	_ =	shalt  }
0x66: {  	_ =	shalt  }
0x67: {  	_ =	shalt  }
0x68: {  	_ =	shalt  }
0x69: {  	_ =	shalt  }
0x6a: {  	_ =	shalt  }
0x6b: {  	_ =	shalt  }
0x6c: {  	_ =	shalt  }
0x6d: {  	_ =	shalt  }
0x6e: {  	_ =	shalt  }
0x6f: {  	_ =	shalt  }
0x70: {  	_ =	shalt  }
0x71: {  	_ =	shalt  }
0x72: {  	_ =	shalt  }
0x73: {  	_ =	shalt  }
0x74: {  	_ =	shalt  }
0x75: {  	_ =	shalt  }
0x76: {  	_ =	shalt  }
0x77: {  	_ =	shalt  }
0x78: {  	_ =	shalt  }
0x79: {  	_ =	shalt  }
0x7a: {  	_ =	shalt  }
0x7b: {  	_ =	shalt  }
0x7c: {  	_ =	shalt  }
0x7d: {  	_ =	shalt  }
0x7e: {  	_ =	shalt  }
0x7f: {  	_ =	shalt  }
0x80: {  	_ =	shalt  }
0x81: {  	_ =	shalt  }
0x82: {  	_ =	shalt  }
0x83: {  	_ =	shalt  }
0x84: {  	_ =	shalt  }
0x85: {  	_ =	shalt  }
0x86: {  	_ =	shalt  }
0x87: {  	_ =	shalt  }
.Lfunc_end0:
.L_simem_size_0:
called_computation.11_lowered:
.L_overlay_start_0:
0x88: {  	s2 =	sld [smem:$0x3FD9]  }
0x89: {  	s3 =	sld [smem:$0x3FFE];
	_ =	sdelay $0x1  }
0x8a: {  	s1 =	srdreg.scid  }
0x8b: {  	s0 =	sand.u32 $0x1, s1  }
0x8c: {  	s16 =	sshll.u32 s0, $0xA;
	s2 =	sadd.s32 s3, s2  }
0x8d: {  	s2 =	sadd.s32 s2, s16  }
0x8e: {  	[smem:$0x3FA8] =	sst s2  }
0x8f: {  	_ = 	snop  }
0x90: {  	(tm) =	ssettm $0x1  }
0x91: {  	s17 =	sld [smem:$0x3FFB];
	_ =	sdelay $0x3  }
0x92: {  	_ =	strace s17  }
0x93: {  	s2 =	sld [smem:$0x3FFC];
	_ =	sdelay $0x3  }
0x94: {  	_ =	strace s2  }
0x95: {  	s2 =	sld [smem:$0x3FFD];
	_ =	sdelay $0x3  }
0x96: {  	_ =	strace s2  }
0x97: {  	_ =	strace $0x8FFFFFFF  }
0x98: {  	s18 =	sld [smem:$0x3FDB];
	_ =	sdelay $0x1  }
0x99: {  	s19 =	simm.s32 $_scs_section_size  }
0x9a: {  	s4 =	simm.s32 $_size__tile_overlayer_lowered;
	s5 =	simm.s32 $_tile_overlayer_lowered  }
0x9b: {  	s22 =	simm.s32 $0x1BFF;
	s21 =	sshll.u32 s5, $0x1;
	s2 =	sadd.s32 s19, s18  }
0x9c: {  	s6 =	simm.s32 $0x0;
	s20 =	sshll.u32 s4, $0x1;
	s4 =	sadd.s32 s21, s2  }
0x9d: {  	[timem:s6], [sflag:s22] =	dma.local [hbm:s4], s20  }
0x9e: {  	_ =	swait.ge [sflag:s22], s20  }
0x9f: {  	s3 =	ssub.s32 $0x0, s20;
	[sflag:s22] =	ssyncset.done $0x0  }
0xa0: {  	[sflag:s22] =	ssyncadd.s32 s3;
	_ =	sdelay $0x1  }
0xa1: {  	s23 =	simm.s32 $0x1B8B  }
0xa2: {  	_ =	swait.ge [sflag:s23], $0x1  }
0xa3: {  	[sflag:s23] =	ssyncset.done $0x0  }
0xa4: {  	s25 =	simm.s32 $0x1B8E;
	s24 =	sld [smem:$0x3FFE];
	[sflag:s23] =	ssyncadd.s32 $0xFFFFFFFF  }
0xa5: {  	s26 =	simm.s32 $execute0_lowered;
	[smem:$0x3FD2] =	sst s25  }
0xa6: {  	s4 =	sshll.u32 s26, $0x1;
	_ =	strace $0x80000067;
	[dreg:$0x1] =	wrdreg $0xFFFFFFFF  }
0xa7: {  	s28 =	simm.s32 $_size_execute0_lowered;
	s2 =	sadd.s32 s2, s4;
	[dreg:$0x0] =	wrdreg $0x0  }
0xa8: {  	s4 =	sshll.u32 s28, $0x1;
	[dreg:$0x2] =	wrdreg s2  }
0xa9: {  	[dreg:$0x3] =	wrdreg s4  }
0xaa: {  	[dreg:$0x4] =	wrdreg $0xC0  }
0xab: {  	_ =	task [dreg:s6], $0x5FFFF  }
0xac: {  	[dreg:$0x1] =	wrdreg $0xFFFFFFFF  }
0xad: {  	[dreg:$0x0] =	wrdreg $0x60  }
0xae: {  	[dreg:$0x2] =	wrdreg s24  }
0xaf: {  	[dreg:$0x3] =	wrdreg $0x43800  }
0xb0: {  	[dreg:$0x4] =	wrdreg $0x9  }
0xb1: {  	_ =	task.clear_ibuf [dreg:s6], $0x5FFFF;
	_ =	strace $0x90000067  }
0xb2: {  	s29 =	simm.s32 $0x9;
	_ =	strace $0x80000069  }
0xb3: {  	_ =	swait.ge [sflag:s29], $0x1  }
0xb4: {  	[sflag:s29] =	ssyncadd.s32 $0xFFFFFFFF  }
0xb5: {  	_ =	strace $0x90000069  }
0xb6: {  	_ =	sfence  }
0xb7: {  	s30 =	sld [smem:$0x0];
	_ =	sdelay $0x2  }
0xb8: {  	s31 =	sshll.u32 s1, $0xD;
	s1 =	sshrl.u32 s1, $0x2  }
0xb9: {  	s3 =	sand.u32 $0x4000, s31;
	s1 =	sadd.s32 s1, s30  }
0xba: {  	s0 =	sor.u32 s3, s0;
	s1 =	sshll.u32 s1, $0x11  }
0xbb: {  	s0 =	sor.u32 s1, s0  }
0xbc: {  	s0 =	sadd.s32 $0x8F2B, s0  }
0xbd: {  	[sflag:s0] =	ssyncadd.remote.s32 $0x1  }
0xbe: {  	_ =	sfence.sel $0xFFFF  }
0xbf: {  	[dreg:$0x0] =	wrdreg $0xFFFFFFFF;
	(pc) =	sbr.abs _section_cstart, $3  }
0xc0: {  	[dreg:$0x1] =	wrdreg $0xFFFFFFFF  }
0xc1: {  	_ =	task.clear_ibuf [dreg:s6], $0x2FFFF;
	_ =	strace $0x9FFFFFFF  }
0xc2: {  	(tm) =	ssettm $0x7FFFFFFF  }
0xc3: {  	_ =	shalt  }
tec
execute0_lowered:
.L_overlay_start_1:
0x0: {  	(tag) =	ssettag $0x1  }
0x1: {  	s5 =	rddreg [dreg:$0x0];
	s1 =	srdreg.scid  }
0x2: {  	s0 =	stileid.u32;
	s2 =	rddreg [dreg:$0x1];
	s13 =	simm.s32 $0x400  }
0x3: {  	s14 =	simm.s32 $0x200;
	s15 =	simm.s32 $0x100;
	s16 =	simm.s32 $0x380  }
0x4: {  	s17 =	simm.s32 $0x0;
	s6 =	sand.u32 $0x1, s1;
	s3 =	sshll.u32 s0, $0x1  }
0x5: {  	s1 =	rddreg [dreg:$0x2];
	s7 =	sshrl.u32 s0, $0x2;
	s10 =	sshll.u32 s0, $0x7  }
0x6: {  	s30 =	sshll.u32 s0, $0xA;
	s31 =	sshll.u32 s0, $0x6;
	s4 =	sor.u32 s6, s3  }
0x7: {  	s3 =	simm.s32 $0x0;
	s7 =	smul.u32 $0xC00, s7;
	s29 =	ssub.s32 $0x2, s6  }
0x8: {  	s10 =	sadd.s32 s10, s5;
	s6 =	sshll.u32 s6, $0xB;
	s12 =	sadd.s32 s30, s2  }
0x9: {  	s8 =	sshll.u32 s4, $0x7;
	[smem:$0x7FF] =	sst s3;
	s4 =	sshll.u32 s4, $0x6  }
0xa: {  	s11 =	sshrl.u32 s29, $0x1;
	s10 =	sadd.s32 s6, s10;
	s8 =	sand.u32 $0x380, s8  }
0xb: {  	_ =	strace $0x80000068;
	s26 =	sadd.s32 s4, s5;
	s4 =	sadd.s32 $0x4000, s5  }
0xc: {  	s11 =	ssub.s32 s29, s11;
	s7 =	sor.u32 s7, s8;
	s6 =	sadd.s32 $0x17A00, s26  }
0xd: {  	s8 =	sadd.s32 $0x4800, s10;
	s10 =	sshrl.u32 s12, $0x3;
	s28 =	sshrl.u32 s7, $0x3  }
0xe: {  	s12 =	simm.s32 $0x80;
	s9 =	sadd.s32 s28, s5;
	s5 =	sor.u32 $0x1C01, s31  }
0xf: {  	s7 =	sadd.s32 $0x3A00, s9;
	s9 =	smax.u32 s11, $0x1;
	s11 =	simm.s32 $0x1  }
.LBB2_1:
0x10: {  	[spmem:s10], [sflag:s5] =	dma.local [hbm:s4], $0x80  }
0x11: {  	_ =	swait.ge [sflag:s11], $0x80  }
0x12: {  	[sflag:s11] =	ssyncset.done $0x0  }
0x13: {  	[sflag:s11] =	ssyncadd.s32 $0xFFFFFF80  }
0x14: {  	[tilespmem:s16], [sflag:$0x1] =	stream.linear.gather [hbm4b:s4+s3], $0x4000, $0x38;
	[tilespmem:$0x4780] =	vst v63  }
0x15: {  	_ =	swait.ge [sflag:s11], $0x4000  }
0x16: {  	[sflag:s11] =	ssyncset.done $0x0  }
0x17: {  	[sflag:s11] =	ssyncadd.s32 $0xFFFFC000  }
0x18: {  	[tilespmem:s3], [sflag:$0x1] =	stream.linear.gather [hbm4b:s6+s3], $0x180, $0x38;
	[tilespmem:$0x4780] =	vst v63  }
0x19: {  	_ =	swait.ge [sflag:s11], $0x180  }
0x1a: {  	[sflag:s11] =	ssyncset.done $0x0  }
0x1b: {  	[sflag:s11] =	ssyncadd.s32 $0xFFFFFE80  }
0x1c: {  	v0 =	vmov s3;
	[tilespmem:s14], [sflag:$0x1] =	stream.strided.gather [hbm4b:s7+s12], $0x180, s13, s12, $0x38;
	[tilespmem:$0x4780] =	vst v63  }
0x1d: {  	_ =	swait.ge [sflag:s11], $0x180  }
0x1e: {  	[sflag:s11] =	ssyncset.done $0x0  }
0x1f: {  	[sflag:s11] =	ssyncadd.s32 $0xFFFFFE80  }
0x20: {  	[bflag:$0x0] =	sbarrier.arrive $0xFFFF  }
0x21: {  	s18 =	simm.s32 $0x1;
	v0 =	vld.idx.msk [tilespmem:v0+s14+$0x0], $0xffff  }
0x22: {  	v1 =	vmov s18;
	_ =	sdelay $0x3  }
0x23: {  	[tilespmem:s16+$0x0] =	vst v0  }
0x24: {  	s31 =	simm.s32 $0x2;
	v0 =	vld.idx.msk [tilespmem:v1+s14+$0x0], $0xffff  }
0x25: {  	s19 =	simm.s32 $0x3;
	s18 =	simm.s32 $0x380;
	v1 =	vmov s31  }
.LBB2_2:
0x26: {  	p0 =	sne.s32 s19, $0x7F;
	_ =	sdelay $0x1  }
.Ltmp0:
0x27: {  	s18 =	sadd.s32 $0x80, s18;
	(pc) =	sbr.rel @p0 .LBB2_2-.Ltmp0, $3  }
0x28: {  	[tilespmem:s18+$0x0] =	vst v0  }
0x29: {  	v0 =	vld.idx.msk [tilespmem:v1+s14+$0x0], $0xffff;
	_ =	sdelay $0x1  }
0x2a: {  	v1 =	vmov s19;
	s19 =	sadd.s32 $0x1, s19  }
0x2b: {  	_ =	sdelay $0x1  }
0x2c: {  	s18 =	sadd.s32 $0x80, s18  }
0x2d: {  	[tilespmem:s18+$0x0] =	vst v0  }
0x2e: {  	v0 =	vld.idx.msk [tilespmem:v1+s14+$0x0], $0xffff;
	_ =	sdelay $0x3  }
0x2f: {  	s19 =	simm.s32 $0x80;
	s18 =	sadd.s32 $0x80, s18  }
0x30: {  	[tilespmem:s18+$0x0] =	vst v0;
	s18 =	simm.s32 $0x380;
	v0 =	vmov s19  }
0x31: {  	[spmem:s2] =	stream.indirect.scatter.add.f32 [tilespmem:s18], [sflag:$0x1], $0x80, s3, s19, $0xb8;
	[tilespmem:$0x4780] =	vst v63  }
0x32: {  	_ =	swait.ge [sflag:s11], $0x4000  }
0x33: {  	[sflag:s11] =	ssyncset.done $0x0  }
0x34: {  	[sflag:s11] =	ssyncadd.s32 $0xFFFFC000  }
0x35: {  	s30 =	simm.s32 $0x81;
	v0 =	vld.idx.msk [tilespmem:v0+s14+$0x0], $0xffff  }
0x36: {  	v1 =	vmov s30;
	_ =	sdelay $0x3  }
0x37: {  	[tilespmem:s18+$0x0] =	vst v0  }
0x38: {  	s31 =	simm.s32 $0x82;
	v0 =	vld.idx.msk [tilespmem:v1+s14+$0x0], $0xffff  }
0x39: {  	s19 =	simm.s32 $0x83;
	v1 =	vmov s31  }
.LBB2_4:
0x3a: {  	p0 =	sne.s32 s19, $0xFF;
	_ =	sdelay $0x1  }
.Ltmp1:
0x3b: {  	s18 =	sadd.s32 $0x80, s18;
	(pc) =	sbr.rel @p0 .LBB2_4-.Ltmp1, $3  }
0x3c: {  	[tilespmem:s18+$0x0] =	vst v0  }
0x3d: {  	v0 =	vld.idx.msk [tilespmem:v1+s14+$0x0], $0xffff;
	_ =	sdelay $0x1  }
0x3e: {  	v1 =	vmov s19;
	s19 =	sadd.s32 $0x1, s19  }
0x3f: {  	_ =	sdelay $0x1  }
0x40: {  	s18 =	sadd.s32 $0x80, s18  }
0x41: {  	[tilespmem:s18+$0x0] =	vst v0  }
0x42: {  	v0 =	vld.idx.msk [tilespmem:v1+s14+$0x0], $0xffff;
	_ =	sdelay $0x3  }
0x43: {  	s19 =	simm.s32 $0x100;
	s18 =	sadd.s32 $0x80, s18  }
0x44: {  	[tilespmem:s18+$0x0] =	vst v0;
	s18 =	simm.s32 $0x380;
	v0 =	vmov s19  }
0x45: {  	[spmem:s2] =	stream.indirect.scatter.add.f32 [tilespmem:s18], [sflag:$0x1], $0x80, s12, s12, $0xb8;
	[tilespmem:$0x4780] =	vst v63  }
0x46: {  	_ =	swait.ge [sflag:s11], $0x4000  }
0x47: {  	[sflag:s11] =	ssyncset.done $0x0  }
0x48: {  	[sflag:s11] =	ssyncadd.s32 $0xFFFFC000  }
0x49: {  	s30 =	simm.s32 $0x101;
	v0 =	vld.idx.msk [tilespmem:v0+s14+$0x0], $0xffff  }
0x4a: {  	v1 =	vmov s30;
	_ =	sdelay $0x3  }
0x4b: {  	[tilespmem:s18+$0x0] =	vst v0  }
0x4c: {  	s31 =	simm.s32 $0x102;
	v0 =	vld.idx.msk [tilespmem:v1+s14+$0x0], $0xffff  }
0x4d: {  	s19 =	simm.s32 $0x103;
	v1 =	vmov s31  }
.LBB2_6:
0x4e: {  	p0 =	sne.s32 s19, $0x17F;
	_ =	sdelay $0x1  }
.Ltmp2:
0x4f: {  	s18 =	sadd.s32 $0x80, s18;
	(pc) =	sbr.rel @p0 .LBB2_6-.Ltmp2, $3  }
0x50: {  	[tilespmem:s18+$0x0] =	vst v0  }
0x51: {  	v0 =	vld.idx.msk [tilespmem:v1+s14+$0x0], $0xffff;
	_ =	sdelay $0x1  }
0x52: {  	v1 =	vmov s19;
	s19 =	sadd.s32 $0x1, s19  }
0x53: {  	_ =	sdelay $0x1  }
0x54: {  	s18 =	sadd.s32 $0x80, s18  }
0x55: {  	[tilespmem:s18+$0x0] =	vst v0  }
0x56: {  	v0 =	vld.idx.msk [tilespmem:v1+s14+$0x0], $0xffff;
	_ =	sdelay $0x3  }
0x57: {  	s18 =	sadd.s32 $0x80, s18  }
0x58: {  	[tilespmem:s18+$0x0] =	vst v0  }
0x59: {  	[spmem:s2] =	stream.indirect.scatter.add.f32 [tilespmem:s16], [sflag:$0x1], $0x80, s15, s12, $0xb8;
	[tilespmem:$0x4780] =	vst v63  }
0x5a: {  	_ =	swait.ge [sflag:s11], $0x4000  }
0x5b: {  	s17 =	sadd.s32 $0x1, s17;
	[sflag:s11] =	ssyncset.done $0x0  }
0x5c: {  	p0 =	sne.s32 s17, s9;
	[sflag:s11] =	ssyncadd.s32 $0xFFFFC000  }
.Ltmp3:
0x5d: {  	[bflag:$0x0] =	sbarrier.arrive $0xFFFF;
	(pc) =	sbr.rel @p0 .LBB2_1-.Ltmp3, $4  }
0x5e: {  	[hbm:s8], [sflag:s5] =	dma.local [spmem:s10], $0x80  }
0x5f: {  	_ =	swait.ge [sflag:s11], $0x80  }
0x60: {  	[sflag:s11] =	ssyncset.done $0x0  }
0x61: {  	[sflag:s11] =	ssyncadd.s32 $0xFFFFFF80  }
0x62: {  	_ =	sfence.sel $0x180000  }
0x63: {  	[bflag:$0x0] =	sbarrier.arrive $0xFFFF  }
0x64: {  	p0 =	sne.s32 s0, $0x0;
	_ =	strace $0x90000068  }
0x65: {  	s0 =	sadd.s32 @!p0 $0x100000, s1;
	[bflag:$0x2] =	sbarrier.arrive $0xFFFF  }
0x66: {  	[sflag:s0] =	ssyncadd.tile.s32 @!p0 $0x1;
	_ =	shalt  }
.Lfunc_end2:
_tile_overlayer_lowered:
.L_overlay_start_2:
0x67: {  	(tag) =	ssettag $0x2  }
0x68: {  	s0 =	rddreg [dreg:$0x0];
	s2 =	stileid.u32  }
0x69: {  	s1 =	rddreg [dreg:$0x1];
	p0 =	sne.s32 s2, $0x0  }
0x6a: {  	s3 =	rddreg [dreg:$0x2];
	[bflag:$0x3] =	sbarrier.arrive $0xFFFF;
	s2 =	simm.s32 @!p0 $0x1C01  }
0x6b: {  	[timem:s3], [sflag:s2] =	dma.local @!p0 [hbm:s0], s1  }
0x6c: {  	s0 =	simm.s32 @!p0 $0x1  }
0x6d: {  	_ =	swait.ge @!p0 [sflag:s0], s1  }
0x6e: {  	s1 =	ssub.s32 @!p0 $0x0, s1;
	[sflag:s0] =	ssyncset.done @!p0 $0x0  }
0x6f: {  	[sflag:s0] =	ssyncadd.s32 @!p0 s1  }
0x70: {  	[bflag:$0x3] =	sbarrier.arrive $0xFFFF  }
0x71: {  	_ =	shalt  }

// kernel: kernel.59.cloned.1.call-start
scs
__scs_entry_jumppad:
0x0: {  	(pc) =	sbr.rel $0x88, $3  }
0x1: {  	(tag) =	ssettag $0x0;
	lr =	simm.s32 $0x1  }
0x2: {  	[smem:$0x3F81] =	sst lr;
	_ =	strace $0xD0000000  }
0x3: {  	_ = 	snop  }
0x4: {  	_ = 	snop  }
0x5: {  	_ = 	snop  }
0x6: {  	_ = 	snop  }
0x7: {  	_ = 	snop  }
__scs_overlays_trampoline_lowered:
0x8: {  	[smem:$0x3F90] =	sst s0  }
0x9: {  	[smem:$0x3F91] =	sst s1  }
0xa: {  	[smem:$0x3F92] =	sst s2  }
0xb: {  	[smem:$0x3F93] =	sst s3  }
0xc: {  	[smem:$0x3F94] =	sst s4  }
0xd: {  	[smem:$0x3F95] =	sst s5  }
0xe: {  	[smem:$0x3F96] =	sst s6  }
0xf: {  	[smem:$0x3F97] =	sst s7  }
0x10: {  	[smem:$0x3F98] =	sst s8  }
0x11: {  	[smem:$0x3F99] =	sst s9;
	s0 =	simm.s32 @!p0 $0x0  }
0x12: {  	s1 =	sld [smem:$0x3F7F];
	s0 =	simm.s32 @p0 $0x1  }
0x13: {  	[smem:$0x3F9A] =	sst s0;
	s0 =	simm.s32 @!p1 $0x0  }
0x14: {  	s2 =	sld [smem:$0x3F7E];
	s0 =	simm.s32 @p1 $0x1  }
0x15: {  	[smem:$0x3F9B] =	sst s0;
	s0 =	simm.s32 @!p2 $0x0  }
0x16: {  	s3 =	sld [smem:$0x3FDB];
	s0 =	simm.s32 @p2 $0x1  }
0x17: {  	s4 =	simm.s32 $0x1BF5;
	[smem:$0x3F9D] =	sst s0  }
0x18: {  	s0 =	sld [smem:$0x3F80];
	_ =	swait.ge [sflag:s4], $0x0  }
0x19: {  	s7 =	sld [smem:$0x3F81]  }
0x1a: {  	s8 =	sadd.s32 $0xFFFFE003, lr  }
0x1b: {  	s9 =	sadd.s32 $0xFFFFFEF7, lr;
	s5 =	simm.s32 $0xFFFFFFFF;
	p2 =	slt.u32 s8, $0xFFFFF086  }
0x1c: {  	p1 =	slt.u32 s9, $0xF7A;
	s5 =	simm.s32 @!p2 $0x0  }
0x1d: {  	s5 =	simm.s32 @p1 $0x1;
	p0 =	seq.s32 s7, s2  }
0x1e: {  	s7 =	smul.u32 @!p0 $0xF7A, s2;
	p2 =	seq.s32 @!p0 s5, $0x0  }
0x1f: {  	s9 =	smul.u32 $0xF7A, s1;
	s8 =	simm.s32 @!p0 $0x1BF5;
	p2 =	por !p2, p0  }
0x20: {  	[sflag:s8] =	ssyncset.s32 @!p0 $0xFFFFF086;
	s6 =	sadd.s32 @!p0 s3, s7;
	s7 =	simm.s32 @!p0 $0x108  }
0x21: {  	s3 =	sadd.s32 s3, s9;
	s6 =	sadd.s32 @!p0 $0x88, s6;
	s7 =	simm.s32 @p2 $0x1082  }
0x22: {  	[simem:s7], [sflag:s8] =	dma.local @!p0 [hbm:s6], $0xF7A  }
0x23: {  	s9 =	sor.u32 $0xD0000000, s2;
	s6 =	simm.s32 $0x108;
	_ =	swait.ge @!p0 [sflag:s8], $0x0  }
0x24: {  	s3 =	sadd.s32 $0x88, s3;
	s6 =	simm.s32 @!p1 $0x1082;
	[sflag:s4] =	ssyncset.s32 $0xFFFFF086  }
0x25: {  	[simem:s6], [sflag:s4] =	dma.local [hbm:s3], $0xF7A  }
0x26: {  	[smem:$0x3F81] =	sst s1;
	(tag) =	ssettag s2;
	_ =	strace s9  }
0x27: {  	s1 =	sld [smem:$0x3F91]  }
0x28: {  	s2 =	sld [smem:$0x3F92]  }
0x29: {  	s4 =	sld [smem:$0x3F94]  }
0x2a: {  	p0 =	seq.s32 s5, $0x0;
	s5 =	sld [smem:$0x3F95]  }
0x2b: {  	s6 =	sld [smem:$0x3F96]  }
0x2c: {  	s7 =	sld [smem:$0x3F97]  }
0x2d: {  	s3 =	simm.s32 $0x108;
	s8 =	sld [smem:$0x3F98]  }
0x2e: {  	s3 =	simm.s32 @!p0 $0x1082;
	s9 =	sld [smem:$0x3F99]  }
0x2f: {  	lr =	sadd.s32 s0, s3;
	s0 =	sld [smem:$0x3F90]  }
0x30: {  	s3 =	sld [smem:$0x3F93]  }
0x31: {  	[smem:$0x3F9C] =	sst s10  }
0x32: {  	s10 =	sld [smem:$0x3F9A];
	_ =	sdelay $0x3  }
0x33: {  	p0 =	seq.s32 s10, $0x1;
	s10 =	sld [smem:$0x3F9C];
	_ =	sdelay $0x3  }
0x34: {  	[smem:$0x3F9C] =	sst s10  }
0x35: {  	s10 =	sld [smem:$0x3F9B];
	_ =	sdelay $0x3  }
0x36: {  	p1 =	seq.s32 s10, $0x1;
	s10 =	sld [smem:$0x3F9C];
	_ =	sdelay $0x3  }
0x37: {  	[smem:$0x3F9C] =	sst s10  }
0x38: {  	s10 =	sld [smem:$0x3F9D]  }
0x39: {  	_ = 	snop;
	(pc) =	sbr.ind lr, $3  }
0x3a: {  	_ = 	snop  }
0x3b: {  	_ = 	snop  }
0x3c: {  	p2 =	seq.s32 s10, $0x1;
	s10 =	sld [smem:$0x3F9C]  }
0x3d: {  	_ =	shalt  }
0x3e: {  	_ =	shalt  }
0x3f: {  	_ =	shalt  }
0x40: {  	_ =	shalt  }
0x41: {  	_ =	shalt  }
0x42: {  	_ =	shalt  }
0x43: {  	_ =	shalt  }
0x44: {  	_ =	shalt  }
0x45: {  	_ =	shalt  }
0x46: {  	_ =	shalt  }
0x47: {  	_ =	shalt  }
0x48: {  	_ =	shalt  }
0x49: {  	_ =	shalt  }
0x4a: {  	_ =	shalt  }
0x4b: {  	_ =	shalt  }
0x4c: {  	_ =	shalt  }
0x4d: {  	_ =	shalt  }
0x4e: {  	_ =	shalt  }
0x4f: {  	_ =	shalt  }
0x50: {  	_ =	shalt  }
0x51: {  	_ =	shalt  }
0x52: {  	_ =	shalt  }
0x53: {  	_ =	shalt  }
0x54: {  	_ =	shalt  }
0x55: {  	_ =	shalt  }
0x56: {  	_ =	shalt  }
0x57: {  	_ =	shalt  }
0x58: {  	_ =	shalt  }
0x59: {  	_ =	shalt  }
0x5a: {  	_ =	shalt  }
0x5b: {  	_ =	shalt  }
0x5c: {  	_ =	shalt  }
0x5d: {  	_ =	shalt  }
0x5e: {  	_ =	shalt  }
0x5f: {  	_ =	shalt  }
0x60: {  	_ =	shalt  }
0x61: {  	_ =	shalt  }
0x62: {  	_ =	shalt  }
0x63: {  	_ =	shalt  }
0x64: {  	_ =	shalt  }
0x65: {  	_ =	shalt  }
0x66: {  	_ =	shalt  }
0x67: {  	_ =	shalt  }
0x68: {  	_ =	shalt  }
0x69: {  	_ =	shalt  }
0x6a: {  	_ =	shalt  }
0x6b: {  	_ =	shalt  }
0x6c: {  	_ =	shalt  }
0x6d: {  	_ =	shalt  }
0x6e: {  	_ =	shalt  }
0x6f: {  	_ =	shalt  }
0x70: {  	_ =	shalt  }
0x71: {  	_ =	shalt  }
0x72: {  	_ =	shalt  }
0x73: {  	_ =	shalt  }
0x74: {  	_ =	shalt  }
0x75: {  	_ =	shalt  }
0x76: {  	_ =	shalt  }
0x77: {  	_ =	shalt  }
0x78: {  	_ =	shalt  }
0x79: {  	_ =	shalt  }
0x7a: {  	_ =	shalt  }
0x7b: {  	_ =	shalt  }
0x7c: {  	_ =	shalt  }
0x7d: {  	_ =	shalt  }
0x7e: {  	_ =	shalt  }
0x7f: {  	_ =	shalt  }
0x80: {  	_ =	shalt  }
0x81: {  	_ =	shalt  }
0x82: {  	_ =	shalt  }
0x83: {  	_ =	shalt  }
0x84: {  	_ =	shalt  }
0x85: {  	_ =	shalt  }
0x86: {  	_ =	shalt  }
0x87: {  	_ =	shalt  }
.Lfunc_end0:
.L_simem_size_0:
called_computation.12_lowered:
.L_overlay_start_0:
0x88: {  	s2 =	sld [smem:$0x3FD9]  }
0x89: {  	s3 =	sld [smem:$0x3FFE];
	_ =	sdelay $0x1  }
0x8a: {  	s1 =	srdreg.scid  }
0x8b: {  	s0 =	sand.u32 $0x1, s1  }
0x8c: {  	s17 =	sshll.u32 s0, $0xA;
	s2 =	sadd.s32 s3, s2  }
0x8d: {  	s2 =	sadd.s32 s2, s17  }
0x8e: {  	[smem:$0x3FA8] =	sst s2  }
0x8f: {  	_ = 	snop  }
0x90: {  	s18 =	sld [smem:$0x3FD0];
	(tm) =	ssettm $0x1  }
0x91: {  	s19 =	sld [smem:$0x3FFB];
	_ =	sdelay $0x3  }
0x92: {  	_ =	strace s19  }
0x93: {  	s2 =	sld [smem:$0x3FFC];
	_ =	sdelay $0x3  }
0x94: {  	_ =	strace s2  }
0x95: {  	s2 =	sld [smem:$0x3FFD];
	_ =	sdelay $0x3  }
0x96: {  	_ =	strace s2  }
0x97: {  	_ =	strace $0x8FFFFFFF  }
0x98: {  	s20 =	sld [smem:$0x3FDB];
	_ =	sdelay $0x1  }
0x99: {  	s4 =	simm.s32 $_scs_section_size  }
0x9a: {  	s5 =	simm.s32 $_size__tile_overlayer_lowered;
	s6 =	simm.s32 $_tile_overlayer_lowered  }
0x9b: {  	s7 =	simm.s32 $0x1BFF;
	s21 =	sshll.u32 s6, $0x1;
	s4 =	sadd.s32 s4, s20  }
0x9c: {  	s22 =	simm.s32 $0x0;
	s5 =	sshll.u32 s5, $0x1;
	s6 =	sadd.s32 s21, s4  }
0x9d: {  	[timem:s22], [sflag:s7] =	dma.local [hbm:s6], s5  }
0x9e: {  	_ =	swait.ge [sflag:s7], s5  }
0x9f: {  	s5 =	ssub.s32 $0x0, s5;
	[sflag:s7] =	ssyncset.done $0x0  }
0xa0: {  	[sflag:s7] =	ssyncadd.s32 s5;
	_ =	sdelay $0x1  }
0xa1: {  	s23 =	simm.s32 $0x1B8B  }
0xa2: {  	_ =	swait.ge [sflag:s23], $0x1  }
0xa3: {  	[sflag:s23] =	ssyncset.done $0x0  }
0xa4: {  	[sflag:s23] =	ssyncadd.s32 $0xFFFFFFFF  }
0xa5: {  	s5 =	sld [smem:$0x0]  }
0xa6: {  	s6 =	sand.u32 $0xFFFFFFFE, s1  }
0xa7: {  	p0 =	sne.s32 s1, s6  }
0xa8: {  	s6 =	sshll.u32 @p0 s6, $0xE  }
0xa9: {  	s6 =	sadd.s32 @p0 $0x11B8D, s6;
	s7 =	sshll.u32 @p0 s5, $0x11  }
0xaa: {  	s6 =	sor.u32 @p0 s7, s6  }
0xab: {  	[sflag:s6] =	ssyncadd.remote.s32 @p0 $0x1;
	_ =	sdelay $0x1  }
0xac: {  	s6 =	simm.s32 @p0 $0x1B8D  }
0xad: {  	_ =	swait.eq @p0 [sflag:s6], $0x1  }
0xae: {  	[sflag:s6] =	ssyncadd.s32 @p0 $0xFFFFFFFF  }
0xaf: {  	s7 =	sshll.u32 @!p0 s1, $0xE  }
0xb0: {  	s7 =	sor.u32 @!p0 $0x4000, s7;
	s6 =	simm.s32 @!p0 $0x1B8D  }
0xb1: {  	s5 =	sshll.u32 @!p0 s5, $0x11;
	s7 =	sadd.s32 @!p0 $0x11B8D, s7;
	_ =	swait.eq @!p0 [sflag:s6], $0x1  }
0xb2: {  	s5 =	sor.u32 @!p0 s5, s7;
	[sflag:s6] =	ssyncadd.s32 @!p0 $0xFFFFFFFF  }
0xb3: {  	s25 =	simm.s32 $0x1B8E;
	s24 =	sld [smem:$0x3FFE];
	[sflag:s5] =	ssyncadd.remote.s32 @!p0 $0x1  }
0xb4: {  	s26 =	simm.s32 $execute0_lowered;
	[smem:$0x3FD2] =	sst s25  }
0xb5: {  	s6 =	sshll.u32 s26, $0x1;
	_ =	strace $0x8000006A;
	[dreg:$0x1] =	wrdreg $0xFFFFFFFF  }
0xb6: {  	s28 =	simm.s32 $_size_execute0_lowered;
	s4 =	sadd.s32 s4, s6;
	[dreg:$0x0] =	wrdreg $0x0  }
0xb7: {  	s6 =	sshll.u32 s28, $0x1;
	[dreg:$0x2] =	wrdreg s4  }
0xb8: {  	[dreg:$0x3] =	wrdreg s6  }
0xb9: {  	[dreg:$0x4] =	wrdreg $0xC0  }
0xba: {  	_ =	task [dreg:s22], $0x5FFFF  }
0xbb: {  	[dreg:$0x1] =	wrdreg $0xFFFFFFFF  }
0xbc: {  	[dreg:$0x0] =	wrdreg $0x60  }
0xbd: {  	[dreg:$0x2] =	wrdreg s24  }
0xbe: {  	[dreg:$0x3] =	wrdreg s18  }
0xbf: {  	[dreg:$0x4] =	wrdreg $0x44000  }
0xc0: {  	[dreg:$0x5] =	wrdreg $0xA  }
0xc1: {  	_ =	task.clear_ibuf [dreg:s22], $0x6FFFF;
	_ =	strace $0x9000006A  }
0xc2: {  	s29 =	simm.s32 $0xA;
	_ =	strace $0x8000006C  }
0xc3: {  	_ =	swait.ge [sflag:s29], $0x1  }
0xc4: {  	[sflag:s29] =	ssyncadd.s32 $0xFFFFFFFF  }
0xc5: {  	_ =	strace $0x9000006C  }
0xc6: {  	_ =	sfence  }
0xc7: {  	s30 =	sld [smem:$0x0];
	_ =	sdelay $0x2  }
0xc8: {  	s31 =	sshll.u32 s1, $0xD;
	s1 =	sshrl.u32 s1, $0x2  }
0xc9: {  	s4 =	sand.u32 $0x4000, s31;
	s1 =	sadd.s32 s1, s30  }
0xca: {  	s0 =	sor.u32 s4, s0;
	s1 =	sshll.u32 s1, $0x11  }
0xcb: {  	s0 =	sor.u32 s1, s0  }
0xcc: {  	s0 =	sadd.s32 $0x8F2B, s0  }
0xcd: {  	[sflag:s0] =	ssyncadd.remote.s32 $0x1  }
0xce: {  	_ =	sfence.sel $0xFFFF  }
0xcf: {  	[dreg:$0x0] =	wrdreg $0xFFFFFFFF;
	(pc) =	sbr.abs _section_cstart, $3  }
0xd0: {  	[dreg:$0x1] =	wrdreg $0xFFFFFFFF  }
0xd1: {  	_ =	task.clear_ibuf [dreg:s22], $0x2FFFF;
	_ =	strace $0x9FFFFFFF  }
0xd2: {  	(tm) =	ssettm $0x7FFFFFFF  }
0xd3: {  	_ =	shalt  }
tec
execute0_lowered:
.L_overlay_start_1:
0x0: {  	(tag) =	ssettag $0x1  }
0x1: {  	s9 =	rddreg [dreg:$0x0]  }
0x2: {  	s2 =	rddreg [dreg:$0x1]  }
0x3: {  	s3 =	rddreg [dreg:$0x2]  }
0x4: {  	s0 =	rddreg [dreg:$0x3];
	s4 =	simm.s32 $0x0;
	s1 =	stileid.u32  }
0x5: {  	[smem:$0x7FF] =	sst s4;
	s5 =	sshll.u32 s1, $0xA  }
0x6: {  	s26 =	sshll.u32 s1, $0x6;
	_ =	strace $0x8000006B;
	s6 =	sadd.s32 s5, s3  }
0x7: {  	s5 =	sor.u32 $0x1C01, s26;
	s7 =	sshrl.u32 s6, $0x3;
	s6 =	simm.s32 $0x1  }
0x8: {  	[spmem:s7], [sflag:s5] =	dma.local [hbm:s2], $0x80  }
0x9: {  	s10 =	sshll.u32 s1, $0x7;
	_ =	swait.ge [sflag:s6], $0x80  }
0xa: {  	s8 =	srdreg.scid;
	s28 =	sadd.s32 s10, s9;
	[sflag:s6] =	ssyncset.done $0x0  }
0xb: {  	s22 =	sand.u32 $0x1, s8;
	s8 =	sadd.s32 $0x5800, s28;
	[sflag:s6] =	ssyncadd.s32 $0xFFFFFF80  }
0xc: {  	[tilespmem:s4], [sflag:$0x1] =	stream.linear.gather [hbm4b:s8+s4], $0x300, $0x38;
	[tilespmem:$0x4800] =	vst v63  }
0xd: {  	s11 =	smul.u32 $0x6000, s1;
	s29 =	sshll.u32 s22, $0x7;
	_ =	swait.ge [sflag:s6], $0x300  }
0xe: {  	s23 =	sadd.s32 s29, s9;
	[sflag:s6] =	ssyncset.done $0x0  }
0xf: {  	s10 =	simm.s32 $0x800;
	s20 =	sadd.s32 s11, s23;
	[sflag:s6] =	ssyncadd.s32 $0xFFFFFD00  }
0x10: {  	s11 =	simm.s32 $0x400;
	s9 =	sadd.s32 $0x18200, s20;
	[bflag:$0x0] =	sbarrier.arrive $0xFFFF  }
0x11: {  	[tilespmem:s11], [sflag:$0x1] =	stream.strided.gather [hbm4b:s9+s11], $0x4000, s10, s11, $0x38;
	[tilespmem:$0x4800] =	vst v63  }
0x12: {  	_ =	swait.ge [sflag:s6], $0x4000  }
0x13: {  	[sflag:s6] =	ssyncset.done $0x0  }
0x14: {  	s12 =	simm.s32 $0x80;
	[sflag:s6] =	ssyncadd.s32 $0xFFFFC000  }
0x15: {  	[spmem:s3] =	stream.indirect.scatter.add.f32 [tilespmem:s11], [sflag:$0x1], $0x80, s4, s12, $0xb8;
	[tilespmem:$0x4800] =	vst v63  }
0x16: {  	_ =	swait.ge [sflag:s6], $0x4000  }
0x17: {  	[sflag:s6] =	ssyncset.done $0x0  }
0x18: {  	s13 =	sadd.s32 $0x19200, s20;
	[sflag:s6] =	ssyncadd.s32 $0xFFFFC000  }
0x19: {  	[tilespmem:s11], [sflag:$0x1] =	stream.strided.gather [hbm4b:s13+s11], $0x4000, s10, s11, $0x38;
	[tilespmem:$0x4800] =	vst v63  }
0x1a: {  	_ =	swait.ge [sflag:s6], $0x4000  }
0x1b: {  	[sflag:s6] =	ssyncset.done $0x0  }
0x1c: {  	[sflag:s6] =	ssyncadd.s32 $0xFFFFC000  }
0x1d: {  	[spmem:s3] =	stream.indirect.scatter.add.f32 [tilespmem:s11], [sflag:$0x1], $0x80, s12, s12, $0xb8;
	[tilespmem:$0x4800] =	vst v63  }
0x1e: {  	_ =	swait.ge [sflag:s6], $0x4000  }
0x1f: {  	[sflag:s6] =	ssyncset.done $0x0  }
0x20: {  	s14 =	sadd.s32 $0x1A200, s20;
	[sflag:s6] =	ssyncadd.s32 $0xFFFFC000  }
0x21: {  	[tilespmem:s11], [sflag:$0x1] =	stream.strided.gather [hbm4b:s14+s11], $0x4000, s10, s11, $0x38;
	[tilespmem:$0x4800] =	vst v63  }
0x22: {  	_ =	swait.ge [sflag:s6], $0x4000  }
0x23: {  	[sflag:s6] =	ssyncset.done $0x0  }
0x24: {  	s15 =	simm.s32 $0x100;
	[sflag:s6] =	ssyncadd.s32 $0xFFFFC000  }
0x25: {  	[spmem:s3] =	stream.indirect.scatter.add.f32 [tilespmem:s11], [sflag:$0x1], $0x80, s15, s12, $0xb8;
	[tilespmem:$0x4800] =	vst v63  }
0x26: {  	_ =	swait.ge [sflag:s6], $0x4000  }
0x27: {  	[sflag:s6] =	ssyncset.done $0x0  }
0x28: {  	s16 =	sadd.s32 $0x1B200, s20;
	[sflag:s6] =	ssyncadd.s32 $0xFFFFC000  }
0x29: {  	[tilespmem:s11], [sflag:$0x1] =	stream.strided.gather [hbm4b:s16+s11], $0x4000, s10, s11, $0x38;
	[tilespmem:$0x4800] =	vst v63  }
0x2a: {  	_ =	swait.ge [sflag:s6], $0x4000  }
0x2b: {  	[sflag:s6] =	ssyncset.done $0x0  }
0x2c: {  	s17 =	simm.s32 $0x180;
	[sflag:s6] =	ssyncadd.s32 $0xFFFFC000  }
0x2d: {  	[spmem:s3] =	stream.indirect.scatter.add.f32 [tilespmem:s11], [sflag:$0x1], $0x80, s17, s12, $0xb8;
	[tilespmem:$0x4800] =	vst v63  }
0x2e: {  	_ =	swait.ge [sflag:s6], $0x4000  }
0x2f: {  	[sflag:s6] =	ssyncset.done $0x0  }
0x30: {  	s18 =	sadd.s32 $0x1C200, s20;
	[sflag:s6] =	ssyncadd.s32 $0xFFFFC000  }
0x31: {  	[tilespmem:s11], [sflag:$0x1] =	stream.strided.gather [hbm4b:s18+s11], $0x4000, s10, s11, $0x38;
	[tilespmem:$0x4800] =	vst v63  }
0x32: {  	_ =	swait.ge [sflag:s6], $0x4000  }
0x33: {  	[sflag:s6] =	ssyncset.done $0x0  }
0x34: {  	s19 =	simm.s32 $0x200;
	[sflag:s6] =	ssyncadd.s32 $0xFFFFC000  }
0x35: {  	[spmem:s3] =	stream.indirect.scatter.add.f32 [tilespmem:s11], [sflag:$0x1], $0x80, s19, s12, $0xb8;
	[tilespmem:$0x4800] =	vst v63  }
0x36: {  	_ =	swait.ge [sflag:s6], $0x4000  }
0x37: {  	[sflag:s6] =	ssyncset.done $0x0  }
0x38: {  	s20 =	sadd.s32 $0x1D200, s20;
	[sflag:s6] =	ssyncadd.s32 $0xFFFFC000  }
0x39: {  	[tilespmem:s11], [sflag:$0x1] =	stream.strided.gather [hbm4b:s20+s11], $0x4000, s10, s11, $0x38;
	[tilespmem:$0x4800] =	vst v63  }
0x3a: {  	s22 =	ssub.s32 $0x2, s22;
	_ =	swait.ge [sflag:s6], $0x4000  }
0x3b: {  	s24 =	sshrl.u32 s22, $0x1;
	[sflag:s6] =	ssyncset.done $0x0  }
0x3c: {  	s21 =	simm.s32 $0x280;
	s24 =	ssub.s32 s22, s24;
	[sflag:s6] =	ssyncadd.s32 $0xFFFFC000  }
0x3d: {  	[spmem:s3] =	stream.indirect.scatter.add.f32 [tilespmem:s11], [sflag:$0x1], $0x80, s21, s12, $0xb8;
	[tilespmem:$0x4800] =	vst v63  }
0x3e: {  	s31 =	smax.u32 s24, $0x1;
	_ =	swait.ge [sflag:s6], $0x4000  }
0x3f: {  	s25 =	sshll.u32 s1, $0x8;
	p0 =	sne.s32 s31, $0x1;
	[sflag:s6] =	ssyncset.done $0x0  }
.Ltmp0:
0x40: {  	s30 =	sadd.s32 s25, s23;
	[sflag:s6] =	ssyncadd.s32 $0xFFFFC000;
	(pc) =	sbr.rel @!p0 .LBB2_2-.Ltmp0, $4  }
0x41: {  	s22 =	sadd.s32 $0x6000, s30;
	[bflag:$0x0] =	sbarrier.arrive $0xFFFF  }
0x42: {  	[hbm:s22], [sflag:s5] =	dma.local [spmem:s7], $0x80  }
0x43: {  	_ =	swait.ge [sflag:s6], $0x80  }
0x44: {  	s23 =	sadd.s32 $0xFFFFFFFF, s31;
	[sflag:s6] =	ssyncset.done $0x0  }
.LBB2_1:
0x45: {  	p0 =	sne.s32 s23, $0x1;
	s23 =	sadd.s32 $0xFFFFFFFF, s23;
	[sflag:s6] =	ssyncadd.s32 $0xFFFFFF80  }
0x46: {  	[spmem:s7], [sflag:s5] =	dma.local [hbm:s2], $0x80  }
0x47: {  	_ =	swait.ge [sflag:s6], $0x80  }
0x48: {  	[sflag:s6] =	ssyncset.done $0x0  }
0x49: {  	[sflag:s6] =	ssyncadd.s32 $0xFFFFFF80  }
0x4a: {  	[tilespmem:s4], [sflag:$0x1] =	stream.linear.gather [hbm4b:s8+s4], $0x300, $0x38;
	[tilespmem:$0x4800] =	vst v63  }
0x4b: {  	_ =	swait.ge [sflag:s6], $0x300  }
0x4c: {  	[sflag:s6] =	ssyncset.done $0x0  }
0x4d: {  	[sflag:s6] =	ssyncadd.s32 $0xFFFFFD00  }
0x4e: {  	[bflag:$0x0] =	sbarrier.arrive $0xFFFF  }
0x4f: {  	[tilespmem:s11], [sflag:$0x1] =	stream.strided.gather [hbm4b:s9+s11], $0x4000, s10, s11, $0x38;
	[tilespmem:$0x4800] =	vst v63  }
0x50: {  	_ =	swait.ge [sflag:s6], $0x4000  }
0x51: {  	[sflag:s6] =	ssyncset.done $0x0  }
0x52: {  	[sflag:s6] =	ssyncadd.s32 $0xFFFFC000  }
0x53: {  	[spmem:s3] =	stream.indirect.scatter.add.f32 [tilespmem:s11], [sflag:$0x1], $0x80, s4, s12, $0xb8;
	[tilespmem:$0x4800] =	vst v63  }
0x54: {  	_ =	swait.ge [sflag:s6], $0x4000  }
0x55: {  	[sflag:s6] =	ssyncset.done $0x0  }
0x56: {  	[sflag:s6] =	ssyncadd.s32 $0xFFFFC000  }
0x57: {  	[tilespmem:s11], [sflag:$0x1] =	stream.strided.gather [hbm4b:s13+s11], $0x4000, s10, s11, $0x38;
	[tilespmem:$0x4800] =	vst v63  }
0x58: {  	_ =	swait.ge [sflag:s6], $0x4000  }
0x59: {  	[sflag:s6] =	ssyncset.done $0x0  }
0x5a: {  	[sflag:s6] =	ssyncadd.s32 $0xFFFFC000  }
0x5b: {  	[spmem:s3] =	stream.indirect.scatter.add.f32 [tilespmem:s11], [sflag:$0x1], $0x80, s12, s12, $0xb8;
	[tilespmem:$0x4800] =	vst v63  }
0x5c: {  	_ =	swait.ge [sflag:s6], $0x4000  }
0x5d: {  	[sflag:s6] =	ssyncset.done $0x0  }
0x5e: {  	[sflag:s6] =	ssyncadd.s32 $0xFFFFC000  }
0x5f: {  	[tilespmem:s11], [sflag:$0x1] =	stream.strided.gather [hbm4b:s14+s11], $0x4000, s10, s11, $0x38;
	[tilespmem:$0x4800] =	vst v63  }
0x60: {  	_ =	swait.ge [sflag:s6], $0x4000  }
0x61: {  	[sflag:s6] =	ssyncset.done $0x0  }
0x62: {  	[sflag:s6] =	ssyncadd.s32 $0xFFFFC000  }
0x63: {  	[spmem:s3] =	stream.indirect.scatter.add.f32 [tilespmem:s11], [sflag:$0x1], $0x80, s15, s12, $0xb8;
	[tilespmem:$0x4800] =	vst v63  }
0x64: {  	_ =	swait.ge [sflag:s6], $0x4000  }
0x65: {  	[sflag:s6] =	ssyncset.done $0x0  }
0x66: {  	[sflag:s6] =	ssyncadd.s32 $0xFFFFC000  }
0x67: {  	[tilespmem:s11], [sflag:$0x1] =	stream.strided.gather [hbm4b:s16+s11], $0x4000, s10, s11, $0x38;
	[tilespmem:$0x4800] =	vst v63  }
0x68: {  	_ =	swait.ge [sflag:s6], $0x4000  }
0x69: {  	[sflag:s6] =	ssyncset.done $0x0  }
0x6a: {  	[sflag:s6] =	ssyncadd.s32 $0xFFFFC000  }
0x6b: {  	[spmem:s3] =	stream.indirect.scatter.add.f32 [tilespmem:s11], [sflag:$0x1], $0x80, s17, s12, $0xb8;
	[tilespmem:$0x4800] =	vst v63  }
0x6c: {  	_ =	swait.ge [sflag:s6], $0x4000  }
0x6d: {  	[sflag:s6] =	ssyncset.done $0x0  }
0x6e: {  	[sflag:s6] =	ssyncadd.s32 $0xFFFFC000  }
0x6f: {  	[tilespmem:s11], [sflag:$0x1] =	stream.strided.gather [hbm4b:s18+s11], $0x4000, s10, s11, $0x38;
	[tilespmem:$0x4800] =	vst v63  }
0x70: {  	_ =	swait.ge [sflag:s6], $0x4000  }
0x71: {  	[sflag:s6] =	ssyncset.done $0x0  }
0x72: {  	[sflag:s6] =	ssyncadd.s32 $0xFFFFC000  }
0x73: {  	[spmem:s3] =	stream.indirect.scatter.add.f32 [tilespmem:s11], [sflag:$0x1], $0x80, s19, s12, $0xb8;
	[tilespmem:$0x4800] =	vst v63  }
0x74: {  	_ =	swait.ge [sflag:s6], $0x4000  }
0x75: {  	[sflag:s6] =	ssyncset.done $0x0  }
0x76: {  	[sflag:s6] =	ssyncadd.s32 $0xFFFFC000  }
0x77: {  	[tilespmem:s11], [sflag:$0x1] =	stream.strided.gather [hbm4b:s20+s11], $0x4000, s10, s11, $0x38;
	[tilespmem:$0x4800] =	vst v63  }
0x78: {  	_ =	swait.ge [sflag:s6], $0x4000  }
0x79: {  	[sflag:s6] =	ssyncset.done $0x0  }
0x7a: {  	[sflag:s6] =	ssyncadd.s32 $0xFFFFC000  }
0x7b: {  	[spmem:s3] =	stream.indirect.scatter.add.f32 [tilespmem:s11], [sflag:$0x1], $0x80, s21, s12, $0xb8;
	[tilespmem:$0x4800] =	vst v63  }
0x7c: {  	_ =	swait.ge [sflag:s6], $0x4000  }
0x7d: {  	[sflag:s6] =	ssyncset.done $0x0  }
.Ltmp1:
0x7e: {  	[sflag:s6] =	ssyncadd.s32 $0xFFFFC000;
	(pc) =	sbr.rel @p0 .LBB2_1-.Ltmp1, $4  }
0x7f: {  	[bflag:$0x0] =	sbarrier.arrive $0xFFFF  }
0x80: {  	[hbm:s22], [sflag:s5] =	dma.local [spmem:s7], $0x80  }
0x81: {  	_ =	swait.ge [sflag:s6], $0x80  }
0x82: {  	[sflag:s6] =	ssyncset.done $0x0  }
.LBB2_2:
0x83: {  	[sflag:s6] =	ssyncadd.s32 $0xFFFFFF80  }
0x84: {  	_ =	sfence.sel $0x180000  }
0x85: {  	[bflag:$0x0] =	sbarrier.arrive $0xFFFF  }
0x86: {  	p0 =	sne.s32 s1, $0x0;
	_ =	strace $0x9000006B  }
0x87: {  	s0 =	sadd.s32 @!p0 $0x100000, s0;
	[bflag:$0x2] =	sbarrier.arrive $0xFFFF  }
0x88: {  	[sflag:s0] =	ssyncadd.tile.s32 @!p0 $0x1;
	_ =	shalt  }
.Lfunc_end2:
_tile_overlayer_lowered:
.L_overlay_start_2:
0x89: {  	(tag) =	ssettag $0x2  }
0x8a: {  	s0 =	rddreg [dreg:$0x0];
	s2 =	stileid.u32  }
0x8b: {  	s1 =	rddreg [dreg:$0x1];
	p0 =	sne.s32 s2, $0x0  }
0x8c: {  	s3 =	rddreg [dreg:$0x2];
	[bflag:$0x3] =	sbarrier.arrive $0xFFFF;
	s2 =	simm.s32 @!p0 $0x1C01  }
0x8d: {  	[timem:s3], [sflag:s2] =	dma.local @!p0 [hbm:s0], s1  }
0x8e: {  	s0 =	simm.s32 @!p0 $0x1  }
0x8f: {  	_ =	swait.ge @!p0 [sflag:s0], s1  }
0x90: {  	s1 =	ssub.s32 @!p0 $0x0, s1;
	[sflag:s0] =	ssyncset.done @!p0 $0x0  }
0x91: {  	[sflag:s0] =	ssyncadd.s32 @!p0 s1  }
0x92: {  	[bflag:$0x3] =	sbarrier.arrive $0xFFFF  }
0x93: {  	_ =	shalt  }

</sc_bundles>
